<compile_context>
chip_gen: v7x
topology: tpu7x:2x2x1
jax: 0.10.2.dev20260603
libtpu: 0.0.44.dev20260713+nightly
codegen_flags: <defaults>
</compile_context>

<pallas_src>
import functools
import jax
import jax.numpy as jnp
from jax import lax
from jax.experimental import pallas as pl
from jax.experimental.pallas import tpu as pltpu
from jax.experimental.pallas import tpu_sc as plsc

_NC = 2
_NS = 16
_NW = _NC * _NS
_LANES = 16


def _sc_pe_add_range(x, pos_embed, seq_base, seq_rows):
    B, S, D = x.shape
    ROWS_PER_W = seq_rows // _NW
    C = min(32, ROWS_PER_W)
    CHUNKS = ROWS_PER_W // C
    NSTEPS = CHUNKS * B
    x2 = x.reshape(B * S, D)

    mesh = plsc.VectorSubcoreMesh(core_axis_name="c", subcore_axis_name="s")

    @functools.partial(
        pl.kernel,
        out_type=jax.ShapeDtypeStruct((B * seq_rows, D), jnp.float32),
        mesh=mesh,
        scratch_types=[
            pltpu.VMEM((C, D), jnp.float32),
            pltpu.VMEM((C, D), jnp.float32),
            pltpu.VMEM((C, D), jnp.float32),
            pltpu.SemaphoreType.DMA,
            pltpu.SemaphoreType.DMA,
            pltpu.SemaphoreType.DMA,
            pltpu.SemaphoreType.DMA,
            pltpu.SemaphoreType.DMA,
        ],
    )
    def sc_add(x_hbm, pe_hbm, out_hbm, peb, xb0, xb1,
               spe, sld0, sld1, sst0, sst1):
        wid = lax.axis_index("s") * _NC + lax.axis_index("c")
        seq0 = wid * ROWS_PER_W

        x_bufs = (xb0, xb1)
        ld_sems = (sld0, sld1)
        st_sems = (sst0, sst1)

        def start_pe(ci):
            cp = pltpu.make_async_copy(
                pe_hbm.at[pl.ds(seq_base + seq0 + ci * C, C)], peb, spe)
            cp.start()
            return cp

        def start_x(step):
            ci, b = divmod(step, B)
            cp = pltpu.make_async_copy(
                x_hbm.at[pl.ds(b * S + seq_base + seq0 + ci * C, C)],
                x_bufs[step % 2], ld_sems[step % 2])
            cp.start()
            return cp

        def start_store(step):
            ci, b = divmod(step, B)
            cp = pltpu.make_async_copy(
                x_bufs[step % 2],
                out_hbm.at[pl.ds(b * seq_rows + seq0 + ci * C, C)],
                st_sems[step % 2])
            cp.start()
            return cp

        pe_cp = start_pe(0)
        x_cp = [start_x(0), None]
        st_cp = [None, None]

        for step in range(NSTEPS):
            ci, b = divmod(step, B)
            par = step % 2

            if step + 1 < NSTEPS:
                if st_cp[(step + 1) % 2] is not None:
                    st_cp[(step + 1) % 2].wait()
                    st_cp[(step + 1) % 2] = None
                x_cp[(step + 1) % 2] = start_x(step + 1)

            if b == 0:
                pe_cp.wait()
            x_cp[par].wait()

            xb = x_bufs[par]

            @plsc.parallel_loop(0, C, step=1)
            def row_body(r, xb=xb):
                for c in range(0, D, _LANES):
                    sl = pl.ds(c, _LANES)
                    xb[r, sl] = xb[r, sl] + peb[r, sl]

            if b == B - 1 and ci + 1 < CHUNKS:
                pe_cp = start_pe(ci + 1)

            st_cp[par] = start_store(step)

        for p in range(2):
            if st_cp[p] is not None:
                st_cp[p].wait()

    return sc_add(x2, pos_embed).reshape(B, seq_rows, D)


def _tc_add_kernel(x_ref, pe_ref, o_ref):
    o_ref[...] = x_ref[...] + pe_ref[...]


def kernel(x, pos_embed):
    B, S, D = x.shape
    SC_ROWS = 512
    TC_ROWS = S - SC_ROWS
    BS = 1792

    tc_full = pl.pallas_call(
        _tc_add_kernel,
        grid=(TC_ROWS // BS, B),
        in_specs=[
            pl.BlockSpec((1, BS, D), lambda s, b: (b, s, 0)),
            pl.BlockSpec((BS, D), lambda s, b: (s, 0)),
        ],
        out_specs=pl.BlockSpec((1, BS, D), lambda s, b: (b, s, 0)),
        out_shape=jax.ShapeDtypeStruct(x.shape, x.dtype),
    )(x, pos_embed)

    sc_part = _sc_pe_add_range(x, pos_embed, TC_ROWS, SC_ROWS)
    return lax.dynamic_update_slice(tc_full, sc_part, (0, TC_ROWS, 0))

# --- scband reference (transcript-rebuilt; emitter-appended) ---
"""Pipeline reference for scband-positional-encoding-33638183863061 (READ-ONLY COPY).

The authoritative reference and input builder live on the scoring server;
editing this copy changes nothing except your own understanding.
"""

import jax, jax.numpy as jnp
import numpy as np

MAX_SEQ_LEN = 4096
EMBED_DIM = 1024

def setup_inputs(seed: int = 0) -> dict:
    key = jax.random.key(seed)
    k1, k2 = jax.random.split(key)
    x = jax.random.normal(k1, (4, 4096, 1024), dtype=jnp.float32)
    pos_embed = jax.random.normal(k2, (MAX_SEQ_LEN, EMBED_DIM), dtype=jnp.float32)
    return {"x": x, "pos_embed": pos_embed}

def reference(x, pos_embed):
    seq_len = x.shape[1]
    positions = jnp.arange(seq_len)
    pe = jnp.take(pos_embed, positions, axis=0)  # [S, D] embedding gather
    return x + pe[None, :, :]

if __name__ == "__main__":
    import jax
    _d = setup_inputs()
    print(jax.jit(kernel)(*tuple(_d.values())))

</pallas_src>

<mosaic_0001>
#map = affine_map<(d0, d1) -> (0, 0)>
module attributes {stable_mosaic.version = 14 : i64} {
  func.func @sc_add(%arg0: i32, %arg1: i32, %arg2: memref<16384x1024xf32, #tpu.memory_space<hbm>>, %arg3: memref<4096x1024xf32, #tpu.memory_space<hbm>>, %arg4: memref<2048x1024xf32, #tpu.memory_space<hbm>>, %arg5: memref<16x1024xf32, #tpu.memory_space<vmem>>, %arg6: memref<16x1024xf32, #tpu.memory_space<vmem>>, %arg7: memref<16x1024xf32, #tpu.memory_space<vmem>>, %arg8: memref<!tpu.dma_semaphore, #tpu.memory_space<semaphore_mem>>, %arg9: memref<!tpu.dma_semaphore, #tpu.memory_space<semaphore_mem>>, %arg10: memref<!tpu.dma_semaphore, #tpu.memory_space<semaphore_mem>>, %arg11: memref<!tpu.dma_semaphore, #tpu.memory_space<semaphore_mem>>, %arg12: memref<!tpu.dma_semaphore, #tpu.memory_space<semaphore_mem>>) attributes {dimension_semantics = [#tpu.dimension_semantics<core_parallel>, #tpu.dimension_semantics<subcore_parallel>], iteration_bounds = array<i64: 2, 16>, scalar_prefetch = 0 : i64, scratch_operands = 8 : i64, tpu.core_type = #tpu.core_type<sc_vector_subcore>, window_params = [{transform_indices = #map}, {transform_indices = #map}, {transform_indices = #map}]} {
    %mul3A = arith.constant 2 : i32
    %mul3A_0 = arith.muli %arg1, %mul3A : i32
    %add3A = arith.addi %mul3A_0, %arg0 : i32
    %mul3A_1 = arith.constant 16 : i32
    %mul3A_2 = arith.muli %add3A, %mul3A_1 : i32
    %add3A_3 = arith.constant 3584 : i32
    %add3A_4 = arith.addi %add3A_3, %mul3A_2 : i32
    %add3A_5 = arith.constant 0 : i32
    %add3A_6 = arith.addi %add3A_4, %add3A_5 : i32
    %dma_start3A = arith.constant 0 : i32
    %dma_start3A_7 = tpu.memref_slice %arg3[%add3A_6, %dma_start3A] : memref<4096x1024xf32, #tpu.memory_space<hbm>> -> memref<16x1024xf32, #tpu.memory_space<hbm>>
    %dma_start3A_8 = arith.constant 0 : i32
    %dma_start3A_9 = tpu.memref_slice %arg3[%add3A_6, %dma_start3A_8] : memref<4096x1024xf32, #tpu.memory_space<hbm>> -> memref<16x1024xf32, #tpu.memory_space<hbm>>
    tpu.enqueue_dma source(%dma_start3A_9 : memref<16x1024xf32, #tpu.memory_space<hbm>>) target(%arg5 : memref<16x1024xf32, #tpu.memory_space<vmem>>) target_semaphore(%arg8 : memref<!tpu.dma_semaphore, #tpu.memory_space<semaphore_mem>>)
    %add3A_10 = arith.constant 3584 : i32
    %add3A_11 = arith.addi %add3A_10, %mul3A_2 : i32
    %add3A_12 = arith.constant 0 : i32
    %add3A_13 = arith.addi %add3A_11, %add3A_12 : i32
    %dma_start3A_14 = arith.constant 0 : i32
    %dma_start3A_15 = tpu.memref_slice %arg2[%add3A_13, %dma_start3A_14] : memref<16384x1024xf32, #tpu.memory_space<hbm>> -> memref<16x1024xf32, #tpu.memory_space<hbm>>
    %dma_start3A_16 = arith.constant 0 : i32
    %dma_start3A_17 = tpu.memref_slice %arg2[%add3A_13, %dma_start3A_16] : memref<16384x1024xf32, #tpu.memory_space<hbm>> -> memref<16x1024xf32, #tpu.memory_space<hbm>>
    tpu.enqueue_dma source(%dma_start3A_17 : memref<16x1024xf32, #tpu.memory_space<hbm>>) target(%arg6 : memref<16x1024xf32, #tpu.memory_space<vmem>>) target_semaphore(%arg9 : memref<!tpu.dma_semaphore, #tpu.memory_space<semaphore_mem>>)
    %add3A_18 = arith.constant 7680 : i32
    %add3A_19 = arith.addi %add3A_18, %mul3A_2 : i32
    %add3A_20 = arith.constant 0 : i32
    %add3A_21 = arith.addi %add3A_19, %add3A_20 : i32
    %dma_start3A_22 = arith.constant 0 : i32
    %dma_start3A_23 = tpu.memref_slice %arg2[%add3A_21, %dma_start3A_22] : memref<16384x1024xf32, #tpu.memory_space<hbm>> -> memref<16x1024xf32, #tpu.memory_space<hbm>>
    %dma_start3A_24 = arith.constant 0 : i32
    %dma_start3A_25 = tpu.memref_slice %arg2[%add3A_21, %dma_start3A_24] : memref<16384x1024xf32, #tpu.memory_space<hbm>> -> memref<16x1024xf32, #tpu.memory_space<hbm>>
    tpu.enqueue_dma source(%dma_start3A_25 : memref<16x1024xf32, #tpu.memory_space<hbm>>) target(%arg7 : memref<16x1024xf32, #tpu.memory_space<vmem>>) target_semaphore(%arg10 : memref<!tpu.dma_semaphore, #tpu.memory_space<semaphore_mem>>)
    %dma_wait3A = arith.constant 0 : i32
    %dma_wait3A_26 = tpu.memref_slice %arg3[%add3A_6, %dma_wait3A] : memref<4096x1024xf32, #tpu.memory_space<hbm>> -> memref<16x1024xf32, #tpu.memory_space<hbm>>
    %dma_wait3A_27 = arith.constant 0 : i32
    %dma_wait3A_28 = tpu.memref_slice %arg3[%add3A_6, %dma_wait3A_27] : memref<4096x1024xf32, #tpu.memory_space<hbm>> -> memref<16x1024xf32, #tpu.memory_space<hbm>>
    tpu.wait_dma2 semaphore(%arg8 : memref<!tpu.dma_semaphore, #tpu.memory_space<semaphore_mem>>) src(%dma_wait3A_28 : memref<16x1024xf32, #tpu.memory_space<hbm>>) dst(%arg5 : memref<16x1024xf32, #tpu.memory_space<vmem>>)
    %dma_wait3A_29 = arith.constant 0 : i32
    %dma_wait3A_30 = tpu.memref_slice %arg2[%add3A_13, %dma_wait3A_29] : memref<16384x1024xf32, #tpu.memory_space<hbm>> -> memref<16x1024xf32, #tpu.memory_space<hbm>>
    %dma_wait3A_31 = arith.constant 0 : i32
    %dma_wait3A_32 = tpu.memref_slice %arg2[%add3A_13, %dma_wait3A_31] : memref<16384x1024xf32, #tpu.memory_space<hbm>> -> memref<16x1024xf32, #tpu.memory_space<hbm>>
    tpu.wait_dma2 semaphore(%arg9 : memref<!tpu.dma_semaphore, #tpu.memory_space<semaphore_mem>>) src(%dma_wait3A_32 : memref<16x1024xf32, #tpu.memory_space<hbm>>) dst(%arg6 : memref<16x1024xf32, #tpu.memory_space<vmem>>)
    %parallel_loop3A = arith.constant 0 : i32
    %parallel_loop3A_33 = arith.constant 16 : i32
    %parallel_loop3A_34 = arith.constant 1 : i32
    scf.for %parallel_loop3A_120 = %parallel_loop3A to %parallel_loop3A_33 step %parallel_loop3A_34  : i32 {
      %parallel_loop3A_121 = arith.index_cast %parallel_loop3A_120 : i32 to index
      %parallel_loop3A_122 = arith.constant 0 : index
      %parallel_loop3A_123 = tpu.vector_load %arg6[%parallel_loop3A_121, %parallel_loop3A_122] {strides = array<i32>} : memref<16x1024xf32, #tpu.memory_space<vmem>>, vector<1x16xf32>,
      %parallel_loop3A_124 = vector.shape_cast %parallel_loop3A_123 : vector<1x16xf32> to vector<16xf32>
      %parallel_loop3A_125 = arith.index_cast %parallel_loop3A_120 : i32 to index
      %parallel_loop3A_126 = arith.constant 0 : index
      %parallel_loop3A_127 = tpu.vector_load %arg5[%parallel_loop3A_125, %parallel_loop3A_126] {strides = array<i32>} : memref<16x1024xf32, #tpu.memory_space<vmem>>, vector<1x16xf32>,
      %parallel_loop3A_128 = vector.shape_cast %parallel_loop3A_127 : vector<1x16xf32> to vector<16xf32>
      %parallel_loop3A_129 = arith.addf %parallel_loop3A_124, %parallel_loop3A_128 : vector<16xf32>
      %parallel_loop3A_130 = arith.index_cast %parallel_loop3A_120 : i32 to index
      %parallel_loop3A_131 = arith.constant 0 : index
      %parallel_loop3A_132 = tpu.vector_load %arg6[%parallel_loop3A_130, %parallel_loop3A_131] {strides = array<i32>} : memref<16x1024xf32, #tpu.memory_space<vmem>>, vector<1x16xf32>,
      %parallel_loop3A_133 = vector.shape_cast %parallel_loop3A_132 : vector<1x16xf32> to vector<16xf32>
      %parallel_loop3A_134 = vector.shape_cast %parallel_loop3A_129 : vector<16xf32> to vector<1x16xf32>
      tpu.vector_store %arg6[%parallel_loop3A_130, %parallel_loop3A_131], %parallel_loop3A_134 {strides = array<i32>} : memref<16x1024xf32, #tpu.memory_space<vmem>>, vector<1x16xf32>,
      %parallel_loop3A_135 = arith.index_cast %parallel_loop3A_120 : i32 to index
      %parallel_loop3A_136 = arith.constant 16 : index
      %parallel_loop3A_137 = tpu.vector_load %arg6[%parallel_loop3A_135, %parallel_loop3A_136] {strides = array<i32>} : memref<16x1024xf32, #tpu.memory_space<vmem>>, vector<1x16xf32>,
      %parallel_loop3A_138 = vector.shape_cast %parallel_loop3A_137 : vector<1x16xf32> to vector<16xf32>
      %parallel_loop3A_139 = arith.index_cast %parallel_loop3A_120 : i32 to index
      %parallel_loop3A_140 = arith.constant 16 : index
      %parallel_loop3A_141 = tpu.vector_load %arg5[%parallel_loop3A_139, %parallel_loop3A_140] {strides = array<i32>} : memref<16x1024xf32, #tpu.memory_space<vmem>>, vector<1x16xf32>,
      %parallel_loop3A_142 = vector.shape_cast %parallel_loop3A_141 : vector<1x16xf32> to vector<16xf32>
      %parallel_loop3A_143 = arith.addf %parallel_loop3A_138, %parallel_loop3A_142 : vector<16xf32>
      %parallel_loop3A_144 = arith.index_cast %parallel_loop3A_120 : i32 to index
      %parallel_loop3A_145 = arith.constant 16 : index
      %parallel_loop3A_146 = tpu.vector_load %arg6[%parallel_loop3A_144, %parallel_loop3A_145] {strides = array<i32>} : memref<16x1024xf32, #tpu.memory_space<vmem>>, vector<1x16xf32>,
      %parallel_loop3A_147 = vector.shape_cast %parallel_loop3A_146 : vector<1x16xf32> to vector<16xf32>
      %parallel_loop3A_148 = vector.shape_cast %parallel_loop3A_143 : vector<16xf32> to vector<1x16xf32>
      tpu.vector_store %arg6[%parallel_loop3A_144, %parallel_loop3A_145], %parallel_loop3A_148 {strides = array<i32>} : memref<16x1024xf32, #tpu.memory_space<vmem>>, vector<1x16xf32>,
      %parallel_loop3A_149 = arith.index_cast %parallel_loop3A_120 : i32 to index
      %parallel_loop3A_150 = arith.constant 32 : index
      %parallel_loop3A_151 = tpu.vector_load %arg6[%parallel_loop3A_149, %parallel_loop3A_150] {strides = array<i32>} : memref<16x1024xf32, #tpu.memory_space<vmem>>, vector<1x16xf32>,
      %parallel_loop3A_152 = vector.shape_cast %parallel_loop3A_151 : vector<1x16xf32> to vector<16xf32>
      %parallel_loop3A_153 = arith.index_cast %parallel_loop3A_120 : i32 to index
      %parallel_loop3A_154 = arith.constant 32 : index
      %parallel_loop3A_155 = tpu.vector_load %arg5[%parallel_loop3A_153, %parallel_loop3A_154] {strides = array<i32>} : memref<16x1024xf32, #tpu.memory_space<vmem>>, vector<1x16xf32>,
      %parallel_loop3A_156 = vector.shape_cast %parallel_loop3A_155 : vector<1x16xf32> to vector<16xf32>
      %parallel_loop3A_157 = arith.addf %parallel_loop3A_152, %parallel_loop3A_156 : vector<16xf32>
      %parallel_loop3A_158 = arith.index_cast %parallel_loop3A_120 : i32 to index
      %parallel_loop3A_159 = arith.constant 32 : index
      %parallel_loop3A_160 = tpu.vector_load %arg6[%parallel_loop3A_158, %parallel_loop3A_159] {strides = array<i32>} : memref<16x1024xf32, #tpu.memory_space<vmem>>, vector<1x16xf32>,
      %parallel_loop3A_161 = vector.shape_cast %parallel_loop3A_160 : vector<1x16xf32> to vector<16xf32>
      %parallel_loop3A_162 = vector.shape_cast %parallel_loop3A_157 : vector<16xf32> to vector<1x16xf32>
      tpu.vector_store %arg6[%parallel_loop3A_158, %parallel_loop3A_159], %parallel_loop3A_162 {strides = array<i32>} : memref<16x1024xf32, #tpu.memory_space<vmem>>, vector<1x16xf32>,
      %parallel_loop3A_163 = arith.index_cast %parallel_loop3A_120 : i32 to index
      %parallel_loop3A_164 = arith.constant 48 : index
      %parallel_loop3A_165 = tpu.vector_load %arg6[%parallel_loop3A_163, %parallel_loop3A_164] {strides = array<i32>} : memref<16x1024xf32, #tpu.memory_space<vmem>>, vector<1x16xf32>,
      %parallel_loop3A_166 = vector.shape_cast %parallel_loop3A_165 : vector<1x16xf32> to vector<16xf32>
      %parallel_loop3A_167 = arith.index_cast %parallel_loop3A_120 : i32 to index
      %parallel_loop3A_168 = arith.constant 48 : index
      %parallel_loop3A_169 = tpu.vector_load %arg5[%parallel_loop3A_167, %parallel_loop3A_168] {strides = array<i32>} : memref<16x1024xf32, #tpu.memory_space<vmem>>, vector<1x16xf32>,
      %parallel_loop3A_170 = vector.shape_cast %parallel_loop3A_169 : vector<1x16xf32> to vector<16xf32>
      %parallel_loop3A_171 = arith.addf %parallel_loop3A_166, %parallel_loop3A_170 : vector<16xf32>
      %parallel_loop3A_172 = arith.index_cast %parallel_loop3A_120 : i32 to index
      %parallel_loop3A_173 = arith.constant 48 : index
      %parallel_loop3A_174 = tpu.vector_load %arg6[%parallel_loop3A_172, %parallel_loop3A_173] {strides = array<i32>} : memref<16x1024xf32, #tpu.memory_space<vmem>>, vector<1x16xf32>,
      %parallel_loop3A_175 = vector.shape_cast %parallel_loop3A_174 : vector<1x16xf32> to vector<16xf32>
      %parallel_loop3A_176 = vector.shape_cast %parallel_loop3A_171 : vector<16xf32> to vector<1x16xf32>
      tpu.vector_store %arg6[%parallel_loop3A_172, %parallel_loop3A_173], %parallel_loop3A_176 {strides = array<i32>} : memref<16x1024xf32, #tpu.memory_space<vmem>>, vector<1x16xf32>,
      %parallel_loop3A_177 = arith.index_cast %parallel_loop3A_120 : i32 to index
      %parallel_loop3A_178 = arith.constant 64 : index
      %parallel_loop3A_179 = tpu.vector_load %arg6[%parallel_loop3A_177, %parallel_loop3A_178] {strides = array<i32>} : memref<16x1024xf32, #tpu.memory_space<vmem>>, vector<1x16xf32>,
      %parallel_loop3A_180 = vector.shape_cast %parallel_loop3A_179 : vector<1x16xf32> to vector<16xf32>
      %parallel_loop3A_181 = arith.index_cast %parallel_loop3A_120 : i32 to index
      %parallel_loop3A_182 = arith.constant 64 : index
      %parallel_loop3A_183 = tpu.vector_load %arg5[%parallel_loop3A_181, %parallel_loop3A_182] {strides = array<i32>} : memref<16x1024xf32, #tpu.memory_space<vmem>>, vector<1x16xf32>,
      %parallel_loop3A_184 = vector.shape_cast %parallel_loop3A_183 : vector<1x16xf32> to vector<16xf32>
      %parallel_loop3A_185 = arith.addf %parallel_loop3A_180, %parallel_loop3A_184 : vector<16xf32>
      %parallel_loop3A_186 = arith.index_cast %parallel_loop3A_120 : i32 to index
      %parallel_loop3A_187 = arith.constant 64 : index
      %parallel_loop3A_188 = tpu.vector_load %arg6[%parallel_loop3A_186, %parallel_loop3A_187] {strides = array<i32>} : memref<16x1024xf32, #tpu.memory_space<vmem>>, vector<1x16xf32>,
      %parallel_loop3A_189 = vector.shape_cast %parallel_loop3A_188 : vector<1x16xf32> to vector<16xf32>
      %parallel_loop3A_190 = vector.shape_cast %parallel_loop3A_185 : vector<16xf32> to vector<1x16xf32>
      tpu.vector_store %arg6[%parallel_loop3A_186, %parallel_loop3A_187], %parallel_loop3A_190 {strides = array<i32>} : memref<16x1024xf32, #tpu.memory_space<vmem>>, vector<1x16xf32>,
      %parallel_loop3A_191 = arith.index_cast %parallel_loop3A_120 : i32 to index
      %parallel_loop3A_192 = arith.constant 80 : index
      %parallel_loop3A_193 = tpu.vector_load %arg6[%parallel_loop3A_191, %parallel_loop3A_192] {strides = array<i32>} : memref<16x1024xf32, #tpu.memory_space<vmem>>, vector<1x16xf32>,
      %parallel_loop3A_194 = vector.shape_cast %parallel_loop3A_193 : vector<1x16xf32> to vector<16xf32>
      %parallel_loop3A_195 = arith.index_cast %parallel_loop3A_120 : i32 to index
      %parallel_loop3A_196 = arith.constant 80 : index
      %parallel_loop3A_197 = tpu.vector_load %arg5[%parallel_loop3A_195, %parallel_loop3A_196] {strides = array<i32>} : memref<16x1024xf32, #tpu.memory_space<vmem>>, vector<1x16xf32>,
      %parallel_loop3A_198 = vector.shape_cast %parallel_loop3A_197 : vector<1x16xf32> to vector<16xf32>
      %parallel_loop3A_199 = arith.addf %parallel_loop3A_194, %parallel_loop3A_198 : vector<16xf32>
      %parallel_loop3A_200 = arith.index_cast %parallel_loop3A_120 : i32 to index
      %parallel_loop3A_201 = arith.constant 80 : index
      %parallel_loop3A_202 = tpu.vector_load %arg6[%parallel_loop3A_200, %parallel_loop3A_201] {strides = array<i32>} : memref<16x1024xf32, #tpu.memory_space<vmem>>, vector<1x16xf32>,
      %parallel_loop3A_203 = vector.shape_cast %parallel_loop3A_202 : vector<1x16xf32> to vector<16xf32>
      %parallel_loop3A_204 = vector.shape_cast %parallel_loop3A_199 : vector<16xf32> to vector<1x16xf32>
      tpu.vector_store %arg6[%parallel_loop3A_200, %parallel_loop3A_201], %parallel_loop3A_204 {strides = array<i32>} : memref<16x1024xf32, #tpu.memory_space<vmem>>, vector<1x16xf32>,
      %parallel_loop3A_205 = arith.index_cast %parallel_loop3A_120 : i32 to index
      %parallel_loop3A_206 = arith.constant 96 : index
      %parallel_loop3A_207 = tpu.vector_load %arg6[%parallel_loop3A_205, %parallel_loop3A_206] {strides = array<i32>} : memref<16x1024xf32, #tpu.memory_space<vmem>>, vector<1x16xf32>,
      %parallel_loop3A_208 = vector.shape_cast %parallel_loop3A_207 : vector<1x16xf32> to vector<16xf32>
      %parallel_loop3A_209 = arith.index_cast %parallel_loop3A_120 : i32 to index
      %parallel_loop3A_210 = arith.constant 96 : index
      %parallel_loop3A_211 = tpu.vector_load %arg5[%parallel_loop3A_209, %parallel_loop3A_210] {strides = array<i32>} : memref<16x1024xf32, #tpu.memory_space<vmem>>, vector<1x16xf32>,
      %parallel_loop3A_212 = vector.shape_cast %parallel_loop3A_211 : vector<1x16xf32> to vector<16xf32>
      %parallel_loop3A_213 = arith.addf %parallel_loop3A_208, %parallel_loop3A_212 : vector<16xf32>
      %parallel_loop3A_214 = arith.index_cast %parallel_loop3A_120 : i32 to index
      %parallel_loop3A_215 = arith.constant 96 : index
      %parallel_loop3A_216 = tpu.vector_load %arg6[%parallel_loop3A_214, %parallel_loop3A_215] {strides = array<i32>} : memref<16x1024xf32, #tpu.memory_space<vmem>>, vector<1x16xf32>,
      %parallel_loop3A_217 = vector.shape_cast %parallel_loop3A_216 : vector<1x16xf32> to vector<16xf32>
      %parallel_loop3A_218 = vector.shape_cast %parallel_loop3A_213 : vector<16xf32> to vector<1x16xf32>
      tpu.vector_store %arg6[%parallel_loop3A_214, %parallel_loop3A_215], %parallel_loop3A_218 {strides = array<i32>} : memref<16x1024xf32, #tpu.memory_space<vmem>>, vector<1x16xf32>,
      %parallel_loop3A_219 = arith.index_cast %parallel_loop3A_120 : i32 to index
      %parallel_loop3A_220 = arith.constant 112 : index
      %parallel_loop3A_221 = tpu.vector_load %arg6[%parallel_loop3A_219, %parallel_loop3A_220] {strides = array<i32>} : memref<16x1024xf32, #tpu.memory_space<vmem>>, vector<1x16xf32>,
      %parallel_loop3A_222 = vector.shape_cast %parallel_loop3A_221 : vector<1x16xf32> to vector<16xf32>
      %parallel_loop3A_223 = arith.index_cast %parallel_loop3A_120 : i32 to index
      %parallel_loop3A_224 = arith.constant 112 : index
      %parallel_loop3A_225 = tpu.vector_load %arg5[%parallel_loop3A_223, %parallel_loop3A_224] {strides = array<i32>} : memref<16x1024xf32, #tpu.memory_space<vmem>>, vector<1x16xf32>,
      %parallel_loop3A_226 = vector.shape_cast %parallel_loop3A_225 : vector<1x16xf32> to vector<16xf32>
      %parallel_loop3A_227 = arith.addf %parallel_loop3A_222, %parallel_loop3A_226 : vector<16xf32>
      %parallel_loop3A_228 = arith.index_cast %parallel_loop3A_120 : i32 to index
      %parallel_loop3A_229 = arith.constant 112 : index
      %parallel_loop3A_230 = tpu.vector_load %arg6[%parallel_loop3A_228, %parallel_loop3A_229] {strides = array<i32>} : memref<16x1024xf32, #tpu.memory_space<vmem>>, vector<1x16xf32>,
      %parallel_loop3A_231 = vector.shape_cast %parallel_loop3A_230 : vector<1x16xf32> to vector<16xf32>
      %parallel_loop3A_232 = vector.shape_cast %parallel_loop3A_227 : vector<16xf32> to vector<1x16xf32>
      tpu.vector_store %arg6[%parallel_loop3A_228, %parallel_loop3A_229], %parallel_loop3A_232 {strides = array<i32>} : memref<16x1024xf32, #tpu.memory_space<vmem>>, vector<1x16xf32>,
      %parallel_loop3A_233 = arith.index_cast %parallel_loop3A_120 : i32 to index
      %parallel_loop3A_234 = arith.constant 128 : index
      %parallel_loop3A_235 = tpu.vector_load %arg6[%parallel_loop3A_233, %parallel_loop3A_234] {strides = array<i32>} : memref<16x1024xf32, #tpu.memory_space<vmem>>, vector<1x16xf32>,
      %parallel_loop3A_236 = vector.shape_cast %parallel_loop3A_235 : vector<1x16xf32> to vector<16xf32>
      %parallel_loop3A_237 = arith.index_cast %parallel_loop3A_120 : i32 to index
      %parallel_loop3A_238 = arith.constant 128 : index
      %parallel_loop3A_239 = tpu.vector_load %arg5[%parallel_loop3A_237, %parallel_loop3A_238] {strides = array<i32>} : memref<16x1024xf32, #tpu.memory_space<vmem>>, vector<1x16xf32>,
      %parallel_loop3A_240 = vector.shape_cast %parallel_loop3A_239 : vector<1x16xf32> to vector<16xf32>
      %parallel_loop3A_241 = arith.addf %parallel_loop3A_236, %parallel_loop3A_240 : vector<16xf32>
      %parallel_loop3A_242 = arith.index_cast %parallel_loop3A_120 : i32 to index
      %parallel_loop3A_243 = arith.constant 128 : index
      %parallel_loop3A_244 = tpu.vector_load %arg6[%parallel_loop3A_242, %parallel_loop3A_243] {strides = array<i32>} : memref<16x1024xf32, #tpu.memory_space<vmem>>, vector<1x16xf32>,
      %parallel_loop3A_245 = vector.shape_cast %parallel_loop3A_244 : vector<1x16xf32> to vector<16xf32>
      %parallel_loop3A_246 = vector.shape_cast %parallel_loop3A_241 : vector<16xf32> to vector<1x16xf32>
      tpu.vector_store %arg6[%parallel_loop3A_242, %parallel_loop3A_243], %parallel_loop3A_246 {strides = array<i32>} : memref<16x1024xf32, #tpu.memory_space<vmem>>, vector<1x16xf32>,
      %parallel_loop3A_247 = arith.index_cast %parallel_loop3A_120 : i32 to index
      %parallel_loop3A_248 = arith.constant 144 : index
      %parallel_loop3A_249 = tpu.vector_load %arg6[%parallel_loop3A_247, %parallel_loop3A_248] {strides = array<i32>} : memref<16x1024xf32, #tpu.memory_space<vmem>>, vector<1x16xf32>,
      %parallel_loop3A_250 = vector.shape_cast %parallel_loop3A_249 : vector<1x16xf32> to vector<16xf32>
      %parallel_loop3A_251 = arith.index_cast %parallel_loop3A_120 : i32 to index
      %parallel_loop3A_252 = arith.constant 144 : index
      %parallel_loop3A_253 = tpu.vector_load %arg5[%parallel_loop3A_251, %parallel_loop3A_252] {strides = array<i32>} : memref<16x1024xf32, #tpu.memory_space<vmem>>, vector<1x16xf32>,
      %parallel_loop3A_254 = vector.shape_cast %parallel_loop3A_253 : vector<1x16xf32> to vector<16xf32>
      %parallel_loop3A_255 = arith.addf %parallel_loop3A_250, %parallel_loop3A_254 : vector<16xf32>
      %parallel_loop3A_256 = arith.index_cast %parallel_loop3A_120 : i32 to index
      %parallel_loop3A_257 = arith.constant 144 : index
      %parallel_loop3A_258 = tpu.vector_load %arg6[%parallel_loop3A_256, %parallel_loop3A_257] {strides = array<i32>} : memref<16x1024xf32, #tpu.memory_space<vmem>>, vector<1x16xf32>,
      %parallel_loop3A_259 = vector.shape_cast %parallel_loop3A_258 : vector<1x16xf32> to vector<16xf32>
      %parallel_loop3A_260 = vector.shape_cast %parallel_loop3A_255 : vector<16xf32> to vector<1x16xf32>
      tpu.vector_store %arg6[%parallel_loop3A_256, %parallel_loop3A_257], %parallel_loop3A_260 {strides = array<i32>} : memref<16x1024xf32, #tpu.memory_space<vmem>>, vector<1x16xf32>,
      %parallel_loop3A_261 = arith.index_cast %parallel_loop3A_120 : i32 to index
      %parallel_loop3A_262 = arith.constant 160 : index
      %parallel_loop3A_263 = tpu.vector_load %arg6[%parallel_loop3A_261, %parallel_loop3A_262] {strides = array<i32>} : memref<16x1024xf32, #tpu.memory_space<vmem>>, vector<1x16xf32>,
      %parallel_loop3A_264 = vector.shape_cast %parallel_loop3A_263 : vector<1x16xf32> to vector<16xf32>
      %parallel_loop3A_265 = arith.index_cast %parallel_loop3A_120 : i32 to index
      %parallel_loop3A_266 = arith.constant 160 : index
      %parallel_loop3A_267 = tpu.vector_load %arg5[%parallel_loop3A_265, %parallel_loop3A_266] {strides = array<i32>} : memref<16x1024xf32, #tpu.memory_space<vmem>>, vector<1x16xf32>,
      %parallel_loop3A_268 = vector.shape_cast %parallel_loop3A_267 : vector<1x16xf32> to vector<16xf32>
      %parallel_loop3A_269 = arith.addf %parallel_loop3A_264, %parallel_loop3A_268 : vector<16xf32>
      %parallel_loop3A_270 = arith.index_cast %parallel_loop3A_120 : i32 to index
      %parallel_loop3A_271 = arith.constant 160 : index
      %parallel_loop3A_272 = tpu.vector_load %arg6[%parallel_loop3A_270, %parallel_loop3A_271] {strides = array<i32>} : memref<16x1024xf32, #tpu.memory_space<vmem>>, vector<1x16xf32>,
      %parallel_loop3A_273 = vector.shape_cast %parallel_loop3A_272 : vector<1x16xf32> to vector<16xf32>
      %parallel_loop3A_274 = vector.shape_cast %parallel_loop3A_269 : vector<16xf32> to vector<1x16xf32>
      tpu.vector_store %arg6[%parallel_loop3A_270, %parallel_loop3A_271], %parallel_loop3A_274 {strides = array<i32>} : memref<16x1024xf32, #tpu.memory_space<vmem>>, vector<1x16xf32>,
      %parallel_loop3A_275 = arith.index_cast %parallel_loop3A_120 : i32 to index
      %parallel_loop3A_276 = arith.constant 176 : index
      %parallel_loop3A_277 = tpu.vector_load %arg6[%parallel_loop3A_275, %parallel_loop3A_276] {strides = array<i32>} : memref<16x1024xf32, #tpu.memory_space<vmem>>, vector<1x16xf32>,
      %parallel_loop3A_278 = vector.shape_cast %parallel_loop3A_277 : vector<1x16xf32> to vector<16xf32>
      %parallel_loop3A_279 = arith.index_cast %parallel_loop3A_120 : i32 to index
      %parallel_loop3A_280 = arith.constant 176 : index
      %parallel_loop3A_281 = tpu.vector_load %arg5[%parallel_loop3A_279, %parallel_loop3A_280] {strides = array<i32>} : memref<16x1024xf32, #tpu.memory_space<vmem>>, vector<1x16xf32>,
      %parallel_loop3A_282 = vector.shape_cast %parallel_loop3A_281 : vector<1x16xf32> to vector<16xf32>
      %parallel_loop3A_283 = arith.addf %parallel_loop3A_278, %parallel_loop3A_282 : vector<16xf32>
      %parallel_loop3A_284 = arith.index_cast %parallel_loop3A_120 : i32 to index
      %parallel_loop3A_285 = arith.constant 176 : index
      %parallel_loop3A_286 = tpu.vector_load %arg6[%parallel_loop3A_284, %parallel_loop3A_285] {strides = array<i32>} : memref<16x1024xf32, #tpu.memory_space<vmem>>, vector<1x16xf32>,
      %parallel_loop3A_287 = vector.shape_cast %parallel_loop3A_286 : vector<1x16xf32> to vector<16xf32>
      %parallel_loop3A_288 = vector.shape_cast %parallel_loop3A_283 : vector<16xf32> to vector<1x16xf32>
      tpu.vector_store %arg6[%parallel_loop3A_284, %parallel_loop3A_285], %parallel_loop3A_288 {strides = array<i32>} : memref<16x1024xf32, #tpu.memory_space<vmem>>, vector<1x16xf32>,
      %parallel_loop3A_289 = arith.index_cast %parallel_loop3A_120 : i32 to index
      %parallel_loop3A_290 = arith.constant 192 : index
      %parallel_loop3A_291 = tpu.vector_load %arg6[%parallel_loop3A_289, %parallel_loop3A_290] {strides = array<i32>} : memref<16x1024xf32, #tpu.memory_space<vmem>>, vector<1x16xf32>,
      %parallel_loop3A_292 = vector.shape_cast %parallel_loop3A_291 : vector<1x16xf32> to vector<16xf32>
      %parallel_loop3A_293 = arith.index_cast %parallel_loop3A_120 : i32 to index
      %parallel_loop3A_294 = arith.constant 192 : index
      %parallel_loop3A_295 = tpu.vector_load %arg5[%parallel_loop3A_293, %parallel_loop3A_294] {strides = array<i32>} : memref<16x1024xf32, #tpu.memory_space<vmem>>, vector<1x16xf32>,
      %parallel_loop3A_296 = vector.shape_cast %parallel_loop3A_295 : vector<1x16xf32> to vector<16xf32>
      %parallel_loop3A_297 = arith.addf %parallel_loop3A_292, %parallel_loop3A_296 : vector<16xf32>
      %parallel_loop3A_298 = arith.index_cast %parallel_loop3A_120 : i32 to index
      %parallel_loop3A_299 = arith.constant 192 : index
      %parallel_loop3A_300 = tpu.vector_load %arg6[%parallel_loop3A_298, %parallel_loop3A_299] {strides = array<i32>} : memref<16x1024xf32, #tpu.memory_space<vmem>>, vector<1x16xf32>,
      %parallel_loop3A_301 = vector.shape_cast %parallel_loop3A_300 : vector<1x16xf32> to vector<16xf32>
      %parallel_loop3A_302 = vector.shape_cast %parallel_loop3A_297 : vector<16xf32> to vector<1x16xf32>
      tpu.vector_store %arg6[%parallel_loop3A_298, %parallel_loop3A_299], %parallel_loop3A_302 {strides = array<i32>} : memref<16x1024xf32, #tpu.memory_space<vmem>>, vector<1x16xf32>,
      %parallel_loop3A_303 = arith.index_cast %parallel_loop3A_120 : i32 to index
      %parallel_loop3A_304 = arith.constant 208 : index
      %parallel_loop3A_305 = tpu.vector_load %arg6[%parallel_loop3A_303, %parallel_loop3A_304] {strides = array<i32>} : memref<16x1024xf32, #tpu.memory_space<vmem>>, vector<1x16xf32>,
      %parallel_loop3A_306 = vector.shape_cast %parallel_loop3A_305 : vector<1x16xf32> to vector<16xf32>
      %parallel_loop3A_307 = arith.index_cast %parallel_loop3A_120 : i32 to index
      %parallel_loop3A_308 = arith.constant 208 : index
      %parallel_loop3A_309 = tpu.vector_load %arg5[%parallel_loop3A_307, %parallel_loop3A_308] {strides = array<i32>} : memref<16x1024xf32, #tpu.memory_space<vmem>>, vector<1x16xf32>,
      %parallel_loop3A_310 = vector.shape_cast %parallel_loop3A_309 : vector<1x16xf32> to vector<16xf32>
      %parallel_loop3A_311 = arith.addf %parallel_loop3A_306, %parallel_loop3A_310 : vector<16xf32>
      %parallel_loop3A_312 = arith.index_cast %parallel_loop3A_120 : i32 to index
      %parallel_loop3A_313 = arith.constant 208 : index
      %parallel_loop3A_314 = tpu.vector_load %arg6[%parallel_loop3A_312, %parallel_loop3A_313] {strides = array<i32>} : memref<16x1024xf32, #tpu.memory_space<vmem>>, vector<1x16xf32>,
      %parallel_loop3A_315 = vector.shape_cast %parallel_loop3A_314 : vector<1x16xf32> to vector<16xf32>
      %parallel_loop3A_316 = vector.shape_cast %parallel_loop3A_311 : vector<16xf32> to vector<1x16xf32>
      tpu.vector_store %arg6[%parallel_loop3A_312, %parallel_loop3A_313], %parallel_loop3A_316 {strides = array<i32>} : memref<16x1024xf32, #tpu.memory_space<vmem>>, vector<1x16xf32>,
      %parallel_loop3A_317 = arith.index_cast %parallel_loop3A_120 : i32 to index
      %parallel_loop3A_318 = arith.constant 224 : index
      %parallel_loop3A_319 = tpu.vector_load %arg6[%parallel_loop3A_317, %parallel_loop3A_318] {strides = array<i32>} : memref<16x1024xf32, #tpu.memory_space<vmem>>, vector<1x16xf32>,
      %parallel_loop3A_320 = vector.shape_cast %parallel_loop3A_319 : vector<1x16xf32> to vector<16xf32>
      %parallel_loop3A_321 = arith.index_cast %parallel_loop3A_120 : i32 to index
      %parallel_loop3A_322 = arith.constant 224 : index
      %parallel_loop3A_323 = tpu.vector_load %arg5[%parallel_loop3A_321, %parallel_loop3A_322] {strides = array<i32>} : memref<16x1024xf32, #tpu.memory_space<vmem>>, vector<1x16xf32>,
      %parallel_loop3A_324 = vector.shape_cast %parallel_loop3A_323 : vector<1x16xf32> to vector<16xf32>
      %parallel_loop3A_325 = arith.addf %parallel_loop3A_320, %parallel_loop3A_324 : vector<16xf32>
      %parallel_loop3A_326 = arith.index_cast %parallel_loop3A_120 : i32 to index
      %parallel_loop3A_327 = arith.constant 224 : index
      %parallel_loop3A_328 = tpu.vector_load %arg6[%parallel_loop3A_326, %parallel_loop3A_327] {strides = array<i32>} : memref<16x1024xf32, #tpu.memory_space<vmem>>, vector<1x16xf32>,
      %parallel_loop3A_329 = vector.shape_cast %parallel_loop3A_328 : vector<1x16xf32> to vector<16xf32>
      %parallel_loop3A_330 = vector.shape_cast %parallel_loop3A_325 : vector<16xf32> to vector<1x16xf32>
      tpu.vector_store %arg6[%parallel_loop3A_326, %parallel_loop3A_327], %parallel_loop3A_330 {strides = array<i32>} : memref<16x1024xf32, #tpu.memory_space<vmem>>, vector<1x16xf32>,
      %parallel_loop3A_331 = arith.index_cast %parallel_loop3A_120 : i32 to index
      %parallel_loop3A_332 = arith.constant 240 : index
      %parallel_loop3A_333 = tpu.vector_load %arg6[%parallel_loop3A_331, %parallel_loop3A_332] {strides = array<i32>} : memref<16x1024xf32, #tpu.memory_space<vmem>>, vector<1x16xf32>,
      %parallel_loop3A_334 = vector.shape_cast %parallel_loop3A_333 : vector<1x16xf32> to vector<16xf32>
      %parallel_loop3A_335 = arith.index_cast %parallel_loop3A_120 : i32 to index
      %parallel_loop3A_336 = arith.constant 240 : index
      %parallel_loop3A_337 = tpu.vector_load %arg5[%parallel_loop3A_335, %parallel_loop3A_336] {strides = array<i32>} : memref<16x1024xf32, #tpu.memory_space<vmem>>, vector<1x16xf32>,
      %parallel_loop3A_338 = vector.shape_cast %parallel_loop3A_337 : vector<1x16xf32> to vector<16xf32>
      %parallel_loop3A_339 = arith.addf %parallel_loop3A_334, %parallel_loop3A_338 : vector<16xf32>
      %parallel_loop3A_340 = arith.index_cast %parallel_loop3A_120 : i32 to index
      %parallel_loop3A_341 = arith.constant 240 : index
      %parallel_loop3A_342 = tpu.vector_load %arg6[%parallel_loop3A_340, %parallel_loop3A_341] {strides = array<i32>} : memref<16x1024xf32, #tpu.memory_space<vmem>>, vector<1x16xf32>,
      %parallel_loop3A_343 = vector.shape_cast %parallel_loop3A_342 : vector<1x16xf32> to vector<16xf32>
      %parallel_loop3A_344 = vector.shape_cast %parallel_loop3A_339 : vector<16xf32> to vector<1x16xf32>
      tpu.vector_store %arg6[%parallel_loop3A_340, %parallel_loop3A_341], %parallel_loop3A_344 {strides = array<i32>} : memref<16x1024xf32, #tpu.memory_space<vmem>>, vector<1x16xf32>,
      %parallel_loop3A_345 = arith.index_cast %parallel_loop3A_120 : i32 to index
      %parallel_loop3A_346 = arith.constant 256 : index
      %parallel_loop3A_347 = tpu.vector_load %arg6[%parallel_loop3A_345, %parallel_loop3A_346] {strides = array<i32>} : memref<16x1024xf32, #tpu.memory_space<vmem>>, vector<1x16xf32>,
      %parallel_loop3A_348 = vector.shape_cast %parallel_loop3A_347 : vector<1x16xf32> to vector<16xf32>
      %parallel_loop3A_349 = arith.index_cast %parallel_loop3A_120 : i32 to index
      %parallel_loop3A_350 = arith.constant 256 : index
      %parallel_loop3A_351 = tpu.vector_load %arg5[%parallel_loop3A_349, %parallel_loop3A_350] {strides = array<i32>} : memref<16x1024xf32, #tpu.memory_space<vmem>>, vector<1x16xf32>,
      %parallel_loop3A_352 = vector.shape_cast %parallel_loop3A_351 : vector<1x16xf32> to vector<16xf32>
      %parallel_loop3A_353 = arith.addf %parallel_loop3A_348, %parallel_loop3A_352 : vector<16xf32>
      %parallel_loop3A_354 = arith.index_cast %parallel_loop3A_120 : i32 to index
      %parallel_loop3A_355 = arith.constant 256 : index
      %parallel_loop3A_356 = tpu.vector_load %arg6[%parallel_loop3A_354, %parallel_loop3A_355] {strides = array<i32>} : memref<16x1024xf32, #tpu.memory_space<vmem>>, vector<1x16xf32>,
      %parallel_loop3A_357 = vector.shape_cast %parallel_loop3A_356 : vector<1x16xf32> to vector<16xf32>
      %parallel_loop3A_358 = vector.shape_cast %parallel_loop3A_353 : vector<16xf32> to vector<1x16xf32>
      tpu.vector_store %arg6[%parallel_loop3A_354, %parallel_loop3A_355], %parallel_loop3A_358 {strides = array<i32>} : memref<16x1024xf32, #tpu.memory_space<vmem>>, vector<1x16xf32>,
      %parallel_loop3A_359 = arith.index_cast %parallel_loop3A_120 : i32 to index
      %parallel_loop3A_360 = arith.constant 272 : index
      %parallel_loop3A_361 = tpu.vector_load %arg6[%parallel_loop3A_359, %parallel_loop3A_360] {strides = array<i32>} : memref<16x1024xf32, #tpu.memory_space<vmem>>, vector<1x16xf32>,
      %parallel_loop3A_362 = vector.shape_cast %parallel_loop3A_361 : vector<1x16xf32> to vector<16xf32>
      %parallel_loop3A_363 = arith.index_cast %parallel_loop3A_120 : i32 to index
      %parallel_loop3A_364 = arith.constant 272 : index
      %parallel_loop3A_365 = tpu.vector_load %arg5[%parallel_loop3A_363, %parallel_loop3A_364] {strides = array<i32>} : memref<16x1024xf32, #tpu.memory_space<vmem>>, vector<1x16xf32>,
      %parallel_loop3A_366 = vector.shape_cast %parallel_loop3A_365 : vector<1x16xf32> to vector<16xf32>
      %parallel_loop3A_367 = arith.addf %parallel_loop3A_362, %parallel_loop3A_366 : vector<16xf32>
      %parallel_loop3A_368 = arith.index_cast %parallel_loop3A_120 : i32 to index
      %parallel_loop3A_369 = arith.constant 272 : index
      %parallel_loop3A_370 = tpu.vector_load %arg6[%parallel_loop3A_368, %parallel_loop3A_369] {strides = array<i32>} : memref<16x1024xf32, #tpu.memory_space<vmem>>, vector<1x16xf32>,
      %parallel_loop3A_371 = vector.shape_cast %parallel_loop3A_370 : vector<1x16xf32> to vector<16xf32>
      %parallel_loop3A_372 = vector.shape_cast %parallel_loop3A_367 : vector<16xf32> to vector<1x16xf32>
      tpu.vector_store %arg6[%parallel_loop3A_368, %parallel_loop3A_369], %parallel_loop3A_372 {strides = array<i32>} : memref<16x1024xf32, #tpu.memory_space<vmem>>, vector<1x16xf32>,
      %parallel_loop3A_373 = arith.index_cast %parallel_loop3A_120 : i32 to index
      %parallel_loop3A_374 = arith.constant 288 : index
      %parallel_loop3A_375 = tpu.vector_load %arg6[%parallel_loop3A_373, %parallel_loop3A_374] {strides = array<i32>} : memref<16x1024xf32, #tpu.memory_space<vmem>>, vector<1x16xf32>,
      %parallel_loop3A_376 = vector.shape_cast %parallel_loop3A_375 : vector<1x16xf32> to vector<16xf32>
      %parallel_loop3A_377 = arith.index_cast %parallel_loop3A_120 : i32 to index
      %parallel_loop3A_378 = arith.constant 288 : index
      %parallel_loop3A_379 = tpu.vector_load %arg5[%parallel_loop3A_377, %parallel_loop3A_378] {strides = array<i32>} : memref<16x1024xf32, #tpu.memory_space<vmem>>, vector<1x16xf32>,
      %parallel_loop3A_380 = vector.shape_cast %parallel_loop3A_379 : vector<1x16xf32> to vector<16xf32>
      %parallel_loop3A_381 = arith.addf %parallel_loop3A_376, %parallel_loop3A_380 : vector<16xf32>
      %parallel_loop3A_382 = arith.index_cast %parallel_loop3A_120 : i32 to index
      %parallel_loop3A_383 = arith.constant 288 : index
      %parallel_loop3A_384 = tpu.vector_load %arg6[%parallel_loop3A_382, %parallel_loop3A_383] {strides = array<i32>} : memref<16x1024xf32, #tpu.memory_space<vmem>>, vector<1x16xf32>,
      %parallel_loop3A_385 = vector.shape_cast %parallel_loop3A_384 : vector<1x16xf32> to vector<16xf32>
      %parallel_loop3A_386 = vector.shape_cast %parallel_loop3A_381 : vector<16xf32> to vector<1x16xf32>
      tpu.vector_store %arg6[%parallel_loop3A_382, %parallel_loop3A_383], %parallel_loop3A_386 {strides = array<i32>} : memref<16x1024xf32, #tpu.memory_space<vmem>>, vector<1x16xf32>,
      %parallel_loop3A_387 = arith.index_cast %parallel_loop3A_120 : i32 to index
      %parallel_loop3A_388 = arith.constant 304 : index
      %parallel_loop3A_389 = tpu.vector_load %arg6[%parallel_loop3A_387, %parallel_loop3A_388] {strides = array<i32>} : memref<16x1024xf32, #tpu.memory_space<vmem>>, vector<1x16xf32>,
      %parallel_loop3A_390 = vector.shape_cast %parallel_loop3A_389 : vector<1x16xf32> to vector<16xf32>
      %parallel_loop3A_391 = arith.index_cast %parallel_loop3A_120 : i32 to index
      %parallel_loop3A_392 = arith.constant 304 : index
      %parallel_loop3A_393 = tpu.vector_load %arg5[%parallel_loop3A_391, %parallel_loop3A_392] {strides = array<i32>} : memref<16x1024xf32, #tpu.memory_space<vmem>>, vector<1x16xf32>,
      %parallel_loop3A_394 = vector.shape_cast %parallel_loop3A_393 : vector<1x16xf32> to vector<16xf32>
      %parallel_loop3A_395 = arith.addf %parallel_loop3A_390, %parallel_loop3A_394 : vector<16xf32>
      %parallel_loop3A_396 = arith.index_cast %parallel_loop3A_120 : i32 to index
      %parallel_loop3A_397 = arith.constant 304 : index
      %parallel_loop3A_398 = tpu.vector_load %arg6[%parallel_loop3A_396, %parallel_loop3A_397] {strides = array<i32>} : memref<16x1024xf32, #tpu.memory_space<vmem>>, vector<1x16xf32>,
      %parallel_loop3A_399 = vector.shape_cast %parallel_loop3A_398 : vector<1x16xf32> to vector<16xf32>
      %parallel_loop3A_400 = vector.shape_cast %parallel_loop3A_395 : vector<16xf32> to vector<1x16xf32>
      tpu.vector_store %arg6[%parallel_loop3A_396, %parallel_loop3A_397], %parallel_loop3A_400 {strides = array<i32>} : memref<16x1024xf32, #tpu.memory_space<vmem>>, vector<1x16xf32>,
      %parallel_loop3A_401 = arith.index_cast %parallel_loop3A_120 : i32 to index
      %parallel_loop3A_402 = arith.constant 320 : index
      %parallel_loop3A_403 = tpu.vector_load %arg6[%parallel_loop3A_401, %parallel_loop3A_402] {strides = array<i32>} : memref<16x1024xf32, #tpu.memory_space<vmem>>, vector<1x16xf32>,
      %parallel_loop3A_404 = vector.shape_cast %parallel_loop3A_403 : vector<1x16xf32> to vector<16xf32>
      %parallel_loop3A_405 = arith.index_cast %parallel_loop3A_120 : i32 to index
      %parallel_loop3A_406 = arith.constant 320 : index
      %parallel_loop3A_407 = tpu.vector_load %arg5[%parallel_loop3A_405, %parallel_loop3A_406] {strides = array<i32>} : memref<16x1024xf32, #tpu.memory_space<vmem>>, vector<1x16xf32>,
      %parallel_loop3A_408 = vector.shape_cast %parallel_loop3A_407 : vector<1x16xf32> to vector<16xf32>
      %parallel_loop3A_409 = arith.addf %parallel_loop3A_404, %parallel_loop3A_408 : vector<16xf32>
      %parallel_loop3A_410 = arith.index_cast %parallel_loop3A_120 : i32 to index
      %parallel_loop3A_411 = arith.constant 320 : index
      %parallel_loop3A_412 = tpu.vector_load %arg6[%parallel_loop3A_410, %parallel_loop3A_411] {strides = array<i32>} : memref<16x1024xf32, #tpu.memory_space<vmem>>, vector<1x16xf32>,
      %parallel_loop3A_413 = vector.shape_cast %parallel_loop3A_412 : vector<1x16xf32> to vector<16xf32>
      %parallel_loop3A_414 = vector.shape_cast %parallel_loop3A_409 : vector<16xf32> to vector<1x16xf32>
      tpu.vector_store %arg6[%parallel_loop3A_410, %parallel_loop3A_411], %parallel_loop3A_414 {strides = array<i32>} : memref<16x1024xf32, #tpu.memory_space<vmem>>, vector<1x16xf32>,
      %parallel_loop3A_415 = arith.index_cast %parallel_loop3A_120 : i32 to index
      %parallel_loop3A_416 = arith.constant 336 : index
      %parallel_loop3A_417 = tpu.vector_load %arg6[%parallel_loop3A_415, %parallel_loop3A_416] {strides = array<i32>} : memref<16x1024xf32, #tpu.memory_space<vmem>>, vector<1x16xf32>,
      %parallel_loop3A_418 = vector.shape_cast %parallel_loop3A_417 : vector<1x16xf32> to vector<16xf32>
      %parallel_loop3A_419 = arith.index_cast %parallel_loop3A_120 : i32 to index
      %parallel_loop3A_420 = arith.constant 336 : index
      %parallel_loop3A_421 = tpu.vector_load %arg5[%parallel_loop3A_419, %parallel_loop3A_420] {strides = array<i32>} : memref<16x1024xf32, #tpu.memory_space<vmem>>, vector<1x16xf32>,
      %parallel_loop3A_422 = vector.shape_cast %parallel_loop3A_421 : vector<1x16xf32> to vector<16xf32>
      %parallel_loop3A_423 = arith.addf %parallel_loop3A_418, %parallel_loop3A_422 : vector<16xf32>
      %parallel_loop3A_424 = arith.index_cast %parallel_loop3A_120 : i32 to index
      %parallel_loop3A_425 = arith.constant 336 : index
      %parallel_loop3A_426 = tpu.vector_load %arg6[%parallel_loop3A_424, %parallel_loop3A_425] {strides = array<i32>} : memref<16x1024xf32, #tpu.memory_space<vmem>>, vector<1x16xf32>,
      %parallel_loop3A_427 = vector.shape_cast %parallel_loop3A_426 : vector<1x16xf32> to vector<16xf32>
      %parallel_loop3A_428 = vector.shape_cast %parallel_loop3A_423 : vector<16xf32> to vector<1x16xf32>
      tpu.vector_store %arg6[%parallel_loop3A_424, %parallel_loop3A_425], %parallel_loop3A_428 {strides = array<i32>} : memref<16x1024xf32, #tpu.memory_space<vmem>>, vector<1x16xf32>,
      %parallel_loop3A_429 = arith.index_cast %parallel_loop3A_120 : i32 to index
      %parallel_loop3A_430 = arith.constant 352 : index
      %parallel_loop3A_431 = tpu.vector_load %arg6[%parallel_loop3A_429, %parallel_loop3A_430] {strides = array<i32>} : memref<16x1024xf32, #tpu.memory_space<vmem>>, vector<1x16xf32>,
      %parallel_loop3A_432 = vector.shape_cast %parallel_loop3A_431 : vector<1x16xf32> to vector<16xf32>
      %parallel_loop3A_433 = arith.index_cast %parallel_loop3A_120 : i32 to index
      %parallel_loop3A_434 = arith.constant 352 : index
      %parallel_loop3A_435 = tpu.vector_load %arg5[%parallel_loop3A_433, %parallel_loop3A_434] {strides = array<i32>} : memref<16x1024xf32, #tpu.memory_space<vmem>>, vector<1x16xf32>,
      %parallel_loop3A_436 = vector.shape_cast %parallel_loop3A_435 : vector<1x16xf32> to vector<16xf32>
      %parallel_loop3A_437 = arith.addf %parallel_loop3A_432, %parallel_loop3A_436 : vector<16xf32>
      %parallel_loop3A_438 = arith.index_cast %parallel_loop3A_120 : i32 to index
      %parallel_loop3A_439 = arith.constant 352 : index
      %parallel_loop3A_440 = tpu.vector_load %arg6[%parallel_loop3A_438, %parallel_loop3A_439] {strides = array<i32>} : memref<16x1024xf32, #tpu.memory_space<vmem>>, vector<1x16xf32>,
      %parallel_loop3A_441 = vector.shape_cast %parallel_loop3A_440 : vector<1x16xf32> to vector<16xf32>
      %parallel_loop3A_442 = vector.shape_cast %parallel_loop3A_437 : vector<16xf32> to vector<1x16xf32>
      tpu.vector_store %arg6[%parallel_loop3A_438, %parallel_loop3A_439], %parallel_loop3A_442 {strides = array<i32>} : memref<16x1024xf32, #tpu.memory_space<vmem>>, vector<1x16xf32>,
      %parallel_loop3A_443 = arith.index_cast %parallel_loop3A_120 : i32 to index
      %parallel_loop3A_444 = arith.constant 368 : index
      %parallel_loop3A_445 = tpu.vector_load %arg6[%parallel_loop3A_443, %parallel_loop3A_444] {strides = array<i32>} : memref<16x1024xf32, #tpu.memory_space<vmem>>, vector<1x16xf32>,
      %parallel_loop3A_446 = vector.shape_cast %parallel_loop3A_445 : vector<1x16xf32> to vector<16xf32>
      %parallel_loop3A_447 = arith.index_cast %parallel_loop3A_120 : i32 to index
      %parallel_loop3A_448 = arith.constant 368 : index
      %parallel_loop3A_449 = tpu.vector_load %arg5[%parallel_loop3A_447, %parallel_loop3A_448] {strides = array<i32>} : memref<16x1024xf32, #tpu.memory_space<vmem>>, vector<1x16xf32>,
      %parallel_loop3A_450 = vector.shape_cast %parallel_loop3A_449 : vector<1x16xf32> to vector<16xf32>
      %parallel_loop3A_451 = arith.addf %parallel_loop3A_446, %parallel_loop3A_450 : vector<16xf32>
      %parallel_loop3A_452 = arith.index_cast %parallel_loop3A_120 : i32 to index
      %parallel_loop3A_453 = arith.constant 368 : index
      %parallel_loop3A_454 = tpu.vector_load %arg6[%parallel_loop3A_452, %parallel_loop3A_453] {strides = array<i32>} : memref<16x1024xf32, #tpu.memory_space<vmem>>, vector<1x16xf32>,
      %parallel_loop3A_455 = vector.shape_cast %parallel_loop3A_454 : vector<1x16xf32> to vector<16xf32>
      %parallel_loop3A_456 = vector.shape_cast %parallel_loop3A_451 : vector<16xf32> to vector<1x16xf32>
      tpu.vector_store %arg6[%parallel_loop3A_452, %parallel_loop3A_453], %parallel_loop3A_456 {strides = array<i32>} : memref<16x1024xf32, #tpu.memory_space<vmem>>, vector<1x16xf32>,
      %parallel_loop3A_457 = arith.index_cast %parallel_loop3A_120 : i32 to index
      %parallel_loop3A_458 = arith.constant 384 : index
      %parallel_loop3A_459 = tpu.vector_load %arg6[%parallel_loop3A_457, %parallel_loop3A_458] {strides = array<i32>} : memref<16x1024xf32, #tpu.memory_space<vmem>>, vector<1x16xf32>,
      %parallel_loop3A_460 = vector.shape_cast %parallel_loop3A_459 : vector<1x16xf32> to vector<16xf32>
      %parallel_loop3A_461 = arith.index_cast %parallel_loop3A_120 : i32 to index
      %parallel_loop3A_462 = arith.constant 384 : index
      %parallel_loop3A_463 = tpu.vector_load %arg5[%parallel_loop3A_461, %parallel_loop3A_462] {strides = array<i32>} : memref<16x1024xf32, #tpu.memory_space<vmem>>, vector<1x16xf32>,
      %parallel_loop3A_464 = vector.shape_cast %parallel_loop3A_463 : vector<1x16xf32> to vector<16xf32>
      %parallel_loop3A_465 = arith.addf %parallel_loop3A_460, %parallel_loop3A_464 : vector<16xf32>
      %parallel_loop3A_466 = arith.index_cast %parallel_loop3A_120 : i32 to index
      %parallel_loop3A_467 = arith.constant 384 : index
      %parallel_loop3A_468 = tpu.vector_load %arg6[%parallel_loop3A_466, %parallel_loop3A_467] {strides = array<i32>} : memref<16x1024xf32, #tpu.memory_space<vmem>>, vector<1x16xf32>,
      %parallel_loop3A_469 = vector.shape_cast %parallel_loop3A_468 : vector<1x16xf32> to vector<16xf32>
      %parallel_loop3A_470 = vector.shape_cast %parallel_loop3A_465 : vector<16xf32> to vector<1x16xf32>
      tpu.vector_store %arg6[%parallel_loop3A_466, %parallel_loop3A_467], %parallel_loop3A_470 {strides = array<i32>} : memref<16x1024xf32, #tpu.memory_space<vmem>>, vector<1x16xf32>,
      %parallel_loop3A_471 = arith.index_cast %parallel_loop3A_120 : i32 to index
      %parallel_loop3A_472 = arith.constant 400 : index
      %parallel_loop3A_473 = tpu.vector_load %arg6[%parallel_loop3A_471, %parallel_loop3A_472] {strides = array<i32>} : memref<16x1024xf32, #tpu.memory_space<vmem>>, vector<1x16xf32>,
      %parallel_loop3A_474 = vector.shape_cast %parallel_loop3A_473 : vector<1x16xf32> to vector<16xf32>
      %parallel_loop3A_475 = arith.index_cast %parallel_loop3A_120 : i32 to index
      %parallel_loop3A_476 = arith.constant 400 : index
      %parallel_loop3A_477 = tpu.vector_load %arg5[%parallel_loop3A_475, %parallel_loop3A_476] {strides = array<i32>} : memref<16x1024xf32, #tpu.memory_space<vmem>>, vector<1x16xf32>,
      %parallel_loop3A_478 = vector.shape_cast %parallel_loop3A_477 : vector<1x16xf32> to vector<16xf32>
      %parallel_loop3A_479 = arith.addf %parallel_loop3A_474, %parallel_loop3A_478 : vector<16xf32>
      %parallel_loop3A_480 = arith.index_cast %parallel_loop3A_120 : i32 to index
      %parallel_loop3A_481 = arith.constant 400 : index
      %parallel_loop3A_482 = tpu.vector_load %arg6[%parallel_loop3A_480, %parallel_loop3A_481] {strides = array<i32>} : memref<16x1024xf32, #tpu.memory_space<vmem>>, vector<1x16xf32>,
      %parallel_loop3A_483 = vector.shape_cast %parallel_loop3A_482 : vector<1x16xf32> to vector<16xf32>
      %parallel_loop3A_484 = vector.shape_cast %parallel_loop3A_479 : vector<16xf32> to vector<1x16xf32>
      tpu.vector_store %arg6[%parallel_loop3A_480, %parallel_loop3A_481], %parallel_loop3A_484 {strides = array<i32>} : memref<16x1024xf32, #tpu.memory_space<vmem>>, vector<1x16xf32>,
      %parallel_loop3A_485 = arith.index_cast %parallel_loop3A_120 : i32 to index
      %parallel_loop3A_486 = arith.constant 416 : index
      %parallel_loop3A_487 = tpu.vector_load %arg6[%parallel_loop3A_485, %parallel_loop3A_486] {strides = array<i32>} : memref<16x1024xf32, #tpu.memory_space<vmem>>, vector<1x16xf32>,
      %parallel_loop3A_488 = vector.shape_cast %parallel_loop3A_487 : vector<1x16xf32> to vector<16xf32>
      %parallel_loop3A_489 = arith.index_cast %parallel_loop3A_120 : i32 to index
      %parallel_loop3A_490 = arith.constant 416 : index
      %parallel_loop3A_491 = tpu.vector_load %arg5[%parallel_loop3A_489, %parallel_loop3A_490] {strides = array<i32>} : memref<16x1024xf32, #tpu.memory_space<vmem>>, vector<1x16xf32>,
      %parallel_loop3A_492 = vector.shape_cast %parallel_loop3A_491 : vector<1x16xf32> to vector<16xf32>
      %parallel_loop3A_493 = arith.addf %parallel_loop3A_488, %parallel_loop3A_492 : vector<16xf32>
      %parallel_loop3A_494 = arith.index_cast %parallel_loop3A_120 : i32 to index
      %parallel_loop3A_495 = arith.constant 416 : index
      %parallel_loop3A_496 = tpu.vector_load %arg6[%parallel_loop3A_494, %parallel_loop3A_495] {strides = array<i32>} : memref<16x1024xf32, #tpu.memory_space<vmem>>, vector<1x16xf32>,
      %parallel_loop3A_497 = vector.shape_cast %parallel_loop3A_496 : vector<1x16xf32> to vector<16xf32>
      %parallel_loop3A_498 = vector.shape_cast %parallel_loop3A_493 : vector<16xf32> to vector<1x16xf32>
      tpu.vector_store %arg6[%parallel_loop3A_494, %parallel_loop3A_495], %parallel_loop3A_498 {strides = array<i32>} : memref<16x1024xf32, #tpu.memory_space<vmem>>, vector<1x16xf32>,
      %parallel_loop3A_499 = arith.index_cast %parallel_loop3A_120 : i32 to index
      %parallel_loop3A_500 = arith.constant 432 : index
      %parallel_loop3A_501 = tpu.vector_load %arg6[%parallel_loop3A_499, %parallel_loop3A_500] {strides = array<i32>} : memref<16x1024xf32, #tpu.memory_space<vmem>>, vector<1x16xf32>,
      %parallel_loop3A_502 = vector.shape_cast %parallel_loop3A_501 : vector<1x16xf32> to vector<16xf32>
      %parallel_loop3A_503 = arith.index_cast %parallel_loop3A_120 : i32 to index
      %parallel_loop3A_504 = arith.constant 432 : index
      %parallel_loop3A_505 = tpu.vector_load %arg5[%parallel_loop3A_503, %parallel_loop3A_504] {strides = array<i32>} : memref<16x1024xf32, #tpu.memory_space<vmem>>, vector<1x16xf32>,
      %parallel_loop3A_506 = vector.shape_cast %parallel_loop3A_505 : vector<1x16xf32> to vector<16xf32>
      %parallel_loop3A_507 = arith.addf %parallel_loop3A_502, %parallel_loop3A_506 : vector<16xf32>
      %parallel_loop3A_508 = arith.index_cast %parallel_loop3A_120 : i32 to index
      %parallel_loop3A_509 = arith.constant 432 : index
      %parallel_loop3A_510 = tpu.vector_load %arg6[%parallel_loop3A_508, %parallel_loop3A_509] {strides = array<i32>} : memref<16x1024xf32, #tpu.memory_space<vmem>>, vector<1x16xf32>,
      %parallel_loop3A_511 = vector.shape_cast %parallel_loop3A_510 : vector<1x16xf32> to vector<16xf32>
      %parallel_loop3A_512 = vector.shape_cast %parallel_loop3A_507 : vector<16xf32> to vector<1x16xf32>
      tpu.vector_store %arg6[%parallel_loop3A_508, %parallel_loop3A_509], %parallel_loop3A_512 {strides = array<i32>} : memref<16x1024xf32, #tpu.memory_space<vmem>>, vector<1x16xf32>,
      %parallel_loop3A_513 = arith.index_cast %parallel_loop3A_120 : i32 to index
      %parallel_loop3A_514 = arith.constant 448 : index
      %parallel_loop3A_515 = tpu.vector_load %arg6[%parallel_loop3A_513, %parallel_loop3A_514] {strides = array<i32>} : memref<16x1024xf32, #tpu.memory_space<vmem>>, vector<1x16xf32>,
      %parallel_loop3A_516 = vector.shape_cast %parallel_loop3A_515 : vector<1x16xf32> to vector<16xf32>
      %parallel_loop3A_517 = arith.index_cast %parallel_loop3A_120 : i32 to index
      %parallel_loop3A_518 = arith.constant 448 : index
      %parallel_loop3A_519 = tpu.vector_load %arg5[%parallel_loop3A_517, %parallel_loop3A_518] {strides = array<i32>} : memref<16x1024xf32, #tpu.memory_space<vmem>>, vector<1x16xf32>,
      %parallel_loop3A_520 = vector.shape_cast %parallel_loop3A_519 : vector<1x16xf32> to vector<16xf32>
      %parallel_loop3A_521 = arith.addf %parallel_loop3A_516, %parallel_loop3A_520 : vector<16xf32>
      %parallel_loop3A_522 = arith.index_cast %parallel_loop3A_120 : i32 to index
      %parallel_loop3A_523 = arith.constant 448 : index
      %parallel_loop3A_524 = tpu.vector_load %arg6[%parallel_loop3A_522, %parallel_loop3A_523] {strides = array<i32>} : memref<16x1024xf32, #tpu.memory_space<vmem>>, vector<1x16xf32>,
      %parallel_loop3A_525 = vector.shape_cast %parallel_loop3A_524 : vector<1x16xf32> to vector<16xf32>
      %parallel_loop3A_526 = vector.shape_cast %parallel_loop3A_521 : vector<16xf32> to vector<1x16xf32>
      tpu.vector_store %arg6[%parallel_loop3A_522, %parallel_loop3A_523], %parallel_loop3A_526 {strides = array<i32>} : memref<16x1024xf32, #tpu.memory_space<vmem>>, vector<1x16xf32>,
      %parallel_loop3A_527 = arith.index_cast %parallel_loop3A_120 : i32 to index
      %parallel_loop3A_528 = arith.constant 464 : index
      %parallel_loop3A_529 = tpu.vector_load %arg6[%parallel_loop3A_527, %parallel_loop3A_528] {strides = array<i32>} : memref<16x1024xf32, #tpu.memory_space<vmem>>, vector<1x16xf32>,
      %parallel_loop3A_530 = vector.shape_cast %parallel_loop3A_529 : vector<1x16xf32> to vector<16xf32>
      %parallel_loop3A_531 = arith.index_cast %parallel_loop3A_120 : i32 to index
      %parallel_loop3A_532 = arith.constant 464 : index
      %parallel_loop3A_533 = tpu.vector_load %arg5[%parallel_loop3A_531, %parallel_loop3A_532] {strides = array<i32>} : memref<16x1024xf32, #tpu.memory_space<vmem>>, vector<1x16xf32>,
      %parallel_loop3A_534 = vector.shape_cast %parallel_loop3A_533 : vector<1x16xf32> to vector<16xf32>
      %parallel_loop3A_535 = arith.addf %parallel_loop3A_530, %parallel_loop3A_534 : vector<16xf32>
      %parallel_loop3A_536 = arith.index_cast %parallel_loop3A_120 : i32 to index
      %parallel_loop3A_537 = arith.constant 464 : index
      %parallel_loop3A_538 = tpu.vector_load %arg6[%parallel_loop3A_536, %parallel_loop3A_537] {strides = array<i32>} : memref<16x1024xf32, #tpu.memory_space<vmem>>, vector<1x16xf32>,
      %parallel_loop3A_539 = vector.shape_cast %parallel_loop3A_538 : vector<1x16xf32> to vector<16xf32>
      %parallel_loop3A_540 = vector.shape_cast %parallel_loop3A_535 : vector<16xf32> to vector<1x16xf32>
      tpu.vector_store %arg6[%parallel_loop3A_536, %parallel_loop3A_537], %parallel_loop3A_540 {strides = array<i32>} : memref<16x1024xf32, #tpu.memory_space<vmem>>, vector<1x16xf32>,
      %parallel_loop3A_541 = arith.index_cast %parallel_loop3A_120 : i32 to index
      %parallel_loop3A_542 = arith.constant 480 : index
      %parallel_loop3A_543 = tpu.vector_load %arg6[%parallel_loop3A_541, %parallel_loop3A_542] {strides = array<i32>} : memref<16x1024xf32, #tpu.memory_space<vmem>>, vector<1x16xf32>,
      %parallel_loop3A_544 = vector.shape_cast %parallel_loop3A_543 : vector<1x16xf32> to vector<16xf32>
      %parallel_loop3A_545 = arith.index_cast %parallel_loop3A_120 : i32 to index
      %parallel_loop3A_546 = arith.constant 480 : index
      %parallel_loop3A_547 = tpu.vector_load %arg5[%parallel_loop3A_545, %parallel_loop3A_546] {strides = array<i32>} : memref<16x1024xf32, #tpu.memory_space<vmem>>, vector<1x16xf32>,
      %parallel_loop3A_548 = vector.shape_cast %parallel_loop3A_547 : vector<1x16xf32> to vector<16xf32>
      %parallel_loop3A_549 = arith.addf %parallel_loop3A_544, %parallel_loop3A_548 : vector<16xf32>
      %parallel_loop3A_550 = arith.index_cast %parallel_loop3A_120 : i32 to index
      %parallel_loop3A_551 = arith.constant 480 : index
      %parallel_loop3A_552 = tpu.vector_load %arg6[%parallel_loop3A_550, %parallel_loop3A_551] {strides = array<i32>} : memref<16x1024xf32, #tpu.memory_space<vmem>>, vector<1x16xf32>,
      %parallel_loop3A_553 = vector.shape_cast %parallel_loop3A_552 : vector<1x16xf32> to vector<16xf32>
      %parallel_loop3A_554 = vector.shape_cast %parallel_loop3A_549 : vector<16xf32> to vector<1x16xf32>
      tpu.vector_store %arg6[%parallel_loop3A_550, %parallel_loop3A_551], %parallel_loop3A_554 {strides = array<i32>} : memref<16x1024xf32, #tpu.memory_space<vmem>>, vector<1x16xf32>,
      %parallel_loop3A_555 = arith.index_cast %parallel_loop3A_120 : i32 to index
      %parallel_loop3A_556 = arith.constant 496 : index
      %parallel_loop3A_557 = tpu.vector_load %arg6[%parallel_loop3A_555, %parallel_loop3A_556] {strides = array<i32>} : memref<16x1024xf32, #tpu.memory_space<vmem>>, vector<1x16xf32>,
      %parallel_loop3A_558 = vector.shape_cast %parallel_loop3A_557 : vector<1x16xf32> to vector<16xf32>
      %parallel_loop3A_559 = arith.index_cast %parallel_loop3A_120 : i32 to index
      %parallel_loop3A_560 = arith.constant 496 : index
      %parallel_loop3A_561 = tpu.vector_load %arg5[%parallel_loop3A_559, %parallel_loop3A_560] {strides = array<i32>} : memref<16x1024xf32, #tpu.memory_space<vmem>>, vector<1x16xf32>,
      %parallel_loop3A_562 = vector.shape_cast %parallel_loop3A_561 : vector<1x16xf32> to vector<16xf32>
      %parallel_loop3A_563 = arith.addf %parallel_loop3A_558, %parallel_loop3A_562 : vector<16xf32>
      %parallel_loop3A_564 = arith.index_cast %parallel_loop3A_120 : i32 to index
      %parallel_loop3A_565 = arith.constant 496 : index
      %parallel_loop3A_566 = tpu.vector_load %arg6[%parallel_loop3A_564, %parallel_loop3A_565] {strides = array<i32>} : memref<16x1024xf32, #tpu.memory_space<vmem>>, vector<1x16xf32>,
      %parallel_loop3A_567 = vector.shape_cast %parallel_loop3A_566 : vector<1x16xf32> to vector<16xf32>
      %parallel_loop3A_568 = vector.shape_cast %parallel_loop3A_563 : vector<16xf32> to vector<1x16xf32>
      tpu.vector_store %arg6[%parallel_loop3A_564, %parallel_loop3A_565], %parallel_loop3A_568 {strides = array<i32>} : memref<16x1024xf32, #tpu.memory_space<vmem>>, vector<1x16xf32>,
      %parallel_loop3A_569 = arith.index_cast %parallel_loop3A_120 : i32 to index
      %parallel_loop3A_570 = arith.constant 512 : index
      %parallel_loop3A_571 = tpu.vector_load %arg6[%parallel_loop3A_569, %parallel_loop3A_570] {strides = array<i32>} : memref<16x1024xf32, #tpu.memory_space<vmem>>, vector<1x16xf32>,
      %parallel_loop3A_572 = vector.shape_cast %parallel_loop3A_571 : vector<1x16xf32> to vector<16xf32>
      %parallel_loop3A_573 = arith.index_cast %parallel_loop3A_120 : i32 to index
      %parallel_loop3A_574 = arith.constant 512 : index
      %parallel_loop3A_575 = tpu.vector_load %arg5[%parallel_loop3A_573, %parallel_loop3A_574] {strides = array<i32>} : memref<16x1024xf32, #tpu.memory_space<vmem>>, vector<1x16xf32>,
      %parallel_loop3A_576 = vector.shape_cast %parallel_loop3A_575 : vector<1x16xf32> to vector<16xf32>
      %parallel_loop3A_577 = arith.addf %parallel_loop3A_572, %parallel_loop3A_576 : vector<16xf32>
      %parallel_loop3A_578 = arith.index_cast %parallel_loop3A_120 : i32 to index
      %parallel_loop3A_579 = arith.constant 512 : index
      %parallel_loop3A_580 = tpu.vector_load %arg6[%parallel_loop3A_578, %parallel_loop3A_579] {strides = array<i32>} : memref<16x1024xf32, #tpu.memory_space<vmem>>, vector<1x16xf32>,
      %parallel_loop3A_581 = vector.shape_cast %parallel_loop3A_580 : vector<1x16xf32> to vector<16xf32>
      %parallel_loop3A_582 = vector.shape_cast %parallel_loop3A_577 : vector<16xf32> to vector<1x16xf32>
      tpu.vector_store %arg6[%parallel_loop3A_578, %parallel_loop3A_579], %parallel_loop3A_582 {strides = array<i32>} : memref<16x1024xf32, #tpu.memory_space<vmem>>, vector<1x16xf32>,
      %parallel_loop3A_583 = arith.index_cast %parallel_loop3A_120 : i32 to index
      %parallel_loop3A_584 = arith.constant 528 : index
      %parallel_loop3A_585 = tpu.vector_load %arg6[%parallel_loop3A_583, %parallel_loop3A_584] {strides = array<i32>} : memref<16x1024xf32, #tpu.memory_space<vmem>>, vector<1x16xf32>,
      %parallel_loop3A_586 = vector.shape_cast %parallel_loop3A_585 : vector<1x16xf32> to vector<16xf32>
      %parallel_loop3A_587 = arith.index_cast %parallel_loop3A_120 : i32 to index
      %parallel_loop3A_588 = arith.constant 528 : index
      %parallel_loop3A_589 = tpu.vector_load %arg5[%parallel_loop3A_587, %parallel_loop3A_588] {strides = array<i32>} : memref<16x1024xf32, #tpu.memory_space<vmem>>, vector<1x16xf32>,
      %parallel_loop3A_590 = vector.shape_cast %parallel_loop3A_589 : vector<1x16xf32> to vector<16xf32>
      %parallel_loop3A_591 = arith.addf %parallel_loop3A_586, %parallel_loop3A_590 : vector<16xf32>
      %parallel_loop3A_592 = arith.index_cast %parallel_loop3A_120 : i32 to index
      %parallel_loop3A_593 = arith.constant 528 : index
      %parallel_loop3A_594 = tpu.vector_load %arg6[%parallel_loop3A_592, %parallel_loop3A_593] {strides = array<i32>} : memref<16x1024xf32, #tpu.memory_space<vmem>>, vector<1x16xf32>,
      %parallel_loop3A_595 = vector.shape_cast %parallel_loop3A_594 : vector<1x16xf32> to vector<16xf32>
      %parallel_loop3A_596 = vector.shape_cast %parallel_loop3A_591 : vector<16xf32> to vector<1x16xf32>
      tpu.vector_store %arg6[%parallel_loop3A_592, %parallel_loop3A_593], %parallel_loop3A_596 {strides = array<i32>} : memref<16x1024xf32, #tpu.memory_space<vmem>>, vector<1x16xf32>,
      %parallel_loop3A_597 = arith.index_cast %parallel_loop3A_120 : i32 to index
      %parallel_loop3A_598 = arith.constant 544 : index
      %parallel_loop3A_599 = tpu.vector_load %arg6[%parallel_loop3A_597, %parallel_loop3A_598] {strides = array<i32>} : memref<16x1024xf32, #tpu.memory_space<vmem>>, vector<1x16xf32>,
      %parallel_loop3A_600 = vector.shape_cast %parallel_loop3A_599 : vector<1x16xf32> to vector<16xf32>
      %parallel_loop3A_601 = arith.index_cast %parallel_loop3A_120 : i32 to index
      %parallel_loop3A_602 = arith.constant 544 : index
      %parallel_loop3A_603 = tpu.vector_load %arg5[%parallel_loop3A_601, %parallel_loop3A_602] {strides = array<i32>} : memref<16x1024xf32, #tpu.memory_space<vmem>>, vector<1x16xf32>,
      %parallel_loop3A_604 = vector.shape_cast %parallel_loop3A_603 : vector<1x16xf32> to vector<16xf32>
      %parallel_loop3A_605 = arith.addf %parallel_loop3A_600, %parallel_loop3A_604 : vector<16xf32>
      %parallel_loop3A_606 = arith.index_cast %parallel_loop3A_120 : i32 to index
      %parallel_loop3A_607 = arith.constant 544 : index
      %parallel_loop3A_608 = tpu.vector_load %arg6[%parallel_loop3A_606, %parallel_loop3A_607] {strides = array<i32>} : memref<16x1024xf32, #tpu.memory_space<vmem>>, vector<1x16xf32>,
      %parallel_loop3A_609 = vector.shape_cast %parallel_loop3A_608 : vector<1x16xf32> to vector<16xf32>
      %parallel_loop3A_610 = vector.shape_cast %parallel_loop3A_605 : vector<16xf32> to vector<1x16xf32>
      tpu.vector_store %arg6[%parallel_loop3A_606, %parallel_loop3A_607], %parallel_loop3A_610 {strides = array<i32>} : memref<16x1024xf32, #tpu.memory_space<vmem>>, vector<1x16xf32>,
      %parallel_loop3A_611 = arith.index_cast %parallel_loop3A_120 : i32 to index
      %parallel_loop3A_612 = arith.constant 560 : index
      %parallel_loop3A_613 = tpu.vector_load %arg6[%parallel_loop3A_611, %parallel_loop3A_612] {strides = array<i32>} : memref<16x1024xf32, #tpu.memory_space<vmem>>, vector<1x16xf32>,
      %parallel_loop3A_614 = vector.shape_cast %parallel_loop3A_613 : vector<1x16xf32> to vector<16xf32>
      %parallel_loop3A_615 = arith.index_cast %parallel_loop3A_120 : i32 to index
      %parallel_loop3A_616 = arith.constant 560 : index
      %parallel_loop3A_617 = tpu.vector_load %arg5[%parallel_loop3A_615, %parallel_loop3A_616] {strides = array<i32>} : memref<16x1024xf32, #tpu.memory_space<vmem>>, vector<1x16xf32>,
      %parallel_loop3A_618 = vector.shape_cast %parallel_loop3A_617 : vector<1x16xf32> to vector<16xf32>
      %parallel_loop3A_619 = arith.addf %parallel_loop3A_614, %parallel_loop3A_618 : vector<16xf32>
      %parallel_loop3A_620 = arith.index_cast %parallel_loop3A_120 : i32 to index
      %parallel_loop3A_621 = arith.constant 560 : index
      %parallel_loop3A_622 = tpu.vector_load %arg6[%parallel_loop3A_620, %parallel_loop3A_621] {strides = array<i32>} : memref<16x1024xf32, #tpu.memory_space<vmem>>, vector<1x16xf32>,
      %parallel_loop3A_623 = vector.shape_cast %parallel_loop3A_622 : vector<1x16xf32> to vector<16xf32>
      %parallel_loop3A_624 = vector.shape_cast %parallel_loop3A_619 : vector<16xf32> to vector<1x16xf32>
      tpu.vector_store %arg6[%parallel_loop3A_620, %parallel_loop3A_621], %parallel_loop3A_624 {strides = array<i32>} : memref<16x1024xf32, #tpu.memory_space<vmem>>, vector<1x16xf32>,
      %parallel_loop3A_625 = arith.index_cast %parallel_loop3A_120 : i32 to index
      %parallel_loop3A_626 = arith.constant 576 : index
      %parallel_loop3A_627 = tpu.vector_load %arg6[%parallel_loop3A_625, %parallel_loop3A_626] {strides = array<i32>} : memref<16x1024xf32, #tpu.memory_space<vmem>>, vector<1x16xf32>,
      %parallel_loop3A_628 = vector.shape_cast %parallel_loop3A_627 : vector<1x16xf32> to vector<16xf32>
      %parallel_loop3A_629 = arith.index_cast %parallel_loop3A_120 : i32 to index
      %parallel_loop3A_630 = arith.constant 576 : index
      %parallel_loop3A_631 = tpu.vector_load %arg5[%parallel_loop3A_629, %parallel_loop3A_630] {strides = array<i32>} : memref<16x1024xf32, #tpu.memory_space<vmem>>, vector<1x16xf32>,
      %parallel_loop3A_632 = vector.shape_cast %parallel_loop3A_631 : vector<1x16xf32> to vector<16xf32>
      %parallel_loop3A_633 = arith.addf %parallel_loop3A_628, %parallel_loop3A_632 : vector<16xf32>
      %parallel_loop3A_634 = arith.index_cast %parallel_loop3A_120 : i32 to index
      %parallel_loop3A_635 = arith.constant 576 : index
      %parallel_loop3A_636 = tpu.vector_load %arg6[%parallel_loop3A_634, %parallel_loop3A_635] {strides = array<i32>} : memref<16x1024xf32, #tpu.memory_space<vmem>>, vector<1x16xf32>,
      %parallel_loop3A_637 = vector.shape_cast %parallel_loop3A_636 : vector<1x16xf32> to vector<16xf32>
      %parallel_loop3A_638 = vector.shape_cast %parallel_loop3A_633 : vector<16xf32> to vector<1x16xf32>
      tpu.vector_store %arg6[%parallel_loop3A_634, %parallel_loop3A_635], %parallel_loop3A_638 {strides = array<i32>} : memref<16x1024xf32, #tpu.memory_space<vmem>>, vector<1x16xf32>,
      %parallel_loop3A_639 = arith.index_cast %parallel_loop3A_120 : i32 to index
      %parallel_loop3A_640 = arith.constant 592 : index
      %parallel_loop3A_641 = tpu.vector_load %arg6[%parallel_loop3A_639, %parallel_loop3A_640] {strides = array<i32>} : memref<16x1024xf32, #tpu.memory_space<vmem>>, vector<1x16xf32>,
      %parallel_loop3A_642 = vector.shape_cast %parallel_loop3A_641 : vector<1x16xf32> to vector<16xf32>
      %parallel_loop3A_643 = arith.index_cast %parallel_loop3A_120 : i32 to index
      %parallel_loop3A_644 = arith.constant 592 : index
      %parallel_loop3A_645 = tpu.vector_load %arg5[%parallel_loop3A_643, %parallel_loop3A_644] {strides = array<i32>} : memref<16x1024xf32, #tpu.memory_space<vmem>>, vector<1x16xf32>,
      %parallel_loop3A_646 = vector.shape_cast %parallel_loop3A_645 : vector<1x16xf32> to vector<16xf32>
      %parallel_loop3A_647 = arith.addf %parallel_loop3A_642, %parallel_loop3A_646 : vector<16xf32>
      %parallel_loop3A_648 = arith.index_cast %parallel_loop3A_120 : i32 to index
      %parallel_loop3A_649 = arith.constant 592 : index
      %parallel_loop3A_650 = tpu.vector_load %arg6[%parallel_loop3A_648, %parallel_loop3A_649] {strides = array<i32>} : memref<16x1024xf32, #tpu.memory_space<vmem>>, vector<1x16xf32>,
      %parallel_loop3A_651 = vector.shape_cast %parallel_loop3A_650 : vector<1x16xf32> to vector<16xf32>
      %parallel_loop3A_652 = vector.shape_cast %parallel_loop3A_647 : vector<16xf32> to vector<1x16xf32>
      tpu.vector_store %arg6[%parallel_loop3A_648, %parallel_loop3A_649], %parallel_loop3A_652 {strides = array<i32>} : memref<16x1024xf32, #tpu.memory_space<vmem>>, vector<1x16xf32>,
      %parallel_loop3A_653 = arith.index_cast %parallel_loop3A_120 : i32 to index
      %parallel_loop3A_654 = arith.constant 608 : index
      %parallel_loop3A_655 = tpu.vector_load %arg6[%parallel_loop3A_653, %parallel_loop3A_654] {strides = array<i32>} : memref<16x1024xf32, #tpu.memory_space<vmem>>, vector<1x16xf32>,
      %parallel_loop3A_656 = vector.shape_cast %parallel_loop3A_655 : vector<1x16xf32> to vector<16xf32>
      %parallel_loop3A_657 = arith.index_cast %parallel_loop3A_120 : i32 to index
      %parallel_loop3A_658 = arith.constant 608 : index
      %parallel_loop3A_659 = tpu.vector_load %arg5[%parallel_loop3A_657, %parallel_loop3A_658] {strides = array<i32>} : memref<16x1024xf32, #tpu.memory_space<vmem>>, vector<1x16xf32>,
      %parallel_loop3A_660 = vector.shape_cast %parallel_loop3A_659 : vector<1x16xf32> to vector<16xf32>
      %parallel_loop3A_661 = arith.addf %parallel_loop3A_656, %parallel_loop3A_660 : vector<16xf32>
      %parallel_loop3A_662 = arith.index_cast %parallel_loop3A_120 : i32 to index
      %parallel_loop3A_663 = arith.constant 608 : index
      %parallel_loop3A_664 = tpu.vector_load %arg6[%parallel_loop3A_662, %parallel_loop3A_663] {strides = array<i32>} : memref<16x1024xf32, #tpu.memory_space<vmem>>, vector<1x16xf32>,
      %parallel_loop3A_665 = vector.shape_cast %parallel_loop3A_664 : vector<1x16xf32> to vector<16xf32>
      %parallel_loop3A_666 = vector.shape_cast %parallel_loop3A_661 : vector<16xf32> to vector<1x16xf32>
      tpu.vector_store %arg6[%parallel_loop3A_662, %parallel_loop3A_663], %parallel_loop3A_666 {strides = array<i32>} : memref<16x1024xf32, #tpu.memory_space<vmem>>, vector<1x16xf32>,
      %parallel_loop3A_667 = arith.index_cast %parallel_loop3A_120 : i32 to index
      %parallel_loop3A_668 = arith.constant 624 : index
      %parallel_loop3A_669 = tpu.vector_load %arg6[%parallel_loop3A_667, %parallel_loop3A_668] {strides = array<i32>} : memref<16x1024xf32, #tpu.memory_space<vmem>>, vector<1x16xf32>,
      %parallel_loop3A_670 = vector.shape_cast %parallel_loop3A_669 : vector<1x16xf32> to vector<16xf32>
      %parallel_loop3A_671 = arith.index_cast %parallel_loop3A_120 : i32 to index
      %parallel_loop3A_672 = arith.constant 624 : index
      %parallel_loop3A_673 = tpu.vector_load %arg5[%parallel_loop3A_671, %parallel_loop3A_672] {strides = array<i32>} : memref<16x1024xf32, #tpu.memory_space<vmem>>, vector<1x16xf32>,
      %parallel_loop3A_674 = vector.shape_cast %parallel_loop3A_673 : vector<1x16xf32> to vector<16xf32>
      %parallel_loop3A_675 = arith.addf %parallel_loop3A_670, %parallel_loop3A_674 : vector<16xf32>
      %parallel_loop3A_676 = arith.index_cast %parallel_loop3A_120 : i32 to index
      %parallel_loop3A_677 = arith.constant 624 : index
      %parallel_loop3A_678 = tpu.vector_load %arg6[%parallel_loop3A_676, %parallel_loop3A_677] {strides = array<i32>} : memref<16x1024xf32, #tpu.memory_space<vmem>>, vector<1x16xf32>,
      %parallel_loop3A_679 = vector.shape_cast %parallel_loop3A_678 : vector<1x16xf32> to vector<16xf32>
      %parallel_loop3A_680 = vector.shape_cast %parallel_loop3A_675 : vector<16xf32> to vector<1x16xf32>
      tpu.vector_store %arg6[%parallel_loop3A_676, %parallel_loop3A_677], %parallel_loop3A_680 {strides = array<i32>} : memref<16x1024xf32, #tpu.memory_space<vmem>>, vector<1x16xf32>,
      %parallel_loop3A_681 = arith.index_cast %parallel_loop3A_120 : i32 to index
      %parallel_loop3A_682 = arith.constant 640 : index
      %parallel_loop3A_683 = tpu.vector_load %arg6[%parallel_loop3A_681, %parallel_loop3A_682] {strides = array<i32>} : memref<16x1024xf32, #tpu.memory_space<vmem>>, vector<1x16xf32>,
      %parallel_loop3A_684 = vector.shape_cast %parallel_loop3A_683 : vector<1x16xf32> to vector<16xf32>
      %parallel_loop3A_685 = arith.index_cast %parallel_loop3A_120 : i32 to index
      %parallel_loop3A_686 = arith.constant 640 : index
      %parallel_loop3A_687 = tpu.vector_load %arg5[%parallel_loop3A_685, %parallel_loop3A_686] {strides = array<i32>} : memref<16x1024xf32, #tpu.memory_space<vmem>>, vector<1x16xf32>,
      %parallel_loop3A_688 = vector.shape_cast %parallel_loop3A_687 : vector<1x16xf32> to vector<16xf32>
      %parallel_loop3A_689 = arith.addf %parallel_loop3A_684, %parallel_loop3A_688 : vector<16xf32>
      %parallel_loop3A_690 = arith.index_cast %parallel_loop3A_120 : i32 to index
      %parallel_loop3A_691 = arith.constant 640 : index
      %parallel_loop3A_692 = tpu.vector_load %arg6[%parallel_loop3A_690, %parallel_loop3A_691] {strides = array<i32>} : memref<16x1024xf32, #tpu.memory_space<vmem>>, vector<1x16xf32>,
      %parallel_loop3A_693 = vector.shape_cast %parallel_loop3A_692 : vector<1x16xf32> to vector<16xf32>
      %parallel_loop3A_694 = vector.shape_cast %parallel_loop3A_689 : vector<16xf32> to vector<1x16xf32>
      tpu.vector_store %arg6[%parallel_loop3A_690, %parallel_loop3A_691], %parallel_loop3A_694 {strides = array<i32>} : memref<16x1024xf32, #tpu.memory_space<vmem>>, vector<1x16xf32>,
      %parallel_loop3A_695 = arith.index_cast %parallel_loop3A_120 : i32 to index
      %parallel_loop3A_696 = arith.constant 656 : index
      %parallel_loop3A_697 = tpu.vector_load %arg6[%parallel_loop3A_695, %parallel_loop3A_696] {strides = array<i32>} : memref<16x1024xf32, #tpu.memory_space<vmem>>, vector<1x16xf32>,
      %parallel_loop3A_698 = vector.shape_cast %parallel_loop3A_697 : vector<1x16xf32> to vector<16xf32>
      %parallel_loop3A_699 = arith.index_cast %parallel_loop3A_120 : i32 to index
      %parallel_loop3A_700 = arith.constant 656 : index
      %parallel_loop3A_701 = tpu.vector_load %arg5[%parallel_loop3A_699, %parallel_loop3A_700] {strides = array<i32>} : memref<16x1024xf32, #tpu.memory_space<vmem>>, vector<1x16xf32>,
      %parallel_loop3A_702 = vector.shape_cast %parallel_loop3A_701 : vector<1x16xf32> to vector<16xf32>
      %parallel_loop3A_703 = arith.addf %parallel_loop3A_698, %parallel_loop3A_702 : vector<16xf32>
      %parallel_loop3A_704 = arith.index_cast %parallel_loop3A_120 : i32 to index
      %parallel_loop3A_705 = arith.constant 656 : index
      %parallel_loop3A_706 = tpu.vector_load %arg6[%parallel_loop3A_704, %parallel_loop3A_705] {strides = array<i32>} : memref<16x1024xf32, #tpu.memory_space<vmem>>, vector<1x16xf32>,
      %parallel_loop3A_707 = vector.shape_cast %parallel_loop3A_706 : vector<1x16xf32> to vector<16xf32>
      %parallel_loop3A_708 = vector.shape_cast %parallel_loop3A_703 : vector<16xf32> to vector<1x16xf32>
      tpu.vector_store %arg6[%parallel_loop3A_704, %parallel_loop3A_705], %parallel_loop3A_708 {strides = array<i32>} : memref<16x1024xf32, #tpu.memory_space<vmem>>, vector<1x16xf32>,
      %parallel_loop3A_709 = arith.index_cast %parallel_loop3A_120 : i32 to index
      %parallel_loop3A_710 = arith.constant 672 : index
      %parallel_loop3A_711 = tpu.vector_load %arg6[%parallel_loop3A_709, %parallel_loop3A_710] {strides = array<i32>} : memref<16x1024xf32, #tpu.memory_space<vmem>>, vector<1x16xf32>,
      %parallel_loop3A_712 = vector.shape_cast %parallel_loop3A_711 : vector<1x16xf32> to vector<16xf32>
      %parallel_loop3A_713 = arith.index_cast %parallel_loop3A_120 : i32 to index
      %parallel_loop3A_714 = arith.constant 672 : index
      %parallel_loop3A_715 = tpu.vector_load %arg5[%parallel_loop3A_713, %parallel_loop3A_714] {strides = array<i32>} : memref<16x1024xf32, #tpu.memory_space<vmem>>, vector<1x16xf32>,
      %parallel_loop3A_716 = vector.shape_cast %parallel_loop3A_715 : vector<1x16xf32> to vector<16xf32>
      %parallel_loop3A_717 = arith.addf %parallel_loop3A_712, %parallel_loop3A_716 : vector<16xf32>
      %parallel_loop3A_718 = arith.index_cast %parallel_loop3A_120 : i32 to index
      %parallel_loop3A_719 = arith.constant 672 : index
      %parallel_loop3A_720 = tpu.vector_load %arg6[%parallel_loop3A_718, %parallel_loop3A_719] {strides = array<i32>} : memref<16x1024xf32, #tpu.memory_space<vmem>>, vector<1x16xf32>,
      %parallel_loop3A_721 = vector.shape_cast %parallel_loop3A_720 : vector<1x16xf32> to vector<16xf32>
      %parallel_loop3A_722 = vector.shape_cast %parallel_loop3A_717 : vector<16xf32> to vector<1x16xf32>
      tpu.vector_store %arg6[%parallel_loop3A_718, %parallel_loop3A_719], %parallel_loop3A_722 {strides = array<i32>} : memref<16x1024xf32, #tpu.memory_space<vmem>>, vector<1x16xf32>,
      %parallel_loop3A_723 = arith.index_cast %parallel_loop3A_120 : i32 to index
      %parallel_loop3A_724 = arith.constant 688 : index
      %parallel_loop3A_725 = tpu.vector_load %arg6[%parallel_loop3A_723, %parallel_loop3A_724] {strides = array<i32>} : memref<16x1024xf32, #tpu.memory_space<vmem>>, vector<1x16xf32>,
      %parallel_loop3A_726 = vector.shape_cast %parallel_loop3A_725 : vector<1x16xf32> to vector<16xf32>
      %parallel_loop3A_727 = arith.index_cast %parallel_loop3A_120 : i32 to index
      %parallel_loop3A_728 = arith.constant 688 : index
      %parallel_loop3A_729 = tpu.vector_load %arg5[%parallel_loop3A_727, %parallel_loop3A_728] {strides = array<i32>} : memref<16x1024xf32, #tpu.memory_space<vmem>>, vector<1x16xf32>,
      %parallel_loop3A_730 = vector.shape_cast %parallel_loop3A_729 : vector<1x16xf32> to vector<16xf32>
      %parallel_loop3A_731 = arith.addf %parallel_loop3A_726, %parallel_loop3A_730 : vector<16xf32>
      %parallel_loop3A_732 = arith.index_cast %parallel_loop3A_120 : i32 to index
      %parallel_loop3A_733 = arith.constant 688 : index
      %parallel_loop3A_734 = tpu.vector_load %arg6[%parallel_loop3A_732, %parallel_loop3A_733] {strides = array<i32>} : memref<16x1024xf32, #tpu.memory_space<vmem>>, vector<1x16xf32>,
      %parallel_loop3A_735 = vector.shape_cast %parallel_loop3A_734 : vector<1x16xf32> to vector<16xf32>
      %parallel_loop3A_736 = vector.shape_cast %parallel_loop3A_731 : vector<16xf32> to vector<1x16xf32>
      tpu.vector_store %arg6[%parallel_loop3A_732, %parallel_loop3A_733], %parallel_loop3A_736 {strides = array<i32>} : memref<16x1024xf32, #tpu.memory_space<vmem>>, vector<1x16xf32>,
      %parallel_loop3A_737 = arith.index_cast %parallel_loop3A_120 : i32 to index
      %parallel_loop3A_738 = arith.constant 704 : index
      %parallel_loop3A_739 = tpu.vector_load %arg6[%parallel_loop3A_737, %parallel_loop3A_738] {strides = array<i32>} : memref<16x1024xf32, #tpu.memory_space<vmem>>, vector<1x16xf32>,
      %parallel_loop3A_740 = vector.shape_cast %parallel_loop3A_739 : vector<1x16xf32> to vector<16xf32>
      %parallel_loop3A_741 = arith.index_cast %parallel_loop3A_120 : i32 to index
      %parallel_loop3A_742 = arith.constant 704 : index
      %parallel_loop3A_743 = tpu.vector_load %arg5[%parallel_loop3A_741, %parallel_loop3A_742] {strides = array<i32>} : memref<16x1024xf32, #tpu.memory_space<vmem>>, vector<1x16xf32>,
      %parallel_loop3A_744 = vector.shape_cast %parallel_loop3A_743 : vector<1x16xf32> to vector<16xf32>
      %parallel_loop3A_745 = arith.addf %parallel_loop3A_740, %parallel_loop3A_744 : vector<16xf32>
      %parallel_loop3A_746 = arith.index_cast %parallel_loop3A_120 : i32 to index
      %parallel_loop3A_747 = arith.constant 704 : index
      %parallel_loop3A_748 = tpu.vector_load %arg6[%parallel_loop3A_746, %parallel_loop3A_747] {strides = array<i32>} : memref<16x1024xf32, #tpu.memory_space<vmem>>, vector<1x16xf32>,
      %parallel_loop3A_749 = vector.shape_cast %parallel_loop3A_748 : vector<1x16xf32> to vector<16xf32>
      %parallel_loop3A_750 = vector.shape_cast %parallel_loop3A_745 : vector<16xf32> to vector<1x16xf32>
      tpu.vector_store %arg6[%parallel_loop3A_746, %parallel_loop3A_747], %parallel_loop3A_750 {strides = array<i32>} : memref<16x1024xf32, #tpu.memory_space<vmem>>, vector<1x16xf32>,
      %parallel_loop3A_751 = arith.index_cast %parallel_loop3A_120 : i32 to index
      %parallel_loop3A_752 = arith.constant 720 : index
      %parallel_loop3A_753 = tpu.vector_load %arg6[%parallel_loop3A_751, %parallel_loop3A_752] {strides = array<i32>} : memref<16x1024xf32, #tpu.memory_space<vmem>>, vector<1x16xf32>,
      %parallel_loop3A_754 = vector.shape_cast %parallel_loop3A_753 : vector<1x16xf32> to vector<16xf32>
      %parallel_loop3A_755 = arith.index_cast %parallel_loop3A_120 : i32 to index
      %parallel_loop3A_756 = arith.constant 720 : index
      %parallel_loop3A_757 = tpu.vector_load %arg5[%parallel_loop3A_755, %parallel_loop3A_756] {strides = array<i32>} : memref<16x1024xf32, #tpu.memory_space<vmem>>, vector<1x16xf32>,
      %parallel_loop3A_758 = vector.shape_cast %parallel_loop3A_757 : vector<1x16xf32> to vector<16xf32>
      %parallel_loop3A_759 = arith.addf %parallel_loop3A_754, %parallel_loop3A_758 : vector<16xf32>
      %parallel_loop3A_760 = arith.index_cast %parallel_loop3A_120 : i32 to index
      %parallel_loop3A_761 = arith.constant 720 : index
      %parallel_loop3A_762 = tpu.vector_load %arg6[%parallel_loop3A_760, %parallel_loop3A_761] {strides = array<i32>} : memref<16x1024xf32, #tpu.memory_space<vmem>>, vector<1x16xf32>,
      %parallel_loop3A_763 = vector.shape_cast %parallel_loop3A_762 : vector<1x16xf32> to vector<16xf32>
      %parallel_loop3A_764 = vector.shape_cast %parallel_loop3A_759 : vector<16xf32> to vector<1x16xf32>
      tpu.vector_store %arg6[%parallel_loop3A_760, %parallel_loop3A_761], %parallel_loop3A_764 {strides = array<i32>} : memref<16x1024xf32, #tpu.memory_space<vmem>>, vector<1x16xf32>,
      %parallel_loop3A_765 = arith.index_cast %parallel_loop3A_120 : i32 to index
      %parallel_loop3A_766 = arith.constant 736 : index
      %parallel_loop3A_767 = tpu.vector_load %arg6[%parallel_loop3A_765, %parallel_loop3A_766] {strides = array<i32>} : memref<16x1024xf32, #tpu.memory_space<vmem>>, vector<1x16xf32>,
      %parallel_loop3A_768 = vector.shape_cast %parallel_loop3A_767 : vector<1x16xf32> to vector<16xf32>
      %parallel_loop3A_769 = arith.index_cast %parallel_loop3A_120 : i32 to index
      %parallel_loop3A_770 = arith.constant 736 : index
      %parallel_loop3A_771 = tpu.vector_load %arg5[%parallel_loop3A_769, %parallel_loop3A_770] {strides = array<i32>} : memref<16x1024xf32, #tpu.memory_space<vmem>>, vector<1x16xf32>,
      %parallel_loop3A_772 = vector.shape_cast %parallel_loop3A_771 : vector<1x16xf32> to vector<16xf32>
      %parallel_loop3A_773 = arith.addf %parallel_loop3A_768, %parallel_loop3A_772 : vector<16xf32>
      %parallel_loop3A_774 = arith.index_cast %parallel_loop3A_120 : i32 to index
      %parallel_loop3A_775 = arith.constant 736 : index
      %parallel_loop3A_776 = tpu.vector_load %arg6[%parallel_loop3A_774, %parallel_loop3A_775] {strides = array<i32>} : memref<16x1024xf32, #tpu.memory_space<vmem>>, vector<1x16xf32>,
      %parallel_loop3A_777 = vector.shape_cast %parallel_loop3A_776 : vector<1x16xf32> to vector<16xf32>
      %parallel_loop3A_778 = vector.shape_cast %parallel_loop3A_773 : vector<16xf32> to vector<1x16xf32>
      tpu.vector_store %arg6[%parallel_loop3A_774, %parallel_loop3A_775], %parallel_loop3A_778 {strides = array<i32>} : memref<16x1024xf32, #tpu.memory_space<vmem>>, vector<1x16xf32>,
      %parallel_loop3A_779 = arith.index_cast %parallel_loop3A_120 : i32 to index
      %parallel_loop3A_780 = arith.constant 752 : index
      %parallel_loop3A_781 = tpu.vector_load %arg6[%parallel_loop3A_779, %parallel_loop3A_780] {strides = array<i32>} : memref<16x1024xf32, #tpu.memory_space<vmem>>, vector<1x16xf32>,
      %parallel_loop3A_782 = vector.shape_cast %parallel_loop3A_781 : vector<1x16xf32> to vector<16xf32>
      %parallel_loop3A_783 = arith.index_cast %parallel_loop3A_120 : i32 to index
      %parallel_loop3A_784 = arith.constant 752 : index
      %parallel_loop3A_785 = tpu.vector_load %arg5[%parallel_loop3A_783, %parallel_loop3A_784] {strides = array<i32>} : memref<16x1024xf32, #tpu.memory_space<vmem>>, vector<1x16xf32>,
      %parallel_loop3A_786 = vector.shape_cast %parallel_loop3A_785 : vector<1x16xf32> to vector<16xf32>
      %parallel_loop3A_787 = arith.addf %parallel_loop3A_782, %parallel_loop3A_786 : vector<16xf32>
      %parallel_loop3A_788 = arith.index_cast %parallel_loop3A_120 : i32 to index
      %parallel_loop3A_789 = arith.constant 752 : index
      %parallel_loop3A_790 = tpu.vector_load %arg6[%parallel_loop3A_788, %parallel_loop3A_789] {strides = array<i32>} : memref<16x1024xf32, #tpu.memory_space<vmem>>, vector<1x16xf32>,
      %parallel_loop3A_791 = vector.shape_cast %parallel_loop3A_790 : vector<1x16xf32> to vector<16xf32>
      %parallel_loop3A_792 = vector.shape_cast %parallel_loop3A_787 : vector<16xf32> to vector<1x16xf32>
      tpu.vector_store %arg6[%parallel_loop3A_788, %parallel_loop3A_789], %parallel_loop3A_792 {strides = array<i32>} : memref<16x1024xf32, #tpu.memory_space<vmem>>, vector<1x16xf32>,
      %parallel_loop3A_793 = arith.index_cast %parallel_loop3A_120 : i32 to index
      %parallel_loop3A_794 = arith.constant 768 : index
      %parallel_loop3A_795 = tpu.vector_load %arg6[%parallel_loop3A_793, %parallel_loop3A_794] {strides = array<i32>} : memref<16x1024xf32, #tpu.memory_space<vmem>>, vector<1x16xf32>,
      %parallel_loop3A_796 = vector.shape_cast %parallel_loop3A_795 : vector<1x16xf32> to vector<16xf32>
      %parallel_loop3A_797 = arith.index_cast %parallel_loop3A_120 : i32 to index
      %parallel_loop3A_798 = arith.constant 768 : index
      %parallel_loop3A_799 = tpu.vector_load %arg5[%parallel_loop3A_797, %parallel_loop3A_798] {strides = array<i32>} : memref<16x1024xf32, #tpu.memory_space<vmem>>, vector<1x16xf32>,
      %parallel_loop3A_800 = vector.shape_cast %parallel_loop3A_799 : vector<1x16xf32> to vector<16xf32>
      %parallel_loop3A_801 = arith.addf %parallel_loop3A_796, %parallel_loop3A_800 : vector<16xf32>
      %parallel_loop3A_802 = arith.index_cast %parallel_loop3A_120 : i32 to index
      %parallel_loop3A_803 = arith.constant 768 : index
      %parallel_loop3A_804 = tpu.vector_load %arg6[%parallel_loop3A_802, %parallel_loop3A_803] {strides = array<i32>} : memref<16x1024xf32, #tpu.memory_space<vmem>>, vector<1x16xf32>,
      %parallel_loop3A_805 = vector.shape_cast %parallel_loop3A_804 : vector<1x16xf32> to vector<16xf32>
      %parallel_loop3A_806 = vector.shape_cast %parallel_loop3A_801 : vector<16xf32> to vector<1x16xf32>
      tpu.vector_store %arg6[%parallel_loop3A_802, %parallel_loop3A_803], %parallel_loop3A_806 {strides = array<i32>} : memref<16x1024xf32, #tpu.memory_space<vmem>>, vector<1x16xf32>,
      %parallel_loop3A_807 = arith.index_cast %parallel_loop3A_120 : i32 to index
      %parallel_loop3A_808 = arith.constant 784 : index
      %parallel_loop3A_809 = tpu.vector_load %arg6[%parallel_loop3A_807, %parallel_loop3A_808] {strides = array<i32>} : memref<16x1024xf32, #tpu.memory_space<vmem>>, vector<1x16xf32>,
      %parallel_loop3A_810 = vector.shape_cast %parallel_loop3A_809 : vector<1x16xf32> to vector<16xf32>
      %parallel_loop3A_811 = arith.index_cast %parallel_loop3A_120 : i32 to index
      %parallel_loop3A_812 = arith.constant 784 : index
      %parallel_loop3A_813 = tpu.vector_load %arg5[%parallel_loop3A_811, %parallel_loop3A_812] {strides = array<i32>} : memref<16x1024xf32, #tpu.memory_space<vmem>>, vector<1x16xf32>,
      %parallel_loop3A_814 = vector.shape_cast %parallel_loop3A_813 : vector<1x16xf32> to vector<16xf32>
      %parallel_loop3A_815 = arith.addf %parallel_loop3A_810, %parallel_loop3A_814 : vector<16xf32>
      %parallel_loop3A_816 = arith.index_cast %parallel_loop3A_120 : i32 to index
      %parallel_loop3A_817 = arith.constant 784 : index
      %parallel_loop3A_818 = tpu.vector_load %arg6[%parallel_loop3A_816, %parallel_loop3A_817] {strides = array<i32>} : memref<16x1024xf32, #tpu.memory_space<vmem>>, vector<1x16xf32>,
      %parallel_loop3A_819 = vector.shape_cast %parallel_loop3A_818 : vector<1x16xf32> to vector<16xf32>
      %parallel_loop3A_820 = vector.shape_cast %parallel_loop3A_815 : vector<16xf32> to vector<1x16xf32>
      tpu.vector_store %arg6[%parallel_loop3A_816, %parallel_loop3A_817], %parallel_loop3A_820 {strides = array<i32>} : memref<16x1024xf32, #tpu.memory_space<vmem>>, vector<1x16xf32>,
      %parallel_loop3A_821 = arith.index_cast %parallel_loop3A_120 : i32 to index
      %parallel_loop3A_822 = arith.constant 800 : index
      %parallel_loop3A_823 = tpu.vector_load %arg6[%parallel_loop3A_821, %parallel_loop3A_822] {strides = array<i32>} : memref<16x1024xf32, #tpu.memory_space<vmem>>, vector<1x16xf32>,
      %parallel_loop3A_824 = vector.shape_cast %parallel_loop3A_823 : vector<1x16xf32> to vector<16xf32>
      %parallel_loop3A_825 = arith.index_cast %parallel_loop3A_120 : i32 to index
      %parallel_loop3A_826 = arith.constant 800 : index
      %parallel_loop3A_827 = tpu.vector_load %arg5[%parallel_loop3A_825, %parallel_loop3A_826] {strides = array<i32>} : memref<16x1024xf32, #tpu.memory_space<vmem>>, vector<1x16xf32>,
      %parallel_loop3A_828 = vector.shape_cast %parallel_loop3A_827 : vector<1x16xf32> to vector<16xf32>
      %parallel_loop3A_829 = arith.addf %parallel_loop3A_824, %parallel_loop3A_828 : vector<16xf32>
      %parallel_loop3A_830 = arith.index_cast %parallel_loop3A_120 : i32 to index
      %parallel_loop3A_831 = arith.constant 800 : index
      %parallel_loop3A_832 = tpu.vector_load %arg6[%parallel_loop3A_830, %parallel_loop3A_831] {strides = array<i32>} : memref<16x1024xf32, #tpu.memory_space<vmem>>, vector<1x16xf32>,
      %parallel_loop3A_833 = vector.shape_cast %parallel_loop3A_832 : vector<1x16xf32> to vector<16xf32>
      %parallel_loop3A_834 = vector.shape_cast %parallel_loop3A_829 : vector<16xf32> to vector<1x16xf32>
      tpu.vector_store %arg6[%parallel_loop3A_830, %parallel_loop3A_831], %parallel_loop3A_834 {strides = array<i32>} : memref<16x1024xf32, #tpu.memory_space<vmem>>, vector<1x16xf32>,
      %parallel_loop3A_835 = arith.index_cast %parallel_loop3A_120 : i32 to index
      %parallel_loop3A_836 = arith.constant 816 : index
      %parallel_loop3A_837 = tpu.vector_load %arg6[%parallel_loop3A_835, %parallel_loop3A_836] {strides = array<i32>} : memref<16x1024xf32, #tpu.memory_space<vmem>>, vector<1x16xf32>,
      %parallel_loop3A_838 = vector.shape_cast %parallel_loop3A_837 : vector<1x16xf32> to vector<16xf32>
      %parallel_loop3A_839 = arith.index_cast %parallel_loop3A_120 : i32 to index
      %parallel_loop3A_840 = arith.constant 816 : index
      %parallel_loop3A_841 = tpu.vector_load %arg5[%parallel_loop3A_839, %parallel_loop3A_840] {strides = array<i32>} : memref<16x1024xf32, #tpu.memory_space<vmem>>, vector<1x16xf32>,
      %parallel_loop3A_842 = vector.shape_cast %parallel_loop3A_841 : vector<1x16xf32> to vector<16xf32>
      %parallel_loop3A_843 = arith.addf %parallel_loop3A_838, %parallel_loop3A_842 : vector<16xf32>
      %parallel_loop3A_844 = arith.index_cast %parallel_loop3A_120 : i32 to index
      %parallel_loop3A_845 = arith.constant 816 : index
      %parallel_loop3A_846 = tpu.vector_load %arg6[%parallel_loop3A_844, %parallel_loop3A_845] {strides = array<i32>} : memref<16x1024xf32, #tpu.memory_space<vmem>>, vector<1x16xf32>,
      %parallel_loop3A_847 = vector.shape_cast %parallel_loop3A_846 : vector<1x16xf32> to vector<16xf32>
      %parallel_loop3A_848 = vector.shape_cast %parallel_loop3A_843 : vector<16xf32> to vector<1x16xf32>
      tpu.vector_store %arg6[%parallel_loop3A_844, %parallel_loop3A_845], %parallel_loop3A_848 {strides = array<i32>} : memref<16x1024xf32, #tpu.memory_space<vmem>>, vector<1x16xf32>,
      %parallel_loop3A_849 = arith.index_cast %parallel_loop3A_120 : i32 to index
      %parallel_loop3A_850 = arith.constant 832 : index
      %parallel_loop3A_851 = tpu.vector_load %arg6[%parallel_loop3A_849, %parallel_loop3A_850] {strides = array<i32>} : memref<16x1024xf32, #tpu.memory_space<vmem>>, vector<1x16xf32>,
      %parallel_loop3A_852 = vector.shape_cast %parallel_loop3A_851 : vector<1x16xf32> to vector<16xf32>
      %parallel_loop3A_853 = arith.index_cast %parallel_loop3A_120 : i32 to index
      %parallel_loop3A_854 = arith.constant 832 : index
      %parallel_loop3A_855 = tpu.vector_load %arg5[%parallel_loop3A_853, %parallel_loop3A_854] {strides = array<i32>} : memref<16x1024xf32, #tpu.memory_space<vmem>>, vector<1x16xf32>,
      %parallel_loop3A_856 = vector.shape_cast %parallel_loop3A_855 : vector<1x16xf32> to vector<16xf32>
      %parallel_loop3A_857 = arith.addf %parallel_loop3A_852, %parallel_loop3A_856 : vector<16xf32>
      %parallel_loop3A_858 = arith.index_cast %parallel_loop3A_120 : i32 to index
      %parallel_loop3A_859 = arith.constant 832 : index
      %parallel_loop3A_860 = tpu.vector_load %arg6[%parallel_loop3A_858, %parallel_loop3A_859] {strides = array<i32>} : memref<16x1024xf32, #tpu.memory_space<vmem>>, vector<1x16xf32>,
      %parallel_loop3A_861 = vector.shape_cast %parallel_loop3A_860 : vector<1x16xf32> to vector<16xf32>
      %parallel_loop3A_862 = vector.shape_cast %parallel_loop3A_857 : vector<16xf32> to vector<1x16xf32>
      tpu.vector_store %arg6[%parallel_loop3A_858, %parallel_loop3A_859], %parallel_loop3A_862 {strides = array<i32>} : memref<16x1024xf32, #tpu.memory_space<vmem>>, vector<1x16xf32>,
      %parallel_loop3A_863 = arith.index_cast %parallel_loop3A_120 : i32 to index
      %parallel_loop3A_864 = arith.constant 848 : index
      %parallel_loop3A_865 = tpu.vector_load %arg6[%parallel_loop3A_863, %parallel_loop3A_864] {strides = array<i32>} : memref<16x1024xf32, #tpu.memory_space<vmem>>, vector<1x16xf32>,
      %parallel_loop3A_866 = vector.shape_cast %parallel_loop3A_865 : vector<1x16xf32> to vector<16xf32>
      %parallel_loop3A_867 = arith.index_cast %parallel_loop3A_120 : i32 to index
      %parallel_loop3A_868 = arith.constant 848 : index
      %parallel_loop3A_869 = tpu.vector_load %arg5[%parallel_loop3A_867, %parallel_loop3A_868] {strides = array<i32>} : memref<16x1024xf32, #tpu.memory_space<vmem>>, vector<1x16xf32>,
      %parallel_loop3A_870 = vector.shape_cast %parallel_loop3A_869 : vector<1x16xf32> to vector<16xf32>
      %parallel_loop3A_871 = arith.addf %parallel_loop3A_866, %parallel_loop3A_870 : vector<16xf32>
      %parallel_loop3A_872 = arith.index_cast %parallel_loop3A_120 : i32 to index
      %parallel_loop3A_873 = arith.constant 848 : index
      %parallel_loop3A_874 = tpu.vector_load %arg6[%parallel_loop3A_872, %parallel_loop3A_873] {strides = array<i32>} : memref<16x1024xf32, #tpu.memory_space<vmem>>, vector<1x16xf32>,
      %parallel_loop3A_875 = vector.shape_cast %parallel_loop3A_874 : vector<1x16xf32> to vector<16xf32>
      %parallel_loop3A_876 = vector.shape_cast %parallel_loop3A_871 : vector<16xf32> to vector<1x16xf32>
      tpu.vector_store %arg6[%parallel_loop3A_872, %parallel_loop3A_873], %parallel_loop3A_876 {strides = array<i32>} : memref<16x1024xf32, #tpu.memory_space<vmem>>, vector<1x16xf32>,
      %parallel_loop3A_877 = arith.index_cast %parallel_loop3A_120 : i32 to index
      %parallel_loop3A_878 = arith.constant 864 : index
      %parallel_loop3A_879 = tpu.vector_load %arg6[%parallel_loop3A_877, %parallel_loop3A_878] {strides = array<i32>} : memref<16x1024xf32, #tpu.memory_space<vmem>>, vector<1x16xf32>,
      %parallel_loop3A_880 = vector.shape_cast %parallel_loop3A_879 : vector<1x16xf32> to vector<16xf32>
      %parallel_loop3A_881 = arith.index_cast %parallel_loop3A_120 : i32 to index
      %parallel_loop3A_882 = arith.constant 864 : index
      %parallel_loop3A_883 = tpu.vector_load %arg5[%parallel_loop3A_881, %parallel_loop3A_882] {strides = array<i32>} : memref<16x1024xf32, #tpu.memory_space<vmem>>, vector<1x16xf32>,
      %parallel_loop3A_884 = vector.shape_cast %parallel_loop3A_883 : vector<1x16xf32> to vector<16xf32>
      %parallel_loop3A_885 = arith.addf %parallel_loop3A_880, %parallel_loop3A_884 : vector<16xf32>
      %parallel_loop3A_886 = arith.index_cast %parallel_loop3A_120 : i32 to index
      %parallel_loop3A_887 = arith.constant 864 : index
      %parallel_loop3A_888 = tpu.vector_load %arg6[%parallel_loop3A_886, %parallel_loop3A_887] {strides = array<i32>} : memref<16x1024xf32, #tpu.memory_space<vmem>>, vector<1x16xf32>,
      %parallel_loop3A_889 = vector.shape_cast %parallel_loop3A_888 : vector<1x16xf32> to vector<16xf32>
      %parallel_loop3A_890 = vector.shape_cast %parallel_loop3A_885 : vector<16xf32> to vector<1x16xf32>
      tpu.vector_store %arg6[%parallel_loop3A_886, %parallel_loop3A_887], %parallel_loop3A_890 {strides = array<i32>} : memref<16x1024xf32, #tpu.memory_space<vmem>>, vector<1x16xf32>,
      %parallel_loop3A_891 = arith.index_cast %parallel_loop3A_120 : i32 to index
      %parallel_loop3A_892 = arith.constant 880 : index
      %parallel_loop3A_893 = tpu.vector_load %arg6[%parallel_loop3A_891, %parallel_loop3A_892] {strides = array<i32>} : memref<16x1024xf32, #tpu.memory_space<vmem>>, vector<1x16xf32>,
      %parallel_loop3A_894 = vector.shape_cast %parallel_loop3A_893 : vector<1x16xf32> to vector<16xf32>
      %parallel_loop3A_895 = arith.index_cast %parallel_loop3A_120 : i32 to index
      %parallel_loop3A_896 = arith.constant 880 : index
      %parallel_loop3A_897 = tpu.vector_load %arg5[%parallel_loop3A_895, %parallel_loop3A_896] {strides = array<i32>} : memref<16x1024xf32, #tpu.memory_space<vmem>>, vector<1x16xf32>,
      %parallel_loop3A_898 = vector.shape_cast %parallel_loop3A_897 : vector<1x16xf32> to vector<16xf32>
      %parallel_loop3A_899 = arith.addf %parallel_loop3A_894, %parallel_loop3A_898 : vector<16xf32>
      %parallel_loop3A_900 = arith.index_cast %parallel_loop3A_120 : i32 to index
      %parallel_loop3A_901 = arith.constant 880 : index
      %parallel_loop3A_902 = tpu.vector_load %arg6[%parallel_loop3A_900, %parallel_loop3A_901] {strides = array<i32>} : memref<16x1024xf32, #tpu.memory_space<vmem>>, vector<1x16xf32>,
      %parallel_loop3A_903 = vector.shape_cast %parallel_loop3A_902 : vector<1x16xf32> to vector<16xf32>
      %parallel_loop3A_904 = vector.shape_cast %parallel_loop3A_899 : vector<16xf32> to vector<1x16xf32>
      tpu.vector_store %arg6[%parallel_loop3A_900, %parallel_loop3A_901], %parallel_loop3A_904 {strides = array<i32>} : memref<16x1024xf32, #tpu.memory_space<vmem>>, vector<1x16xf32>,
      %parallel_loop3A_905 = arith.index_cast %parallel_loop3A_120 : i32 to index
      %parallel_loop3A_906 = arith.constant 896 : index
      %parallel_loop3A_907 = tpu.vector_load %arg6[%parallel_loop3A_905, %parallel_loop3A_906] {strides = array<i32>} : memref<16x1024xf32, #tpu.memory_space<vmem>>, vector<1x16xf32>,
      %parallel_loop3A_908 = vector.shape_cast %parallel_loop3A_907 : vector<1x16xf32> to vector<16xf32>
      %parallel_loop3A_909 = arith.index_cast %parallel_loop3A_120 : i32 to index
      %parallel_loop3A_910 = arith.constant 896 : index
      %parallel_loop3A_911 = tpu.vector_load %arg5[%parallel_loop3A_909, %parallel_loop3A_910] {strides = array<i32>} : memref<16x1024xf32, #tpu.memory_space<vmem>>, vector<1x16xf32>,
      %parallel_loop3A_912 = vector.shape_cast %parallel_loop3A_911 : vector<1x16xf32> to vector<16xf32>
      %parallel_loop3A_913 = arith.addf %parallel_loop3A_908, %parallel_loop3A_912 : vector<16xf32>
      %parallel_loop3A_914 = arith.index_cast %parallel_loop3A_120 : i32 to index
      %parallel_loop3A_915 = arith.constant 896 : index
      %parallel_loop3A_916 = tpu.vector_load %arg6[%parallel_loop3A_914, %parallel_loop3A_915] {strides = array<i32>} : memref<16x1024xf32, #tpu.memory_space<vmem>>, vector<1x16xf32>,
      %parallel_loop3A_917 = vector.shape_cast %parallel_loop3A_916 : vector<1x16xf32> to vector<16xf32>
      %parallel_loop3A_918 = vector.shape_cast %parallel_loop3A_913 : vector<16xf32> to vector<1x16xf32>
      tpu.vector_store %arg6[%parallel_loop3A_914, %parallel_loop3A_915], %parallel_loop3A_918 {strides = array<i32>} : memref<16x1024xf32, #tpu.memory_space<vmem>>, vector<1x16xf32>,
      %parallel_loop3A_919 = arith.index_cast %parallel_loop3A_120 : i32 to index
      %parallel_loop3A_920 = arith.constant 912 : index
      %parallel_loop3A_921 = tpu.vector_load %arg6[%parallel_loop3A_919, %parallel_loop3A_920] {strides = array<i32>} : memref<16x1024xf32, #tpu.memory_space<vmem>>, vector<1x16xf32>,
      %parallel_loop3A_922 = vector.shape_cast %parallel_loop3A_921 : vector<1x16xf32> to vector<16xf32>
      %parallel_loop3A_923 = arith.index_cast %parallel_loop3A_120 : i32 to index
      %parallel_loop3A_924 = arith.constant 912 : index
      %parallel_loop3A_925 = tpu.vector_load %arg5[%parallel_loop3A_923, %parallel_loop3A_924] {strides = array<i32>} : memref<16x1024xf32, #tpu.memory_space<vmem>>, vector<1x16xf32>,
      %parallel_loop3A_926 = vector.shape_cast %parallel_loop3A_925 : vector<1x16xf32> to vector<16xf32>
      %parallel_loop3A_927 = arith.addf %parallel_loop3A_922, %parallel_loop3A_926 : vector<16xf32>
      %parallel_loop3A_928 = arith.index_cast %parallel_loop3A_120 : i32 to index
      %parallel_loop3A_929 = arith.constant 912 : index
      %parallel_loop3A_930 = tpu.vector_load %arg6[%parallel_loop3A_928, %parallel_loop3A_929] {strides = array<i32>} : memref<16x1024xf32, #tpu.memory_space<vmem>>, vector<1x16xf32>,
      %parallel_loop3A_931 = vector.shape_cast %parallel_loop3A_930 : vector<1x16xf32> to vector<16xf32>
      %parallel_loop3A_932 = vector.shape_cast %parallel_loop3A_927 : vector<16xf32> to vector<1x16xf32>
      tpu.vector_store %arg6[%parallel_loop3A_928, %parallel_loop3A_929], %parallel_loop3A_932 {strides = array<i32>} : memref<16x1024xf32, #tpu.memory_space<vmem>>, vector<1x16xf32>,
      %parallel_loop3A_933 = arith.index_cast %parallel_loop3A_120 : i32 to index
      %parallel_loop3A_934 = arith.constant 928 : index
      %parallel_loop3A_935 = tpu.vector_load %arg6[%parallel_loop3A_933, %parallel_loop3A_934] {strides = array<i32>} : memref<16x1024xf32, #tpu.memory_space<vmem>>, vector<1x16xf32>,
      %parallel_loop3A_936 = vector.shape_cast %parallel_loop3A_935 : vector<1x16xf32> to vector<16xf32>
      %parallel_loop3A_937 = arith.index_cast %parallel_loop3A_120 : i32 to index
      %parallel_loop3A_938 = arith.constant 928 : index
      %parallel_loop3A_939 = tpu.vector_load %arg5[%parallel_loop3A_937, %parallel_loop3A_938] {strides = array<i32>} : memref<16x1024xf32, #tpu.memory_space<vmem>>, vector<1x16xf32>,
      %parallel_loop3A_940 = vector.shape_cast %parallel_loop3A_939 : vector<1x16xf32> to vector<16xf32>
      %parallel_loop3A_941 = arith.addf %parallel_loop3A_936, %parallel_loop3A_940 : vector<16xf32>
      %parallel_loop3A_942 = arith.index_cast %parallel_loop3A_120 : i32 to index
      %parallel_loop3A_943 = arith.constant 928 : index
      %parallel_loop3A_944 = tpu.vector_load %arg6[%parallel_loop3A_942, %parallel_loop3A_943] {strides = array<i32>} : memref<16x1024xf32, #tpu.memory_space<vmem>>, vector<1x16xf32>,
      %parallel_loop3A_945 = vector.shape_cast %parallel_loop3A_944 : vector<1x16xf32> to vector<16xf32>
      %parallel_loop3A_946 = vector.shape_cast %parallel_loop3A_941 : vector<16xf32> to vector<1x16xf32>
      tpu.vector_store %arg6[%parallel_loop3A_942, %parallel_loop3A_943], %parallel_loop3A_946 {strides = array<i32>} : memref<16x1024xf32, #tpu.memory_space<vmem>>, vector<1x16xf32>,
      %parallel_loop3A_947 = arith.index_cast %parallel_loop3A_120 : i32 to index
      %parallel_loop3A_948 = arith.constant 944 : index
      %parallel_loop3A_949 = tpu.vector_load %arg6[%parallel_loop3A_947, %parallel_loop3A_948] {strides = array<i32>} : memref<16x1024xf32, #tpu.memory_space<vmem>>, vector<1x16xf32>,
      %parallel_loop3A_950 = vector.shape_cast %parallel_loop3A_949 : vector<1x16xf32> to vector<16xf32>
      %parallel_loop3A_951 = arith.index_cast %parallel_loop3A_120 : i32 to index
      %parallel_loop3A_952 = arith.constant 944 : index
      %parallel_loop3A_953 = tpu.vector_load %arg5[%parallel_loop3A_951, %parallel_loop3A_952] {strides = array<i32>} : memref<16x1024xf32, #tpu.memory_space<vmem>>, vector<1x16xf32>,
      %parallel_loop3A_954 = vector.shape_cast %parallel_loop3A_953 : vector<1x16xf32> to vector<16xf32>
      %parallel_loop3A_955 = arith.addf %parallel_loop3A_950, %parallel_loop3A_954 : vector<16xf32>
      %parallel_loop3A_956 = arith.index_cast %parallel_loop3A_120 : i32 to index
      %parallel_loop3A_957 = arith.constant 944 : index
      %parallel_loop3A_958 = tpu.vector_load %arg6[%parallel_loop3A_956, %parallel_loop3A_957] {strides = array<i32>} : memref<16x1024xf32, #tpu.memory_space<vmem>>, vector<1x16xf32>,
      %parallel_loop3A_959 = vector.shape_cast %parallel_loop3A_958 : vector<1x16xf32> to vector<16xf32>
      %parallel_loop3A_960 = vector.shape_cast %parallel_loop3A_955 : vector<16xf32> to vector<1x16xf32>
      tpu.vector_store %arg6[%parallel_loop3A_956, %parallel_loop3A_957], %parallel_loop3A_960 {strides = array<i32>} : memref<16x1024xf32, #tpu.memory_space<vmem>>, vector<1x16xf32>,
      %parallel_loop3A_961 = arith.index_cast %parallel_loop3A_120 : i32 to index
      %parallel_loop3A_962 = arith.constant 960 : index
      %parallel_loop3A_963 = tpu.vector_load %arg6[%parallel_loop3A_961, %parallel_loop3A_962] {strides = array<i32>} : memref<16x1024xf32, #tpu.memory_space<vmem>>, vector<1x16xf32>,
      %parallel_loop3A_964 = vector.shape_cast %parallel_loop3A_963 : vector<1x16xf32> to vector<16xf32>
      %parallel_loop3A_965 = arith.index_cast %parallel_loop3A_120 : i32 to index
      %parallel_loop3A_966 = arith.constant 960 : index
      %parallel_loop3A_967 = tpu.vector_load %arg5[%parallel_loop3A_965, %parallel_loop3A_966] {strides = array<i32>} : memref<16x1024xf32, #tpu.memory_space<vmem>>, vector<1x16xf32>,
      %parallel_loop3A_968 = vector.shape_cast %parallel_loop3A_967 : vector<1x16xf32> to vector<16xf32>
      %parallel_loop3A_969 = arith.addf %parallel_loop3A_964, %parallel_loop3A_968 : vector<16xf32>
      %parallel_loop3A_970 = arith.index_cast %parallel_loop3A_120 : i32 to index
      %parallel_loop3A_971 = arith.constant 960 : index
      %parallel_loop3A_972 = tpu.vector_load %arg6[%parallel_loop3A_970, %parallel_loop3A_971] {strides = array<i32>} : memref<16x1024xf32, #tpu.memory_space<vmem>>, vector<1x16xf32>,
      %parallel_loop3A_973 = vector.shape_cast %parallel_loop3A_972 : vector<1x16xf32> to vector<16xf32>
      %parallel_loop3A_974 = vector.shape_cast %parallel_loop3A_969 : vector<16xf32> to vector<1x16xf32>
      tpu.vector_store %arg6[%parallel_loop3A_970, %parallel_loop3A_971], %parallel_loop3A_974 {strides = array<i32>} : memref<16x1024xf32, #tpu.memory_space<vmem>>, vector<1x16xf32>,
      %parallel_loop3A_975 = arith.index_cast %parallel_loop3A_120 : i32 to index
      %parallel_loop3A_976 = arith.constant 976 : index
      %parallel_loop3A_977 = tpu.vector_load %arg6[%parallel_loop3A_975, %parallel_loop3A_976] {strides = array<i32>} : memref<16x1024xf32, #tpu.memory_space<vmem>>, vector<1x16xf32>,
      %parallel_loop3A_978 = vector.shape_cast %parallel_loop3A_977 : vector<1x16xf32> to vector<16xf32>
      %parallel_loop3A_979 = arith.index_cast %parallel_loop3A_120 : i32 to index
      %parallel_loop3A_980 = arith.constant 976 : index
      %parallel_loop3A_981 = tpu.vector_load %arg5[%parallel_loop3A_979, %parallel_loop3A_980] {strides = array<i32>} : memref<16x1024xf32, #tpu.memory_space<vmem>>, vector<1x16xf32>,
      %parallel_loop3A_982 = vector.shape_cast %parallel_loop3A_981 : vector<1x16xf32> to vector<16xf32>
      %parallel_loop3A_983 = arith.addf %parallel_loop3A_978, %parallel_loop3A_982 : vector<16xf32>
      %parallel_loop3A_984 = arith.index_cast %parallel_loop3A_120 : i32 to index
      %parallel_loop3A_985 = arith.constant 976 : index
      %parallel_loop3A_986 = tpu.vector_load %arg6[%parallel_loop3A_984, %parallel_loop3A_985] {strides = array<i32>} : memref<16x1024xf32, #tpu.memory_space<vmem>>, vector<1x16xf32>,
      %parallel_loop3A_987 = vector.shape_cast %parallel_loop3A_986 : vector<1x16xf32> to vector<16xf32>
      %parallel_loop3A_988 = vector.shape_cast %parallel_loop3A_983 : vector<16xf32> to vector<1x16xf32>
      tpu.vector_store %arg6[%parallel_loop3A_984, %parallel_loop3A_985], %parallel_loop3A_988 {strides = array<i32>} : memref<16x1024xf32, #tpu.memory_space<vmem>>, vector<1x16xf32>,
      %parallel_loop3A_989 = arith.index_cast %parallel_loop3A_120 : i32 to index
      %parallel_loop3A_990 = arith.constant 992 : index
      %parallel_loop3A_991 = tpu.vector_load %arg6[%parallel_loop3A_989, %parallel_loop3A_990] {strides = array<i32>} : memref<16x1024xf32, #tpu.memory_space<vmem>>, vector<1x16xf32>,
      %parallel_loop3A_992 = vector.shape_cast %parallel_loop3A_991 : vector<1x16xf32> to vector<16xf32>
      %parallel_loop3A_993 = arith.index_cast %parallel_loop3A_120 : i32 to index
      %parallel_loop3A_994 = arith.constant 992 : index
      %parallel_loop3A_995 = tpu.vector_load %arg5[%parallel_loop3A_993, %parallel_loop3A_994] {strides = array<i32>} : memref<16x1024xf32, #tpu.memory_space<vmem>>, vector<1x16xf32>,
      %parallel_loop3A_996 = vector.shape_cast %parallel_loop3A_995 : vector<1x16xf32> to vector<16xf32>
      %parallel_loop3A_997 = arith.addf %parallel_loop3A_992, %parallel_loop3A_996 : vector<16xf32>
      %parallel_loop3A_998 = arith.index_cast %parallel_loop3A_120 : i32 to index
      %parallel_loop3A_999 = arith.constant 992 : index
      %parallel_loop3A_1000 = tpu.vector_load %arg6[%parallel_loop3A_998, %parallel_loop3A_999] {strides = array<i32>} : memref<16x1024xf32, #tpu.memory_space<vmem>>, vector<1x16xf32>,
      %parallel_loop3A_1001 = vector.shape_cast %parallel_loop3A_1000 : vector<1x16xf32> to vector<16xf32>
      %parallel_loop3A_1002 = vector.shape_cast %parallel_loop3A_997 : vector<16xf32> to vector<1x16xf32>
      tpu.vector_store %arg6[%parallel_loop3A_998, %parallel_loop3A_999], %parallel_loop3A_1002 {strides = array<i32>} : memref<16x1024xf32, #tpu.memory_space<vmem>>, vector<1x16xf32>,
      %parallel_loop3A_1003 = arith.index_cast %parallel_loop3A_120 : i32 to index
      %parallel_loop3A_1004 = arith.constant 1008 : index
      %parallel_loop3A_1005 = tpu.vector_load %arg6[%parallel_loop3A_1003, %parallel_loop3A_1004] {strides = array<i32>} : memref<16x1024xf32, #tpu.memory_space<vmem>>, vector<1x16xf32>,
      %parallel_loop3A_1006 = vector.shape_cast %parallel_loop3A_1005 : vector<1x16xf32> to vector<16xf32>
      %parallel_loop3A_1007 = arith.index_cast %parallel_loop3A_120 : i32 to index
      %parallel_loop3A_1008 = arith.constant 1008 : index
      %parallel_loop3A_1009 = tpu.vector_load %arg5[%parallel_loop3A_1007, %parallel_loop3A_1008] {strides = array<i32>} : memref<16x1024xf32, #tpu.memory_space<vmem>>, vector<1x16xf32>,
      %parallel_loop3A_1010 = vector.shape_cast %parallel_loop3A_1009 : vector<1x16xf32> to vector<16xf32>
      %parallel_loop3A_1011 = arith.addf %parallel_loop3A_1006, %parallel_loop3A_1010 : vector<16xf32>
      %parallel_loop3A_1012 = arith.index_cast %parallel_loop3A_120 : i32 to index
      %parallel_loop3A_1013 = arith.constant 1008 : index
      %parallel_loop3A_1014 = tpu.vector_load %arg6[%parallel_loop3A_1012, %parallel_loop3A_1013] {strides = array<i32>} : memref<16x1024xf32, #tpu.memory_space<vmem>>, vector<1x16xf32>,
      %parallel_loop3A_1015 = vector.shape_cast %parallel_loop3A_1014 : vector<1x16xf32> to vector<16xf32>
      %parallel_loop3A_1016 = vector.shape_cast %parallel_loop3A_1011 : vector<16xf32> to vector<1x16xf32>
      tpu.vector_store %arg6[%parallel_loop3A_1012, %parallel_loop3A_1013], %parallel_loop3A_1016 {strides = array<i32>} : memref<16x1024xf32, #tpu.memory_space<vmem>>, vector<1x16xf32>,
    } {sc.loop_unroll_factor = 1 : i64, sc.parallel_access}
    %add3A_35 = arith.constant 0 : i32
    %add3A_36 = arith.addi %add3A_35, %mul3A_2 : i32
    %add3A_37 = arith.constant 0 : i32
    %add3A_38 = arith.addi %add3A_36, %add3A_37 : i32
    %dma_start3A_39 = arith.constant 0 : i32
    %dma_start3A_40 = tpu.memref_slice %arg4[%add3A_38, %dma_start3A_39] : memref<2048x1024xf32, #tpu.memory_space<hbm>> -> memref<16x1024xf32, #tpu.memory_space<hbm>>
    %dma_start3A_41 = arith.constant 0 : i32
    %dma_start3A_42 = tpu.memref_slice %arg4[%add3A_38, %dma_start3A_41] : memref<2048x1024xf32, #tpu.memory_space<hbm>> -> memref<16x1024xf32, #tpu.memory_space<hbm>>
    tpu.enqueue_dma source(%arg6 : memref<16x1024xf32, #tpu.memory_space<vmem>>) target(%dma_start3A_42 : memref<16x1024xf32, #tpu.memory_space<hbm>>) target_semaphore(%arg11 : memref<!tpu.dma_semaphore, #tpu.memory_space<semaphore_mem>>)
    %dma_wait3A_43 = arith.constant 0 : i32
    %dma_wait3A_44 = tpu.memref_slice %arg4[%add3A_38, %dma_wait3A_43] : memref<2048x1024xf32, #tpu.memory_space<hbm>> -> memref<16x1024xf32, #tpu.memory_space<hbm>>
    %dma_wait3A_45 = arith.constant 0 : i32
    %dma_wait3A_46 = tpu.memref_slice %arg4[%add3A_38, %dma_wait3A_45] : memref<2048x1024xf32, #tpu.memory_space<hbm>> -> memref<16x1024xf32, #tpu.memory_space<hbm>>
    tpu.wait_dma2 semaphore(%arg11 : memref<!tpu.dma_semaphore, #tpu.memory_space<semaphore_mem>>) src(%arg6 : memref<16x1024xf32, #tpu.memory_space<vmem>>) dst(%dma_wait3A_46 : memref<16x1024xf32, #tpu.memory_space<hbm>>)
    %add3A_47 = arith.constant 11776 : i32
    %add3A_48 = arith.addi %add3A_47, %mul3A_2 : i32
    %add3A_49 = arith.constant 0 : i32
    %add3A_50 = arith.addi %add3A_48, %add3A_49 : i32
    %dma_start3A_51 = arith.constant 0 : i32
    %dma_start3A_52 = tpu.memref_slice %arg2[%add3A_50, %dma_start3A_51] : memref<16384x1024xf32, #tpu.memory_space<hbm>> -> memref<16x1024xf32, #tpu.memory_space<hbm>>
    %dma_start3A_53 = arith.constant 0 : i32
    %dma_start3A_54 = tpu.memref_slice %arg2[%add3A_50, %dma_start3A_53] : memref<16384x1024xf32, #tpu.memory_space<hbm>> -> memref<16x1024xf32, #tpu.memory_space<hbm>>
    tpu.enqueue_dma source(%dma_start3A_54 : memref<16x1024xf32, #tpu.memory_space<hbm>>) target(%arg6 : memref<16x1024xf32, #tpu.memory_space<vmem>>) target_semaphore(%arg9 : memref<!tpu.dma_semaphore, #tpu.memory_space<semaphore_mem>>)
    %dma_wait3A_55 = arith.constant 0 : i32
    %dma_wait3A_56 = tpu.memref_slice %arg2[%add3A_21, %dma_wait3A_55] : memref<16384x1024xf32, #tpu.memory_space<hbm>> -> memref<16x1024xf32, #tpu.memory_space<hbm>>
    %dma_wait3A_57 = arith.constant 0 : i32
    %dma_wait3A_58 = tpu.memref_slice %arg2[%add3A_21, %dma_wait3A_57] : memref<16384x1024xf32, #tpu.memory_space<hbm>> -> memref<16x1024xf32, #tpu.memory_space<hbm>>
    tpu.wait_dma2 semaphore(%arg10 : memref<!tpu.dma_semaphore, #tpu.memory_space<semaphore_mem>>) src(%dma_wait3A_58 : memref<16x1024xf32, #tpu.memory_space<hbm>>) dst(%arg7 : memref<16x1024xf32, #tpu.memory_space<vmem>>)
    %parallel_loop3A_59 = arith.constant 0 : i32
    %parallel_loop3A_60 = arith.constant 16 : i32
    %parallel_loop3A_61 = arith.constant 1 : i32
    scf.for %parallel_loop3A_120 = %parallel_loop3A_59 to %parallel_loop3A_60 step %parallel_loop3A_61  : i32 {
      %parallel_loop3A_121 = arith.index_cast %parallel_loop3A_120 : i32 to index
      %parallel_loop3A_122 = arith.constant 0 : index
      %parallel_loop3A_123 = tpu.vector_load %arg7[%parallel_loop3A_121, %parallel_loop3A_122] {strides = array<i32>} : memref<16x1024xf32, #tpu.memory_space<vmem>>, vector<1x16xf32>,
      %parallel_loop3A_124 = vector.shape_cast %parallel_loop3A_123 : vector<1x16xf32> to vector<16xf32>
      %parallel_loop3A_125 = arith.index_cast %parallel_loop3A_120 : i32 to index
      %parallel_loop3A_126 = arith.constant 0 : index
      %parallel_loop3A_127 = tpu.vector_load %arg5[%parallel_loop3A_125, %parallel_loop3A_126] {strides = array<i32>} : memref<16x1024xf32, #tpu.memory_space<vmem>>, vector<1x16xf32>,
      %parallel_loop3A_128 = vector.shape_cast %parallel_loop3A_127 : vector<1x16xf32> to vector<16xf32>
      %parallel_loop3A_129 = arith.addf %parallel_loop3A_124, %parallel_loop3A_128 : vector<16xf32>
      %parallel_loop3A_130 = arith.index_cast %parallel_loop3A_120 : i32 to index
      %parallel_loop3A_131 = arith.constant 0 : index
      %parallel_loop3A_132 = tpu.vector_load %arg7[%parallel_loop3A_130, %parallel_loop3A_131] {strides = array<i32>} : memref<16x1024xf32, #tpu.memory_space<vmem>>, vector<1x16xf32>,
      %parallel_loop3A_133 = vector.shape_cast %parallel_loop3A_132 : vector<1x16xf32> to vector<16xf32>
      %parallel_loop3A_134 = vector.shape_cast %parallel_loop3A_129 : vector<16xf32> to vector<1x16xf32>
      tpu.vector_store %arg7[%parallel_loop3A_130, %parallel_loop3A_131], %parallel_loop3A_134 {strides = array<i32>} : memref<16x1024xf32, #tpu.memory_space<vmem>>, vector<1x16xf32>,
      %parallel_loop3A_135 = arith.index_cast %parallel_loop3A_120 : i32 to index
      %parallel_loop3A_136 = arith.constant 16 : index
      %parallel_loop3A_137 = tpu.vector_load %arg7[%parallel_loop3A_135, %parallel_loop3A_136] {strides = array<i32>} : memref<16x1024xf32, #tpu.memory_space<vmem>>, vector<1x16xf32>,
      %parallel_loop3A_138 = vector.shape_cast %parallel_loop3A_137 : vector<1x16xf32> to vector<16xf32>
      %parallel_loop3A_139 = arith.index_cast %parallel_loop3A_120 : i32 to index
      %parallel_loop3A_140 = arith.constant 16 : index
      %parallel_loop3A_141 = tpu.vector_load %arg5[%parallel_loop3A_139, %parallel_loop3A_140] {strides = array<i32>} : memref<16x1024xf32, #tpu.memory_space<vmem>>, vector<1x16xf32>,
      %parallel_loop3A_142 = vector.shape_cast %parallel_loop3A_141 : vector<1x16xf32> to vector<16xf32>
      %parallel_loop3A_143 = arith.addf %parallel_loop3A_138, %parallel_loop3A_142 : vector<16xf32>
      %parallel_loop3A_144 = arith.index_cast %parallel_loop3A_120 : i32 to index
      %parallel_loop3A_145 = arith.constant 16 : index
      %parallel_loop3A_146 = tpu.vector_load %arg7[%parallel_loop3A_144, %parallel_loop3A_145] {strides = array<i32>} : memref<16x1024xf32, #tpu.memory_space<vmem>>, vector<1x16xf32>,
      %parallel_loop3A_147 = vector.shape_cast %parallel_loop3A_146 : vector<1x16xf32> to vector<16xf32>
      %parallel_loop3A_148 = vector.shape_cast %parallel_loop3A_143 : vector<16xf32> to vector<1x16xf32>
      tpu.vector_store %arg7[%parallel_loop3A_144, %parallel_loop3A_145], %parallel_loop3A_148 {strides = array<i32>} : memref<16x1024xf32, #tpu.memory_space<vmem>>, vector<1x16xf32>,
      %parallel_loop3A_149 = arith.index_cast %parallel_loop3A_120 : i32 to index
      %parallel_loop3A_150 = arith.constant 32 : index
      %parallel_loop3A_151 = tpu.vector_load %arg7[%parallel_loop3A_149, %parallel_loop3A_150] {strides = array<i32>} : memref<16x1024xf32, #tpu.memory_space<vmem>>, vector<1x16xf32>,
      %parallel_loop3A_152 = vector.shape_cast %parallel_loop3A_151 : vector<1x16xf32> to vector<16xf32>
      %parallel_loop3A_153 = arith.index_cast %parallel_loop3A_120 : i32 to index
      %parallel_loop3A_154 = arith.constant 32 : index
      %parallel_loop3A_155 = tpu.vector_load %arg5[%parallel_loop3A_153, %parallel_loop3A_154] {strides = array<i32>} : memref<16x1024xf32, #tpu.memory_space<vmem>>, vector<1x16xf32>,
      %parallel_loop3A_156 = vector.shape_cast %parallel_loop3A_155 : vector<1x16xf32> to vector<16xf32>
      %parallel_loop3A_157 = arith.addf %parallel_loop3A_152, %parallel_loop3A_156 : vector<16xf32>
      %parallel_loop3A_158 = arith.index_cast %parallel_loop3A_120 : i32 to index
      %parallel_loop3A_159 = arith.constant 32 : index
      %parallel_loop3A_160 = tpu.vector_load %arg7[%parallel_loop3A_158, %parallel_loop3A_159] {strides = array<i32>} : memref<16x1024xf32, #tpu.memory_space<vmem>>, vector<1x16xf32>,
      %parallel_loop3A_161 = vector.shape_cast %parallel_loop3A_160 : vector<1x16xf32> to vector<16xf32>
      %parallel_loop3A_162 = vector.shape_cast %parallel_loop3A_157 : vector<16xf32> to vector<1x16xf32>
      tpu.vector_store %arg7[%parallel_loop3A_158, %parallel_loop3A_159], %parallel_loop3A_162 {strides = array<i32>} : memref<16x1024xf32, #tpu.memory_space<vmem>>, vector<1x16xf32>,
      %parallel_loop3A_163 = arith.index_cast %parallel_loop3A_120 : i32 to index
      %parallel_loop3A_164 = arith.constant 48 : index
      %parallel_loop3A_165 = tpu.vector_load %arg7[%parallel_loop3A_163, %parallel_loop3A_164] {strides = array<i32>} : memref<16x1024xf32, #tpu.memory_space<vmem>>, vector<1x16xf32>,
      %parallel_loop3A_166 = vector.shape_cast %parallel_loop3A_165 : vector<1x16xf32> to vector<16xf32>
      %parallel_loop3A_167 = arith.index_cast %parallel_loop3A_120 : i32 to index
      %parallel_loop3A_168 = arith.constant 48 : index
      %parallel_loop3A_169 = tpu.vector_load %arg5[%parallel_loop3A_167, %parallel_loop3A_168] {strides = array<i32>} : memref<16x1024xf32, #tpu.memory_space<vmem>>, vector<1x16xf32>,
      %parallel_loop3A_170 = vector.shape_cast %parallel_loop3A_169 : vector<1x16xf32> to vector<16xf32>
      %parallel_loop3A_171 = arith.addf %parallel_loop3A_166, %parallel_loop3A_170 : vector<16xf32>
      %parallel_loop3A_172 = arith.index_cast %parallel_loop3A_120 : i32 to index
      %parallel_loop3A_173 = arith.constant 48 : index
      %parallel_loop3A_174 = tpu.vector_load %arg7[%parallel_loop3A_172, %parallel_loop3A_173] {strides = array<i32>} : memref<16x1024xf32, #tpu.memory_space<vmem>>, vector<1x16xf32>,
      %parallel_loop3A_175 = vector.shape_cast %parallel_loop3A_174 : vector<1x16xf32> to vector<16xf32>
      %parallel_loop3A_176 = vector.shape_cast %parallel_loop3A_171 : vector<16xf32> to vector<1x16xf32>
      tpu.vector_store %arg7[%parallel_loop3A_172, %parallel_loop3A_173], %parallel_loop3A_176 {strides = array<i32>} : memref<16x1024xf32, #tpu.memory_space<vmem>>, vector<1x16xf32>,
      %parallel_loop3A_177 = arith.index_cast %parallel_loop3A_120 : i32 to index
      %parallel_loop3A_178 = arith.constant 64 : index
      %parallel_loop3A_179 = tpu.vector_load %arg7[%parallel_loop3A_177, %parallel_loop3A_178] {strides = array<i32>} : memref<16x1024xf32, #tpu.memory_space<vmem>>, vector<1x16xf32>,
      %parallel_loop3A_180 = vector.shape_cast %parallel_loop3A_179 : vector<1x16xf32> to vector<16xf32>
      %parallel_loop3A_181 = arith.index_cast %parallel_loop3A_120 : i32 to index
      %parallel_loop3A_182 = arith.constant 64 : index
      %parallel_loop3A_183 = tpu.vector_load %arg5[%parallel_loop3A_181, %parallel_loop3A_182] {strides = array<i32>} : memref<16x1024xf32, #tpu.memory_space<vmem>>, vector<1x16xf32>,
      %parallel_loop3A_184 = vector.shape_cast %parallel_loop3A_183 : vector<1x16xf32> to vector<16xf32>
      %parallel_loop3A_185 = arith.addf %parallel_loop3A_180, %parallel_loop3A_184 : vector<16xf32>
      %parallel_loop3A_186 = arith.index_cast %parallel_loop3A_120 : i32 to index
      %parallel_loop3A_187 = arith.constant 64 : index
      %parallel_loop3A_188 = tpu.vector_load %arg7[%parallel_loop3A_186, %parallel_loop3A_187] {strides = array<i32>} : memref<16x1024xf32, #tpu.memory_space<vmem>>, vector<1x16xf32>,
      %parallel_loop3A_189 = vector.shape_cast %parallel_loop3A_188 : vector<1x16xf32> to vector<16xf32>
      %parallel_loop3A_190 = vector.shape_cast %parallel_loop3A_185 : vector<16xf32> to vector<1x16xf32>
      tpu.vector_store %arg7[%parallel_loop3A_186, %parallel_loop3A_187], %parallel_loop3A_190 {strides = array<i32>} : memref<16x1024xf32, #tpu.memory_space<vmem>>, vector<1x16xf32>,
      %parallel_loop3A_191 = arith.index_cast %parallel_loop3A_120 : i32 to index
      %parallel_loop3A_192 = arith.constant 80 : index
      %parallel_loop3A_193 = tpu.vector_load %arg7[%parallel_loop3A_191, %parallel_loop3A_192] {strides = array<i32>} : memref<16x1024xf32, #tpu.memory_space<vmem>>, vector<1x16xf32>,
      %parallel_loop3A_194 = vector.shape_cast %parallel_loop3A_193 : vector<1x16xf32> to vector<16xf32>
      %parallel_loop3A_195 = arith.index_cast %parallel_loop3A_120 : i32 to index
      %parallel_loop3A_196 = arith.constant 80 : index
      %parallel_loop3A_197 = tpu.vector_load %arg5[%parallel_loop3A_195, %parallel_loop3A_196] {strides = array<i32>} : memref<16x1024xf32, #tpu.memory_space<vmem>>, vector<1x16xf32>,
      %parallel_loop3A_198 = vector.shape_cast %parallel_loop3A_197 : vector<1x16xf32> to vector<16xf32>
      %parallel_loop3A_199 = arith.addf %parallel_loop3A_194, %parallel_loop3A_198 : vector<16xf32>
      %parallel_loop3A_200 = arith.index_cast %parallel_loop3A_120 : i32 to index
      %parallel_loop3A_201 = arith.constant 80 : index
      %parallel_loop3A_202 = tpu.vector_load %arg7[%parallel_loop3A_200, %parallel_loop3A_201] {strides = array<i32>} : memref<16x1024xf32, #tpu.memory_space<vmem>>, vector<1x16xf32>,
      %parallel_loop3A_203 = vector.shape_cast %parallel_loop3A_202 : vector<1x16xf32> to vector<16xf32>
      %parallel_loop3A_204 = vector.shape_cast %parallel_loop3A_199 : vector<16xf32> to vector<1x16xf32>
      tpu.vector_store %arg7[%parallel_loop3A_200, %parallel_loop3A_201], %parallel_loop3A_204 {strides = array<i32>} : memref<16x1024xf32, #tpu.memory_space<vmem>>, vector<1x16xf32>,
      %parallel_loop3A_205 = arith.index_cast %parallel_loop3A_120 : i32 to index
      %parallel_loop3A_206 = arith.constant 96 : index
      %parallel_loop3A_207 = tpu.vector_load %arg7[%parallel_loop3A_205, %parallel_loop3A_206] {strides = array<i32>} : memref<16x1024xf32, #tpu.memory_space<vmem>>, vector<1x16xf32>,
      %parallel_loop3A_208 = vector.shape_cast %parallel_loop3A_207 : vector<1x16xf32> to vector<16xf32>
      %parallel_loop3A_209 = arith.index_cast %parallel_loop3A_120 : i32 to index
      %parallel_loop3A_210 = arith.constant 96 : index
      %parallel_loop3A_211 = tpu.vector_load %arg5[%parallel_loop3A_209, %parallel_loop3A_210] {strides = array<i32>} : memref<16x1024xf32, #tpu.memory_space<vmem>>, vector<1x16xf32>,
      %parallel_loop3A_212 = vector.shape_cast %parallel_loop3A_211 : vector<1x16xf32> to vector<16xf32>
      %parallel_loop3A_213 = arith.addf %parallel_loop3A_208, %parallel_loop3A_212 : vector<16xf32>
      %parallel_loop3A_214 = arith.index_cast %parallel_loop3A_120 : i32 to index
      %parallel_loop3A_215 = arith.constant 96 : index
      %parallel_loop3A_216 = tpu.vector_load %arg7[%parallel_loop3A_214, %parallel_loop3A_215] {strides = array<i32>} : memref<16x1024xf32, #tpu.memory_space<vmem>>, vector<1x16xf32>,
      %parallel_loop3A_217 = vector.shape_cast %parallel_loop3A_216 : vector<1x16xf32> to vector<16xf32>
      %parallel_loop3A_218 = vector.shape_cast %parallel_loop3A_213 : vector<16xf32> to vector<1x16xf32>
      tpu.vector_store %arg7[%parallel_loop3A_214, %parallel_loop3A_215], %parallel_loop3A_218 {strides = array<i32>} : memref<16x1024xf32, #tpu.memory_space<vmem>>, vector<1x16xf32>,
      %parallel_loop3A_219 = arith.index_cast %parallel_loop3A_120 : i32 to index
      %parallel_loop3A_220 = arith.constant 112 : index
      %parallel_loop3A_221 = tpu.vector_load %arg7[%parallel_loop3A_219, %parallel_loop3A_220] {strides = array<i32>} : memref<16x1024xf32, #tpu.memory_space<vmem>>, vector<1x16xf32>,
      %parallel_loop3A_222 = vector.shape_cast %parallel_loop3A_221 : vector<1x16xf32> to vector<16xf32>
      %parallel_loop3A_223 = arith.index_cast %parallel_loop3A_120 : i32 to index
      %parallel_loop3A_224 = arith.constant 112 : index
      %parallel_loop3A_225 = tpu.vector_load %arg5[%parallel_loop3A_223, %parallel_loop3A_224] {strides = array<i32>} : memref<16x1024xf32, #tpu.memory_space<vmem>>, vector<1x16xf32>,
      %parallel_loop3A_226 = vector.shape_cast %parallel_loop3A_225 : vector<1x16xf32> to vector<16xf32>
      %parallel_loop3A_227 = arith.addf %parallel_loop3A_222, %parallel_loop3A_226 : vector<16xf32>
      %parallel_loop3A_228 = arith.index_cast %parallel_loop3A_120 : i32 to index
      %parallel_loop3A_229 = arith.constant 112 : index
      %parallel_loop3A_230 = tpu.vector_load %arg7[%parallel_loop3A_228, %parallel_loop3A_229] {strides = array<i32>} : memref<16x1024xf32, #tpu.memory_space<vmem>>, vector<1x16xf32>,
      %parallel_loop3A_231 = vector.shape_cast %parallel_loop3A_230 : vector<1x16xf32> to vector<16xf32>
      %parallel_loop3A_232 = vector.shape_cast %parallel_loop3A_227 : vector<16xf32> to vector<1x16xf32>
      tpu.vector_store %arg7[%parallel_loop3A_228, %parallel_loop3A_229], %parallel_loop3A_232 {strides = array<i32>} : memref<16x1024xf32, #tpu.memory_space<vmem>>, vector<1x16xf32>,
      %parallel_loop3A_233 = arith.index_cast %parallel_loop3A_120 : i32 to index
      %parallel_loop3A_234 = arith.constant 128 : index
      %parallel_loop3A_235 = tpu.vector_load %arg7[%parallel_loop3A_233, %parallel_loop3A_234] {strides = array<i32>} : memref<16x1024xf32, #tpu.memory_space<vmem>>, vector<1x16xf32>,
      %parallel_loop3A_236 = vector.shape_cast %parallel_loop3A_235 : vector<1x16xf32> to vector<16xf32>
      %parallel_loop3A_237 = arith.index_cast %parallel_loop3A_120 : i32 to index
      %parallel_loop3A_238 = arith.constant 128 : index
      %parallel_loop3A_239 = tpu.vector_load %arg5[%parallel_loop3A_237, %parallel_loop3A_238] {strides = array<i32>} : memref<16x1024xf32, #tpu.memory_space<vmem>>, vector<1x16xf32>,
      %parallel_loop3A_240 = vector.shape_cast %parallel_loop3A_239 : vector<1x16xf32> to vector<16xf32>
      %parallel_loop3A_241 = arith.addf %parallel_loop3A_236, %parallel_loop3A_240 : vector<16xf32>
      %parallel_loop3A_242 = arith.index_cast %parallel_loop3A_120 : i32 to index
      %parallel_loop3A_243 = arith.constant 128 : index
      %parallel_loop3A_244 = tpu.vector_load %arg7[%parallel_loop3A_242, %parallel_loop3A_243] {strides = array<i32>} : memref<16x1024xf32, #tpu.memory_space<vmem>>, vector<1x16xf32>,
      %parallel_loop3A_245 = vector.shape_cast %parallel_loop3A_244 : vector<1x16xf32> to vector<16xf32>
      %parallel_loop3A_246 = vector.shape_cast %parallel_loop3A_241 : vector<16xf32> to vector<1x16xf32>
      tpu.vector_store %arg7[%parallel_loop3A_242, %parallel_loop3A_243], %parallel_loop3A_246 {strides = array<i32>} : memref<16x1024xf32, #tpu.memory_space<vmem>>, vector<1x16xf32>,
      %parallel_loop3A_247 = arith.index_cast %parallel_loop3A_120 : i32 to index
      %parallel_loop3A_248 = arith.constant 144 : index
      %parallel_loop3A_249 = tpu.vector_load %arg7[%parallel_loop3A_247, %parallel_loop3A_248] {strides = array<i32>} : memref<16x1024xf32, #tpu.memory_space<vmem>>, vector<1x16xf32>,
      %parallel_loop3A_250 = vector.shape_cast %parallel_loop3A_249 : vector<1x16xf32> to vector<16xf32>
      %parallel_loop3A_251 = arith.index_cast %parallel_loop3A_120 : i32 to index
      %parallel_loop3A_252 = arith.constant 144 : index
      %parallel_loop3A_253 = tpu.vector_load %arg5[%parallel_loop3A_251, %parallel_loop3A_252] {strides = array<i32>} : memref<16x1024xf32, #tpu.memory_space<vmem>>, vector<1x16xf32>,
      %parallel_loop3A_254 = vector.shape_cast %parallel_loop3A_253 : vector<1x16xf32> to vector<16xf32>
      %parallel_loop3A_255 = arith.addf %parallel_loop3A_250, %parallel_loop3A_254 : vector<16xf32>
      %parallel_loop3A_256 = arith.index_cast %parallel_loop3A_120 : i32 to index
      %parallel_loop3A_257 = arith.constant 144 : index
      %parallel_loop3A_258 = tpu.vector_load %arg7[%parallel_loop3A_256, %parallel_loop3A_257] {strides = array<i32>} : memref<16x1024xf32, #tpu.memory_space<vmem>>, vector<1x16xf32>,
      %parallel_loop3A_259 = vector.shape_cast %parallel_loop3A_258 : vector<1x16xf32> to vector<16xf32>
      %parallel_loop3A_260 = vector.shape_cast %parallel_loop3A_255 : vector<16xf32> to vector<1x16xf32>
      tpu.vector_store %arg7[%parallel_loop3A_256, %parallel_loop3A_257], %parallel_loop3A_260 {strides = array<i32>} : memref<16x1024xf32, #tpu.memory_space<vmem>>, vector<1x16xf32>,
      %parallel_loop3A_261 = arith.index_cast %parallel_loop3A_120 : i32 to index
      %parallel_loop3A_262 = arith.constant 160 : index
      %parallel_loop3A_263 = tpu.vector_load %arg7[%parallel_loop3A_261, %parallel_loop3A_262] {strides = array<i32>} : memref<16x1024xf32, #tpu.memory_space<vmem>>, vector<1x16xf32>,
      %parallel_loop3A_264 = vector.shape_cast %parallel_loop3A_263 : vector<1x16xf32> to vector<16xf32>
      %parallel_loop3A_265 = arith.index_cast %parallel_loop3A_120 : i32 to index
      %parallel_loop3A_266 = arith.constant 160 : index
      %parallel_loop3A_267 = tpu.vector_load %arg5[%parallel_loop3A_265, %parallel_loop3A_266] {strides = array<i32>} : memref<16x1024xf32, #tpu.memory_space<vmem>>, vector<1x16xf32>,
      %parallel_loop3A_268 = vector.shape_cast %parallel_loop3A_267 : vector<1x16xf32> to vector<16xf32>
      %parallel_loop3A_269 = arith.addf %parallel_loop3A_264, %parallel_loop3A_268 : vector<16xf32>
      %parallel_loop3A_270 = arith.index_cast %parallel_loop3A_120 : i32 to index
      %parallel_loop3A_271 = arith.constant 160 : index
      %parallel_loop3A_272 = tpu.vector_load %arg7[%parallel_loop3A_270, %parallel_loop3A_271] {strides = array<i32>} : memref<16x1024xf32, #tpu.memory_space<vmem>>, vector<1x16xf32>,
      %parallel_loop3A_273 = vector.shape_cast %parallel_loop3A_272 : vector<1x16xf32> to vector<16xf32>
      %parallel_loop3A_274 = vector.shape_cast %parallel_loop3A_269 : vector<16xf32> to vector<1x16xf32>
      tpu.vector_store %arg7[%parallel_loop3A_270, %parallel_loop3A_271], %parallel_loop3A_274 {strides = array<i32>} : memref<16x1024xf32, #tpu.memory_space<vmem>>, vector<1x16xf32>,
      %parallel_loop3A_275 = arith.index_cast %parallel_loop3A_120 : i32 to index
      %parallel_loop3A_276 = arith.constant 176 : index
      %parallel_loop3A_277 = tpu.vector_load %arg7[%parallel_loop3A_275, %parallel_loop3A_276] {strides = array<i32>} : memref<16x1024xf32, #tpu.memory_space<vmem>>, vector<1x16xf32>,
      %parallel_loop3A_278 = vector.shape_cast %parallel_loop3A_277 : vector<1x16xf32> to vector<16xf32>
      %parallel_loop3A_279 = arith.index_cast %parallel_loop3A_120 : i32 to index
      %parallel_loop3A_280 = arith.constant 176 : index
      %parallel_loop3A_281 = tpu.vector_load %arg5[%parallel_loop3A_279, %parallel_loop3A_280] {strides = array<i32>} : memref<16x1024xf32, #tpu.memory_space<vmem>>, vector<1x16xf32>,
      %parallel_loop3A_282 = vector.shape_cast %parallel_loop3A_281 : vector<1x16xf32> to vector<16xf32>
      %parallel_loop3A_283 = arith.addf %parallel_loop3A_278, %parallel_loop3A_282 : vector<16xf32>
      %parallel_loop3A_284 = arith.index_cast %parallel_loop3A_120 : i32 to index
      %parallel_loop3A_285 = arith.constant 176 : index
      %parallel_loop3A_286 = tpu.vector_load %arg7[%parallel_loop3A_284, %parallel_loop3A_285] {strides = array<i32>} : memref<16x1024xf32, #tpu.memory_space<vmem>>, vector<1x16xf32>,
      %parallel_loop3A_287 = vector.shape_cast %parallel_loop3A_286 : vector<1x16xf32> to vector<16xf32>
      %parallel_loop3A_288 = vector.shape_cast %parallel_loop3A_283 : vector<16xf32> to vector<1x16xf32>
      tpu.vector_store %arg7[%parallel_loop3A_284, %parallel_loop3A_285], %parallel_loop3A_288 {strides = array<i32>} : memref<16x1024xf32, #tpu.memory_space<vmem>>, vector<1x16xf32>,
      %parallel_loop3A_289 = arith.index_cast %parallel_loop3A_120 : i32 to index
      %parallel_loop3A_290 = arith.constant 192 : index
      %parallel_loop3A_291 = tpu.vector_load %arg7[%parallel_loop3A_289, %parallel_loop3A_290] {strides = array<i32>} : memref<16x1024xf32, #tpu.memory_space<vmem>>, vector<1x16xf32>,
      %parallel_loop3A_292 = vector.shape_cast %parallel_loop3A_291 : vector<1x16xf32> to vector<16xf32>
      %parallel_loop3A_293 = arith.index_cast %parallel_loop3A_120 : i32 to index
      %parallel_loop3A_294 = arith.constant 192 : index
      %parallel_loop3A_295 = tpu.vector_load %arg5[%parallel_loop3A_293, %parallel_loop3A_294] {strides = array<i32>} : memref<16x1024xf32, #tpu.memory_space<vmem>>, vector<1x16xf32>,
      %parallel_loop3A_296 = vector.shape_cast %parallel_loop3A_295 : vector<1x16xf32> to vector<16xf32>
      %parallel_loop3A_297 = arith.addf %parallel_loop3A_292, %parallel_loop3A_296 : vector<16xf32>
      %parallel_loop3A_298 = arith.index_cast %parallel_loop3A_120 : i32 to index
      %parallel_loop3A_299 = arith.constant 192 : index
      %parallel_loop3A_300 = tpu.vector_load %arg7[%parallel_loop3A_298, %parallel_loop3A_299] {strides = array<i32>} : memref<16x1024xf32, #tpu.memory_space<vmem>>, vector<1x16xf32>,
      %parallel_loop3A_301 = vector.shape_cast %parallel_loop3A_300 : vector<1x16xf32> to vector<16xf32>
      %parallel_loop3A_302 = vector.shape_cast %parallel_loop3A_297 : vector<16xf32> to vector<1x16xf32>
      tpu.vector_store %arg7[%parallel_loop3A_298, %parallel_loop3A_299], %parallel_loop3A_302 {strides = array<i32>} : memref<16x1024xf32, #tpu.memory_space<vmem>>, vector<1x16xf32>,
      %parallel_loop3A_303 = arith.index_cast %parallel_loop3A_120 : i32 to index
      %parallel_loop3A_304 = arith.constant 208 : index
      %parallel_loop3A_305 = tpu.vector_load %arg7[%parallel_loop3A_303, %parallel_loop3A_304] {strides = array<i32>} : memref<16x1024xf32, #tpu.memory_space<vmem>>, vector<1x16xf32>,
      %parallel_loop3A_306 = vector.shape_cast %parallel_loop3A_305 : vector<1x16xf32> to vector<16xf32>
      %parallel_loop3A_307 = arith.index_cast %parallel_loop3A_120 : i32 to index
      %parallel_loop3A_308 = arith.constant 208 : index
      %parallel_loop3A_309 = tpu.vector_load %arg5[%parallel_loop3A_307, %parallel_loop3A_308] {strides = array<i32>} : memref<16x1024xf32, #tpu.memory_space<vmem>>, vector<1x16xf32>,
      %parallel_loop3A_310 = vector.shape_cast %parallel_loop3A_309 : vector<1x16xf32> to vector<16xf32>
      %parallel_loop3A_311 = arith.addf %parallel_loop3A_306, %parallel_loop3A_310 : vector<16xf32>
      %parallel_loop3A_312 = arith.index_cast %parallel_loop3A_120 : i32 to index
      %parallel_loop3A_313 = arith.constant 208 : index
      %parallel_loop3A_314 = tpu.vector_load %arg7[%parallel_loop3A_312, %parallel_loop3A_313] {strides = array<i32>} : memref<16x1024xf32, #tpu.memory_space<vmem>>, vector<1x16xf32>,
      %parallel_loop3A_315 = vector.shape_cast %parallel_loop3A_314 : vector<1x16xf32> to vector<16xf32>
      %parallel_loop3A_316 = vector.shape_cast %parallel_loop3A_311 : vector<16xf32> to vector<1x16xf32>
      tpu.vector_store %arg7[%parallel_loop3A_312, %parallel_loop3A_313], %parallel_loop3A_316 {strides = array<i32>} : memref<16x1024xf32, #tpu.memory_space<vmem>>, vector<1x16xf32>,
      %parallel_loop3A_317 = arith.index_cast %parallel_loop3A_120 : i32 to index
      %parallel_loop3A_318 = arith.constant 224 : index
      %parallel_loop3A_319 = tpu.vector_load %arg7[%parallel_loop3A_317, %parallel_loop3A_318] {strides = array<i32>} : memref<16x1024xf32, #tpu.memory_space<vmem>>, vector<1x16xf32>,
      %parallel_loop3A_320 = vector.shape_cast %parallel_loop3A_319 : vector<1x16xf32> to vector<16xf32>
      %parallel_loop3A_321 = arith.index_cast %parallel_loop3A_120 : i32 to index
      %parallel_loop3A_322 = arith.constant 224 : index
      %parallel_loop3A_323 = tpu.vector_load %arg5[%parallel_loop3A_321, %parallel_loop3A_322] {strides = array<i32>} : memref<16x1024xf32, #tpu.memory_space<vmem>>, vector<1x16xf32>,
      %parallel_loop3A_324 = vector.shape_cast %parallel_loop3A_323 : vector<1x16xf32> to vector<16xf32>
      %parallel_loop3A_325 = arith.addf %parallel_loop3A_320, %parallel_loop3A_324 : vector<16xf32>
      %parallel_loop3A_326 = arith.index_cast %parallel_loop3A_120 : i32 to index
      %parallel_loop3A_327 = arith.constant 224 : index
      %parallel_loop3A_328 = tpu.vector_load %arg7[%parallel_loop3A_326, %parallel_loop3A_327] {strides = array<i32>} : memref<16x1024xf32, #tpu.memory_space<vmem>>, vector<1x16xf32>,
      %parallel_loop3A_329 = vector.shape_cast %parallel_loop3A_328 : vector<1x16xf32> to vector<16xf32>
      %parallel_loop3A_330 = vector.shape_cast %parallel_loop3A_325 : vector<16xf32> to vector<1x16xf32>
      tpu.vector_store %arg7[%parallel_loop3A_326, %parallel_loop3A_327], %parallel_loop3A_330 {strides = array<i32>} : memref<16x1024xf32, #tpu.memory_space<vmem>>, vector<1x16xf32>,
      %parallel_loop3A_331 = arith.index_cast %parallel_loop3A_120 : i32 to index
      %parallel_loop3A_332 = arith.constant 240 : index
      %parallel_loop3A_333 = tpu.vector_load %arg7[%parallel_loop3A_331, %parallel_loop3A_332] {strides = array<i32>} : memref<16x1024xf32, #tpu.memory_space<vmem>>, vector<1x16xf32>,
      %parallel_loop3A_334 = vector.shape_cast %parallel_loop3A_333 : vector<1x16xf32> to vector<16xf32>
      %parallel_loop3A_335 = arith.index_cast %parallel_loop3A_120 : i32 to index
      %parallel_loop3A_336 = arith.constant 240 : index
      %parallel_loop3A_337 = tpu.vector_load %arg5[%parallel_loop3A_335, %parallel_loop3A_336] {strides = array<i32>} : memref<16x1024xf32, #tpu.memory_space<vmem>>, vector<1x16xf32>,
      %parallel_loop3A_338 = vector.shape_cast %parallel_loop3A_337 : vector<1x16xf32> to vector<16xf32>
      %parallel_loop3A_339 = arith.addf %parallel_loop3A_334, %parallel_loop3A_338 : vector<16xf32>
      %parallel_loop3A_340 = arith.index_cast %parallel_loop3A_120 : i32 to index
      %parallel_loop3A_341 = arith.constant 240 : index
      %parallel_loop3A_342 = tpu.vector_load %arg7[%parallel_loop3A_340, %parallel_loop3A_341] {strides = array<i32>} : memref<16x1024xf32, #tpu.memory_space<vmem>>, vector<1x16xf32>,
      %parallel_loop3A_343 = vector.shape_cast %parallel_loop3A_342 : vector<1x16xf32> to vector<16xf32>
      %parallel_loop3A_344 = vector.shape_cast %parallel_loop3A_339 : vector<16xf32> to vector<1x16xf32>
      tpu.vector_store %arg7[%parallel_loop3A_340, %parallel_loop3A_341], %parallel_loop3A_344 {strides = array<i32>} : memref<16x1024xf32, #tpu.memory_space<vmem>>, vector<1x16xf32>,
      %parallel_loop3A_345 = arith.index_cast %parallel_loop3A_120 : i32 to index
      %parallel_loop3A_346 = arith.constant 256 : index
      %parallel_loop3A_347 = tpu.vector_load %arg7[%parallel_loop3A_345, %parallel_loop3A_346] {strides = array<i32>} : memref<16x1024xf32, #tpu.memory_space<vmem>>, vector<1x16xf32>,
      %parallel_loop3A_348 = vector.shape_cast %parallel_loop3A_347 : vector<1x16xf32> to vector<16xf32>
      %parallel_loop3A_349 = arith.index_cast %parallel_loop3A_120 : i32 to index
      %parallel_loop3A_350 = arith.constant 256 : index
      %parallel_loop3A_351 = tpu.vector_load %arg5[%parallel_loop3A_349, %parallel_loop3A_350] {strides = array<i32>} : memref<16x1024xf32, #tpu.memory_space<vmem>>, vector<1x16xf32>,
      %parallel_loop3A_352 = vector.shape_cast %parallel_loop3A_351 : vector<1x16xf32> to vector<16xf32>
      %parallel_loop3A_353 = arith.addf %parallel_loop3A_348, %parallel_loop3A_352 : vector<16xf32>
      %parallel_loop3A_354 = arith.index_cast %parallel_loop3A_120 : i32 to index
      %parallel_loop3A_355 = arith.constant 256 : index
      %parallel_loop3A_356 = tpu.vector_load %arg7[%parallel_loop3A_354, %parallel_loop3A_355] {strides = array<i32>} : memref<16x1024xf32, #tpu.memory_space<vmem>>, vector<1x16xf32>,
      %parallel_loop3A_357 = vector.shape_cast %parallel_loop3A_356 : vector<1x16xf32> to vector<16xf32>
      %parallel_loop3A_358 = vector.shape_cast %parallel_loop3A_353 : vector<16xf32> to vector<1x16xf32>
      tpu.vector_store %arg7[%parallel_loop3A_354, %parallel_loop3A_355], %parallel_loop3A_358 {strides = array<i32>} : memref<16x1024xf32, #tpu.memory_space<vmem>>, vector<1x16xf32>,
      %parallel_loop3A_359 = arith.index_cast %parallel_loop3A_120 : i32 to index
      %parallel_loop3A_360 = arith.constant 272 : index
      %parallel_loop3A_361 = tpu.vector_load %arg7[%parallel_loop3A_359, %parallel_loop3A_360] {strides = array<i32>} : memref<16x1024xf32, #tpu.memory_space<vmem>>, vector<1x16xf32>,
      %parallel_loop3A_362 = vector.shape_cast %parallel_loop3A_361 : vector<1x16xf32> to vector<16xf32>
      %parallel_loop3A_363 = arith.index_cast %parallel_loop3A_120 : i32 to index
      %parallel_loop3A_364 = arith.constant 272 : index
      %parallel_loop3A_365 = tpu.vector_load %arg5[%parallel_loop3A_363, %parallel_loop3A_364] {strides = array<i32>} : memref<16x1024xf32, #tpu.memory_space<vmem>>, vector<1x16xf32>,
      %parallel_loop3A_366 = vector.shape_cast %parallel_loop3A_365 : vector<1x16xf32> to vector<16xf32>
      %parallel_loop3A_367 = arith.addf %parallel_loop3A_362, %parallel_loop3A_366 : vector<16xf32>
      %parallel_loop3A_368 = arith.index_cast %parallel_loop3A_120 : i32 to index
      %parallel_loop3A_369 = arith.constant 272 : index
      %parallel_loop3A_370 = tpu.vector_load %arg7[%parallel_loop3A_368, %parallel_loop3A_369] {strides = array<i32>} : memref<16x1024xf32, #tpu.memory_space<vmem>>, vector<1x16xf32>,
      %parallel_loop3A_371 = vector.shape_cast %parallel_loop3A_370 : vector<1x16xf32> to vector<16xf32>
      %parallel_loop3A_372 = vector.shape_cast %parallel_loop3A_367 : vector<16xf32> to vector<1x16xf32>
      tpu.vector_store %arg7[%parallel_loop3A_368, %parallel_loop3A_369], %parallel_loop3A_372 {strides = array<i32>} : memref<16x1024xf32, #tpu.memory_space<vmem>>, vector<1x16xf32>,
      %parallel_loop3A_373 = arith.index_cast %parallel_loop3A_120 : i32 to index
      %parallel_loop3A_374 = arith.constant 288 : index
      %parallel_loop3A_375 = tpu.vector_load %arg7[%parallel_loop3A_373, %parallel_loop3A_374] {strides = array<i32>} : memref<16x1024xf32, #tpu.memory_space<vmem>>, vector<1x16xf32>,
      %parallel_loop3A_376 = vector.shape_cast %parallel_loop3A_375 : vector<1x16xf32> to vector<16xf32>
      %parallel_loop3A_377 = arith.index_cast %parallel_loop3A_120 : i32 to index
      %parallel_loop3A_378 = arith.constant 288 : index
      %parallel_loop3A_379 = tpu.vector_load %arg5[%parallel_loop3A_377, %parallel_loop3A_378] {strides = array<i32>} : memref<16x1024xf32, #tpu.memory_space<vmem>>, vector<1x16xf32>,
      %parallel_loop3A_380 = vector.shape_cast %parallel_loop3A_379 : vector<1x16xf32> to vector<16xf32>
      %parallel_loop3A_381 = arith.addf %parallel_loop3A_376, %parallel_loop3A_380 : vector<16xf32>
      %parallel_loop3A_382 = arith.index_cast %parallel_loop3A_120 : i32 to index
      %parallel_loop3A_383 = arith.constant 288 : index
      %parallel_loop3A_384 = tpu.vector_load %arg7[%parallel_loop3A_382, %parallel_loop3A_383] {strides = array<i32>} : memref<16x1024xf32, #tpu.memory_space<vmem>>, vector<1x16xf32>,
      %parallel_loop3A_385 = vector.shape_cast %parallel_loop3A_384 : vector<1x16xf32> to vector<16xf32>
      %parallel_loop3A_386 = vector.shape_cast %parallel_loop3A_381 : vector<16xf32> to vector<1x16xf32>
      tpu.vector_store %arg7[%parallel_loop3A_382, %parallel_loop3A_383], %parallel_loop3A_386 {strides = array<i32>} : memref<16x1024xf32, #tpu.memory_space<vmem>>, vector<1x16xf32>,
      %parallel_loop3A_387 = arith.index_cast %parallel_loop3A_120 : i32 to index
      %parallel_loop3A_388 = arith.constant 304 : index
      %parallel_loop3A_389 = tpu.vector_load %arg7[%parallel_loop3A_387, %parallel_loop3A_388] {strides = array<i32>} : memref<16x1024xf32, #tpu.memory_space<vmem>>, vector<1x16xf32>,
      %parallel_loop3A_390 = vector.shape_cast %parallel_loop3A_389 : vector<1x16xf32> to vector<16xf32>
      %parallel_loop3A_391 = arith.index_cast %parallel_loop3A_120 : i32 to index
      %parallel_loop3A_392 = arith.constant 304 : index
      %parallel_loop3A_393 = tpu.vector_load %arg5[%parallel_loop3A_391, %parallel_loop3A_392] {strides = array<i32>} : memref<16x1024xf32, #tpu.memory_space<vmem>>, vector<1x16xf32>,
      %parallel_loop3A_394 = vector.shape_cast %parallel_loop3A_393 : vector<1x16xf32> to vector<16xf32>
      %parallel_loop3A_395 = arith.addf %parallel_loop3A_390, %parallel_loop3A_394 : vector<16xf32>
      %parallel_loop3A_396 = arith.index_cast %parallel_loop3A_120 : i32 to index
      %parallel_loop3A_397 = arith.constant 304 : index
      %parallel_loop3A_398 = tpu.vector_load %arg7[%parallel_loop3A_396, %parallel_loop3A_397] {strides = array<i32>} : memref<16x1024xf32, #tpu.memory_space<vmem>>, vector<1x16xf32>,
      %parallel_loop3A_399 = vector.shape_cast %parallel_loop3A_398 : vector<1x16xf32> to vector<16xf32>
      %parallel_loop3A_400 = vector.shape_cast %parallel_loop3A_395 : vector<16xf32> to vector<1x16xf32>
      tpu.vector_store %arg7[%parallel_loop3A_396, %parallel_loop3A_397], %parallel_loop3A_400 {strides = array<i32>} : memref<16x1024xf32, #tpu.memory_space<vmem>>, vector<1x16xf32>,
      %parallel_loop3A_401 = arith.index_cast %parallel_loop3A_120 : i32 to index
      %parallel_loop3A_402 = arith.constant 320 : index
      %parallel_loop3A_403 = tpu.vector_load %arg7[%parallel_loop3A_401, %parallel_loop3A_402] {strides = array<i32>} : memref<16x1024xf32, #tpu.memory_space<vmem>>, vector<1x16xf32>,
      %parallel_loop3A_404 = vector.shape_cast %parallel_loop3A_403 : vector<1x16xf32> to vector<16xf32>
      %parallel_loop3A_405 = arith.index_cast %parallel_loop3A_120 : i32 to index
      %parallel_loop3A_406 = arith.constant 320 : index
      %parallel_loop3A_407 = tpu.vector_load %arg5[%parallel_loop3A_405, %parallel_loop3A_406] {strides = array<i32>} : memref<16x1024xf32, #tpu.memory_space<vmem>>, vector<1x16xf32>,
      %parallel_loop3A_408 = vector.shape_cast %parallel_loop3A_407 : vector<1x16xf32> to vector<16xf32>
      %parallel_loop3A_409 = arith.addf %parallel_loop3A_404, %parallel_loop3A_408 : vector<16xf32>
      %parallel_loop3A_410 = arith.index_cast %parallel_loop3A_120 : i32 to index
      %parallel_loop3A_411 = arith.constant 320 : index
      %parallel_loop3A_412 = tpu.vector_load %arg7[%parallel_loop3A_410, %parallel_loop3A_411] {strides = array<i32>} : memref<16x1024xf32, #tpu.memory_space<vmem>>, vector<1x16xf32>,
      %parallel_loop3A_413 = vector.shape_cast %parallel_loop3A_412 : vector<1x16xf32> to vector<16xf32>
      %parallel_loop3A_414 = vector.shape_cast %parallel_loop3A_409 : vector<16xf32> to vector<1x16xf32>
      tpu.vector_store %arg7[%parallel_loop3A_410, %parallel_loop3A_411], %parallel_loop3A_414 {strides = array<i32>} : memref<16x1024xf32, #tpu.memory_space<vmem>>, vector<1x16xf32>,
      %parallel_loop3A_415 = arith.index_cast %parallel_loop3A_120 : i32 to index
      %parallel_loop3A_416 = arith.constant 336 : index
      %parallel_loop3A_417 = tpu.vector_load %arg7[%parallel_loop3A_415, %parallel_loop3A_416] {strides = array<i32>} : memref<16x1024xf32, #tpu.memory_space<vmem>>, vector<1x16xf32>,
      %parallel_loop3A_418 = vector.shape_cast %parallel_loop3A_417 : vector<1x16xf32> to vector<16xf32>
      %parallel_loop3A_419 = arith.index_cast %parallel_loop3A_120 : i32 to index
      %parallel_loop3A_420 = arith.constant 336 : index
      %parallel_loop3A_421 = tpu.vector_load %arg5[%parallel_loop3A_419, %parallel_loop3A_420] {strides = array<i32>} : memref<16x1024xf32, #tpu.memory_space<vmem>>, vector<1x16xf32>,
      %parallel_loop3A_422 = vector.shape_cast %parallel_loop3A_421 : vector<1x16xf32> to vector<16xf32>
      %parallel_loop3A_423 = arith.addf %parallel_loop3A_418, %parallel_loop3A_422 : vector<16xf32>
      %parallel_loop3A_424 = arith.index_cast %parallel_loop3A_120 : i32 to index
      %parallel_loop3A_425 = arith.constant 336 : index
      %parallel_loop3A_426 = tpu.vector_load %arg7[%parallel_loop3A_424, %parallel_loop3A_425] {strides = array<i32>} : memref<16x1024xf32, #tpu.memory_space<vmem>>, vector<1x16xf32>,
      %parallel_loop3A_427 = vector.shape_cast %parallel_loop3A_426 : vector<1x16xf32> to vector<16xf32>
      %parallel_loop3A_428 = vector.shape_cast %parallel_loop3A_423 : vector<16xf32> to vector<1x16xf32>
      tpu.vector_store %arg7[%parallel_loop3A_424, %parallel_loop3A_425], %parallel_loop3A_428 {strides = array<i32>} : memref<16x1024xf32, #tpu.memory_space<vmem>>, vector<1x16xf32>,
      %parallel_loop3A_429 = arith.index_cast %parallel_loop3A_120 : i32 to index
      %parallel_loop3A_430 = arith.constant 352 : index
      %parallel_loop3A_431 = tpu.vector_load %arg7[%parallel_loop3A_429, %parallel_loop3A_430] {strides = array<i32>} : memref<16x1024xf32, #tpu.memory_space<vmem>>, vector<1x16xf32>,
      %parallel_loop3A_432 = vector.shape_cast %parallel_loop3A_431 : vector<1x16xf32> to vector<16xf32>
      %parallel_loop3A_433 = arith.index_cast %parallel_loop3A_120 : i32 to index
      %parallel_loop3A_434 = arith.constant 352 : index
      %parallel_loop3A_435 = tpu.vector_load %arg5[%parallel_loop3A_433, %parallel_loop3A_434] {strides = array<i32>} : memref<16x1024xf32, #tpu.memory_space<vmem>>, vector<1x16xf32>,
      %parallel_loop3A_436 = vector.shape_cast %parallel_loop3A_435 : vector<1x16xf32> to vector<16xf32>
      %parallel_loop3A_437 = arith.addf %parallel_loop3A_432, %parallel_loop3A_436 : vector<16xf32>
      %parallel_loop3A_438 = arith.index_cast %parallel_loop3A_120 : i32 to index
      %parallel_loop3A_439 = arith.constant 352 : index
      %parallel_loop3A_440 = tpu.vector_load %arg7[%parallel_loop3A_438, %parallel_loop3A_439] {strides = array<i32>} : memref<16x1024xf32, #tpu.memory_space<vmem>>, vector<1x16xf32>,
      %parallel_loop3A_441 = vector.shape_cast %parallel_loop3A_440 : vector<1x16xf32> to vector<16xf32>
      %parallel_loop3A_442 = vector.shape_cast %parallel_loop3A_437 : vector<16xf32> to vector<1x16xf32>
      tpu.vector_store %arg7[%parallel_loop3A_438, %parallel_loop3A_439], %parallel_loop3A_442 {strides = array<i32>} : memref<16x1024xf32, #tpu.memory_space<vmem>>, vector<1x16xf32>,
      %parallel_loop3A_443 = arith.index_cast %parallel_loop3A_120 : i32 to index
      %parallel_loop3A_444 = arith.constant 368 : index
      %parallel_loop3A_445 = tpu.vector_load %arg7[%parallel_loop3A_443, %parallel_loop3A_444] {strides = array<i32>} : memref<16x1024xf32, #tpu.memory_space<vmem>>, vector<1x16xf32>,
      %parallel_loop3A_446 = vector.shape_cast %parallel_loop3A_445 : vector<1x16xf32> to vector<16xf32>
      %parallel_loop3A_447 = arith.index_cast %parallel_loop3A_120 : i32 to index
      %parallel_loop3A_448 = arith.constant 368 : index
      %parallel_loop3A_449 = tpu.vector_load %arg5[%parallel_loop3A_447, %parallel_loop3A_448] {strides = array<i32>} : memref<16x1024xf32, #tpu.memory_space<vmem>>, vector<1x16xf32>,
      %parallel_loop3A_450 = vector.shape_cast %parallel_loop3A_449 : vector<1x16xf32> to vector<16xf32>
      %parallel_loop3A_451 = arith.addf %parallel_loop3A_446, %parallel_loop3A_450 : vector<16xf32>
      %parallel_loop3A_452 = arith.index_cast %parallel_loop3A_120 : i32 to index
      %parallel_loop3A_453 = arith.constant 368 : index
      %parallel_loop3A_454 = tpu.vector_load %arg7[%parallel_loop3A_452, %parallel_loop3A_453] {strides = array<i32>} : memref<16x1024xf32, #tpu.memory_space<vmem>>, vector<1x16xf32>,
      %parallel_loop3A_455 = vector.shape_cast %parallel_loop3A_454 : vector<1x16xf32> to vector<16xf32>
      %parallel_loop3A_456 = vector.shape_cast %parallel_loop3A_451 : vector<16xf32> to vector<1x16xf32>
      tpu.vector_store %arg7[%parallel_loop3A_452, %parallel_loop3A_453], %parallel_loop3A_456 {strides = array<i32>} : memref<16x1024xf32, #tpu.memory_space<vmem>>, vector<1x16xf32>,
      %parallel_loop3A_457 = arith.index_cast %parallel_loop3A_120 : i32 to index
      %parallel_loop3A_458 = arith.constant 384 : index
      %parallel_loop3A_459 = tpu.vector_load %arg7[%parallel_loop3A_457, %parallel_loop3A_458] {strides = array<i32>} : memref<16x1024xf32, #tpu.memory_space<vmem>>, vector<1x16xf32>,
      %parallel_loop3A_460 = vector.shape_cast %parallel_loop3A_459 : vector<1x16xf32> to vector<16xf32>
      %parallel_loop3A_461 = arith.index_cast %parallel_loop3A_120 : i32 to index
      %parallel_loop3A_462 = arith.constant 384 : index
      %parallel_loop3A_463 = tpu.vector_load %arg5[%parallel_loop3A_461, %parallel_loop3A_462] {strides = array<i32>} : memref<16x1024xf32, #tpu.memory_space<vmem>>, vector<1x16xf32>,
      %parallel_loop3A_464 = vector.shape_cast %parallel_loop3A_463 : vector<1x16xf32> to vector<16xf32>
      %parallel_loop3A_465 = arith.addf %parallel_loop3A_460, %parallel_loop3A_464 : vector<16xf32>
      %parallel_loop3A_466 = arith.index_cast %parallel_loop3A_120 : i32 to index
      %parallel_loop3A_467 = arith.constant 384 : index
      %parallel_loop3A_468 = tpu.vector_load %arg7[%parallel_loop3A_466, %parallel_loop3A_467] {strides = array<i32>} : memref<16x1024xf32, #tpu.memory_space<vmem>>, vector<1x16xf32>,
      %parallel_loop3A_469 = vector.shape_cast %parallel_loop3A_468 : vector<1x16xf32> to vector<16xf32>
      %parallel_loop3A_470 = vector.shape_cast %parallel_loop3A_465 : vector<16xf32> to vector<1x16xf32>
      tpu.vector_store %arg7[%parallel_loop3A_466, %parallel_loop3A_467], %parallel_loop3A_470 {strides = array<i32>} : memref<16x1024xf32, #tpu.memory_space<vmem>>, vector<1x16xf32>,
      %parallel_loop3A_471 = arith.index_cast %parallel_loop3A_120 : i32 to index
      %parallel_loop3A_472 = arith.constant 400 : index
      %parallel_loop3A_473 = tpu.vector_load %arg7[%parallel_loop3A_471, %parallel_loop3A_472] {strides = array<i32>} : memref<16x1024xf32, #tpu.memory_space<vmem>>, vector<1x16xf32>,
      %parallel_loop3A_474 = vector.shape_cast %parallel_loop3A_473 : vector<1x16xf32> to vector<16xf32>
      %parallel_loop3A_475 = arith.index_cast %parallel_loop3A_120 : i32 to index
      %parallel_loop3A_476 = arith.constant 400 : index
      %parallel_loop3A_477 = tpu.vector_load %arg5[%parallel_loop3A_475, %parallel_loop3A_476] {strides = array<i32>} : memref<16x1024xf32, #tpu.memory_space<vmem>>, vector<1x16xf32>,
      %parallel_loop3A_478 = vector.shape_cast %parallel_loop3A_477 : vector<1x16xf32> to vector<16xf32>
      %parallel_loop3A_479 = arith.addf %parallel_loop3A_474, %parallel_loop3A_478 : vector<16xf32>
      %parallel_loop3A_480 = arith.index_cast %parallel_loop3A_120 : i32 to index
      %parallel_loop3A_481 = arith.constant 400 : index
      %parallel_loop3A_482 = tpu.vector_load %arg7[%parallel_loop3A_480, %parallel_loop3A_481] {strides = array<i32>} : memref<16x1024xf32, #tpu.memory_space<vmem>>, vector<1x16xf32>,
      %parallel_loop3A_483 = vector.shape_cast %parallel_loop3A_482 : vector<1x16xf32> to vector<16xf32>
      %parallel_loop3A_484 = vector.shape_cast %parallel_loop3A_479 : vector<16xf32> to vector<1x16xf32>
      tpu.vector_store %arg7[%parallel_loop3A_480, %parallel_loop3A_481], %parallel_loop3A_484 {strides = array<i32>} : memref<16x1024xf32, #tpu.memory_space<vmem>>, vector<1x16xf32>,
      %parallel_loop3A_485 = arith.index_cast %parallel_loop3A_120 : i32 to index
      %parallel_loop3A_486 = arith.constant 416 : index
      %parallel_loop3A_487 = tpu.vector_load %arg7[%parallel_loop3A_485, %parallel_loop3A_486] {strides = array<i32>} : memref<16x1024xf32, #tpu.memory_space<vmem>>, vector<1x16xf32>,
      %parallel_loop3A_488 = vector.shape_cast %parallel_loop3A_487 : vector<1x16xf32> to vector<16xf32>
      %parallel_loop3A_489 = arith.index_cast %parallel_loop3A_120 : i32 to index
      %parallel_loop3A_490 = arith.constant 416 : index
      %parallel_loop3A_491 = tpu.vector_load %arg5[%parallel_loop3A_489, %parallel_loop3A_490] {strides = array<i32>} : memref<16x1024xf32, #tpu.memory_space<vmem>>, vector<1x16xf32>,
      %parallel_loop3A_492 = vector.shape_cast %parallel_loop3A_491 : vector<1x16xf32> to vector<16xf32>
      %parallel_loop3A_493 = arith.addf %parallel_loop3A_488, %parallel_loop3A_492 : vector<16xf32>
      %parallel_loop3A_494 = arith.index_cast %parallel_loop3A_120 : i32 to index
      %parallel_loop3A_495 = arith.constant 416 : index
      %parallel_loop3A_496 = tpu.vector_load %arg7[%parallel_loop3A_494, %parallel_loop3A_495] {strides = array<i32>} : memref<16x1024xf32, #tpu.memory_space<vmem>>, vector<1x16xf32>,
      %parallel_loop3A_497 = vector.shape_cast %parallel_loop3A_496 : vector<1x16xf32> to vector<16xf32>
      %parallel_loop3A_498 = vector.shape_cast %parallel_loop3A_493 : vector<16xf32> to vector<1x16xf32>
      tpu.vector_store %arg7[%parallel_loop3A_494, %parallel_loop3A_495], %parallel_loop3A_498 {strides = array<i32>} : memref<16x1024xf32, #tpu.memory_space<vmem>>, vector<1x16xf32>,
      %parallel_loop3A_499 = arith.index_cast %parallel_loop3A_120 : i32 to index
      %parallel_loop3A_500 = arith.constant 432 : index
      %parallel_loop3A_501 = tpu.vector_load %arg7[%parallel_loop3A_499, %parallel_loop3A_500] {strides = array<i32>} : memref<16x1024xf32, #tpu.memory_space<vmem>>, vector<1x16xf32>,
      %parallel_loop3A_502 = vector.shape_cast %parallel_loop3A_501 : vector<1x16xf32> to vector<16xf32>
      %parallel_loop3A_503 = arith.index_cast %parallel_loop3A_120 : i32 to index
      %parallel_loop3A_504 = arith.constant 432 : index
      %parallel_loop3A_505 = tpu.vector_load %arg5[%parallel_loop3A_503, %parallel_loop3A_504] {strides = array<i32>} : memref<16x1024xf32, #tpu.memory_space<vmem>>, vector<1x16xf32>,
      %parallel_loop3A_506 = vector.shape_cast %parallel_loop3A_505 : vector<1x16xf32> to vector<16xf32>
      %parallel_loop3A_507 = arith.addf %parallel_loop3A_502, %parallel_loop3A_506 : vector<16xf32>
      %parallel_loop3A_508 = arith.index_cast %parallel_loop3A_120 : i32 to index
      %parallel_loop3A_509 = arith.constant 432 : index
      %parallel_loop3A_510 = tpu.vector_load %arg7[%parallel_loop3A_508, %parallel_loop3A_509] {strides = array<i32>} : memref<16x1024xf32, #tpu.memory_space<vmem>>, vector<1x16xf32>,
      %parallel_loop3A_511 = vector.shape_cast %parallel_loop3A_510 : vector<1x16xf32> to vector<16xf32>
      %parallel_loop3A_512 = vector.shape_cast %parallel_loop3A_507 : vector<16xf32> to vector<1x16xf32>
      tpu.vector_store %arg7[%parallel_loop3A_508, %parallel_loop3A_509], %parallel_loop3A_512 {strides = array<i32>} : memref<16x1024xf32, #tpu.memory_space<vmem>>, vector<1x16xf32>,
      %parallel_loop3A_513 = arith.index_cast %parallel_loop3A_120 : i32 to index
      %parallel_loop3A_514 = arith.constant 448 : index
      %parallel_loop3A_515 = tpu.vector_load %arg7[%parallel_loop3A_513, %parallel_loop3A_514] {strides = array<i32>} : memref<16x1024xf32, #tpu.memory_space<vmem>>, vector<1x16xf32>,
      %parallel_loop3A_516 = vector.shape_cast %parallel_loop3A_515 : vector<1x16xf32> to vector<16xf32>
      %parallel_loop3A_517 = arith.index_cast %parallel_loop3A_120 : i32 to index
      %parallel_loop3A_518 = arith.constant 448 : index
      %parallel_loop3A_519 = tpu.vector_load %arg5[%parallel_loop3A_517, %parallel_loop3A_518] {strides = array<i32>} : memref<16x1024xf32, #tpu.memory_space<vmem>>, vector<1x16xf32>,
      %parallel_loop3A_520 = vector.shape_cast %parallel_loop3A_519 : vector<1x16xf32> to vector<16xf32>
      %parallel_loop3A_521 = arith.addf %parallel_loop3A_516, %parallel_loop3A_520 : vector<16xf32>
      %parallel_loop3A_522 = arith.index_cast %parallel_loop3A_120 : i32 to index
      %parallel_loop3A_523 = arith.constant 448 : index
      %parallel_loop3A_524 = tpu.vector_load %arg7[%parallel_loop3A_522, %parallel_loop3A_523] {strides = array<i32>} : memref<16x1024xf32, #tpu.memory_space<vmem>>, vector<1x16xf32>,
      %parallel_loop3A_525 = vector.shape_cast %parallel_loop3A_524 : vector<1x16xf32> to vector<16xf32>
      %parallel_loop3A_526 = vector.shape_cast %parallel_loop3A_521 : vector<16xf32> to vector<1x16xf32>
      tpu.vector_store %arg7[%parallel_loop3A_522, %parallel_loop3A_523], %parallel_loop3A_526 {strides = array<i32>} : memref<16x1024xf32, #tpu.memory_space<vmem>>, vector<1x16xf32>,
      %parallel_loop3A_527 = arith.index_cast %parallel_loop3A_120 : i32 to index
      %parallel_loop3A_528 = arith.constant 464 : index
      %parallel_loop3A_529 = tpu.vector_load %arg7[%parallel_loop3A_527, %parallel_loop3A_528] {strides = array<i32>} : memref<16x1024xf32, #tpu.memory_space<vmem>>, vector<1x16xf32>,
      %parallel_loop3A_530 = vector.shape_cast %parallel_loop3A_529 : vector<1x16xf32> to vector<16xf32>
      %parallel_loop3A_531 = arith.index_cast %parallel_loop3A_120 : i32 to index
      %parallel_loop3A_532 = arith.constant 464 : index
      %parallel_loop3A_533 = tpu.vector_load %arg5[%parallel_loop3A_531, %parallel_loop3A_532] {strides = array<i32>} : memref<16x1024xf32, #tpu.memory_space<vmem>>, vector<1x16xf32>,
      %parallel_loop3A_534 = vector.shape_cast %parallel_loop3A_533 : vector<1x16xf32> to vector<16xf32>
      %parallel_loop3A_535 = arith.addf %parallel_loop3A_530, %parallel_loop3A_534 : vector<16xf32>
      %parallel_loop3A_536 = arith.index_cast %parallel_loop3A_120 : i32 to index
      %parallel_loop3A_537 = arith.constant 464 : index
      %parallel_loop3A_538 = tpu.vector_load %arg7[%parallel_loop3A_536, %parallel_loop3A_537] {strides = array<i32>} : memref<16x1024xf32, #tpu.memory_space<vmem>>, vector<1x16xf32>,
      %parallel_loop3A_539 = vector.shape_cast %parallel_loop3A_538 : vector<1x16xf32> to vector<16xf32>
      %parallel_loop3A_540 = vector.shape_cast %parallel_loop3A_535 : vector<16xf32> to vector<1x16xf32>
      tpu.vector_store %arg7[%parallel_loop3A_536, %parallel_loop3A_537], %parallel_loop3A_540 {strides = array<i32>} : memref<16x1024xf32, #tpu.memory_space<vmem>>, vector<1x16xf32>,
      %parallel_loop3A_541 = arith.index_cast %parallel_loop3A_120 : i32 to index
      %parallel_loop3A_542 = arith.constant 480 : index
      %parallel_loop3A_543 = tpu.vector_load %arg7[%parallel_loop3A_541, %parallel_loop3A_542] {strides = array<i32>} : memref<16x1024xf32, #tpu.memory_space<vmem>>, vector<1x16xf32>,
      %parallel_loop3A_544 = vector.shape_cast %parallel_loop3A_543 : vector<1x16xf32> to vector<16xf32>
      %parallel_loop3A_545 = arith.index_cast %parallel_loop3A_120 : i32 to index
      %parallel_loop3A_546 = arith.constant 480 : index
      %parallel_loop3A_547 = tpu.vector_load %arg5[%parallel_loop3A_545, %parallel_loop3A_546] {strides = array<i32>} : memref<16x1024xf32, #tpu.memory_space<vmem>>, vector<1x16xf32>,
      %parallel_loop3A_548 = vector.shape_cast %parallel_loop3A_547 : vector<1x16xf32> to vector<16xf32>
      %parallel_loop3A_549 = arith.addf %parallel_loop3A_544, %parallel_loop3A_548 : vector<16xf32>
      %parallel_loop3A_550 = arith.index_cast %parallel_loop3A_120 : i32 to index
      %parallel_loop3A_551 = arith.constant 480 : index
      %parallel_loop3A_552 = tpu.vector_load %arg7[%parallel_loop3A_550, %parallel_loop3A_551] {strides = array<i32>} : memref<16x1024xf32, #tpu.memory_space<vmem>>, vector<1x16xf32>,
      %parallel_loop3A_553 = vector.shape_cast %parallel_loop3A_552 : vector<1x16xf32> to vector<16xf32>
      %parallel_loop3A_554 = vector.shape_cast %parallel_loop3A_549 : vector<16xf32> to vector<1x16xf32>
      tpu.vector_store %arg7[%parallel_loop3A_550, %parallel_loop3A_551], %parallel_loop3A_554 {strides = array<i32>} : memref<16x1024xf32, #tpu.memory_space<vmem>>, vector<1x16xf32>,
      %parallel_loop3A_555 = arith.index_cast %parallel_loop3A_120 : i32 to index
      %parallel_loop3A_556 = arith.constant 496 : index
      %parallel_loop3A_557 = tpu.vector_load %arg7[%parallel_loop3A_555, %parallel_loop3A_556] {strides = array<i32>} : memref<16x1024xf32, #tpu.memory_space<vmem>>, vector<1x16xf32>,
      %parallel_loop3A_558 = vector.shape_cast %parallel_loop3A_557 : vector<1x16xf32> to vector<16xf32>
      %parallel_loop3A_559 = arith.index_cast %parallel_loop3A_120 : i32 to index
      %parallel_loop3A_560 = arith.constant 496 : index
      %parallel_loop3A_561 = tpu.vector_load %arg5[%parallel_loop3A_559, %parallel_loop3A_560] {strides = array<i32>} : memref<16x1024xf32, #tpu.memory_space<vmem>>, vector<1x16xf32>,
      %parallel_loop3A_562 = vector.shape_cast %parallel_loop3A_561 : vector<1x16xf32> to vector<16xf32>
      %parallel_loop3A_563 = arith.addf %parallel_loop3A_558, %parallel_loop3A_562 : vector<16xf32>
      %parallel_loop3A_564 = arith.index_cast %parallel_loop3A_120 : i32 to index
      %parallel_loop3A_565 = arith.constant 496 : index
      %parallel_loop3A_566 = tpu.vector_load %arg7[%parallel_loop3A_564, %parallel_loop3A_565] {strides = array<i32>} : memref<16x1024xf32, #tpu.memory_space<vmem>>, vector<1x16xf32>,
      %parallel_loop3A_567 = vector.shape_cast %parallel_loop3A_566 : vector<1x16xf32> to vector<16xf32>
      %parallel_loop3A_568 = vector.shape_cast %parallel_loop3A_563 : vector<16xf32> to vector<1x16xf32>
      tpu.vector_store %arg7[%parallel_loop3A_564, %parallel_loop3A_565], %parallel_loop3A_568 {strides = array<i32>} : memref<16x1024xf32, #tpu.memory_space<vmem>>, vector<1x16xf32>,
      %parallel_loop3A_569 = arith.index_cast %parallel_loop3A_120 : i32 to index
      %parallel_loop3A_570 = arith.constant 512 : index
      %parallel_loop3A_571 = tpu.vector_load %arg7[%parallel_loop3A_569, %parallel_loop3A_570] {strides = array<i32>} : memref<16x1024xf32, #tpu.memory_space<vmem>>, vector<1x16xf32>,
      %parallel_loop3A_572 = vector.shape_cast %parallel_loop3A_571 : vector<1x16xf32> to vector<16xf32>
      %parallel_loop3A_573 = arith.index_cast %parallel_loop3A_120 : i32 to index
      %parallel_loop3A_574 = arith.constant 512 : index
      %parallel_loop3A_575 = tpu.vector_load %arg5[%parallel_loop3A_573, %parallel_loop3A_574] {strides = array<i32>} : memref<16x1024xf32, #tpu.memory_space<vmem>>, vector<1x16xf32>,
      %parallel_loop3A_576 = vector.shape_cast %parallel_loop3A_575 : vector<1x16xf32> to vector<16xf32>
      %parallel_loop3A_577 = arith.addf %parallel_loop3A_572, %parallel_loop3A_576 : vector<16xf32>
      %parallel_loop3A_578 = arith.index_cast %parallel_loop3A_120 : i32 to index
      %parallel_loop3A_579 = arith.constant 512 : index
      %parallel_loop3A_580 = tpu.vector_load %arg7[%parallel_loop3A_578, %parallel_loop3A_579] {strides = array<i32>} : memref<16x1024xf32, #tpu.memory_space<vmem>>, vector<1x16xf32>,
      %parallel_loop3A_581 = vector.shape_cast %parallel_loop3A_580 : vector<1x16xf32> to vector<16xf32>
      %parallel_loop3A_582 = vector.shape_cast %parallel_loop3A_577 : vector<16xf32> to vector<1x16xf32>
      tpu.vector_store %arg7[%parallel_loop3A_578, %parallel_loop3A_579], %parallel_loop3A_582 {strides = array<i32>} : memref<16x1024xf32, #tpu.memory_space<vmem>>, vector<1x16xf32>,
      %parallel_loop3A_583 = arith.index_cast %parallel_loop3A_120 : i32 to index
      %parallel_loop3A_584 = arith.constant 528 : index
      %parallel_loop3A_585 = tpu.vector_load %arg7[%parallel_loop3A_583, %parallel_loop3A_584] {strides = array<i32>} : memref<16x1024xf32, #tpu.memory_space<vmem>>, vector<1x16xf32>,
      %parallel_loop3A_586 = vector.shape_cast %parallel_loop3A_585 : vector<1x16xf32> to vector<16xf32>
      %parallel_loop3A_587 = arith.index_cast %parallel_loop3A_120 : i32 to index
      %parallel_loop3A_588 = arith.constant 528 : index
      %parallel_loop3A_589 = tpu.vector_load %arg5[%parallel_loop3A_587, %parallel_loop3A_588] {strides = array<i32>} : memref<16x1024xf32, #tpu.memory_space<vmem>>, vector<1x16xf32>,
      %parallel_loop3A_590 = vector.shape_cast %parallel_loop3A_589 : vector<1x16xf32> to vector<16xf32>
      %parallel_loop3A_591 = arith.addf %parallel_loop3A_586, %parallel_loop3A_590 : vector<16xf32>
      %parallel_loop3A_592 = arith.index_cast %parallel_loop3A_120 : i32 to index
      %parallel_loop3A_593 = arith.constant 528 : index
      %parallel_loop3A_594 = tpu.vector_load %arg7[%parallel_loop3A_592, %parallel_loop3A_593] {strides = array<i32>} : memref<16x1024xf32, #tpu.memory_space<vmem>>, vector<1x16xf32>,
      %parallel_loop3A_595 = vector.shape_cast %parallel_loop3A_594 : vector<1x16xf32> to vector<16xf32>
      %parallel_loop3A_596 = vector.shape_cast %parallel_loop3A_591 : vector<16xf32> to vector<1x16xf32>
      tpu.vector_store %arg7[%parallel_loop3A_592, %parallel_loop3A_593], %parallel_loop3A_596 {strides = array<i32>} : memref<16x1024xf32, #tpu.memory_space<vmem>>, vector<1x16xf32>,
      %parallel_loop3A_597 = arith.index_cast %parallel_loop3A_120 : i32 to index
      %parallel_loop3A_598 = arith.constant 544 : index
      %parallel_loop3A_599 = tpu.vector_load %arg7[%parallel_loop3A_597, %parallel_loop3A_598] {strides = array<i32>} : memref<16x1024xf32, #tpu.memory_space<vmem>>, vector<1x16xf32>,
      %parallel_loop3A_600 = vector.shape_cast %parallel_loop3A_599 : vector<1x16xf32> to vector<16xf32>
      %parallel_loop3A_601 = arith.index_cast %parallel_loop3A_120 : i32 to index
      %parallel_loop3A_602 = arith.constant 544 : index
      %parallel_loop3A_603 = tpu.vector_load %arg5[%parallel_loop3A_601, %parallel_loop3A_602] {strides = array<i32>} : memref<16x1024xf32, #tpu.memory_space<vmem>>, vector<1x16xf32>,
      %parallel_loop3A_604 = vector.shape_cast %parallel_loop3A_603 : vector<1x16xf32> to vector<16xf32>
      %parallel_loop3A_605 = arith.addf %parallel_loop3A_600, %parallel_loop3A_604 : vector<16xf32>
      %parallel_loop3A_606 = arith.index_cast %parallel_loop3A_120 : i32 to index
      %parallel_loop3A_607 = arith.constant 544 : index
      %parallel_loop3A_608 = tpu.vector_load %arg7[%parallel_loop3A_606, %parallel_loop3A_607] {strides = array<i32>} : memref<16x1024xf32, #tpu.memory_space<vmem>>, vector<1x16xf32>,
      %parallel_loop3A_609 = vector.shape_cast %parallel_loop3A_608 : vector<1x16xf32> to vector<16xf32>
      %parallel_loop3A_610 = vector.shape_cast %parallel_loop3A_605 : vector<16xf32> to vector<1x16xf32>
      tpu.vector_store %arg7[%parallel_loop3A_606, %parallel_loop3A_607], %parallel_loop3A_610 {strides = array<i32>} : memref<16x1024xf32, #tpu.memory_space<vmem>>, vector<1x16xf32>,
      %parallel_loop3A_611 = arith.index_cast %parallel_loop3A_120 : i32 to index
      %parallel_loop3A_612 = arith.constant 560 : index
      %parallel_loop3A_613 = tpu.vector_load %arg7[%parallel_loop3A_611, %parallel_loop3A_612] {strides = array<i32>} : memref<16x1024xf32, #tpu.memory_space<vmem>>, vector<1x16xf32>,
      %parallel_loop3A_614 = vector.shape_cast %parallel_loop3A_613 : vector<1x16xf32> to vector<16xf32>
      %parallel_loop3A_615 = arith.index_cast %parallel_loop3A_120 : i32 to index
      %parallel_loop3A_616 = arith.constant 560 : index
      %parallel_loop3A_617 = tpu.vector_load %arg5[%parallel_loop3A_615, %parallel_loop3A_616] {strides = array<i32>} : memref<16x1024xf32, #tpu.memory_space<vmem>>, vector<1x16xf32>,
      %parallel_loop3A_618 = vector.shape_cast %parallel_loop3A_617 : vector<1x16xf32> to vector<16xf32>
      %parallel_loop3A_619 = arith.addf %parallel_loop3A_614, %parallel_loop3A_618 : vector<16xf32>
      %parallel_loop3A_620 = arith.index_cast %parallel_loop3A_120 : i32 to index
      %parallel_loop3A_621 = arith.constant 560 : index
      %parallel_loop3A_622 = tpu.vector_load %arg7[%parallel_loop3A_620, %parallel_loop3A_621] {strides = array<i32>} : memref<16x1024xf32, #tpu.memory_space<vmem>>, vector<1x16xf32>,
      %parallel_loop3A_623 = vector.shape_cast %parallel_loop3A_622 : vector<1x16xf32> to vector<16xf32>
      %parallel_loop3A_624 = vector.shape_cast %parallel_loop3A_619 : vector<16xf32> to vector<1x16xf32>
      tpu.vector_store %arg7[%parallel_loop3A_620, %parallel_loop3A_621], %parallel_loop3A_624 {strides = array<i32>} : memref<16x1024xf32, #tpu.memory_space<vmem>>, vector<1x16xf32>,
      %parallel_loop3A_625 = arith.index_cast %parallel_loop3A_120 : i32 to index
      %parallel_loop3A_626 = arith.constant 576 : index
      %parallel_loop3A_627 = tpu.vector_load %arg7[%parallel_loop3A_625, %parallel_loop3A_626] {strides = array<i32>} : memref<16x1024xf32, #tpu.memory_space<vmem>>, vector<1x16xf32>,
      %parallel_loop3A_628 = vector.shape_cast %parallel_loop3A_627 : vector<1x16xf32> to vector<16xf32>
      %parallel_loop3A_629 = arith.index_cast %parallel_loop3A_120 : i32 to index
      %parallel_loop3A_630 = arith.constant 576 : index
      %parallel_loop3A_631 = tpu.vector_load %arg5[%parallel_loop3A_629, %parallel_loop3A_630] {strides = array<i32>} : memref<16x1024xf32, #tpu.memory_space<vmem>>, vector<1x16xf32>,
      %parallel_loop3A_632 = vector.shape_cast %parallel_loop3A_631 : vector<1x16xf32> to vector<16xf32>
      %parallel_loop3A_633 = arith.addf %parallel_loop3A_628, %parallel_loop3A_632 : vector<16xf32>
      %parallel_loop3A_634 = arith.index_cast %parallel_loop3A_120 : i32 to index
      %parallel_loop3A_635 = arith.constant 576 : index
      %parallel_loop3A_636 = tpu.vector_load %arg7[%parallel_loop3A_634, %parallel_loop3A_635] {strides = array<i32>} : memref<16x1024xf32, #tpu.memory_space<vmem>>, vector<1x16xf32>,
      %parallel_loop3A_637 = vector.shape_cast %parallel_loop3A_636 : vector<1x16xf32> to vector<16xf32>
      %parallel_loop3A_638 = vector.shape_cast %parallel_loop3A_633 : vector<16xf32> to vector<1x16xf32>
      tpu.vector_store %arg7[%parallel_loop3A_634, %parallel_loop3A_635], %parallel_loop3A_638 {strides = array<i32>} : memref<16x1024xf32, #tpu.memory_space<vmem>>, vector<1x16xf32>,
      %parallel_loop3A_639 = arith.index_cast %parallel_loop3A_120 : i32 to index
      %parallel_loop3A_640 = arith.constant 592 : index
      %parallel_loop3A_641 = tpu.vector_load %arg7[%parallel_loop3A_639, %parallel_loop3A_640] {strides = array<i32>} : memref<16x1024xf32, #tpu.memory_space<vmem>>, vector<1x16xf32>,
      %parallel_loop3A_642 = vector.shape_cast %parallel_loop3A_641 : vector<1x16xf32> to vector<16xf32>
      %parallel_loop3A_643 = arith.index_cast %parallel_loop3A_120 : i32 to index
      %parallel_loop3A_644 = arith.constant 592 : index
      %parallel_loop3A_645 = tpu.vector_load %arg5[%parallel_loop3A_643, %parallel_loop3A_644] {strides = array<i32>} : memref<16x1024xf32, #tpu.memory_space<vmem>>, vector<1x16xf32>,
      %parallel_loop3A_646 = vector.shape_cast %parallel_loop3A_645 : vector<1x16xf32> to vector<16xf32>
      %parallel_loop3A_647 = arith.addf %parallel_loop3A_642, %parallel_loop3A_646 : vector<16xf32>
      %parallel_loop3A_648 = arith.index_cast %parallel_loop3A_120 : i32 to index
      %parallel_loop3A_649 = arith.constant 592 : index
      %parallel_loop3A_650 = tpu.vector_load %arg7[%parallel_loop3A_648, %parallel_loop3A_649] {strides = array<i32>} : memref<16x1024xf32, #tpu.memory_space<vmem>>, vector<1x16xf32>,
      %parallel_loop3A_651 = vector.shape_cast %parallel_loop3A_650 : vector<1x16xf32> to vector<16xf32>
      %parallel_loop3A_652 = vector.shape_cast %parallel_loop3A_647 : vector<16xf32> to vector<1x16xf32>
      tpu.vector_store %arg7[%parallel_loop3A_648, %parallel_loop3A_649], %parallel_loop3A_652 {strides = array<i32>} : memref<16x1024xf32, #tpu.memory_space<vmem>>, vector<1x16xf32>,
      %parallel_loop3A_653 = arith.index_cast %parallel_loop3A_120 : i32 to index
      %parallel_loop3A_654 = arith.constant 608 : index
      %parallel_loop3A_655 = tpu.vector_load %arg7[%parallel_loop3A_653, %parallel_loop3A_654] {strides = array<i32>} : memref<16x1024xf32, #tpu.memory_space<vmem>>, vector<1x16xf32>,
      %parallel_loop3A_656 = vector.shape_cast %parallel_loop3A_655 : vector<1x16xf32> to vector<16xf32>
      %parallel_loop3A_657 = arith.index_cast %parallel_loop3A_120 : i32 to index
      %parallel_loop3A_658 = arith.constant 608 : index
      %parallel_loop3A_659 = tpu.vector_load %arg5[%parallel_loop3A_657, %parallel_loop3A_658] {strides = array<i32>} : memref<16x1024xf32, #tpu.memory_space<vmem>>, vector<1x16xf32>,
      %parallel_loop3A_660 = vector.shape_cast %parallel_loop3A_659 : vector<1x16xf32> to vector<16xf32>
      %parallel_loop3A_661 = arith.addf %parallel_loop3A_656, %parallel_loop3A_660 : vector<16xf32>
      %parallel_loop3A_662 = arith.index_cast %parallel_loop3A_120 : i32 to index
      %parallel_loop3A_663 = arith.constant 608 : index
      %parallel_loop3A_664 = tpu.vector_load %arg7[%parallel_loop3A_662, %parallel_loop3A_663] {strides = array<i32>} : memref<16x1024xf32, #tpu.memory_space<vmem>>, vector<1x16xf32>,
      %parallel_loop3A_665 = vector.shape_cast %parallel_loop3A_664 : vector<1x16xf32> to vector<16xf32>
      %parallel_loop3A_666 = vector.shape_cast %parallel_loop3A_661 : vector<16xf32> to vector<1x16xf32>
      tpu.vector_store %arg7[%parallel_loop3A_662, %parallel_loop3A_663], %parallel_loop3A_666 {strides = array<i32>} : memref<16x1024xf32, #tpu.memory_space<vmem>>, vector<1x16xf32>,
      %parallel_loop3A_667 = arith.index_cast %parallel_loop3A_120 : i32 to index
      %parallel_loop3A_668 = arith.constant 624 : index
      %parallel_loop3A_669 = tpu.vector_load %arg7[%parallel_loop3A_667, %parallel_loop3A_668] {strides = array<i32>} : memref<16x1024xf32, #tpu.memory_space<vmem>>, vector<1x16xf32>,
      %parallel_loop3A_670 = vector.shape_cast %parallel_loop3A_669 : vector<1x16xf32> to vector<16xf32>
      %parallel_loop3A_671 = arith.index_cast %parallel_loop3A_120 : i32 to index
      %parallel_loop3A_672 = arith.constant 624 : index
      %parallel_loop3A_673 = tpu.vector_load %arg5[%parallel_loop3A_671, %parallel_loop3A_672] {strides = array<i32>} : memref<16x1024xf32, #tpu.memory_space<vmem>>, vector<1x16xf32>,
      %parallel_loop3A_674 = vector.shape_cast %parallel_loop3A_673 : vector<1x16xf32> to vector<16xf32>
      %parallel_loop3A_675 = arith.addf %parallel_loop3A_670, %parallel_loop3A_674 : vector<16xf32>
      %parallel_loop3A_676 = arith.index_cast %parallel_loop3A_120 : i32 to index
      %parallel_loop3A_677 = arith.constant 624 : index
      %parallel_loop3A_678 = tpu.vector_load %arg7[%parallel_loop3A_676, %parallel_loop3A_677] {strides = array<i32>} : memref<16x1024xf32, #tpu.memory_space<vmem>>, vector<1x16xf32>,
      %parallel_loop3A_679 = vector.shape_cast %parallel_loop3A_678 : vector<1x16xf32> to vector<16xf32>
      %parallel_loop3A_680 = vector.shape_cast %parallel_loop3A_675 : vector<16xf32> to vector<1x16xf32>
      tpu.vector_store %arg7[%parallel_loop3A_676, %parallel_loop3A_677], %parallel_loop3A_680 {strides = array<i32>} : memref<16x1024xf32, #tpu.memory_space<vmem>>, vector<1x16xf32>,
      %parallel_loop3A_681 = arith.index_cast %parallel_loop3A_120 : i32 to index
      %parallel_loop3A_682 = arith.constant 640 : index
      %parallel_loop3A_683 = tpu.vector_load %arg7[%parallel_loop3A_681, %parallel_loop3A_682] {strides = array<i32>} : memref<16x1024xf32, #tpu.memory_space<vmem>>, vector<1x16xf32>,
      %parallel_loop3A_684 = vector.shape_cast %parallel_loop3A_683 : vector<1x16xf32> to vector<16xf32>
      %parallel_loop3A_685 = arith.index_cast %parallel_loop3A_120 : i32 to index
      %parallel_loop3A_686 = arith.constant 640 : index
      %parallel_loop3A_687 = tpu.vector_load %arg5[%parallel_loop3A_685, %parallel_loop3A_686] {strides = array<i32>} : memref<16x1024xf32, #tpu.memory_space<vmem>>, vector<1x16xf32>,
      %parallel_loop3A_688 = vector.shape_cast %parallel_loop3A_687 : vector<1x16xf32> to vector<16xf32>
      %parallel_loop3A_689 = arith.addf %parallel_loop3A_684, %parallel_loop3A_688 : vector<16xf32>
      %parallel_loop3A_690 = arith.index_cast %parallel_loop3A_120 : i32 to index
      %parallel_loop3A_691 = arith.constant 640 : index
      %parallel_loop3A_692 = tpu.vector_load %arg7[%parallel_loop3A_690, %parallel_loop3A_691] {strides = array<i32>} : memref<16x1024xf32, #tpu.memory_space<vmem>>, vector<1x16xf32>,
      %parallel_loop3A_693 = vector.shape_cast %parallel_loop3A_692 : vector<1x16xf32> to vector<16xf32>
      %parallel_loop3A_694 = vector.shape_cast %parallel_loop3A_689 : vector<16xf32> to vector<1x16xf32>
      tpu.vector_store %arg7[%parallel_loop3A_690, %parallel_loop3A_691], %parallel_loop3A_694 {strides = array<i32>} : memref<16x1024xf32, #tpu.memory_space<vmem>>, vector<1x16xf32>,
      %parallel_loop3A_695 = arith.index_cast %parallel_loop3A_120 : i32 to index
      %parallel_loop3A_696 = arith.constant 656 : index
      %parallel_loop3A_697 = tpu.vector_load %arg7[%parallel_loop3A_695, %parallel_loop3A_696] {strides = array<i32>} : memref<16x1024xf32, #tpu.memory_space<vmem>>, vector<1x16xf32>,
      %parallel_loop3A_698 = vector.shape_cast %parallel_loop3A_697 : vector<1x16xf32> to vector<16xf32>
      %parallel_loop3A_699 = arith.index_cast %parallel_loop3A_120 : i32 to index
      %parallel_loop3A_700 = arith.constant 656 : index
      %parallel_loop3A_701 = tpu.vector_load %arg5[%parallel_loop3A_699, %parallel_loop3A_700] {strides = array<i32>} : memref<16x1024xf32, #tpu.memory_space<vmem>>, vector<1x16xf32>,
      %parallel_loop3A_702 = vector.shape_cast %parallel_loop3A_701 : vector<1x16xf32> to vector<16xf32>
      %parallel_loop3A_703 = arith.addf %parallel_loop3A_698, %parallel_loop3A_702 : vector<16xf32>
      %parallel_loop3A_704 = arith.index_cast %parallel_loop3A_120 : i32 to index
      %parallel_loop3A_705 = arith.constant 656 : index
      %parallel_loop3A_706 = tpu.vector_load %arg7[%parallel_loop3A_704, %parallel_loop3A_705] {strides = array<i32>} : memref<16x1024xf32, #tpu.memory_space<vmem>>, vector<1x16xf32>,
      %parallel_loop3A_707 = vector.shape_cast %parallel_loop3A_706 : vector<1x16xf32> to vector<16xf32>
      %parallel_loop3A_708 = vector.shape_cast %parallel_loop3A_703 : vector<16xf32> to vector<1x16xf32>
      tpu.vector_store %arg7[%parallel_loop3A_704, %parallel_loop3A_705], %parallel_loop3A_708 {strides = array<i32>} : memref<16x1024xf32, #tpu.memory_space<vmem>>, vector<1x16xf32>,
      %parallel_loop3A_709 = arith.index_cast %parallel_loop3A_120 : i32 to index
      %parallel_loop3A_710 = arith.constant 672 : index
      %parallel_loop3A_711 = tpu.vector_load %arg7[%parallel_loop3A_709, %parallel_loop3A_710] {strides = array<i32>} : memref<16x1024xf32, #tpu.memory_space<vmem>>, vector<1x16xf32>,
      %parallel_loop3A_712 = vector.shape_cast %parallel_loop3A_711 : vector<1x16xf32> to vector<16xf32>
      %parallel_loop3A_713 = arith.index_cast %parallel_loop3A_120 : i32 to index
      %parallel_loop3A_714 = arith.constant 672 : index
      %parallel_loop3A_715 = tpu.vector_load %arg5[%parallel_loop3A_713, %parallel_loop3A_714] {strides = array<i32>} : memref<16x1024xf32, #tpu.memory_space<vmem>>, vector<1x16xf32>,
      %parallel_loop3A_716 = vector.shape_cast %parallel_loop3A_715 : vector<1x16xf32> to vector<16xf32>
      %parallel_loop3A_717 = arith.addf %parallel_loop3A_712, %parallel_loop3A_716 : vector<16xf32>
      %parallel_loop3A_718 = arith.index_cast %parallel_loop3A_120 : i32 to index
      %parallel_loop3A_719 = arith.constant 672 : index
      %parallel_loop3A_720 = tpu.vector_load %arg7[%parallel_loop3A_718, %parallel_loop3A_719] {strides = array<i32>} : memref<16x1024xf32, #tpu.memory_space<vmem>>, vector<1x16xf32>,
      %parallel_loop3A_721 = vector.shape_cast %parallel_loop3A_720 : vector<1x16xf32> to vector<16xf32>
      %parallel_loop3A_722 = vector.shape_cast %parallel_loop3A_717 : vector<16xf32> to vector<1x16xf32>
      tpu.vector_store %arg7[%parallel_loop3A_718, %parallel_loop3A_719], %parallel_loop3A_722 {strides = array<i32>} : memref<16x1024xf32, #tpu.memory_space<vmem>>, vector<1x16xf32>,
      %parallel_loop3A_723 = arith.index_cast %parallel_loop3A_120 : i32 to index
      %parallel_loop3A_724 = arith.constant 688 : index
      %parallel_loop3A_725 = tpu.vector_load %arg7[%parallel_loop3A_723, %parallel_loop3A_724] {strides = array<i32>} : memref<16x1024xf32, #tpu.memory_space<vmem>>, vector<1x16xf32>,
      %parallel_loop3A_726 = vector.shape_cast %parallel_loop3A_725 : vector<1x16xf32> to vector<16xf32>
      %parallel_loop3A_727 = arith.index_cast %parallel_loop3A_120 : i32 to index
      %parallel_loop3A_728 = arith.constant 688 : index
      %parallel_loop3A_729 = tpu.vector_load %arg5[%parallel_loop3A_727, %parallel_loop3A_728] {strides = array<i32>} : memref<16x1024xf32, #tpu.memory_space<vmem>>, vector<1x16xf32>,
      %parallel_loop3A_730 = vector.shape_cast %parallel_loop3A_729 : vector<1x16xf32> to vector<16xf32>
      %parallel_loop3A_731 = arith.addf %parallel_loop3A_726, %parallel_loop3A_730 : vector<16xf32>
      %parallel_loop3A_732 = arith.index_cast %parallel_loop3A_120 : i32 to index
      %parallel_loop3A_733 = arith.constant 688 : index
      %parallel_loop3A_734 = tpu.vector_load %arg7[%parallel_loop3A_732, %parallel_loop3A_733] {strides = array<i32>} : memref<16x1024xf32, #tpu.memory_space<vmem>>, vector<1x16xf32>,
      %parallel_loop3A_735 = vector.shape_cast %parallel_loop3A_734 : vector<1x16xf32> to vector<16xf32>
      %parallel_loop3A_736 = vector.shape_cast %parallel_loop3A_731 : vector<16xf32> to vector<1x16xf32>
      tpu.vector_store %arg7[%parallel_loop3A_732, %parallel_loop3A_733], %parallel_loop3A_736 {strides = array<i32>} : memref<16x1024xf32, #tpu.memory_space<vmem>>, vector<1x16xf32>,
      %parallel_loop3A_737 = arith.index_cast %parallel_loop3A_120 : i32 to index
      %parallel_loop3A_738 = arith.constant 704 : index
      %parallel_loop3A_739 = tpu.vector_load %arg7[%parallel_loop3A_737, %parallel_loop3A_738] {strides = array<i32>} : memref<16x1024xf32, #tpu.memory_space<vmem>>, vector<1x16xf32>,
      %parallel_loop3A_740 = vector.shape_cast %parallel_loop3A_739 : vector<1x16xf32> to vector<16xf32>
      %parallel_loop3A_741 = arith.index_cast %parallel_loop3A_120 : i32 to index
      %parallel_loop3A_742 = arith.constant 704 : index
      %parallel_loop3A_743 = tpu.vector_load %arg5[%parallel_loop3A_741, %parallel_loop3A_742] {strides = array<i32>} : memref<16x1024xf32, #tpu.memory_space<vmem>>, vector<1x16xf32>,
      %parallel_loop3A_744 = vector.shape_cast %parallel_loop3A_743 : vector<1x16xf32> to vector<16xf32>
      %parallel_loop3A_745 = arith.addf %parallel_loop3A_740, %parallel_loop3A_744 : vector<16xf32>
      %parallel_loop3A_746 = arith.index_cast %parallel_loop3A_120 : i32 to index
      %parallel_loop3A_747 = arith.constant 704 : index
      %parallel_loop3A_748 = tpu.vector_load %arg7[%parallel_loop3A_746, %parallel_loop3A_747] {strides = array<i32>} : memref<16x1024xf32, #tpu.memory_space<vmem>>, vector<1x16xf32>,
      %parallel_loop3A_749 = vector.shape_cast %parallel_loop3A_748 : vector<1x16xf32> to vector<16xf32>
      %parallel_loop3A_750 = vector.shape_cast %parallel_loop3A_745 : vector<16xf32> to vector<1x16xf32>
      tpu.vector_store %arg7[%parallel_loop3A_746, %parallel_loop3A_747], %parallel_loop3A_750 {strides = array<i32>} : memref<16x1024xf32, #tpu.memory_space<vmem>>, vector<1x16xf32>,
      %parallel_loop3A_751 = arith.index_cast %parallel_loop3A_120 : i32 to index
      %parallel_loop3A_752 = arith.constant 720 : index
      %parallel_loop3A_753 = tpu.vector_load %arg7[%parallel_loop3A_751, %parallel_loop3A_752] {strides = array<i32>} : memref<16x1024xf32, #tpu.memory_space<vmem>>, vector<1x16xf32>,
      %parallel_loop3A_754 = vector.shape_cast %parallel_loop3A_753 : vector<1x16xf32> to vector<16xf32>
      %parallel_loop3A_755 = arith.index_cast %parallel_loop3A_120 : i32 to index
      %parallel_loop3A_756 = arith.constant 720 : index
      %parallel_loop3A_757 = tpu.vector_load %arg5[%parallel_loop3A_755, %parallel_loop3A_756] {strides = array<i32>} : memref<16x1024xf32, #tpu.memory_space<vmem>>, vector<1x16xf32>,
      %parallel_loop3A_758 = vector.shape_cast %parallel_loop3A_757 : vector<1x16xf32> to vector<16xf32>
      %parallel_loop3A_759 = arith.addf %parallel_loop3A_754, %parallel_loop3A_758 : vector<16xf32>
      %parallel_loop3A_760 = arith.index_cast %parallel_loop3A_120 : i32 to index
      %parallel_loop3A_761 = arith.constant 720 : index
      %parallel_loop3A_762 = tpu.vector_load %arg7[%parallel_loop3A_760, %parallel_loop3A_761] {strides = array<i32>} : memref<16x1024xf32, #tpu.memory_space<vmem>>, vector<1x16xf32>,
      %parallel_loop3A_763 = vector.shape_cast %parallel_loop3A_762 : vector<1x16xf32> to vector<16xf32>
      %parallel_loop3A_764 = vector.shape_cast %parallel_loop3A_759 : vector<16xf32> to vector<1x16xf32>
      tpu.vector_store %arg7[%parallel_loop3A_760, %parallel_loop3A_761], %parallel_loop3A_764 {strides = array<i32>} : memref<16x1024xf32, #tpu.memory_space<vmem>>, vector<1x16xf32>,
      %parallel_loop3A_765 = arith.index_cast %parallel_loop3A_120 : i32 to index
      %parallel_loop3A_766 = arith.constant 736 : index
      %parallel_loop3A_767 = tpu.vector_load %arg7[%parallel_loop3A_765, %parallel_loop3A_766] {strides = array<i32>} : memref<16x1024xf32, #tpu.memory_space<vmem>>, vector<1x16xf32>,
      %parallel_loop3A_768 = vector.shape_cast %parallel_loop3A_767 : vector<1x16xf32> to vector<16xf32>
      %parallel_loop3A_769 = arith.index_cast %parallel_loop3A_120 : i32 to index
      %parallel_loop3A_770 = arith.constant 736 : index
      %parallel_loop3A_771 = tpu.vector_load %arg5[%parallel_loop3A_769, %parallel_loop3A_770] {strides = array<i32>} : memref<16x1024xf32, #tpu.memory_space<vmem>>, vector<1x16xf32>,
      %parallel_loop3A_772 = vector.shape_cast %parallel_loop3A_771 : vector<1x16xf32> to vector<16xf32>
      %parallel_loop3A_773 = arith.addf %parallel_loop3A_768, %parallel_loop3A_772 : vector<16xf32>
      %parallel_loop3A_774 = arith.index_cast %parallel_loop3A_120 : i32 to index
      %parallel_loop3A_775 = arith.constant 736 : index
      %parallel_loop3A_776 = tpu.vector_load %arg7[%parallel_loop3A_774, %parallel_loop3A_775] {strides = array<i32>} : memref<16x1024xf32, #tpu.memory_space<vmem>>, vector<1x16xf32>,
      %parallel_loop3A_777 = vector.shape_cast %parallel_loop3A_776 : vector<1x16xf32> to vector<16xf32>
      %parallel_loop3A_778 = vector.shape_cast %parallel_loop3A_773 : vector<16xf32> to vector<1x16xf32>
      tpu.vector_store %arg7[%parallel_loop3A_774, %parallel_loop3A_775], %parallel_loop3A_778 {strides = array<i32>} : memref<16x1024xf32, #tpu.memory_space<vmem>>, vector<1x16xf32>,
      %parallel_loop3A_779 = arith.index_cast %parallel_loop3A_120 : i32 to index
      %parallel_loop3A_780 = arith.constant 752 : index
      %parallel_loop3A_781 = tpu.vector_load %arg7[%parallel_loop3A_779, %parallel_loop3A_780] {strides = array<i32>} : memref<16x1024xf32, #tpu.memory_space<vmem>>, vector<1x16xf32>,
      %parallel_loop3A_782 = vector.shape_cast %parallel_loop3A_781 : vector<1x16xf32> to vector<16xf32>
      %parallel_loop3A_783 = arith.index_cast %parallel_loop3A_120 : i32 to index
      %parallel_loop3A_784 = arith.constant 752 : index
      %parallel_loop3A_785 = tpu.vector_load %arg5[%parallel_loop3A_783, %parallel_loop3A_784] {strides = array<i32>} : memref<16x1024xf32, #tpu.memory_space<vmem>>, vector<1x16xf32>,
      %parallel_loop3A_786 = vector.shape_cast %parallel_loop3A_785 : vector<1x16xf32> to vector<16xf32>
      %parallel_loop3A_787 = arith.addf %parallel_loop3A_782, %parallel_loop3A_786 : vector<16xf32>
      %parallel_loop3A_788 = arith.index_cast %parallel_loop3A_120 : i32 to index
      %parallel_loop3A_789 = arith.constant 752 : index
      %parallel_loop3A_790 = tpu.vector_load %arg7[%parallel_loop3A_788, %parallel_loop3A_789] {strides = array<i32>} : memref<16x1024xf32, #tpu.memory_space<vmem>>, vector<1x16xf32>,
      %parallel_loop3A_791 = vector.shape_cast %parallel_loop3A_790 : vector<1x16xf32> to vector<16xf32>
      %parallel_loop3A_792 = vector.shape_cast %parallel_loop3A_787 : vector<16xf32> to vector<1x16xf32>
      tpu.vector_store %arg7[%parallel_loop3A_788, %parallel_loop3A_789], %parallel_loop3A_792 {strides = array<i32>} : memref<16x1024xf32, #tpu.memory_space<vmem>>, vector<1x16xf32>,
      %parallel_loop3A_793 = arith.index_cast %parallel_loop3A_120 : i32 to index
      %parallel_loop3A_794 = arith.constant 768 : index
      %parallel_loop3A_795 = tpu.vector_load %arg7[%parallel_loop3A_793, %parallel_loop3A_794] {strides = array<i32>} : memref<16x1024xf32, #tpu.memory_space<vmem>>, vector<1x16xf32>,
      %parallel_loop3A_796 = vector.shape_cast %parallel_loop3A_795 : vector<1x16xf32> to vector<16xf32>
      %parallel_loop3A_797 = arith.index_cast %parallel_loop3A_120 : i32 to index
      %parallel_loop3A_798 = arith.constant 768 : index
      %parallel_loop3A_799 = tpu.vector_load %arg5[%parallel_loop3A_797, %parallel_loop3A_798] {strides = array<i32>} : memref<16x1024xf32, #tpu.memory_space<vmem>>, vector<1x16xf32>,
      %parallel_loop3A_800 = vector.shape_cast %parallel_loop3A_799 : vector<1x16xf32> to vector<16xf32>
      %parallel_loop3A_801 = arith.addf %parallel_loop3A_796, %parallel_loop3A_800 : vector<16xf32>
      %parallel_loop3A_802 = arith.index_cast %parallel_loop3A_120 : i32 to index
      %parallel_loop3A_803 = arith.constant 768 : index
      %parallel_loop3A_804 = tpu.vector_load %arg7[%parallel_loop3A_802, %parallel_loop3A_803] {strides = array<i32>} : memref<16x1024xf32, #tpu.memory_space<vmem>>, vector<1x16xf32>,
      %parallel_loop3A_805 = vector.shape_cast %parallel_loop3A_804 : vector<1x16xf32> to vector<16xf32>
      %parallel_loop3A_806 = vector.shape_cast %parallel_loop3A_801 : vector<16xf32> to vector<1x16xf32>
      tpu.vector_store %arg7[%parallel_loop3A_802, %parallel_loop3A_803], %parallel_loop3A_806 {strides = array<i32>} : memref<16x1024xf32, #tpu.memory_space<vmem>>, vector<1x16xf32>,
      %parallel_loop3A_807 = arith.index_cast %parallel_loop3A_120 : i32 to index
      %parallel_loop3A_808 = arith.constant 784 : index
      %parallel_loop3A_809 = tpu.vector_load %arg7[%parallel_loop3A_807, %parallel_loop3A_808] {strides = array<i32>} : memref<16x1024xf32, #tpu.memory_space<vmem>>, vector<1x16xf32>,
      %parallel_loop3A_810 = vector.shape_cast %parallel_loop3A_809 : vector<1x16xf32> to vector<16xf32>
      %parallel_loop3A_811 = arith.index_cast %parallel_loop3A_120 : i32 to index
      %parallel_loop3A_812 = arith.constant 784 : index
      %parallel_loop3A_813 = tpu.vector_load %arg5[%parallel_loop3A_811, %parallel_loop3A_812] {strides = array<i32>} : memref<16x1024xf32, #tpu.memory_space<vmem>>, vector<1x16xf32>,
      %parallel_loop3A_814 = vector.shape_cast %parallel_loop3A_813 : vector<1x16xf32> to vector<16xf32>
      %parallel_loop3A_815 = arith.addf %parallel_loop3A_810, %parallel_loop3A_814 : vector<16xf32>
      %parallel_loop3A_816 = arith.index_cast %parallel_loop3A_120 : i32 to index
      %parallel_loop3A_817 = arith.constant 784 : index
      %parallel_loop3A_818 = tpu.vector_load %arg7[%parallel_loop3A_816, %parallel_loop3A_817] {strides = array<i32>} : memref<16x1024xf32, #tpu.memory_space<vmem>>, vector<1x16xf32>,
      %parallel_loop3A_819 = vector.shape_cast %parallel_loop3A_818 : vector<1x16xf32> to vector<16xf32>
      %parallel_loop3A_820 = vector.shape_cast %parallel_loop3A_815 : vector<16xf32> to vector<1x16xf32>
      tpu.vector_store %arg7[%parallel_loop3A_816, %parallel_loop3A_817], %parallel_loop3A_820 {strides = array<i32>} : memref<16x1024xf32, #tpu.memory_space<vmem>>, vector<1x16xf32>,
      %parallel_loop3A_821 = arith.index_cast %parallel_loop3A_120 : i32 to index
      %parallel_loop3A_822 = arith.constant 800 : index
      %parallel_loop3A_823 = tpu.vector_load %arg7[%parallel_loop3A_821, %parallel_loop3A_822] {strides = array<i32>} : memref<16x1024xf32, #tpu.memory_space<vmem>>, vector<1x16xf32>,
      %parallel_loop3A_824 = vector.shape_cast %parallel_loop3A_823 : vector<1x16xf32> to vector<16xf32>
      %parallel_loop3A_825 = arith.index_cast %parallel_loop3A_120 : i32 to index
      %parallel_loop3A_826 = arith.constant 800 : index
      %parallel_loop3A_827 = tpu.vector_load %arg5[%parallel_loop3A_825, %parallel_loop3A_826] {strides = array<i32>} : memref<16x1024xf32, #tpu.memory_space<vmem>>, vector<1x16xf32>,
      %parallel_loop3A_828 = vector.shape_cast %parallel_loop3A_827 : vector<1x16xf32> to vector<16xf32>
      %parallel_loop3A_829 = arith.addf %parallel_loop3A_824, %parallel_loop3A_828 : vector<16xf32>
      %parallel_loop3A_830 = arith.index_cast %parallel_loop3A_120 : i32 to index
      %parallel_loop3A_831 = arith.constant 800 : index
      %parallel_loop3A_832 = tpu.vector_load %arg7[%parallel_loop3A_830, %parallel_loop3A_831] {strides = array<i32>} : memref<16x1024xf32, #tpu.memory_space<vmem>>, vector<1x16xf32>,
      %parallel_loop3A_833 = vector.shape_cast %parallel_loop3A_832 : vector<1x16xf32> to vector<16xf32>
      %parallel_loop3A_834 = vector.shape_cast %parallel_loop3A_829 : vector<16xf32> to vector<1x16xf32>
      tpu.vector_store %arg7[%parallel_loop3A_830, %parallel_loop3A_831], %parallel_loop3A_834 {strides = array<i32>} : memref<16x1024xf32, #tpu.memory_space<vmem>>, vector<1x16xf32>,
      %parallel_loop3A_835 = arith.index_cast %parallel_loop3A_120 : i32 to index
      %parallel_loop3A_836 = arith.constant 816 : index
      %parallel_loop3A_837 = tpu.vector_load %arg7[%parallel_loop3A_835, %parallel_loop3A_836] {strides = array<i32>} : memref<16x1024xf32, #tpu.memory_space<vmem>>, vector<1x16xf32>,
      %parallel_loop3A_838 = vector.shape_cast %parallel_loop3A_837 : vector<1x16xf32> to vector<16xf32>
      %parallel_loop3A_839 = arith.index_cast %parallel_loop3A_120 : i32 to index
      %parallel_loop3A_840 = arith.constant 816 : index
      %parallel_loop3A_841 = tpu.vector_load %arg5[%parallel_loop3A_839, %parallel_loop3A_840] {strides = array<i32>} : memref<16x1024xf32, #tpu.memory_space<vmem>>, vector<1x16xf32>,
      %parallel_loop3A_842 = vector.shape_cast %parallel_loop3A_841 : vector<1x16xf32> to vector<16xf32>
      %parallel_loop3A_843 = arith.addf %parallel_loop3A_838, %parallel_loop3A_842 : vector<16xf32>
      %parallel_loop3A_844 = arith.index_cast %parallel_loop3A_120 : i32 to index
      %parallel_loop3A_845 = arith.constant 816 : index
      %parallel_loop3A_846 = tpu.vector_load %arg7[%parallel_loop3A_844, %parallel_loop3A_845] {strides = array<i32>} : memref<16x1024xf32, #tpu.memory_space<vmem>>, vector<1x16xf32>,
      %parallel_loop3A_847 = vector.shape_cast %parallel_loop3A_846 : vector<1x16xf32> to vector<16xf32>
      %parallel_loop3A_848 = vector.shape_cast %parallel_loop3A_843 : vector<16xf32> to vector<1x16xf32>
      tpu.vector_store %arg7[%parallel_loop3A_844, %parallel_loop3A_845], %parallel_loop3A_848 {strides = array<i32>} : memref<16x1024xf32, #tpu.memory_space<vmem>>, vector<1x16xf32>,
      %parallel_loop3A_849 = arith.index_cast %parallel_loop3A_120 : i32 to index
      %parallel_loop3A_850 = arith.constant 832 : index
      %parallel_loop3A_851 = tpu.vector_load %arg7[%parallel_loop3A_849, %parallel_loop3A_850] {strides = array<i32>} : memref<16x1024xf32, #tpu.memory_space<vmem>>, vector<1x16xf32>,
      %parallel_loop3A_852 = vector.shape_cast %parallel_loop3A_851 : vector<1x16xf32> to vector<16xf32>
      %parallel_loop3A_853 = arith.index_cast %parallel_loop3A_120 : i32 to index
      %parallel_loop3A_854 = arith.constant 832 : index
      %parallel_loop3A_855 = tpu.vector_load %arg5[%parallel_loop3A_853, %parallel_loop3A_854] {strides = array<i32>} : memref<16x1024xf32, #tpu.memory_space<vmem>>, vector<1x16xf32>,
      %parallel_loop3A_856 = vector.shape_cast %parallel_loop3A_855 : vector<1x16xf32> to vector<16xf32>
      %parallel_loop3A_857 = arith.addf %parallel_loop3A_852, %parallel_loop3A_856 : vector<16xf32>
      %parallel_loop3A_858 = arith.index_cast %parallel_loop3A_120 : i32 to index
      %parallel_loop3A_859 = arith.constant 832 : index
      %parallel_loop3A_860 = tpu.vector_load %arg7[%parallel_loop3A_858, %parallel_loop3A_859] {strides = array<i32>} : memref<16x1024xf32, #tpu.memory_space<vmem>>, vector<1x16xf32>,
      %parallel_loop3A_861 = vector.shape_cast %parallel_loop3A_860 : vector<1x16xf32> to vector<16xf32>
      %parallel_loop3A_862 = vector.shape_cast %parallel_loop3A_857 : vector<16xf32> to vector<1x16xf32>
      tpu.vector_store %arg7[%parallel_loop3A_858, %parallel_loop3A_859], %parallel_loop3A_862 {strides = array<i32>} : memref<16x1024xf32, #tpu.memory_space<vmem>>, vector<1x16xf32>,
      %parallel_loop3A_863 = arith.index_cast %parallel_loop3A_120 : i32 to index
      %parallel_loop3A_864 = arith.constant 848 : index
      %parallel_loop3A_865 = tpu.vector_load %arg7[%parallel_loop3A_863, %parallel_loop3A_864] {strides = array<i32>} : memref<16x1024xf32, #tpu.memory_space<vmem>>, vector<1x16xf32>,
      %parallel_loop3A_866 = vector.shape_cast %parallel_loop3A_865 : vector<1x16xf32> to vector<16xf32>
      %parallel_loop3A_867 = arith.index_cast %parallel_loop3A_120 : i32 to index
      %parallel_loop3A_868 = arith.constant 848 : index
      %parallel_loop3A_869 = tpu.vector_load %arg5[%parallel_loop3A_867, %parallel_loop3A_868] {strides = array<i32>} : memref<16x1024xf32, #tpu.memory_space<vmem>>, vector<1x16xf32>,
      %parallel_loop3A_870 = vector.shape_cast %parallel_loop3A_869 : vector<1x16xf32> to vector<16xf32>
      %parallel_loop3A_871 = arith.addf %parallel_loop3A_866, %parallel_loop3A_870 : vector<16xf32>
      %parallel_loop3A_872 = arith.index_cast %parallel_loop3A_120 : i32 to index
      %parallel_loop3A_873 = arith.constant 848 : index
      %parallel_loop3A_874 = tpu.vector_load %arg7[%parallel_loop3A_872, %parallel_loop3A_873] {strides = array<i32>} : memref<16x1024xf32, #tpu.memory_space<vmem>>, vector<1x16xf32>,
      %parallel_loop3A_875 = vector.shape_cast %parallel_loop3A_874 : vector<1x16xf32> to vector<16xf32>
      %parallel_loop3A_876 = vector.shape_cast %parallel_loop3A_871 : vector<16xf32> to vector<1x16xf32>
      tpu.vector_store %arg7[%parallel_loop3A_872, %parallel_loop3A_873], %parallel_loop3A_876 {strides = array<i32>} : memref<16x1024xf32, #tpu.memory_space<vmem>>, vector<1x16xf32>,
      %parallel_loop3A_877 = arith.index_cast %parallel_loop3A_120 : i32 to index
      %parallel_loop3A_878 = arith.constant 864 : index
      %parallel_loop3A_879 = tpu.vector_load %arg7[%parallel_loop3A_877, %parallel_loop3A_878] {strides = array<i32>} : memref<16x1024xf32, #tpu.memory_space<vmem>>, vector<1x16xf32>,
      %parallel_loop3A_880 = vector.shape_cast %parallel_loop3A_879 : vector<1x16xf32> to vector<16xf32>
      %parallel_loop3A_881 = arith.index_cast %parallel_loop3A_120 : i32 to index
      %parallel_loop3A_882 = arith.constant 864 : index
      %parallel_loop3A_883 = tpu.vector_load %arg5[%parallel_loop3A_881, %parallel_loop3A_882] {strides = array<i32>} : memref<16x1024xf32, #tpu.memory_space<vmem>>, vector<1x16xf32>,
      %parallel_loop3A_884 = vector.shape_cast %parallel_loop3A_883 : vector<1x16xf32> to vector<16xf32>
      %parallel_loop3A_885 = arith.addf %parallel_loop3A_880, %parallel_loop3A_884 : vector<16xf32>
      %parallel_loop3A_886 = arith.index_cast %parallel_loop3A_120 : i32 to index
      %parallel_loop3A_887 = arith.constant 864 : index
      %parallel_loop3A_888 = tpu.vector_load %arg7[%parallel_loop3A_886, %parallel_loop3A_887] {strides = array<i32>} : memref<16x1024xf32, #tpu.memory_space<vmem>>, vector<1x16xf32>,
      %parallel_loop3A_889 = vector.shape_cast %parallel_loop3A_888 : vector<1x16xf32> to vector<16xf32>
      %parallel_loop3A_890 = vector.shape_cast %parallel_loop3A_885 : vector<16xf32> to vector<1x16xf32>
      tpu.vector_store %arg7[%parallel_loop3A_886, %parallel_loop3A_887], %parallel_loop3A_890 {strides = array<i32>} : memref<16x1024xf32, #tpu.memory_space<vmem>>, vector<1x16xf32>,
      %parallel_loop3A_891 = arith.index_cast %parallel_loop3A_120 : i32 to index
      %parallel_loop3A_892 = arith.constant 880 : index
      %parallel_loop3A_893 = tpu.vector_load %arg7[%parallel_loop3A_891, %parallel_loop3A_892] {strides = array<i32>} : memref<16x1024xf32, #tpu.memory_space<vmem>>, vector<1x16xf32>,
      %parallel_loop3A_894 = vector.shape_cast %parallel_loop3A_893 : vector<1x16xf32> to vector<16xf32>
      %parallel_loop3A_895 = arith.index_cast %parallel_loop3A_120 : i32 to index
      %parallel_loop3A_896 = arith.constant 880 : index
      %parallel_loop3A_897 = tpu.vector_load %arg5[%parallel_loop3A_895, %parallel_loop3A_896] {strides = array<i32>} : memref<16x1024xf32, #tpu.memory_space<vmem>>, vector<1x16xf32>,
      %parallel_loop3A_898 = vector.shape_cast %parallel_loop3A_897 : vector<1x16xf32> to vector<16xf32>
      %parallel_loop3A_899 = arith.addf %parallel_loop3A_894, %parallel_loop3A_898 : vector<16xf32>
      %parallel_loop3A_900 = arith.index_cast %parallel_loop3A_120 : i32 to index
      %parallel_loop3A_901 = arith.constant 880 : index
      %parallel_loop3A_902 = tpu.vector_load %arg7[%parallel_loop3A_900, %parallel_loop3A_901] {strides = array<i32>} : memref<16x1024xf32, #tpu.memory_space<vmem>>, vector<1x16xf32>,
      %parallel_loop3A_903 = vector.shape_cast %parallel_loop3A_902 : vector<1x16xf32> to vector<16xf32>
      %parallel_loop3A_904 = vector.shape_cast %parallel_loop3A_899 : vector<16xf32> to vector<1x16xf32>
      tpu.vector_store %arg7[%parallel_loop3A_900, %parallel_loop3A_901], %parallel_loop3A_904 {strides = array<i32>} : memref<16x1024xf32, #tpu.memory_space<vmem>>, vector<1x16xf32>,
      %parallel_loop3A_905 = arith.index_cast %parallel_loop3A_120 : i32 to index
      %parallel_loop3A_906 = arith.constant 896 : index
      %parallel_loop3A_907 = tpu.vector_load %arg7[%parallel_loop3A_905, %parallel_loop3A_906] {strides = array<i32>} : memref<16x1024xf32, #tpu.memory_space<vmem>>, vector<1x16xf32>,
      %parallel_loop3A_908 = vector.shape_cast %parallel_loop3A_907 : vector<1x16xf32> to vector<16xf32>
      %parallel_loop3A_909 = arith.index_cast %parallel_loop3A_120 : i32 to index
      %parallel_loop3A_910 = arith.constant 896 : index
      %parallel_loop3A_911 = tpu.vector_load %arg5[%parallel_loop3A_909, %parallel_loop3A_910] {strides = array<i32>} : memref<16x1024xf32, #tpu.memory_space<vmem>>, vector<1x16xf32>,
      %parallel_loop3A_912 = vector.shape_cast %parallel_loop3A_911 : vector<1x16xf32> to vector<16xf32>
      %parallel_loop3A_913 = arith.addf %parallel_loop3A_908, %parallel_loop3A_912 : vector<16xf32>
      %parallel_loop3A_914 = arith.index_cast %parallel_loop3A_120 : i32 to index
      %parallel_loop3A_915 = arith.constant 896 : index
      %parallel_loop3A_916 = tpu.vector_load %arg7[%parallel_loop3A_914, %parallel_loop3A_915] {strides = array<i32>} : memref<16x1024xf32, #tpu.memory_space<vmem>>, vector<1x16xf32>,
      %parallel_loop3A_917 = vector.shape_cast %parallel_loop3A_916 : vector<1x16xf32> to vector<16xf32>
      %parallel_loop3A_918 = vector.shape_cast %parallel_loop3A_913 : vector<16xf32> to vector<1x16xf32>
      tpu.vector_store %arg7[%parallel_loop3A_914, %parallel_loop3A_915], %parallel_loop3A_918 {strides = array<i32>} : memref<16x1024xf32, #tpu.memory_space<vmem>>, vector<1x16xf32>,
      %parallel_loop3A_919 = arith.index_cast %parallel_loop3A_120 : i32 to index
      %parallel_loop3A_920 = arith.constant 912 : index
      %parallel_loop3A_921 = tpu.vector_load %arg7[%parallel_loop3A_919, %parallel_loop3A_920] {strides = array<i32>} : memref<16x1024xf32, #tpu.memory_space<vmem>>, vector<1x16xf32>,
      %parallel_loop3A_922 = vector.shape_cast %parallel_loop3A_921 : vector<1x16xf32> to vector<16xf32>
      %parallel_loop3A_923 = arith.index_cast %parallel_loop3A_120 : i32 to index
      %parallel_loop3A_924 = arith.constant 912 : index
      %parallel_loop3A_925 = tpu.vector_load %arg5[%parallel_loop3A_923, %parallel_loop3A_924] {strides = array<i32>} : memref<16x1024xf32, #tpu.memory_space<vmem>>, vector<1x16xf32>,
      %parallel_loop3A_926 = vector.shape_cast %parallel_loop3A_925 : vector<1x16xf32> to vector<16xf32>
      %parallel_loop3A_927 = arith.addf %parallel_loop3A_922, %parallel_loop3A_926 : vector<16xf32>
      %parallel_loop3A_928 = arith.index_cast %parallel_loop3A_120 : i32 to index
      %parallel_loop3A_929 = arith.constant 912 : index
      %parallel_loop3A_930 = tpu.vector_load %arg7[%parallel_loop3A_928, %parallel_loop3A_929] {strides = array<i32>} : memref<16x1024xf32, #tpu.memory_space<vmem>>, vector<1x16xf32>,
      %parallel_loop3A_931 = vector.shape_cast %parallel_loop3A_930 : vector<1x16xf32> to vector<16xf32>
      %parallel_loop3A_932 = vector.shape_cast %parallel_loop3A_927 : vector<16xf32> to vector<1x16xf32>
      tpu.vector_store %arg7[%parallel_loop3A_928, %parallel_loop3A_929], %parallel_loop3A_932 {strides = array<i32>} : memref<16x1024xf32, #tpu.memory_space<vmem>>, vector<1x16xf32>,
      %parallel_loop3A_933 = arith.index_cast %parallel_loop3A_120 : i32 to index
      %parallel_loop3A_934 = arith.constant 928 : index
      %parallel_loop3A_935 = tpu.vector_load %arg7[%parallel_loop3A_933, %parallel_loop3A_934] {strides = array<i32>} : memref<16x1024xf32, #tpu.memory_space<vmem>>, vector<1x16xf32>,
      %parallel_loop3A_936 = vector.shape_cast %parallel_loop3A_935 : vector<1x16xf32> to vector<16xf32>
      %parallel_loop3A_937 = arith.index_cast %parallel_loop3A_120 : i32 to index
      %parallel_loop3A_938 = arith.constant 928 : index
      %parallel_loop3A_939 = tpu.vector_load %arg5[%parallel_loop3A_937, %parallel_loop3A_938] {strides = array<i32>} : memref<16x1024xf32, #tpu.memory_space<vmem>>, vector<1x16xf32>,
      %parallel_loop3A_940 = vector.shape_cast %parallel_loop3A_939 : vector<1x16xf32> to vector<16xf32>
      %parallel_loop3A_941 = arith.addf %parallel_loop3A_936, %parallel_loop3A_940 : vector<16xf32>
      %parallel_loop3A_942 = arith.index_cast %parallel_loop3A_120 : i32 to index
      %parallel_loop3A_943 = arith.constant 928 : index
      %parallel_loop3A_944 = tpu.vector_load %arg7[%parallel_loop3A_942, %parallel_loop3A_943] {strides = array<i32>} : memref<16x1024xf32, #tpu.memory_space<vmem>>, vector<1x16xf32>,
      %parallel_loop3A_945 = vector.shape_cast %parallel_loop3A_944 : vector<1x16xf32> to vector<16xf32>
      %parallel_loop3A_946 = vector.shape_cast %parallel_loop3A_941 : vector<16xf32> to vector<1x16xf32>
      tpu.vector_store %arg7[%parallel_loop3A_942, %parallel_loop3A_943], %parallel_loop3A_946 {strides = array<i32>} : memref<16x1024xf32, #tpu.memory_space<vmem>>, vector<1x16xf32>,
      %parallel_loop3A_947 = arith.index_cast %parallel_loop3A_120 : i32 to index
      %parallel_loop3A_948 = arith.constant 944 : index
      %parallel_loop3A_949 = tpu.vector_load %arg7[%parallel_loop3A_947, %parallel_loop3A_948] {strides = array<i32>} : memref<16x1024xf32, #tpu.memory_space<vmem>>, vector<1x16xf32>,
      %parallel_loop3A_950 = vector.shape_cast %parallel_loop3A_949 : vector<1x16xf32> to vector<16xf32>
      %parallel_loop3A_951 = arith.index_cast %parallel_loop3A_120 : i32 to index
      %parallel_loop3A_952 = arith.constant 944 : index
      %parallel_loop3A_953 = tpu.vector_load %arg5[%parallel_loop3A_951, %parallel_loop3A_952] {strides = array<i32>} : memref<16x1024xf32, #tpu.memory_space<vmem>>, vector<1x16xf32>,
      %parallel_loop3A_954 = vector.shape_cast %parallel_loop3A_953 : vector<1x16xf32> to vector<16xf32>
      %parallel_loop3A_955 = arith.addf %parallel_loop3A_950, %parallel_loop3A_954 : vector<16xf32>
      %parallel_loop3A_956 = arith.index_cast %parallel_loop3A_120 : i32 to index
      %parallel_loop3A_957 = arith.constant 944 : index
      %parallel_loop3A_958 = tpu.vector_load %arg7[%parallel_loop3A_956, %parallel_loop3A_957] {strides = array<i32>} : memref<16x1024xf32, #tpu.memory_space<vmem>>, vector<1x16xf32>,
      %parallel_loop3A_959 = vector.shape_cast %parallel_loop3A_958 : vector<1x16xf32> to vector<16xf32>
      %parallel_loop3A_960 = vector.shape_cast %parallel_loop3A_955 : vector<16xf32> to vector<1x16xf32>
      tpu.vector_store %arg7[%parallel_loop3A_956, %parallel_loop3A_957], %parallel_loop3A_960 {strides = array<i32>} : memref<16x1024xf32, #tpu.memory_space<vmem>>, vector<1x16xf32>,
      %parallel_loop3A_961 = arith.index_cast %parallel_loop3A_120 : i32 to index
      %parallel_loop3A_962 = arith.constant 960 : index
      %parallel_loop3A_963 = tpu.vector_load %arg7[%parallel_loop3A_961, %parallel_loop3A_962] {strides = array<i32>} : memref<16x1024xf32, #tpu.memory_space<vmem>>, vector<1x16xf32>,
      %parallel_loop3A_964 = vector.shape_cast %parallel_loop3A_963 : vector<1x16xf32> to vector<16xf32>
      %parallel_loop3A_965 = arith.index_cast %parallel_loop3A_120 : i32 to index
      %parallel_loop3A_966 = arith.constant 960 : index
      %parallel_loop3A_967 = tpu.vector_load %arg5[%parallel_loop3A_965, %parallel_loop3A_966] {strides = array<i32>} : memref<16x1024xf32, #tpu.memory_space<vmem>>, vector<1x16xf32>,
      %parallel_loop3A_968 = vector.shape_cast %parallel_loop3A_967 : vector<1x16xf32> to vector<16xf32>
      %parallel_loop3A_969 = arith.addf %parallel_loop3A_964, %parallel_loop3A_968 : vector<16xf32>
      %parallel_loop3A_970 = arith.index_cast %parallel_loop3A_120 : i32 to index
      %parallel_loop3A_971 = arith.constant 960 : index
      %parallel_loop3A_972 = tpu.vector_load %arg7[%parallel_loop3A_970, %parallel_loop3A_971] {strides = array<i32>} : memref<16x1024xf32, #tpu.memory_space<vmem>>, vector<1x16xf32>,
      %parallel_loop3A_973 = vector.shape_cast %parallel_loop3A_972 : vector<1x16xf32> to vector<16xf32>
      %parallel_loop3A_974 = vector.shape_cast %parallel_loop3A_969 : vector<16xf32> to vector<1x16xf32>
      tpu.vector_store %arg7[%parallel_loop3A_970, %parallel_loop3A_971], %parallel_loop3A_974 {strides = array<i32>} : memref<16x1024xf32, #tpu.memory_space<vmem>>, vector<1x16xf32>,
      %parallel_loop3A_975 = arith.index_cast %parallel_loop3A_120 : i32 to index
      %parallel_loop3A_976 = arith.constant 976 : index
      %parallel_loop3A_977 = tpu.vector_load %arg7[%parallel_loop3A_975, %parallel_loop3A_976] {strides = array<i32>} : memref<16x1024xf32, #tpu.memory_space<vmem>>, vector<1x16xf32>,
      %parallel_loop3A_978 = vector.shape_cast %parallel_loop3A_977 : vector<1x16xf32> to vector<16xf32>
      %parallel_loop3A_979 = arith.index_cast %parallel_loop3A_120 : i32 to index
      %parallel_loop3A_980 = arith.constant 976 : index
      %parallel_loop3A_981 = tpu.vector_load %arg5[%parallel_loop3A_979, %parallel_loop3A_980] {strides = array<i32>} : memref<16x1024xf32, #tpu.memory_space<vmem>>, vector<1x16xf32>,
      %parallel_loop3A_982 = vector.shape_cast %parallel_loop3A_981 : vector<1x16xf32> to vector<16xf32>
      %parallel_loop3A_983 = arith.addf %parallel_loop3A_978, %parallel_loop3A_982 : vector<16xf32>
      %parallel_loop3A_984 = arith.index_cast %parallel_loop3A_120 : i32 to index
      %parallel_loop3A_985 = arith.constant 976 : index
      %parallel_loop3A_986 = tpu.vector_load %arg7[%parallel_loop3A_984, %parallel_loop3A_985] {strides = array<i32>} : memref<16x1024xf32, #tpu.memory_space<vmem>>, vector<1x16xf32>,
      %parallel_loop3A_987 = vector.shape_cast %parallel_loop3A_986 : vector<1x16xf32> to vector<16xf32>
      %parallel_loop3A_988 = vector.shape_cast %parallel_loop3A_983 : vector<16xf32> to vector<1x16xf32>
      tpu.vector_store %arg7[%parallel_loop3A_984, %parallel_loop3A_985], %parallel_loop3A_988 {strides = array<i32>} : memref<16x1024xf32, #tpu.memory_space<vmem>>, vector<1x16xf32>,
      %parallel_loop3A_989 = arith.index_cast %parallel_loop3A_120 : i32 to index
      %parallel_loop3A_990 = arith.constant 992 : index
      %parallel_loop3A_991 = tpu.vector_load %arg7[%parallel_loop3A_989, %parallel_loop3A_990] {strides = array<i32>} : memref<16x1024xf32, #tpu.memory_space<vmem>>, vector<1x16xf32>,
      %parallel_loop3A_992 = vector.shape_cast %parallel_loop3A_991 : vector<1x16xf32> to vector<16xf32>
      %parallel_loop3A_993 = arith.index_cast %parallel_loop3A_120 : i32 to index
      %parallel_loop3A_994 = arith.constant 992 : index
      %parallel_loop3A_995 = tpu.vector_load %arg5[%parallel_loop3A_993, %parallel_loop3A_994] {strides = array<i32>} : memref<16x1024xf32, #tpu.memory_space<vmem>>, vector<1x16xf32>,
      %parallel_loop3A_996 = vector.shape_cast %parallel_loop3A_995 : vector<1x16xf32> to vector<16xf32>
      %parallel_loop3A_997 = arith.addf %parallel_loop3A_992, %parallel_loop3A_996 : vector<16xf32>
      %parallel_loop3A_998 = arith.index_cast %parallel_loop3A_120 : i32 to index
      %parallel_loop3A_999 = arith.constant 992 : index
      %parallel_loop3A_1000 = tpu.vector_load %arg7[%parallel_loop3A_998, %parallel_loop3A_999] {strides = array<i32>} : memref<16x1024xf32, #tpu.memory_space<vmem>>, vector<1x16xf32>,
      %parallel_loop3A_1001 = vector.shape_cast %parallel_loop3A_1000 : vector<1x16xf32> to vector<16xf32>
      %parallel_loop3A_1002 = vector.shape_cast %parallel_loop3A_997 : vector<16xf32> to vector<1x16xf32>
      tpu.vector_store %arg7[%parallel_loop3A_998, %parallel_loop3A_999], %parallel_loop3A_1002 {strides = array<i32>} : memref<16x1024xf32, #tpu.memory_space<vmem>>, vector<1x16xf32>,
      %parallel_loop3A_1003 = arith.index_cast %parallel_loop3A_120 : i32 to index
      %parallel_loop3A_1004 = arith.constant 1008 : index
      %parallel_loop3A_1005 = tpu.vector_load %arg7[%parallel_loop3A_1003, %parallel_loop3A_1004] {strides = array<i32>} : memref<16x1024xf32, #tpu.memory_space<vmem>>, vector<1x16xf32>,
      %parallel_loop3A_1006 = vector.shape_cast %parallel_loop3A_1005 : vector<1x16xf32> to vector<16xf32>
      %parallel_loop3A_1007 = arith.index_cast %parallel_loop3A_120 : i32 to index
      %parallel_loop3A_1008 = arith.constant 1008 : index
      %parallel_loop3A_1009 = tpu.vector_load %arg5[%parallel_loop3A_1007, %parallel_loop3A_1008] {strides = array<i32>} : memref<16x1024xf32, #tpu.memory_space<vmem>>, vector<1x16xf32>,
      %parallel_loop3A_1010 = vector.shape_cast %parallel_loop3A_1009 : vector<1x16xf32> to vector<16xf32>
      %parallel_loop3A_1011 = arith.addf %parallel_loop3A_1006, %parallel_loop3A_1010 : vector<16xf32>
      %parallel_loop3A_1012 = arith.index_cast %parallel_loop3A_120 : i32 to index
      %parallel_loop3A_1013 = arith.constant 1008 : index
      %parallel_loop3A_1014 = tpu.vector_load %arg7[%parallel_loop3A_1012, %parallel_loop3A_1013] {strides = array<i32>} : memref<16x1024xf32, #tpu.memory_space<vmem>>, vector<1x16xf32>,
      %parallel_loop3A_1015 = vector.shape_cast %parallel_loop3A_1014 : vector<1x16xf32> to vector<16xf32>
      %parallel_loop3A_1016 = vector.shape_cast %parallel_loop3A_1011 : vector<16xf32> to vector<1x16xf32>
      tpu.vector_store %arg7[%parallel_loop3A_1012, %parallel_loop3A_1013], %parallel_loop3A_1016 {strides = array<i32>} : memref<16x1024xf32, #tpu.memory_space<vmem>>, vector<1x16xf32>,
    } {sc.loop_unroll_factor = 1 : i64, sc.parallel_access}
    %add3A_62 = arith.constant 512 : i32
    %add3A_63 = arith.addi %add3A_62, %mul3A_2 : i32
    %add3A_64 = arith.constant 0 : i32
    %add3A_65 = arith.addi %add3A_63, %add3A_64 : i32
    %dma_start3A_66 = arith.constant 0 : i32
    %dma_start3A_67 = tpu.memref_slice %arg4[%add3A_65, %dma_start3A_66] : memref<2048x1024xf32, #tpu.memory_space<hbm>> -> memref<16x1024xf32, #tpu.memory_space<hbm>>
    %dma_start3A_68 = arith.constant 0 : i32
    %dma_start3A_69 = tpu.memref_slice %arg4[%add3A_65, %dma_start3A_68] : memref<2048x1024xf32, #tpu.memory_space<hbm>> -> memref<16x1024xf32, #tpu.memory_space<hbm>>
    tpu.enqueue_dma source(%arg7 : memref<16x1024xf32, #tpu.memory_space<vmem>>) target(%dma_start3A_69 : memref<16x1024xf32, #tpu.memory_space<hbm>>) target_semaphore(%arg12 : memref<!tpu.dma_semaphore, #tpu.memory_space<semaphore_mem>>)
    %dma_wait3A_70 = arith.constant 0 : i32
    %dma_wait3A_71 = tpu.memref_slice %arg4[%add3A_65, %dma_wait3A_70] : memref<2048x1024xf32, #tpu.memory_space<hbm>> -> memref<16x1024xf32, #tpu.memory_space<hbm>>
    %dma_wait3A_72 = arith.constant 0 : i32
    %dma_wait3A_73 = tpu.memref_slice %arg4[%add3A_65, %dma_wait3A_72] : memref<2048x1024xf32, #tpu.memory_space<hbm>> -> memref<16x1024xf32, #tpu.memory_space<hbm>>
    tpu.wait_dma2 semaphore(%arg12 : memref<!tpu.dma_semaphore, #tpu.memory_space<semaphore_mem>>) src(%arg7 : memref<16x1024xf32, #tpu.memory_space<vmem>>) dst(%dma_wait3A_73 : memref<16x1024xf32, #tpu.memory_space<hbm>>)
    %add3A_74 = arith.constant 15872 : i32
    %add3A_75 = arith.addi %add3A_74, %mul3A_2 : i32
    %add3A_76 = arith.constant 0 : i32
    %add3A_77 = arith.addi %add3A_75, %add3A_76 : i32
    %dma_start3A_78 = arith.constant 0 : i32
    %dma_start3A_79 = tpu.memref_slice %arg2[%add3A_77, %dma_start3A_78] : memref<16384x1024xf32, #tpu.memory_space<hbm>> -> memref<16x1024xf32, #tpu.memory_space<hbm>>
    %dma_start3A_80 = arith.constant 0 : i32
    %dma_start3A_81 = tpu.memref_slice %arg2[%add3A_77, %dma_start3A_80] : memref<16384x1024xf32, #tpu.memory_space<hbm>> -> memref<16x1024xf32, #tpu.memory_space<hbm>>
    tpu.enqueue_dma source(%dma_start3A_81 : memref<16x1024xf32, #tpu.memory_space<hbm>>) target(%arg7 : memref<16x1024xf32, #tpu.memory_space<vmem>>) target_semaphore(%arg10 : memref<!tpu.dma_semaphore, #tpu.memory_space<semaphore_mem>>)
    %dma_wait3A_82 = arith.constant 0 : i32
    %dma_wait3A_83 = tpu.memref_slice %arg2[%add3A_50, %dma_wait3A_82] : memref<16384x1024xf32, #tpu.memory_space<hbm>> -> memref<16x1024xf32, #tpu.memory_space<hbm>>
    %dma_wait3A_84 = arith.constant 0 : i32
    %dma_wait3A_85 = tpu.memref_slice %arg2[%add3A_50, %dma_wait3A_84] : memref<16384x1024xf32, #tpu.memory_space<hbm>> -> memref<16x1024xf32, #tpu.memory_space<hbm>>
    tpu.wait_dma2 semaphore(%arg9 : memref<!tpu.dma_semaphore, #tpu.memory_space<semaphore_mem>>) src(%dma_wait3A_85 : memref<16x1024xf32, #tpu.memory_space<hbm>>) dst(%arg6 : memref<16x1024xf32, #tpu.memory_space<vmem>>)
    %parallel_loop3A_86 = arith.constant 0 : i32
    %parallel_loop3A_87 = arith.constant 16 : i32
    %parallel_loop3A_88 = arith.constant 1 : i32
    scf.for %parallel_loop3A_120 = %parallel_loop3A_86 to %parallel_loop3A_87 step %parallel_loop3A_88  : i32 {
      %parallel_loop3A_121 = arith.index_cast %parallel_loop3A_120 : i32 to index
      %parallel_loop3A_122 = arith.constant 0 : index
      %parallel_loop3A_123 = tpu.vector_load %arg6[%parallel_loop3A_121, %parallel_loop3A_122] {strides = array<i32>} : memref<16x1024xf32, #tpu.memory_space<vmem>>, vector<1x16xf32>,
      %parallel_loop3A_124 = vector.shape_cast %parallel_loop3A_123 : vector<1x16xf32> to vector<16xf32>
      %parallel_loop3A_125 = arith.index_cast %parallel_loop3A_120 : i32 to index
      %parallel_loop3A_126 = arith.constant 0 : index
      %parallel_loop3A_127 = tpu.vector_load %arg5[%parallel_loop3A_125, %parallel_loop3A_126] {strides = array<i32>} : memref<16x1024xf32, #tpu.memory_space<vmem>>, vector<1x16xf32>,
      %parallel_loop3A_128 = vector.shape_cast %parallel_loop3A_127 : vector<1x16xf32> to vector<16xf32>
      %parallel_loop3A_129 = arith.addf %parallel_loop3A_124, %parallel_loop3A_128 : vector<16xf32>
      %parallel_loop3A_130 = arith.index_cast %parallel_loop3A_120 : i32 to index
      %parallel_loop3A_131 = arith.constant 0 : index
      %parallel_loop3A_132 = tpu.vector_load %arg6[%parallel_loop3A_130, %parallel_loop3A_131] {strides = array<i32>} : memref<16x1024xf32, #tpu.memory_space<vmem>>, vector<1x16xf32>,
      %parallel_loop3A_133 = vector.shape_cast %parallel_loop3A_132 : vector<1x16xf32> to vector<16xf32>
      %parallel_loop3A_134 = vector.shape_cast %parallel_loop3A_129 : vector<16xf32> to vector<1x16xf32>
      tpu.vector_store %arg6[%parallel_loop3A_130, %parallel_loop3A_131], %parallel_loop3A_134 {strides = array<i32>} : memref<16x1024xf32, #tpu.memory_space<vmem>>, vector<1x16xf32>,
      %parallel_loop3A_135 = arith.index_cast %parallel_loop3A_120 : i32 to index
      %parallel_loop3A_136 = arith.constant 16 : index
      %parallel_loop3A_137 = tpu.vector_load %arg6[%parallel_loop3A_135, %parallel_loop3A_136] {strides = array<i32>} : memref<16x1024xf32, #tpu.memory_space<vmem>>, vector<1x16xf32>,
      %parallel_loop3A_138 = vector.shape_cast %parallel_loop3A_137 : vector<1x16xf32> to vector<16xf32>
      %parallel_loop3A_139 = arith.index_cast %parallel_loop3A_120 : i32 to index
      %parallel_loop3A_140 = arith.constant 16 : index
      %parallel_loop3A_141 = tpu.vector_load %arg5[%parallel_loop3A_139, %parallel_loop3A_140] {strides = array<i32>} : memref<16x1024xf32, #tpu.memory_space<vmem>>, vector<1x16xf32>,
      %parallel_loop3A_142 = vector.shape_cast %parallel_loop3A_141 : vector<1x16xf32> to vector<16xf32>
      %parallel_loop3A_143 = arith.addf %parallel_loop3A_138, %parallel_loop3A_142 : vector<16xf32>
      %parallel_loop3A_144 = arith.index_cast %parallel_loop3A_120 : i32 to index
      %parallel_loop3A_145 = arith.constant 16 : index
      %parallel_loop3A_146 = tpu.vector_load %arg6[%parallel_loop3A_144, %parallel_loop3A_145] {strides = array<i32>} : memref<16x1024xf32, #tpu.memory_space<vmem>>, vector<1x16xf32>,
      %parallel_loop3A_147 = vector.shape_cast %parallel_loop3A_146 : vector<1x16xf32> to vector<16xf32>
      %parallel_loop3A_148 = vector.shape_cast %parallel_loop3A_143 : vector<16xf32> to vector<1x16xf32>
      tpu.vector_store %arg6[%parallel_loop3A_144, %parallel_loop3A_145], %parallel_loop3A_148 {strides = array<i32>} : memref<16x1024xf32, #tpu.memory_space<vmem>>, vector<1x16xf32>,
      %parallel_loop3A_149 = arith.index_cast %parallel_loop3A_120 : i32 to index
      %parallel_loop3A_150 = arith.constant 32 : index
      %parallel_loop3A_151 = tpu.vector_load %arg6[%parallel_loop3A_149, %parallel_loop3A_150] {strides = array<i32>} : memref<16x1024xf32, #tpu.memory_space<vmem>>, vector<1x16xf32>,
      %parallel_loop3A_152 = vector.shape_cast %parallel_loop3A_151 : vector<1x16xf32> to vector<16xf32>
      %parallel_loop3A_153 = arith.index_cast %parallel_loop3A_120 : i32 to index
      %parallel_loop3A_154 = arith.constant 32 : index
      %parallel_loop3A_155 = tpu.vector_load %arg5[%parallel_loop3A_153, %parallel_loop3A_154] {strides = array<i32>} : memref<16x1024xf32, #tpu.memory_space<vmem>>, vector<1x16xf32>,
      %parallel_loop3A_156 = vector.shape_cast %parallel_loop3A_155 : vector<1x16xf32> to vector<16xf32>
      %parallel_loop3A_157 = arith.addf %parallel_loop3A_152, %parallel_loop3A_156 : vector<16xf32>
      %parallel_loop3A_158 = arith.index_cast %parallel_loop3A_120 : i32 to index
      %parallel_loop3A_159 = arith.constant 32 : index
      %parallel_loop3A_160 = tpu.vector_load %arg6[%parallel_loop3A_158, %parallel_loop3A_159] {strides = array<i32>} : memref<16x1024xf32, #tpu.memory_space<vmem>>, vector<1x16xf32>,
      %parallel_loop3A_161 = vector.shape_cast %parallel_loop3A_160 : vector<1x16xf32> to vector<16xf32>
      %parallel_loop3A_162 = vector.shape_cast %parallel_loop3A_157 : vector<16xf32> to vector<1x16xf32>
      tpu.vector_store %arg6[%parallel_loop3A_158, %parallel_loop3A_159], %parallel_loop3A_162 {strides = array<i32>} : memref<16x1024xf32, #tpu.memory_space<vmem>>, vector<1x16xf32>,
      %parallel_loop3A_163 = arith.index_cast %parallel_loop3A_120 : i32 to index
      %parallel_loop3A_164 = arith.constant 48 : index
      %parallel_loop3A_165 = tpu.vector_load %arg6[%parallel_loop3A_163, %parallel_loop3A_164] {strides = array<i32>} : memref<16x1024xf32, #tpu.memory_space<vmem>>, vector<1x16xf32>,
      %parallel_loop3A_166 = vector.shape_cast %parallel_loop3A_165 : vector<1x16xf32> to vector<16xf32>
      %parallel_loop3A_167 = arith.index_cast %parallel_loop3A_120 : i32 to index
      %parallel_loop3A_168 = arith.constant 48 : index
      %parallel_loop3A_169 = tpu.vector_load %arg5[%parallel_loop3A_167, %parallel_loop3A_168] {strides = array<i32>} : memref<16x1024xf32, #tpu.memory_space<vmem>>, vector<1x16xf32>,
      %parallel_loop3A_170 = vector.shape_cast %parallel_loop3A_169 : vector<1x16xf32> to vector<16xf32>
      %parallel_loop3A_171 = arith.addf %parallel_loop3A_166, %parallel_loop3A_170 : vector<16xf32>
      %parallel_loop3A_172 = arith.index_cast %parallel_loop3A_120 : i32 to index
      %parallel_loop3A_173 = arith.constant 48 : index
      %parallel_loop3A_174 = tpu.vector_load %arg6[%parallel_loop3A_172, %parallel_loop3A_173] {strides = array<i32>} : memref<16x1024xf32, #tpu.memory_space<vmem>>, vector<1x16xf32>,
      %parallel_loop3A_175 = vector.shape_cast %parallel_loop3A_174 : vector<1x16xf32> to vector<16xf32>
      %parallel_loop3A_176 = vector.shape_cast %parallel_loop3A_171 : vector<16xf32> to vector<1x16xf32>
      tpu.vector_store %arg6[%parallel_loop3A_172, %parallel_loop3A_173], %parallel_loop3A_176 {strides = array<i32>} : memref<16x1024xf32, #tpu.memory_space<vmem>>, vector<1x16xf32>,
      %parallel_loop3A_177 = arith.index_cast %parallel_loop3A_120 : i32 to index
      %parallel_loop3A_178 = arith.constant 64 : index
      %parallel_loop3A_179 = tpu.vector_load %arg6[%parallel_loop3A_177, %parallel_loop3A_178] {strides = array<i32>} : memref<16x1024xf32, #tpu.memory_space<vmem>>, vector<1x16xf32>,
      %parallel_loop3A_180 = vector.shape_cast %parallel_loop3A_179 : vector<1x16xf32> to vector<16xf32>
      %parallel_loop3A_181 = arith.index_cast %parallel_loop3A_120 : i32 to index
      %parallel_loop3A_182 = arith.constant 64 : index
      %parallel_loop3A_183 = tpu.vector_load %arg5[%parallel_loop3A_181, %parallel_loop3A_182] {strides = array<i32>} : memref<16x1024xf32, #tpu.memory_space<vmem>>, vector<1x16xf32>,
      %parallel_loop3A_184 = vector.shape_cast %parallel_loop3A_183 : vector<1x16xf32> to vector<16xf32>
      %parallel_loop3A_185 = arith.addf %parallel_loop3A_180, %parallel_loop3A_184 : vector<16xf32>
      %parallel_loop3A_186 = arith.index_cast %parallel_loop3A_120 : i32 to index
      %parallel_loop3A_187 = arith.constant 64 : index
      %parallel_loop3A_188 = tpu.vector_load %arg6[%parallel_loop3A_186, %parallel_loop3A_187] {strides = array<i32>} : memref<16x1024xf32, #tpu.memory_space<vmem>>, vector<1x16xf32>,
      %parallel_loop3A_189 = vector.shape_cast %parallel_loop3A_188 : vector<1x16xf32> to vector<16xf32>
      %parallel_loop3A_190 = vector.shape_cast %parallel_loop3A_185 : vector<16xf32> to vector<1x16xf32>
      tpu.vector_store %arg6[%parallel_loop3A_186, %parallel_loop3A_187], %parallel_loop3A_190 {strides = array<i32>} : memref<16x1024xf32, #tpu.memory_space<vmem>>, vector<1x16xf32>,
      %parallel_loop3A_191 = arith.index_cast %parallel_loop3A_120 : i32 to index
      %parallel_loop3A_192 = arith.constant 80 : index
      %parallel_loop3A_193 = tpu.vector_load %arg6[%parallel_loop3A_191, %parallel_loop3A_192] {strides = array<i32>} : memref<16x1024xf32, #tpu.memory_space<vmem>>, vector<1x16xf32>,
      %parallel_loop3A_194 = vector.shape_cast %parallel_loop3A_193 : vector<1x16xf32> to vector<16xf32>
      %parallel_loop3A_195 = arith.index_cast %parallel_loop3A_120 : i32 to index
      %parallel_loop3A_196 = arith.constant 80 : index
      %parallel_loop3A_197 = tpu.vector_load %arg5[%parallel_loop3A_195, %parallel_loop3A_196] {strides = array<i32>} : memref<16x1024xf32, #tpu.memory_space<vmem>>, vector<1x16xf32>,
      %parallel_loop3A_198 = vector.shape_cast %parallel_loop3A_197 : vector<1x16xf32> to vector<16xf32>
      %parallel_loop3A_199 = arith.addf %parallel_loop3A_194, %parallel_loop3A_198 : vector<16xf32>
      %parallel_loop3A_200 = arith.index_cast %parallel_loop3A_120 : i32 to index
      %parallel_loop3A_201 = arith.constant 80 : index
      %parallel_loop3A_202 = tpu.vector_load %arg6[%parallel_loop3A_200, %parallel_loop3A_201] {strides = array<i32>} : memref<16x1024xf32, #tpu.memory_space<vmem>>, vector<1x16xf32>,
      %parallel_loop3A_203 = vector.shape_cast %parallel_loop3A_202 : vector<1x16xf32> to vector<16xf32>
      %parallel_loop3A_204 = vector.shape_cast %parallel_loop3A_199 : vector<16xf32> to vector<1x16xf32>
      tpu.vector_store %arg6[%parallel_loop3A_200, %parallel_loop3A_201], %parallel_loop3A_204 {strides = array<i32>} : memref<16x1024xf32, #tpu.memory_space<vmem>>, vector<1x16xf32>,
      %parallel_loop3A_205 = arith.index_cast %parallel_loop3A_120 : i32 to index
      %parallel_loop3A_206 = arith.constant 96 : index
      %parallel_loop3A_207 = tpu.vector_load %arg6[%parallel_loop3A_205, %parallel_loop3A_206] {strides = array<i32>} : memref<16x1024xf32, #tpu.memory_space<vmem>>, vector<1x16xf32>,
      %parallel_loop3A_208 = vector.shape_cast %parallel_loop3A_207 : vector<1x16xf32> to vector<16xf32>
      %parallel_loop3A_209 = arith.index_cast %parallel_loop3A_120 : i32 to index
      %parallel_loop3A_210 = arith.constant 96 : index
      %parallel_loop3A_211 = tpu.vector_load %arg5[%parallel_loop3A_209, %parallel_loop3A_210] {strides = array<i32>} : memref<16x1024xf32, #tpu.memory_space<vmem>>, vector<1x16xf32>,
      %parallel_loop3A_212 = vector.shape_cast %parallel_loop3A_211 : vector<1x16xf32> to vector<16xf32>
      %parallel_loop3A_213 = arith.addf %parallel_loop3A_208, %parallel_loop3A_212 : vector<16xf32>
      %parallel_loop3A_214 = arith.index_cast %parallel_loop3A_120 : i32 to index
      %parallel_loop3A_215 = arith.constant 96 : index
      %parallel_loop3A_216 = tpu.vector_load %arg6[%parallel_loop3A_214, %parallel_loop3A_215] {strides = array<i32>} : memref<16x1024xf32, #tpu.memory_space<vmem>>, vector<1x16xf32>,
      %parallel_loop3A_217 = vector.shape_cast %parallel_loop3A_216 : vector<1x16xf32> to vector<16xf32>
      %parallel_loop3A_218 = vector.shape_cast %parallel_loop3A_213 : vector<16xf32> to vector<1x16xf32>
      tpu.vector_store %arg6[%parallel_loop3A_214, %parallel_loop3A_215], %parallel_loop3A_218 {strides = array<i32>} : memref<16x1024xf32, #tpu.memory_space<vmem>>, vector<1x16xf32>,
      %parallel_loop3A_219 = arith.index_cast %parallel_loop3A_120 : i32 to index
      %parallel_loop3A_220 = arith.constant 112 : index
      %parallel_loop3A_221 = tpu.vector_load %arg6[%parallel_loop3A_219, %parallel_loop3A_220] {strides = array<i32>} : memref<16x1024xf32, #tpu.memory_space<vmem>>, vector<1x16xf32>,
      %parallel_loop3A_222 = vector.shape_cast %parallel_loop3A_221 : vector<1x16xf32> to vector<16xf32>
      %parallel_loop3A_223 = arith.index_cast %parallel_loop3A_120 : i32 to index
      %parallel_loop3A_224 = arith.constant 112 : index
      %parallel_loop3A_225 = tpu.vector_load %arg5[%parallel_loop3A_223, %parallel_loop3A_224] {strides = array<i32>} : memref<16x1024xf32, #tpu.memory_space<vmem>>, vector<1x16xf32>,
      %parallel_loop3A_226 = vector.shape_cast %parallel_loop3A_225 : vector<1x16xf32> to vector<16xf32>
      %parallel_loop3A_227 = arith.addf %parallel_loop3A_222, %parallel_loop3A_226 : vector<16xf32>
      %parallel_loop3A_228 = arith.index_cast %parallel_loop3A_120 : i32 to index
      %parallel_loop3A_229 = arith.constant 112 : index
      %parallel_loop3A_230 = tpu.vector_load %arg6[%parallel_loop3A_228, %parallel_loop3A_229] {strides = array<i32>} : memref<16x1024xf32, #tpu.memory_space<vmem>>, vector<1x16xf32>,
      %parallel_loop3A_231 = vector.shape_cast %parallel_loop3A_230 : vector<1x16xf32> to vector<16xf32>
      %parallel_loop3A_232 = vector.shape_cast %parallel_loop3A_227 : vector<16xf32> to vector<1x16xf32>
      tpu.vector_store %arg6[%parallel_loop3A_228, %parallel_loop3A_229], %parallel_loop3A_232 {strides = array<i32>} : memref<16x1024xf32, #tpu.memory_space<vmem>>, vector<1x16xf32>,
      %parallel_loop3A_233 = arith.index_cast %parallel_loop3A_120 : i32 to index
      %parallel_loop3A_234 = arith.constant 128 : index
      %parallel_loop3A_235 = tpu.vector_load %arg6[%parallel_loop3A_233, %parallel_loop3A_234] {strides = array<i32>} : memref<16x1024xf32, #tpu.memory_space<vmem>>, vector<1x16xf32>,
      %parallel_loop3A_236 = vector.shape_cast %parallel_loop3A_235 : vector<1x16xf32> to vector<16xf32>
      %parallel_loop3A_237 = arith.index_cast %parallel_loop3A_120 : i32 to index
      %parallel_loop3A_238 = arith.constant 128 : index
      %parallel_loop3A_239 = tpu.vector_load %arg5[%parallel_loop3A_237, %parallel_loop3A_238] {strides = array<i32>} : memref<16x1024xf32, #tpu.memory_space<vmem>>, vector<1x16xf32>,
      %parallel_loop3A_240 = vector.shape_cast %parallel_loop3A_239 : vector<1x16xf32> to vector<16xf32>
      %parallel_loop3A_241 = arith.addf %parallel_loop3A_236, %parallel_loop3A_240 : vector<16xf32>
      %parallel_loop3A_242 = arith.index_cast %parallel_loop3A_120 : i32 to index
      %parallel_loop3A_243 = arith.constant 128 : index
      %parallel_loop3A_244 = tpu.vector_load %arg6[%parallel_loop3A_242, %parallel_loop3A_243] {strides = array<i32>} : memref<16x1024xf32, #tpu.memory_space<vmem>>, vector<1x16xf32>,
      %parallel_loop3A_245 = vector.shape_cast %parallel_loop3A_244 : vector<1x16xf32> to vector<16xf32>
      %parallel_loop3A_246 = vector.shape_cast %parallel_loop3A_241 : vector<16xf32> to vector<1x16xf32>
      tpu.vector_store %arg6[%parallel_loop3A_242, %parallel_loop3A_243], %parallel_loop3A_246 {strides = array<i32>} : memref<16x1024xf32, #tpu.memory_space<vmem>>, vector<1x16xf32>,
      %parallel_loop3A_247 = arith.index_cast %parallel_loop3A_120 : i32 to index
      %parallel_loop3A_248 = arith.constant 144 : index
      %parallel_loop3A_249 = tpu.vector_load %arg6[%parallel_loop3A_247, %parallel_loop3A_248] {strides = array<i32>} : memref<16x1024xf32, #tpu.memory_space<vmem>>, vector<1x16xf32>,
      %parallel_loop3A_250 = vector.shape_cast %parallel_loop3A_249 : vector<1x16xf32> to vector<16xf32>
      %parallel_loop3A_251 = arith.index_cast %parallel_loop3A_120 : i32 to index
      %parallel_loop3A_252 = arith.constant 144 : index
      %parallel_loop3A_253 = tpu.vector_load %arg5[%parallel_loop3A_251, %parallel_loop3A_252] {strides = array<i32>} : memref<16x1024xf32, #tpu.memory_space<vmem>>, vector<1x16xf32>,
      %parallel_loop3A_254 = vector.shape_cast %parallel_loop3A_253 : vector<1x16xf32> to vector<16xf32>
      %parallel_loop3A_255 = arith.addf %parallel_loop3A_250, %parallel_loop3A_254 : vector<16xf32>
      %parallel_loop3A_256 = arith.index_cast %parallel_loop3A_120 : i32 to index
      %parallel_loop3A_257 = arith.constant 144 : index
      %parallel_loop3A_258 = tpu.vector_load %arg6[%parallel_loop3A_256, %parallel_loop3A_257] {strides = array<i32>} : memref<16x1024xf32, #tpu.memory_space<vmem>>, vector<1x16xf32>,
      %parallel_loop3A_259 = vector.shape_cast %parallel_loop3A_258 : vector<1x16xf32> to vector<16xf32>
      %parallel_loop3A_260 = vector.shape_cast %parallel_loop3A_255 : vector<16xf32> to vector<1x16xf32>
      tpu.vector_store %arg6[%parallel_loop3A_256, %parallel_loop3A_257], %parallel_loop3A_260 {strides = array<i32>} : memref<16x1024xf32, #tpu.memory_space<vmem>>, vector<1x16xf32>,
      %parallel_loop3A_261 = arith.index_cast %parallel_loop3A_120 : i32 to index
      %parallel_loop3A_262 = arith.constant 160 : index
      %parallel_loop3A_263 = tpu.vector_load %arg6[%parallel_loop3A_261, %parallel_loop3A_262] {strides = array<i32>} : memref<16x1024xf32, #tpu.memory_space<vmem>>, vector<1x16xf32>,
      %parallel_loop3A_264 = vector.shape_cast %parallel_loop3A_263 : vector<1x16xf32> to vector<16xf32>
      %parallel_loop3A_265 = arith.index_cast %parallel_loop3A_120 : i32 to index
      %parallel_loop3A_266 = arith.constant 160 : index
      %parallel_loop3A_267 = tpu.vector_load %arg5[%parallel_loop3A_265, %parallel_loop3A_266] {strides = array<i32>} : memref<16x1024xf32, #tpu.memory_space<vmem>>, vector<1x16xf32>,
      %parallel_loop3A_268 = vector.shape_cast %parallel_loop3A_267 : vector<1x16xf32> to vector<16xf32>
      %parallel_loop3A_269 = arith.addf %parallel_loop3A_264, %parallel_loop3A_268 : vector<16xf32>
      %parallel_loop3A_270 = arith.index_cast %parallel_loop3A_120 : i32 to index
      %parallel_loop3A_271 = arith.constant 160 : index
      %parallel_loop3A_272 = tpu.vector_load %arg6[%parallel_loop3A_270, %parallel_loop3A_271] {strides = array<i32>} : memref<16x1024xf32, #tpu.memory_space<vmem>>, vector<1x16xf32>,
      %parallel_loop3A_273 = vector.shape_cast %parallel_loop3A_272 : vector<1x16xf32> to vector<16xf32>
      %parallel_loop3A_274 = vector.shape_cast %parallel_loop3A_269 : vector<16xf32> to vector<1x16xf32>
      tpu.vector_store %arg6[%parallel_loop3A_270, %parallel_loop3A_271], %parallel_loop3A_274 {strides = array<i32>} : memref<16x1024xf32, #tpu.memory_space<vmem>>, vector<1x16xf32>,
      %parallel_loop3A_275 = arith.index_cast %parallel_loop3A_120 : i32 to index
      %parallel_loop3A_276 = arith.constant 176 : index
      %parallel_loop3A_277 = tpu.vector_load %arg6[%parallel_loop3A_275, %parallel_loop3A_276] {strides = array<i32>} : memref<16x1024xf32, #tpu.memory_space<vmem>>, vector<1x16xf32>,
      %parallel_loop3A_278 = vector.shape_cast %parallel_loop3A_277 : vector<1x16xf32> to vector<16xf32>
      %parallel_loop3A_279 = arith.index_cast %parallel_loop3A_120 : i32 to index
      %parallel_loop3A_280 = arith.constant 176 : index
      %parallel_loop3A_281 = tpu.vector_load %arg5[%parallel_loop3A_279, %parallel_loop3A_280] {strides = array<i32>} : memref<16x1024xf32, #tpu.memory_space<vmem>>, vector<1x16xf32>,
      %parallel_loop3A_282 = vector.shape_cast %parallel_loop3A_281 : vector<1x16xf32> to vector<16xf32>
      %parallel_loop3A_283 = arith.addf %parallel_loop3A_278, %parallel_loop3A_282 : vector<16xf32>
      %parallel_loop3A_284 = arith.index_cast %parallel_loop3A_120 : i32 to index
      %parallel_loop3A_285 = arith.constant 176 : index
      %parallel_loop3A_286 = tpu.vector_load %arg6[%parallel_loop3A_284, %parallel_loop3A_285] {strides = array<i32>} : memref<16x1024xf32, #tpu.memory_space<vmem>>, vector<1x16xf32>,
      %parallel_loop3A_287 = vector.shape_cast %parallel_loop3A_286 : vector<1x16xf32> to vector<16xf32>
      %parallel_loop3A_288 = vector.shape_cast %parallel_loop3A_283 : vector<16xf32> to vector<1x16xf32>
      tpu.vector_store %arg6[%parallel_loop3A_284, %parallel_loop3A_285], %parallel_loop3A_288 {strides = array<i32>} : memref<16x1024xf32, #tpu.memory_space<vmem>>, vector<1x16xf32>,
      %parallel_loop3A_289 = arith.index_cast %parallel_loop3A_120 : i32 to index
      %parallel_loop3A_290 = arith.constant 192 : index
      %parallel_loop3A_291 = tpu.vector_load %arg6[%parallel_loop3A_289, %parallel_loop3A_290] {strides = array<i32>} : memref<16x1024xf32, #tpu.memory_space<vmem>>, vector<1x16xf32>,
      %parallel_loop3A_292 = vector.shape_cast %parallel_loop3A_291 : vector<1x16xf32> to vector<16xf32>
      %parallel_loop3A_293 = arith.index_cast %parallel_loop3A_120 : i32 to index
      %parallel_loop3A_294 = arith.constant 192 : index
      %parallel_loop3A_295 = tpu.vector_load %arg5[%parallel_loop3A_293, %parallel_loop3A_294] {strides = array<i32>} : memref<16x1024xf32, #tpu.memory_space<vmem>>, vector<1x16xf32>,
      %parallel_loop3A_296 = vector.shape_cast %parallel_loop3A_295 : vector<1x16xf32> to vector<16xf32>
      %parallel_loop3A_297 = arith.addf %parallel_loop3A_292, %parallel_loop3A_296 : vector<16xf32>
      %parallel_loop3A_298 = arith.index_cast %parallel_loop3A_120 : i32 to index
      %parallel_loop3A_299 = arith.constant 192 : index
      %parallel_loop3A_300 = tpu.vector_load %arg6[%parallel_loop3A_298, %parallel_loop3A_299] {strides = array<i32>} : memref<16x1024xf32, #tpu.memory_space<vmem>>, vector<1x16xf32>,
      %parallel_loop3A_301 = vector.shape_cast %parallel_loop3A_300 : vector<1x16xf32> to vector<16xf32>
      %parallel_loop3A_302 = vector.shape_cast %parallel_loop3A_297 : vector<16xf32> to vector<1x16xf32>
      tpu.vector_store %arg6[%parallel_loop3A_298, %parallel_loop3A_299], %parallel_loop3A_302 {strides = array<i32>} : memref<16x1024xf32, #tpu.memory_space<vmem>>, vector<1x16xf32>,
      %parallel_loop3A_303 = arith.index_cast %parallel_loop3A_120 : i32 to index
      %parallel_loop3A_304 = arith.constant 208 : index
      %parallel_loop3A_305 = tpu.vector_load %arg6[%parallel_loop3A_303, %parallel_loop3A_304] {strides = array<i32>} : memref<16x1024xf32, #tpu.memory_space<vmem>>, vector<1x16xf32>,
      %parallel_loop3A_306 = vector.shape_cast %parallel_loop3A_305 : vector<1x16xf32> to vector<16xf32>
      %parallel_loop3A_307 = arith.index_cast %parallel_loop3A_120 : i32 to index
      %parallel_loop3A_308 = arith.constant 208 : index
      %parallel_loop3A_309 = tpu.vector_load %arg5[%parallel_loop3A_307, %parallel_loop3A_308] {strides = array<i32>} : memref<16x1024xf32, #tpu.memory_space<vmem>>, vector<1x16xf32>,
      %parallel_loop3A_310 = vector.shape_cast %parallel_loop3A_309 : vector<1x16xf32> to vector<16xf32>
      %parallel_loop3A_311 = arith.addf %parallel_loop3A_306, %parallel_loop3A_310 : vector<16xf32>
      %parallel_loop3A_312 = arith.index_cast %parallel_loop3A_120 : i32 to index
      %parallel_loop3A_313 = arith.constant 208 : index
      %parallel_loop3A_314 = tpu.vector_load %arg6[%parallel_loop3A_312, %parallel_loop3A_313] {strides = array<i32>} : memref<16x1024xf32, #tpu.memory_space<vmem>>, vector<1x16xf32>,
      %parallel_loop3A_315 = vector.shape_cast %parallel_loop3A_314 : vector<1x16xf32> to vector<16xf32>
      %parallel_loop3A_316 = vector.shape_cast %parallel_loop3A_311 : vector<16xf32> to vector<1x16xf32>
      tpu.vector_store %arg6[%parallel_loop3A_312, %parallel_loop3A_313], %parallel_loop3A_316 {strides = array<i32>} : memref<16x1024xf32, #tpu.memory_space<vmem>>, vector<1x16xf32>,
      %parallel_loop3A_317 = arith.index_cast %parallel_loop3A_120 : i32 to index
      %parallel_loop3A_318 = arith.constant 224 : index
      %parallel_loop3A_319 = tpu.vector_load %arg6[%parallel_loop3A_317, %parallel_loop3A_318] {strides = array<i32>} : memref<16x1024xf32, #tpu.memory_space<vmem>>, vector<1x16xf32>,
      %parallel_loop3A_320 = vector.shape_cast %parallel_loop3A_319 : vector<1x16xf32> to vector<16xf32>
      %parallel_loop3A_321 = arith.index_cast %parallel_loop3A_120 : i32 to index
      %parallel_loop3A_322 = arith.constant 224 : index
      %parallel_loop3A_323 = tpu.vector_load %arg5[%parallel_loop3A_321, %parallel_loop3A_322] {strides = array<i32>} : memref<16x1024xf32, #tpu.memory_space<vmem>>, vector<1x16xf32>,
      %parallel_loop3A_324 = vector.shape_cast %parallel_loop3A_323 : vector<1x16xf32> to vector<16xf32>
      %parallel_loop3A_325 = arith.addf %parallel_loop3A_320, %parallel_loop3A_324 : vector<16xf32>
      %parallel_loop3A_326 = arith.index_cast %parallel_loop3A_120 : i32 to index
      %parallel_loop3A_327 = arith.constant 224 : index
      %parallel_loop3A_328 = tpu.vector_load %arg6[%parallel_loop3A_326, %parallel_loop3A_327] {strides = array<i32>} : memref<16x1024xf32, #tpu.memory_space<vmem>>, vector<1x16xf32>,
      %parallel_loop3A_329 = vector.shape_cast %parallel_loop3A_328 : vector<1x16xf32> to vector<16xf32>
      %parallel_loop3A_330 = vector.shape_cast %parallel_loop3A_325 : vector<16xf32> to vector<1x16xf32>
      tpu.vector_store %arg6[%parallel_loop3A_326, %parallel_loop3A_327], %parallel_loop3A_330 {strides = array<i32>} : memref<16x1024xf32, #tpu.memory_space<vmem>>, vector<1x16xf32>,
      %parallel_loop3A_331 = arith.index_cast %parallel_loop3A_120 : i32 to index
      %parallel_loop3A_332 = arith.constant 240 : index
      %parallel_loop3A_333 = tpu.vector_load %arg6[%parallel_loop3A_331, %parallel_loop3A_332] {strides = array<i32>} : memref<16x1024xf32, #tpu.memory_space<vmem>>, vector<1x16xf32>,
      %parallel_loop3A_334 = vector.shape_cast %parallel_loop3A_333 : vector<1x16xf32> to vector<16xf32>
      %parallel_loop3A_335 = arith.index_cast %parallel_loop3A_120 : i32 to index
      %parallel_loop3A_336 = arith.constant 240 : index
      %parallel_loop3A_337 = tpu.vector_load %arg5[%parallel_loop3A_335, %parallel_loop3A_336] {strides = array<i32>} : memref<16x1024xf32, #tpu.memory_space<vmem>>, vector<1x16xf32>,
      %parallel_loop3A_338 = vector.shape_cast %parallel_loop3A_337 : vector<1x16xf32> to vector<16xf32>
      %parallel_loop3A_339 = arith.addf %parallel_loop3A_334, %parallel_loop3A_338 : vector<16xf32>
      %parallel_loop3A_340 = arith.index_cast %parallel_loop3A_120 : i32 to index
      %parallel_loop3A_341 = arith.constant 240 : index
      %parallel_loop3A_342 = tpu.vector_load %arg6[%parallel_loop3A_340, %parallel_loop3A_341] {strides = array<i32>} : memref<16x1024xf32, #tpu.memory_space<vmem>>, vector<1x16xf32>,
      %parallel_loop3A_343 = vector.shape_cast %parallel_loop3A_342 : vector<1x16xf32> to vector<16xf32>
      %parallel_loop3A_344 = vector.shape_cast %parallel_loop3A_339 : vector<16xf32> to vector<1x16xf32>
      tpu.vector_store %arg6[%parallel_loop3A_340, %parallel_loop3A_341], %parallel_loop3A_344 {strides = array<i32>} : memref<16x1024xf32, #tpu.memory_space<vmem>>, vector<1x16xf32>,
      %parallel_loop3A_345 = arith.index_cast %parallel_loop3A_120 : i32 to index
      %parallel_loop3A_346 = arith.constant 256 : index
      %parallel_loop3A_347 = tpu.vector_load %arg6[%parallel_loop3A_345, %parallel_loop3A_346] {strides = array<i32>} : memref<16x1024xf32, #tpu.memory_space<vmem>>, vector<1x16xf32>,
      %parallel_loop3A_348 = vector.shape_cast %parallel_loop3A_347 : vector<1x16xf32> to vector<16xf32>
      %parallel_loop3A_349 = arith.index_cast %parallel_loop3A_120 : i32 to index
      %parallel_loop3A_350 = arith.constant 256 : index
      %parallel_loop3A_351 = tpu.vector_load %arg5[%parallel_loop3A_349, %parallel_loop3A_350] {strides = array<i32>} : memref<16x1024xf32, #tpu.memory_space<vmem>>, vector<1x16xf32>,
      %parallel_loop3A_352 = vector.shape_cast %parallel_loop3A_351 : vector<1x16xf32> to vector<16xf32>
      %parallel_loop3A_353 = arith.addf %parallel_loop3A_348, %parallel_loop3A_352 : vector<16xf32>
      %parallel_loop3A_354 = arith.index_cast %parallel_loop3A_120 : i32 to index
      %parallel_loop3A_355 = arith.constant 256 : index
      %parallel_loop3A_356 = tpu.vector_load %arg6[%parallel_loop3A_354, %parallel_loop3A_355] {strides = array<i32>} : memref<16x1024xf32, #tpu.memory_space<vmem>>, vector<1x16xf32>,
      %parallel_loop3A_357 = vector.shape_cast %parallel_loop3A_356 : vector<1x16xf32> to vector<16xf32>
      %parallel_loop3A_358 = vector.shape_cast %parallel_loop3A_353 : vector<16xf32> to vector<1x16xf32>
      tpu.vector_store %arg6[%parallel_loop3A_354, %parallel_loop3A_355], %parallel_loop3A_358 {strides = array<i32>} : memref<16x1024xf32, #tpu.memory_space<vmem>>, vector<1x16xf32>,
      %parallel_loop3A_359 = arith.index_cast %parallel_loop3A_120 : i32 to index
      %parallel_loop3A_360 = arith.constant 272 : index
      %parallel_loop3A_361 = tpu.vector_load %arg6[%parallel_loop3A_359, %parallel_loop3A_360] {strides = array<i32>} : memref<16x1024xf32, #tpu.memory_space<vmem>>, vector<1x16xf32>,
      %parallel_loop3A_362 = vector.shape_cast %parallel_loop3A_361 : vector<1x16xf32> to vector<16xf32>
      %parallel_loop3A_363 = arith.index_cast %parallel_loop3A_120 : i32 to index
      %parallel_loop3A_364 = arith.constant 272 : index
      %parallel_loop3A_365 = tpu.vector_load %arg5[%parallel_loop3A_363, %parallel_loop3A_364] {strides = array<i32>} : memref<16x1024xf32, #tpu.memory_space<vmem>>, vector<1x16xf32>,
      %parallel_loop3A_366 = vector.shape_cast %parallel_loop3A_365 : vector<1x16xf32> to vector<16xf32>
      %parallel_loop3A_367 = arith.addf %parallel_loop3A_362, %parallel_loop3A_366 : vector<16xf32>
      %parallel_loop3A_368 = arith.index_cast %parallel_loop3A_120 : i32 to index
      %parallel_loop3A_369 = arith.constant 272 : index
      %parallel_loop3A_370 = tpu.vector_load %arg6[%parallel_loop3A_368, %parallel_loop3A_369] {strides = array<i32>} : memref<16x1024xf32, #tpu.memory_space<vmem>>, vector<1x16xf32>,
      %parallel_loop3A_371 = vector.shape_cast %parallel_loop3A_370 : vector<1x16xf32> to vector<16xf32>
      %parallel_loop3A_372 = vector.shape_cast %parallel_loop3A_367 : vector<16xf32> to vector<1x16xf32>
      tpu.vector_store %arg6[%parallel_loop3A_368, %parallel_loop3A_369], %parallel_loop3A_372 {strides = array<i32>} : memref<16x1024xf32, #tpu.memory_space<vmem>>, vector<1x16xf32>,
      %parallel_loop3A_373 = arith.index_cast %parallel_loop3A_120 : i32 to index
      %parallel_loop3A_374 = arith.constant 288 : index
      %parallel_loop3A_375 = tpu.vector_load %arg6[%parallel_loop3A_373, %parallel_loop3A_374] {strides = array<i32>} : memref<16x1024xf32, #tpu.memory_space<vmem>>, vector<1x16xf32>,
      %parallel_loop3A_376 = vector.shape_cast %parallel_loop3A_375 : vector<1x16xf32> to vector<16xf32>
      %parallel_loop3A_377 = arith.index_cast %parallel_loop3A_120 : i32 to index
      %parallel_loop3A_378 = arith.constant 288 : index
      %parallel_loop3A_379 = tpu.vector_load %arg5[%parallel_loop3A_377, %parallel_loop3A_378] {strides = array<i32>} : memref<16x1024xf32, #tpu.memory_space<vmem>>, vector<1x16xf32>,
      %parallel_loop3A_380 = vector.shape_cast %parallel_loop3A_379 : vector<1x16xf32> to vector<16xf32>
      %parallel_loop3A_381 = arith.addf %parallel_loop3A_376, %parallel_loop3A_380 : vector<16xf32>
      %parallel_loop3A_382 = arith.index_cast %parallel_loop3A_120 : i32 to index
      %parallel_loop3A_383 = arith.constant 288 : index
      %parallel_loop3A_384 = tpu.vector_load %arg6[%parallel_loop3A_382, %parallel_loop3A_383] {strides = array<i32>} : memref<16x1024xf32, #tpu.memory_space<vmem>>, vector<1x16xf32>,
      %parallel_loop3A_385 = vector.shape_cast %parallel_loop3A_384 : vector<1x16xf32> to vector<16xf32>
      %parallel_loop3A_386 = vector.shape_cast %parallel_loop3A_381 : vector<16xf32> to vector<1x16xf32>
      tpu.vector_store %arg6[%parallel_loop3A_382, %parallel_loop3A_383], %parallel_loop3A_386 {strides = array<i32>} : memref<16x1024xf32, #tpu.memory_space<vmem>>, vector<1x16xf32>,
      %parallel_loop3A_387 = arith.index_cast %parallel_loop3A_120 : i32 to index
      %parallel_loop3A_388 = arith.constant 304 : index
      %parallel_loop3A_389 = tpu.vector_load %arg6[%parallel_loop3A_387, %parallel_loop3A_388] {strides = array<i32>} : memref<16x1024xf32, #tpu.memory_space<vmem>>, vector<1x16xf32>,
      %parallel_loop3A_390 = vector.shape_cast %parallel_loop3A_389 : vector<1x16xf32> to vector<16xf32>
      %parallel_loop3A_391 = arith.index_cast %parallel_loop3A_120 : i32 to index
      %parallel_loop3A_392 = arith.constant 304 : index
      %parallel_loop3A_393 = tpu.vector_load %arg5[%parallel_loop3A_391, %parallel_loop3A_392] {strides = array<i32>} : memref<16x1024xf32, #tpu.memory_space<vmem>>, vector<1x16xf32>,
      %parallel_loop3A_394 = vector.shape_cast %parallel_loop3A_393 : vector<1x16xf32> to vector<16xf32>
      %parallel_loop3A_395 = arith.addf %parallel_loop3A_390, %parallel_loop3A_394 : vector<16xf32>
      %parallel_loop3A_396 = arith.index_cast %parallel_loop3A_120 : i32 to index
      %parallel_loop3A_397 = arith.constant 304 : index
      %parallel_loop3A_398 = tpu.vector_load %arg6[%parallel_loop3A_396, %parallel_loop3A_397] {strides = array<i32>} : memref<16x1024xf32, #tpu.memory_space<vmem>>, vector<1x16xf32>,
      %parallel_loop3A_399 = vector.shape_cast %parallel_loop3A_398 : vector<1x16xf32> to vector<16xf32>
      %parallel_loop3A_400 = vector.shape_cast %parallel_loop3A_395 : vector<16xf32> to vector<1x16xf32>
      tpu.vector_store %arg6[%parallel_loop3A_396, %parallel_loop3A_397], %parallel_loop3A_400 {strides = array<i32>} : memref<16x1024xf32, #tpu.memory_space<vmem>>, vector<1x16xf32>,
      %parallel_loop3A_401 = arith.index_cast %parallel_loop3A_120 : i32 to index
      %parallel_loop3A_402 = arith.constant 320 : index
      %parallel_loop3A_403 = tpu.vector_load %arg6[%parallel_loop3A_401, %parallel_loop3A_402] {strides = array<i32>} : memref<16x1024xf32, #tpu.memory_space<vmem>>, vector<1x16xf32>,
      %parallel_loop3A_404 = vector.shape_cast %parallel_loop3A_403 : vector<1x16xf32> to vector<16xf32>
      %parallel_loop3A_405 = arith.index_cast %parallel_loop3A_120 : i32 to index
      %parallel_loop3A_406 = arith.constant 320 : index
      %parallel_loop3A_407 = tpu.vector_load %arg5[%parallel_loop3A_405, %parallel_loop3A_406] {strides = array<i32>} : memref<16x1024xf32, #tpu.memory_space<vmem>>, vector<1x16xf32>,
      %parallel_loop3A_408 = vector.shape_cast %parallel_loop3A_407 : vector<1x16xf32> to vector<16xf32>
      %parallel_loop3A_409 = arith.addf %parallel_loop3A_404, %parallel_loop3A_408 : vector<16xf32>
      %parallel_loop3A_410 = arith.index_cast %parallel_loop3A_120 : i32 to index
      %parallel_loop3A_411 = arith.constant 320 : index
      %parallel_loop3A_412 = tpu.vector_load %arg6[%parallel_loop3A_410, %parallel_loop3A_411] {strides = array<i32>} : memref<16x1024xf32, #tpu.memory_space<vmem>>, vector<1x16xf32>,
      %parallel_loop3A_413 = vector.shape_cast %parallel_loop3A_412 : vector<1x16xf32> to vector<16xf32>
      %parallel_loop3A_414 = vector.shape_cast %parallel_loop3A_409 : vector<16xf32> to vector<1x16xf32>
      tpu.vector_store %arg6[%parallel_loop3A_410, %parallel_loop3A_411], %parallel_loop3A_414 {strides = array<i32>} : memref<16x1024xf32, #tpu.memory_space<vmem>>, vector<1x16xf32>,
      %parallel_loop3A_415 = arith.index_cast %parallel_loop3A_120 : i32 to index
      %parallel_loop3A_416 = arith.constant 336 : index
      %parallel_loop3A_417 = tpu.vector_load %arg6[%parallel_loop3A_415, %parallel_loop3A_416] {strides = array<i32>} : memref<16x1024xf32, #tpu.memory_space<vmem>>, vector<1x16xf32>,
      %parallel_loop3A_418 = vector.shape_cast %parallel_loop3A_417 : vector<1x16xf32> to vector<16xf32>
      %parallel_loop3A_419 = arith.index_cast %parallel_loop3A_120 : i32 to index
      %parallel_loop3A_420 = arith.constant 336 : index
      %parallel_loop3A_421 = tpu.vector_load %arg5[%parallel_loop3A_419, %parallel_loop3A_420] {strides = array<i32>} : memref<16x1024xf32, #tpu.memory_space<vmem>>, vector<1x16xf32>,
      %parallel_loop3A_422 = vector.shape_cast %parallel_loop3A_421 : vector<1x16xf32> to vector<16xf32>
      %parallel_loop3A_423 = arith.addf %parallel_loop3A_418, %parallel_loop3A_422 : vector<16xf32>
      %parallel_loop3A_424 = arith.index_cast %parallel_loop3A_120 : i32 to index
      %parallel_loop3A_425 = arith.constant 336 : index
      %parallel_loop3A_426 = tpu.vector_load %arg6[%parallel_loop3A_424, %parallel_loop3A_425] {strides = array<i32>} : memref<16x1024xf32, #tpu.memory_space<vmem>>, vector<1x16xf32>,
      %parallel_loop3A_427 = vector.shape_cast %parallel_loop3A_426 : vector<1x16xf32> to vector<16xf32>
      %parallel_loop3A_428 = vector.shape_cast %parallel_loop3A_423 : vector<16xf32> to vector<1x16xf32>
      tpu.vector_store %arg6[%parallel_loop3A_424, %parallel_loop3A_425], %parallel_loop3A_428 {strides = array<i32>} : memref<16x1024xf32, #tpu.memory_space<vmem>>, vector<1x16xf32>,
      %parallel_loop3A_429 = arith.index_cast %parallel_loop3A_120 : i32 to index
      %parallel_loop3A_430 = arith.constant 352 : index
      %parallel_loop3A_431 = tpu.vector_load %arg6[%parallel_loop3A_429, %parallel_loop3A_430] {strides = array<i32>} : memref<16x1024xf32, #tpu.memory_space<vmem>>, vector<1x16xf32>,
      %parallel_loop3A_432 = vector.shape_cast %parallel_loop3A_431 : vector<1x16xf32> to vector<16xf32>
      %parallel_loop3A_433 = arith.index_cast %parallel_loop3A_120 : i32 to index
      %parallel_loop3A_434 = arith.constant 352 : index
      %parallel_loop3A_435 = tpu.vector_load %arg5[%parallel_loop3A_433, %parallel_loop3A_434] {strides = array<i32>} : memref<16x1024xf32, #tpu.memory_space<vmem>>, vector<1x16xf32>,
      %parallel_loop3A_436 = vector.shape_cast %parallel_loop3A_435 : vector<1x16xf32> to vector<16xf32>
      %parallel_loop3A_437 = arith.addf %parallel_loop3A_432, %parallel_loop3A_436 : vector<16xf32>
      %parallel_loop3A_438 = arith.index_cast %parallel_loop3A_120 : i32 to index
      %parallel_loop3A_439 = arith.constant 352 : index
      %parallel_loop3A_440 = tpu.vector_load %arg6[%parallel_loop3A_438, %parallel_loop3A_439] {strides = array<i32>} : memref<16x1024xf32, #tpu.memory_space<vmem>>, vector<1x16xf32>,
      %parallel_loop3A_441 = vector.shape_cast %parallel_loop3A_440 : vector<1x16xf32> to vector<16xf32>
      %parallel_loop3A_442 = vector.shape_cast %parallel_loop3A_437 : vector<16xf32> to vector<1x16xf32>
      tpu.vector_store %arg6[%parallel_loop3A_438, %parallel_loop3A_439], %parallel_loop3A_442 {strides = array<i32>} : memref<16x1024xf32, #tpu.memory_space<vmem>>, vector<1x16xf32>,
      %parallel_loop3A_443 = arith.index_cast %parallel_loop3A_120 : i32 to index
      %parallel_loop3A_444 = arith.constant 368 : index
      %parallel_loop3A_445 = tpu.vector_load %arg6[%parallel_loop3A_443, %parallel_loop3A_444] {strides = array<i32>} : memref<16x1024xf32, #tpu.memory_space<vmem>>, vector<1x16xf32>,
      %parallel_loop3A_446 = vector.shape_cast %parallel_loop3A_445 : vector<1x16xf32> to vector<16xf32>
      %parallel_loop3A_447 = arith.index_cast %parallel_loop3A_120 : i32 to index
      %parallel_loop3A_448 = arith.constant 368 : index
      %parallel_loop3A_449 = tpu.vector_load %arg5[%parallel_loop3A_447, %parallel_loop3A_448] {strides = array<i32>} : memref<16x1024xf32, #tpu.memory_space<vmem>>, vector<1x16xf32>,
      %parallel_loop3A_450 = vector.shape_cast %parallel_loop3A_449 : vector<1x16xf32> to vector<16xf32>
      %parallel_loop3A_451 = arith.addf %parallel_loop3A_446, %parallel_loop3A_450 : vector<16xf32>
      %parallel_loop3A_452 = arith.index_cast %parallel_loop3A_120 : i32 to index
      %parallel_loop3A_453 = arith.constant 368 : index
      %parallel_loop3A_454 = tpu.vector_load %arg6[%parallel_loop3A_452, %parallel_loop3A_453] {strides = array<i32>} : memref<16x1024xf32, #tpu.memory_space<vmem>>, vector<1x16xf32>,
      %parallel_loop3A_455 = vector.shape_cast %parallel_loop3A_454 : vector<1x16xf32> to vector<16xf32>
      %parallel_loop3A_456 = vector.shape_cast %parallel_loop3A_451 : vector<16xf32> to vector<1x16xf32>
      tpu.vector_store %arg6[%parallel_loop3A_452, %parallel_loop3A_453], %parallel_loop3A_456 {strides = array<i32>} : memref<16x1024xf32, #tpu.memory_space<vmem>>, vector<1x16xf32>,
      %parallel_loop3A_457 = arith.index_cast %parallel_loop3A_120 : i32 to index
      %parallel_loop3A_458 = arith.constant 384 : index
      %parallel_loop3A_459 = tpu.vector_load %arg6[%parallel_loop3A_457, %parallel_loop3A_458] {strides = array<i32>} : memref<16x1024xf32, #tpu.memory_space<vmem>>, vector<1x16xf32>,
      %parallel_loop3A_460 = vector.shape_cast %parallel_loop3A_459 : vector<1x16xf32> to vector<16xf32>
      %parallel_loop3A_461 = arith.index_cast %parallel_loop3A_120 : i32 to index
      %parallel_loop3A_462 = arith.constant 384 : index
      %parallel_loop3A_463 = tpu.vector_load %arg5[%parallel_loop3A_461, %parallel_loop3A_462] {strides = array<i32>} : memref<16x1024xf32, #tpu.memory_space<vmem>>, vector<1x16xf32>,
      %parallel_loop3A_464 = vector.shape_cast %parallel_loop3A_463 : vector<1x16xf32> to vector<16xf32>
      %parallel_loop3A_465 = arith.addf %parallel_loop3A_460, %parallel_loop3A_464 : vector<16xf32>
      %parallel_loop3A_466 = arith.index_cast %parallel_loop3A_120 : i32 to index
      %parallel_loop3A_467 = arith.constant 384 : index
      %parallel_loop3A_468 = tpu.vector_load %arg6[%parallel_loop3A_466, %parallel_loop3A_467] {strides = array<i32>} : memref<16x1024xf32, #tpu.memory_space<vmem>>, vector<1x16xf32>,
      %parallel_loop3A_469 = vector.shape_cast %parallel_loop3A_468 : vector<1x16xf32> to vector<16xf32>
      %parallel_loop3A_470 = vector.shape_cast %parallel_loop3A_465 : vector<16xf32> to vector<1x16xf32>
      tpu.vector_store %arg6[%parallel_loop3A_466, %parallel_loop3A_467], %parallel_loop3A_470 {strides = array<i32>} : memref<16x1024xf32, #tpu.memory_space<vmem>>, vector<1x16xf32>,
      %parallel_loop3A_471 = arith.index_cast %parallel_loop3A_120 : i32 to index
      %parallel_loop3A_472 = arith.constant 400 : index
      %parallel_loop3A_473 = tpu.vector_load %arg6[%parallel_loop3A_471, %parallel_loop3A_472] {strides = array<i32>} : memref<16x1024xf32, #tpu.memory_space<vmem>>, vector<1x16xf32>,
      %parallel_loop3A_474 = vector.shape_cast %parallel_loop3A_473 : vector<1x16xf32> to vector<16xf32>
      %parallel_loop3A_475 = arith.index_cast %parallel_loop3A_120 : i32 to index
      %parallel_loop3A_476 = arith.constant 400 : index
      %parallel_loop3A_477 = tpu.vector_load %arg5[%parallel_loop3A_475, %parallel_loop3A_476] {strides = array<i32>} : memref<16x1024xf32, #tpu.memory_space<vmem>>, vector<1x16xf32>,
      %parallel_loop3A_478 = vector.shape_cast %parallel_loop3A_477 : vector<1x16xf32> to vector<16xf32>
      %parallel_loop3A_479 = arith.addf %parallel_loop3A_474, %parallel_loop3A_478 : vector<16xf32>
      %parallel_loop3A_480 = arith.index_cast %parallel_loop3A_120 : i32 to index
      %parallel_loop3A_481 = arith.constant 400 : index
      %parallel_loop3A_482 = tpu.vector_load %arg6[%parallel_loop3A_480, %parallel_loop3A_481] {strides = array<i32>} : memref<16x1024xf32, #tpu.memory_space<vmem>>, vector<1x16xf32>,
      %parallel_loop3A_483 = vector.shape_cast %parallel_loop3A_482 : vector<1x16xf32> to vector<16xf32>
      %parallel_loop3A_484 = vector.shape_cast %parallel_loop3A_479 : vector<16xf32> to vector<1x16xf32>
      tpu.vector_store %arg6[%parallel_loop3A_480, %parallel_loop3A_481], %parallel_loop3A_484 {strides = array<i32>} : memref<16x1024xf32, #tpu.memory_space<vmem>>, vector<1x16xf32>,
      %parallel_loop3A_485 = arith.index_cast %parallel_loop3A_120 : i32 to index
      %parallel_loop3A_486 = arith.constant 416 : index
      %parallel_loop3A_487 = tpu.vector_load %arg6[%parallel_loop3A_485, %parallel_loop3A_486] {strides = array<i32>} : memref<16x1024xf32, #tpu.memory_space<vmem>>, vector<1x16xf32>,
      %parallel_loop3A_488 = vector.shape_cast %parallel_loop3A_487 : vector<1x16xf32> to vector<16xf32>
      %parallel_loop3A_489 = arith.index_cast %parallel_loop3A_120 : i32 to index
      %parallel_loop3A_490 = arith.constant 416 : index
      %parallel_loop3A_491 = tpu.vector_load %arg5[%parallel_loop3A_489, %parallel_loop3A_490] {strides = array<i32>} : memref<16x1024xf32, #tpu.memory_space<vmem>>, vector<1x16xf32>,
      %parallel_loop3A_492 = vector.shape_cast %parallel_loop3A_491 : vector<1x16xf32> to vector<16xf32>
      %parallel_loop3A_493 = arith.addf %parallel_loop3A_488, %parallel_loop3A_492 : vector<16xf32>
      %parallel_loop3A_494 = arith.index_cast %parallel_loop3A_120 : i32 to index
      %parallel_loop3A_495 = arith.constant 416 : index
      %parallel_loop3A_496 = tpu.vector_load %arg6[%parallel_loop3A_494, %parallel_loop3A_495] {strides = array<i32>} : memref<16x1024xf32, #tpu.memory_space<vmem>>, vector<1x16xf32>,
      %parallel_loop3A_497 = vector.shape_cast %parallel_loop3A_496 : vector<1x16xf32> to vector<16xf32>
      %parallel_loop3A_498 = vector.shape_cast %parallel_loop3A_493 : vector<16xf32> to vector<1x16xf32>
      tpu.vector_store %arg6[%parallel_loop3A_494, %parallel_loop3A_495], %parallel_loop3A_498 {strides = array<i32>} : memref<16x1024xf32, #tpu.memory_space<vmem>>, vector<1x16xf32>,
      %parallel_loop3A_499 = arith.index_cast %parallel_loop3A_120 : i32 to index
      %parallel_loop3A_500 = arith.constant 432 : index
      %parallel_loop3A_501 = tpu.vector_load %arg6[%parallel_loop3A_499, %parallel_loop3A_500] {strides = array<i32>} : memref<16x1024xf32, #tpu.memory_space<vmem>>, vector<1x16xf32>,
      %parallel_loop3A_502 = vector.shape_cast %parallel_loop3A_501 : vector<1x16xf32> to vector<16xf32>
      %parallel_loop3A_503 = arith.index_cast %parallel_loop3A_120 : i32 to index
      %parallel_loop3A_504 = arith.constant 432 : index
      %parallel_loop3A_505 = tpu.vector_load %arg5[%parallel_loop3A_503, %parallel_loop3A_504] {strides = array<i32>} : memref<16x1024xf32, #tpu.memory_space<vmem>>, vector<1x16xf32>,
      %parallel_loop3A_506 = vector.shape_cast %parallel_loop3A_505 : vector<1x16xf32> to vector<16xf32>
      %parallel_loop3A_507 = arith.addf %parallel_loop3A_502, %parallel_loop3A_506 : vector<16xf32>
      %parallel_loop3A_508 = arith.index_cast %parallel_loop3A_120 : i32 to index
      %parallel_loop3A_509 = arith.constant 432 : index
      %parallel_loop3A_510 = tpu.vector_load %arg6[%parallel_loop3A_508, %parallel_loop3A_509] {strides = array<i32>} : memref<16x1024xf32, #tpu.memory_space<vmem>>, vector<1x16xf32>,
      %parallel_loop3A_511 = vector.shape_cast %parallel_loop3A_510 : vector<1x16xf32> to vector<16xf32>
      %parallel_loop3A_512 = vector.shape_cast %parallel_loop3A_507 : vector<16xf32> to vector<1x16xf32>
      tpu.vector_store %arg6[%parallel_loop3A_508, %parallel_loop3A_509], %parallel_loop3A_512 {strides = array<i32>} : memref<16x1024xf32, #tpu.memory_space<vmem>>, vector<1x16xf32>,
      %parallel_loop3A_513 = arith.index_cast %parallel_loop3A_120 : i32 to index
      %parallel_loop3A_514 = arith.constant 448 : index
      %parallel_loop3A_515 = tpu.vector_load %arg6[%parallel_loop3A_513, %parallel_loop3A_514] {strides = array<i32>} : memref<16x1024xf32, #tpu.memory_space<vmem>>, vector<1x16xf32>,
      %parallel_loop3A_516 = vector.shape_cast %parallel_loop3A_515 : vector<1x16xf32> to vector<16xf32>
      %parallel_loop3A_517 = arith.index_cast %parallel_loop3A_120 : i32 to index
      %parallel_loop3A_518 = arith.constant 448 : index
      %parallel_loop3A_519 = tpu.vector_load %arg5[%parallel_loop3A_517, %parallel_loop3A_518] {strides = array<i32>} : memref<16x1024xf32, #tpu.memory_space<vmem>>, vector<1x16xf32>,
      %parallel_loop3A_520 = vector.shape_cast %parallel_loop3A_519 : vector<1x16xf32> to vector<16xf32>
      %parallel_loop3A_521 = arith.addf %parallel_loop3A_516, %parallel_loop3A_520 : vector<16xf32>
      %parallel_loop3A_522 = arith.index_cast %parallel_loop3A_120 : i32 to index
      %parallel_loop3A_523 = arith.constant 448 : index
      %parallel_loop3A_524 = tpu.vector_load %arg6[%parallel_loop3A_522, %parallel_loop3A_523] {strides = array<i32>} : memref<16x1024xf32, #tpu.memory_space<vmem>>, vector<1x16xf32>,
      %parallel_loop3A_525 = vector.shape_cast %parallel_loop3A_524 : vector<1x16xf32> to vector<16xf32>
      %parallel_loop3A_526 = vector.shape_cast %parallel_loop3A_521 : vector<16xf32> to vector<1x16xf32>
      tpu.vector_store %arg6[%parallel_loop3A_522, %parallel_loop3A_523], %parallel_loop3A_526 {strides = array<i32>} : memref<16x1024xf32, #tpu.memory_space<vmem>>, vector<1x16xf32>,
      %parallel_loop3A_527 = arith.index_cast %parallel_loop3A_120 : i32 to index
      %parallel_loop3A_528 = arith.constant 464 : index
      %parallel_loop3A_529 = tpu.vector_load %arg6[%parallel_loop3A_527, %parallel_loop3A_528] {strides = array<i32>} : memref<16x1024xf32, #tpu.memory_space<vmem>>, vector<1x16xf32>,
      %parallel_loop3A_530 = vector.shape_cast %parallel_loop3A_529 : vector<1x16xf32> to vector<16xf32>
      %parallel_loop3A_531 = arith.index_cast %parallel_loop3A_120 : i32 to index
      %parallel_loop3A_532 = arith.constant 464 : index
      %parallel_loop3A_533 = tpu.vector_load %arg5[%parallel_loop3A_531, %parallel_loop3A_532] {strides = array<i32>} : memref<16x1024xf32, #tpu.memory_space<vmem>>, vector<1x16xf32>,
      %parallel_loop3A_534 = vector.shape_cast %parallel_loop3A_533 : vector<1x16xf32> to vector<16xf32>
      %parallel_loop3A_535 = arith.addf %parallel_loop3A_530, %parallel_loop3A_534 : vector<16xf32>
      %parallel_loop3A_536 = arith.index_cast %parallel_loop3A_120 : i32 to index
      %parallel_loop3A_537 = arith.constant 464 : index
      %parallel_loop3A_538 = tpu.vector_load %arg6[%parallel_loop3A_536, %parallel_loop3A_537] {strides = array<i32>} : memref<16x1024xf32, #tpu.memory_space<vmem>>, vector<1x16xf32>,
      %parallel_loop3A_539 = vector.shape_cast %parallel_loop3A_538 : vector<1x16xf32> to vector<16xf32>
      %parallel_loop3A_540 = vector.shape_cast %parallel_loop3A_535 : vector<16xf32> to vector<1x16xf32>
      tpu.vector_store %arg6[%parallel_loop3A_536, %parallel_loop3A_537], %parallel_loop3A_540 {strides = array<i32>} : memref<16x1024xf32, #tpu.memory_space<vmem>>, vector<1x16xf32>,
      %parallel_loop3A_541 = arith.index_cast %parallel_loop3A_120 : i32 to index
      %parallel_loop3A_542 = arith.constant 480 : index
      %parallel_loop3A_543 = tpu.vector_load %arg6[%parallel_loop3A_541, %parallel_loop3A_542] {strides = array<i32>} : memref<16x1024xf32, #tpu.memory_space<vmem>>, vector<1x16xf32>,
      %parallel_loop3A_544 = vector.shape_cast %parallel_loop3A_543 : vector<1x16xf32> to vector<16xf32>
      %parallel_loop3A_545 = arith.index_cast %parallel_loop3A_120 : i32 to index
      %parallel_loop3A_546 = arith.constant 480 : index
      %parallel_loop3A_547 = tpu.vector_load %arg5[%parallel_loop3A_545, %parallel_loop3A_546] {strides = array<i32>} : memref<16x1024xf32, #tpu.memory_space<vmem>>, vector<1x16xf32>,
      %parallel_loop3A_548 = vector.shape_cast %parallel_loop3A_547 : vector<1x16xf32> to vector<16xf32>
      %parallel_loop3A_549 = arith.addf %parallel_loop3A_544, %parallel_loop3A_548 : vector<16xf32>
      %parallel_loop3A_550 = arith.index_cast %parallel_loop3A_120 : i32 to index
      %parallel_loop3A_551 = arith.constant 480 : index
      %parallel_loop3A_552 = tpu.vector_load %arg6[%parallel_loop3A_550, %parallel_loop3A_551] {strides = array<i32>} : memref<16x1024xf32, #tpu.memory_space<vmem>>, vector<1x16xf32>,
      %parallel_loop3A_553 = vector.shape_cast %parallel_loop3A_552 : vector<1x16xf32> to vector<16xf32>
      %parallel_loop3A_554 = vector.shape_cast %parallel_loop3A_549 : vector<16xf32> to vector<1x16xf32>
      tpu.vector_store %arg6[%parallel_loop3A_550, %parallel_loop3A_551], %parallel_loop3A_554 {strides = array<i32>} : memref<16x1024xf32, #tpu.memory_space<vmem>>, vector<1x16xf32>,
      %parallel_loop3A_555 = arith.index_cast %parallel_loop3A_120 : i32 to index
      %parallel_loop3A_556 = arith.constant 496 : index
      %parallel_loop3A_557 = tpu.vector_load %arg6[%parallel_loop3A_555, %parallel_loop3A_556] {strides = array<i32>} : memref<16x1024xf32, #tpu.memory_space<vmem>>, vector<1x16xf32>,
      %parallel_loop3A_558 = vector.shape_cast %parallel_loop3A_557 : vector<1x16xf32> to vector<16xf32>
      %parallel_loop3A_559 = arith.index_cast %parallel_loop3A_120 : i32 to index
      %parallel_loop3A_560 = arith.constant 496 : index
      %parallel_loop3A_561 = tpu.vector_load %arg5[%parallel_loop3A_559, %parallel_loop3A_560] {strides = array<i32>} : memref<16x1024xf32, #tpu.memory_space<vmem>>, vector<1x16xf32>,
      %parallel_loop3A_562 = vector.shape_cast %parallel_loop3A_561 : vector<1x16xf32> to vector<16xf32>
      %parallel_loop3A_563 = arith.addf %parallel_loop3A_558, %parallel_loop3A_562 : vector<16xf32>
      %parallel_loop3A_564 = arith.index_cast %parallel_loop3A_120 : i32 to index
      %parallel_loop3A_565 = arith.constant 496 : index
      %parallel_loop3A_566 = tpu.vector_load %arg6[%parallel_loop3A_564, %parallel_loop3A_565] {strides = array<i32>} : memref<16x1024xf32, #tpu.memory_space<vmem>>, vector<1x16xf32>,
      %parallel_loop3A_567 = vector.shape_cast %parallel_loop3A_566 : vector<1x16xf32> to vector<16xf32>
      %parallel_loop3A_568 = vector.shape_cast %parallel_loop3A_563 : vector<16xf32> to vector<1x16xf32>
      tpu.vector_store %arg6[%parallel_loop3A_564, %parallel_loop3A_565], %parallel_loop3A_568 {strides = array<i32>} : memref<16x1024xf32, #tpu.memory_space<vmem>>, vector<1x16xf32>,
      %parallel_loop3A_569 = arith.index_cast %parallel_loop3A_120 : i32 to index
      %parallel_loop3A_570 = arith.constant 512 : index
      %parallel_loop3A_571 = tpu.vector_load %arg6[%parallel_loop3A_569, %parallel_loop3A_570] {strides = array<i32>} : memref<16x1024xf32, #tpu.memory_space<vmem>>, vector<1x16xf32>,
      %parallel_loop3A_572 = vector.shape_cast %parallel_loop3A_571 : vector<1x16xf32> to vector<16xf32>
      %parallel_loop3A_573 = arith.index_cast %parallel_loop3A_120 : i32 to index
      %parallel_loop3A_574 = arith.constant 512 : index
      %parallel_loop3A_575 = tpu.vector_load %arg5[%parallel_loop3A_573, %parallel_loop3A_574] {strides = array<i32>} : memref<16x1024xf32, #tpu.memory_space<vmem>>, vector<1x16xf32>,
      %parallel_loop3A_576 = vector.shape_cast %parallel_loop3A_575 : vector<1x16xf32> to vector<16xf32>
      %parallel_loop3A_577 = arith.addf %parallel_loop3A_572, %parallel_loop3A_576 : vector<16xf32>
      %parallel_loop3A_578 = arith.index_cast %parallel_loop3A_120 : i32 to index
      %parallel_loop3A_579 = arith.constant 512 : index
      %parallel_loop3A_580 = tpu.vector_load %arg6[%parallel_loop3A_578, %parallel_loop3A_579] {strides = array<i32>} : memref<16x1024xf32, #tpu.memory_space<vmem>>, vector<1x16xf32>,
      %parallel_loop3A_581 = vector.shape_cast %parallel_loop3A_580 : vector<1x16xf32> to vector<16xf32>
      %parallel_loop3A_582 = vector.shape_cast %parallel_loop3A_577 : vector<16xf32> to vector<1x16xf32>
      tpu.vector_store %arg6[%parallel_loop3A_578, %parallel_loop3A_579], %parallel_loop3A_582 {strides = array<i32>} : memref<16x1024xf32, #tpu.memory_space<vmem>>, vector<1x16xf32>,
      %parallel_loop3A_583 = arith.index_cast %parallel_loop3A_120 : i32 to index
      %parallel_loop3A_584 = arith.constant 528 : index
      %parallel_loop3A_585 = tpu.vector_load %arg6[%parallel_loop3A_583, %parallel_loop3A_584] {strides = array<i32>} : memref<16x1024xf32, #tpu.memory_space<vmem>>, vector<1x16xf32>,
      %parallel_loop3A_586 = vector.shape_cast %parallel_loop3A_585 : vector<1x16xf32> to vector<16xf32>
      %parallel_loop3A_587 = arith.index_cast %parallel_loop3A_120 : i32 to index
      %parallel_loop3A_588 = arith.constant 528 : index
      %parallel_loop3A_589 = tpu.vector_load %arg5[%parallel_loop3A_587, %parallel_loop3A_588] {strides = array<i32>} : memref<16x1024xf32, #tpu.memory_space<vmem>>, vector<1x16xf32>,
      %parallel_loop3A_590 = vector.shape_cast %parallel_loop3A_589 : vector<1x16xf32> to vector<16xf32>
      %parallel_loop3A_591 = arith.addf %parallel_loop3A_586, %parallel_loop3A_590 : vector<16xf32>
      %parallel_loop3A_592 = arith.index_cast %parallel_loop3A_120 : i32 to index
      %parallel_loop3A_593 = arith.constant 528 : index
      %parallel_loop3A_594 = tpu.vector_load %arg6[%parallel_loop3A_592, %parallel_loop3A_593] {strides = array<i32>} : memref<16x1024xf32, #tpu.memory_space<vmem>>, vector<1x16xf32>,
      %parallel_loop3A_595 = vector.shape_cast %parallel_loop3A_594 : vector<1x16xf32> to vector<16xf32>
      %parallel_loop3A_596 = vector.shape_cast %parallel_loop3A_591 : vector<16xf32> to vector<1x16xf32>
      tpu.vector_store %arg6[%parallel_loop3A_592, %parallel_loop3A_593], %parallel_loop3A_596 {strides = array<i32>} : memref<16x1024xf32, #tpu.memory_space<vmem>>, vector<1x16xf32>,
      %parallel_loop3A_597 = arith.index_cast %parallel_loop3A_120 : i32 to index
      %parallel_loop3A_598 = arith.constant 544 : index
      %parallel_loop3A_599 = tpu.vector_load %arg6[%parallel_loop3A_597, %parallel_loop3A_598] {strides = array<i32>} : memref<16x1024xf32, #tpu.memory_space<vmem>>, vector<1x16xf32>,
      %parallel_loop3A_600 = vector.shape_cast %parallel_loop3A_599 : vector<1x16xf32> to vector<16xf32>
      %parallel_loop3A_601 = arith.index_cast %parallel_loop3A_120 : i32 to index
      %parallel_loop3A_602 = arith.constant 544 : index
      %parallel_loop3A_603 = tpu.vector_load %arg5[%parallel_loop3A_601, %parallel_loop3A_602] {strides = array<i32>} : memref<16x1024xf32, #tpu.memory_space<vmem>>, vector<1x16xf32>,
      %parallel_loop3A_604 = vector.shape_cast %parallel_loop3A_603 : vector<1x16xf32> to vector<16xf32>
      %parallel_loop3A_605 = arith.addf %parallel_loop3A_600, %parallel_loop3A_604 : vector<16xf32>
      %parallel_loop3A_606 = arith.index_cast %parallel_loop3A_120 : i32 to index
      %parallel_loop3A_607 = arith.constant 544 : index
      %parallel_loop3A_608 = tpu.vector_load %arg6[%parallel_loop3A_606, %parallel_loop3A_607] {strides = array<i32>} : memref<16x1024xf32, #tpu.memory_space<vmem>>, vector<1x16xf32>,
      %parallel_loop3A_609 = vector.shape_cast %parallel_loop3A_608 : vector<1x16xf32> to vector<16xf32>
      %parallel_loop3A_610 = vector.shape_cast %parallel_loop3A_605 : vector<16xf32> to vector<1x16xf32>
      tpu.vector_store %arg6[%parallel_loop3A_606, %parallel_loop3A_607], %parallel_loop3A_610 {strides = array<i32>} : memref<16x1024xf32, #tpu.memory_space<vmem>>, vector<1x16xf32>,
      %parallel_loop3A_611 = arith.index_cast %parallel_loop3A_120 : i32 to index
      %parallel_loop3A_612 = arith.constant 560 : index
      %parallel_loop3A_613 = tpu.vector_load %arg6[%parallel_loop3A_611, %parallel_loop3A_612] {strides = array<i32>} : memref<16x1024xf32, #tpu.memory_space<vmem>>, vector<1x16xf32>,
      %parallel_loop3A_614 = vector.shape_cast %parallel_loop3A_613 : vector<1x16xf32> to vector<16xf32>
      %parallel_loop3A_615 = arith.index_cast %parallel_loop3A_120 : i32 to index
      %parallel_loop3A_616 = arith.constant 560 : index
      %parallel_loop3A_617 = tpu.vector_load %arg5[%parallel_loop3A_615, %parallel_loop3A_616] {strides = array<i32>} : memref<16x1024xf32, #tpu.memory_space<vmem>>, vector<1x16xf32>,
      %parallel_loop3A_618 = vector.shape_cast %parallel_loop3A_617 : vector<1x16xf32> to vector<16xf32>
      %parallel_loop3A_619 = arith.addf %parallel_loop3A_614, %parallel_loop3A_618 : vector<16xf32>
      %parallel_loop3A_620 = arith.index_cast %parallel_loop3A_120 : i32 to index
      %parallel_loop3A_621 = arith.constant 560 : index
      %parallel_loop3A_622 = tpu.vector_load %arg6[%parallel_loop3A_620, %parallel_loop3A_621] {strides = array<i32>} : memref<16x1024xf32, #tpu.memory_space<vmem>>, vector<1x16xf32>,
      %parallel_loop3A_623 = vector.shape_cast %parallel_loop3A_622 : vector<1x16xf32> to vector<16xf32>
      %parallel_loop3A_624 = vector.shape_cast %parallel_loop3A_619 : vector<16xf32> to vector<1x16xf32>
      tpu.vector_store %arg6[%parallel_loop3A_620, %parallel_loop3A_621], %parallel_loop3A_624 {strides = array<i32>} : memref<16x1024xf32, #tpu.memory_space<vmem>>, vector<1x16xf32>,
      %parallel_loop3A_625 = arith.index_cast %parallel_loop3A_120 : i32 to index
      %parallel_loop3A_626 = arith.constant 576 : index
      %parallel_loop3A_627 = tpu.vector_load %arg6[%parallel_loop3A_625, %parallel_loop3A_626] {strides = array<i32>} : memref<16x1024xf32, #tpu.memory_space<vmem>>, vector<1x16xf32>,
      %parallel_loop3A_628 = vector.shape_cast %parallel_loop3A_627 : vector<1x16xf32> to vector<16xf32>
      %parallel_loop3A_629 = arith.index_cast %parallel_loop3A_120 : i32 to index
      %parallel_loop3A_630 = arith.constant 576 : index
      %parallel_loop3A_631 = tpu.vector_load %arg5[%parallel_loop3A_629, %parallel_loop3A_630] {strides = array<i32>} : memref<16x1024xf32, #tpu.memory_space<vmem>>, vector<1x16xf32>,
      %parallel_loop3A_632 = vector.shape_cast %parallel_loop3A_631 : vector<1x16xf32> to vector<16xf32>
      %parallel_loop3A_633 = arith.addf %parallel_loop3A_628, %parallel_loop3A_632 : vector<16xf32>
      %parallel_loop3A_634 = arith.index_cast %parallel_loop3A_120 : i32 to index
      %parallel_loop3A_635 = arith.constant 576 : index
      %parallel_loop3A_636 = tpu.vector_load %arg6[%parallel_loop3A_634, %parallel_loop3A_635] {strides = array<i32>} : memref<16x1024xf32, #tpu.memory_space<vmem>>, vector<1x16xf32>,
      %parallel_loop3A_637 = vector.shape_cast %parallel_loop3A_636 : vector<1x16xf32> to vector<16xf32>
      %parallel_loop3A_638 = vector.shape_cast %parallel_loop3A_633 : vector<16xf32> to vector<1x16xf32>
      tpu.vector_store %arg6[%parallel_loop3A_634, %parallel_loop3A_635], %parallel_loop3A_638 {strides = array<i32>} : memref<16x1024xf32, #tpu.memory_space<vmem>>, vector<1x16xf32>,
      %parallel_loop3A_639 = arith.index_cast %parallel_loop3A_120 : i32 to index
      %parallel_loop3A_640 = arith.constant 592 : index
      %parallel_loop3A_641 = tpu.vector_load %arg6[%parallel_loop3A_639, %parallel_loop3A_640] {strides = array<i32>} : memref<16x1024xf32, #tpu.memory_space<vmem>>, vector<1x16xf32>,
      %parallel_loop3A_642 = vector.shape_cast %parallel_loop3A_641 : vector<1x16xf32> to vector<16xf32>
      %parallel_loop3A_643 = arith.index_cast %parallel_loop3A_120 : i32 to index
      %parallel_loop3A_644 = arith.constant 592 : index
      %parallel_loop3A_645 = tpu.vector_load %arg5[%parallel_loop3A_643, %parallel_loop3A_644] {strides = array<i32>} : memref<16x1024xf32, #tpu.memory_space<vmem>>, vector<1x16xf32>,
      %parallel_loop3A_646 = vector.shape_cast %parallel_loop3A_645 : vector<1x16xf32> to vector<16xf32>
      %parallel_loop3A_647 = arith.addf %parallel_loop3A_642, %parallel_loop3A_646 : vector<16xf32>
      %parallel_loop3A_648 = arith.index_cast %parallel_loop3A_120 : i32 to index
      %parallel_loop3A_649 = arith.constant 592 : index
      %parallel_loop3A_650 = tpu.vector_load %arg6[%parallel_loop3A_648, %parallel_loop3A_649] {strides = array<i32>} : memref<16x1024xf32, #tpu.memory_space<vmem>>, vector<1x16xf32>,
      %parallel_loop3A_651 = vector.shape_cast %parallel_loop3A_650 : vector<1x16xf32> to vector<16xf32>
      %parallel_loop3A_652 = vector.shape_cast %parallel_loop3A_647 : vector<16xf32> to vector<1x16xf32>
      tpu.vector_store %arg6[%parallel_loop3A_648, %parallel_loop3A_649], %parallel_loop3A_652 {strides = array<i32>} : memref<16x1024xf32, #tpu.memory_space<vmem>>, vector<1x16xf32>,
      %parallel_loop3A_653 = arith.index_cast %parallel_loop3A_120 : i32 to index
      %parallel_loop3A_654 = arith.constant 608 : index
      %parallel_loop3A_655 = tpu.vector_load %arg6[%parallel_loop3A_653, %parallel_loop3A_654] {strides = array<i32>} : memref<16x1024xf32, #tpu.memory_space<vmem>>, vector<1x16xf32>,
      %parallel_loop3A_656 = vector.shape_cast %parallel_loop3A_655 : vector<1x16xf32> to vector<16xf32>
      %parallel_loop3A_657 = arith.index_cast %parallel_loop3A_120 : i32 to index
      %parallel_loop3A_658 = arith.constant 608 : index
      %parallel_loop3A_659 = tpu.vector_load %arg5[%parallel_loop3A_657, %parallel_loop3A_658] {strides = array<i32>} : memref<16x1024xf32, #tpu.memory_space<vmem>>, vector<1x16xf32>,
      %parallel_loop3A_660 = vector.shape_cast %parallel_loop3A_659 : vector<1x16xf32> to vector<16xf32>
      %parallel_loop3A_661 = arith.addf %parallel_loop3A_656, %parallel_loop3A_660 : vector<16xf32>
      %parallel_loop3A_662 = arith.index_cast %parallel_loop3A_120 : i32 to index
      %parallel_loop3A_663 = arith.constant 608 : index
      %parallel_loop3A_664 = tpu.vector_load %arg6[%parallel_loop3A_662, %parallel_loop3A_663] {strides = array<i32>} : memref<16x1024xf32, #tpu.memory_space<vmem>>, vector<1x16xf32>,
      %parallel_loop3A_665 = vector.shape_cast %parallel_loop3A_664 : vector<1x16xf32> to vector<16xf32>
      %parallel_loop3A_666 = vector.shape_cast %parallel_loop3A_661 : vector<16xf32> to vector<1x16xf32>
      tpu.vector_store %arg6[%parallel_loop3A_662, %parallel_loop3A_663], %parallel_loop3A_666 {strides = array<i32>} : memref<16x1024xf32, #tpu.memory_space<vmem>>, vector<1x16xf32>,
      %parallel_loop3A_667 = arith.index_cast %parallel_loop3A_120 : i32 to index
      %parallel_loop3A_668 = arith.constant 624 : index
      %parallel_loop3A_669 = tpu.vector_load %arg6[%parallel_loop3A_667, %parallel_loop3A_668] {strides = array<i32>} : memref<16x1024xf32, #tpu.memory_space<vmem>>, vector<1x16xf32>,
      %parallel_loop3A_670 = vector.shape_cast %parallel_loop3A_669 : vector<1x16xf32> to vector<16xf32>
      %parallel_loop3A_671 = arith.index_cast %parallel_loop3A_120 : i32 to index
      %parallel_loop3A_672 = arith.constant 624 : index
      %parallel_loop3A_673 = tpu.vector_load %arg5[%parallel_loop3A_671, %parallel_loop3A_672] {strides = array<i32>} : memref<16x1024xf32, #tpu.memory_space<vmem>>, vector<1x16xf32>,
      %parallel_loop3A_674 = vector.shape_cast %parallel_loop3A_673 : vector<1x16xf32> to vector<16xf32>
      %parallel_loop3A_675 = arith.addf %parallel_loop3A_670, %parallel_loop3A_674 : vector<16xf32>
      %parallel_loop3A_676 = arith.index_cast %parallel_loop3A_120 : i32 to index
      %parallel_loop3A_677 = arith.constant 624 : index
      %parallel_loop3A_678 = tpu.vector_load %arg6[%parallel_loop3A_676, %parallel_loop3A_677] {strides = array<i32>} : memref<16x1024xf32, #tpu.memory_space<vmem>>, vector<1x16xf32>,
      %parallel_loop3A_679 = vector.shape_cast %parallel_loop3A_678 : vector<1x16xf32> to vector<16xf32>
      %parallel_loop3A_680 = vector.shape_cast %parallel_loop3A_675 : vector<16xf32> to vector<1x16xf32>
      tpu.vector_store %arg6[%parallel_loop3A_676, %parallel_loop3A_677], %parallel_loop3A_680 {strides = array<i32>} : memref<16x1024xf32, #tpu.memory_space<vmem>>, vector<1x16xf32>,
      %parallel_loop3A_681 = arith.index_cast %parallel_loop3A_120 : i32 to index
      %parallel_loop3A_682 = arith.constant 640 : index
      %parallel_loop3A_683 = tpu.vector_load %arg6[%parallel_loop3A_681, %parallel_loop3A_682] {strides = array<i32>} : memref<16x1024xf32, #tpu.memory_space<vmem>>, vector<1x16xf32>,
      %parallel_loop3A_684 = vector.shape_cast %parallel_loop3A_683 : vector<1x16xf32> to vector<16xf32>
      %parallel_loop3A_685 = arith.index_cast %parallel_loop3A_120 : i32 to index
      %parallel_loop3A_686 = arith.constant 640 : index
      %parallel_loop3A_687 = tpu.vector_load %arg5[%parallel_loop3A_685, %parallel_loop3A_686] {strides = array<i32>} : memref<16x1024xf32, #tpu.memory_space<vmem>>, vector<1x16xf32>,
      %parallel_loop3A_688 = vector.shape_cast %parallel_loop3A_687 : vector<1x16xf32> to vector<16xf32>
      %parallel_loop3A_689 = arith.addf %parallel_loop3A_684, %parallel_loop3A_688 : vector<16xf32>
      %parallel_loop3A_690 = arith.index_cast %parallel_loop3A_120 : i32 to index
      %parallel_loop3A_691 = arith.constant 640 : index
      %parallel_loop3A_692 = tpu.vector_load %arg6[%parallel_loop3A_690, %parallel_loop3A_691] {strides = array<i32>} : memref<16x1024xf32, #tpu.memory_space<vmem>>, vector<1x16xf32>,
      %parallel_loop3A_693 = vector.shape_cast %parallel_loop3A_692 : vector<1x16xf32> to vector<16xf32>
      %parallel_loop3A_694 = vector.shape_cast %parallel_loop3A_689 : vector<16xf32> to vector<1x16xf32>
      tpu.vector_store %arg6[%parallel_loop3A_690, %parallel_loop3A_691], %parallel_loop3A_694 {strides = array<i32>} : memref<16x1024xf32, #tpu.memory_space<vmem>>, vector<1x16xf32>,
      %parallel_loop3A_695 = arith.index_cast %parallel_loop3A_120 : i32 to index
      %parallel_loop3A_696 = arith.constant 656 : index
      %parallel_loop3A_697 = tpu.vector_load %arg6[%parallel_loop3A_695, %parallel_loop3A_696] {strides = array<i32>} : memref<16x1024xf32, #tpu.memory_space<vmem>>, vector<1x16xf32>,
      %parallel_loop3A_698 = vector.shape_cast %parallel_loop3A_697 : vector<1x16xf32> to vector<16xf32>
      %parallel_loop3A_699 = arith.index_cast %parallel_loop3A_120 : i32 to index
      %parallel_loop3A_700 = arith.constant 656 : index
      %parallel_loop3A_701 = tpu.vector_load %arg5[%parallel_loop3A_699, %parallel_loop3A_700] {strides = array<i32>} : memref<16x1024xf32, #tpu.memory_space<vmem>>, vector<1x16xf32>,
      %parallel_loop3A_702 = vector.shape_cast %parallel_loop3A_701 : vector<1x16xf32> to vector<16xf32>
      %parallel_loop3A_703 = arith.addf %parallel_loop3A_698, %parallel_loop3A_702 : vector<16xf32>
      %parallel_loop3A_704 = arith.index_cast %parallel_loop3A_120 : i32 to index
      %parallel_loop3A_705 = arith.constant 656 : index
      %parallel_loop3A_706 = tpu.vector_load %arg6[%parallel_loop3A_704, %parallel_loop3A_705] {strides = array<i32>} : memref<16x1024xf32, #tpu.memory_space<vmem>>, vector<1x16xf32>,
      %parallel_loop3A_707 = vector.shape_cast %parallel_loop3A_706 : vector<1x16xf32> to vector<16xf32>
      %parallel_loop3A_708 = vector.shape_cast %parallel_loop3A_703 : vector<16xf32> to vector<1x16xf32>
      tpu.vector_store %arg6[%parallel_loop3A_704, %parallel_loop3A_705], %parallel_loop3A_708 {strides = array<i32>} : memref<16x1024xf32, #tpu.memory_space<vmem>>, vector<1x16xf32>,
      %parallel_loop3A_709 = arith.index_cast %parallel_loop3A_120 : i32 to index
      %parallel_loop3A_710 = arith.constant 672 : index
      %parallel_loop3A_711 = tpu.vector_load %arg6[%parallel_loop3A_709, %parallel_loop3A_710] {strides = array<i32>} : memref<16x1024xf32, #tpu.memory_space<vmem>>, vector<1x16xf32>,
      %parallel_loop3A_712 = vector.shape_cast %parallel_loop3A_711 : vector<1x16xf32> to vector<16xf32>
      %parallel_loop3A_713 = arith.index_cast %parallel_loop3A_120 : i32 to index
      %parallel_loop3A_714 = arith.constant 672 : index
      %parallel_loop3A_715 = tpu.vector_load %arg5[%parallel_loop3A_713, %parallel_loop3A_714] {strides = array<i32>} : memref<16x1024xf32, #tpu.memory_space<vmem>>, vector<1x16xf32>,
      %parallel_loop3A_716 = vector.shape_cast %parallel_loop3A_715 : vector<1x16xf32> to vector<16xf32>
      %parallel_loop3A_717 = arith.addf %parallel_loop3A_712, %parallel_loop3A_716 : vector<16xf32>
      %parallel_loop3A_718 = arith.index_cast %parallel_loop3A_120 : i32 to index
      %parallel_loop3A_719 = arith.constant 672 : index
      %parallel_loop3A_720 = tpu.vector_load %arg6[%parallel_loop3A_718, %parallel_loop3A_719] {strides = array<i32>} : memref<16x1024xf32, #tpu.memory_space<vmem>>, vector<1x16xf32>,
      %parallel_loop3A_721 = vector.shape_cast %parallel_loop3A_720 : vector<1x16xf32> to vector<16xf32>
      %parallel_loop3A_722 = vector.shape_cast %parallel_loop3A_717 : vector<16xf32> to vector<1x16xf32>
      tpu.vector_store %arg6[%parallel_loop3A_718, %parallel_loop3A_719], %parallel_loop3A_722 {strides = array<i32>} : memref<16x1024xf32, #tpu.memory_space<vmem>>, vector<1x16xf32>,
      %parallel_loop3A_723 = arith.index_cast %parallel_loop3A_120 : i32 to index
      %parallel_loop3A_724 = arith.constant 688 : index
      %parallel_loop3A_725 = tpu.vector_load %arg6[%parallel_loop3A_723, %parallel_loop3A_724] {strides = array<i32>} : memref<16x1024xf32, #tpu.memory_space<vmem>>, vector<1x16xf32>,
      %parallel_loop3A_726 = vector.shape_cast %parallel_loop3A_725 : vector<1x16xf32> to vector<16xf32>
      %parallel_loop3A_727 = arith.index_cast %parallel_loop3A_120 : i32 to index
      %parallel_loop3A_728 = arith.constant 688 : index
      %parallel_loop3A_729 = tpu.vector_load %arg5[%parallel_loop3A_727, %parallel_loop3A_728] {strides = array<i32>} : memref<16x1024xf32, #tpu.memory_space<vmem>>, vector<1x16xf32>,
      %parallel_loop3A_730 = vector.shape_cast %parallel_loop3A_729 : vector<1x16xf32> to vector<16xf32>
      %parallel_loop3A_731 = arith.addf %parallel_loop3A_726, %parallel_loop3A_730 : vector<16xf32>
      %parallel_loop3A_732 = arith.index_cast %parallel_loop3A_120 : i32 to index
      %parallel_loop3A_733 = arith.constant 688 : index
      %parallel_loop3A_734 = tpu.vector_load %arg6[%parallel_loop3A_732, %parallel_loop3A_733] {strides = array<i32>} : memref<16x1024xf32, #tpu.memory_space<vmem>>, vector<1x16xf32>,
      %parallel_loop3A_735 = vector.shape_cast %parallel_loop3A_734 : vector<1x16xf32> to vector<16xf32>
      %parallel_loop3A_736 = vector.shape_cast %parallel_loop3A_731 : vector<16xf32> to vector<1x16xf32>
      tpu.vector_store %arg6[%parallel_loop3A_732, %parallel_loop3A_733], %parallel_loop3A_736 {strides = array<i32>} : memref<16x1024xf32, #tpu.memory_space<vmem>>, vector<1x16xf32>,
      %parallel_loop3A_737 = arith.index_cast %parallel_loop3A_120 : i32 to index
      %parallel_loop3A_738 = arith.constant 704 : index
      %parallel_loop3A_739 = tpu.vector_load %arg6[%parallel_loop3A_737, %parallel_loop3A_738] {strides = array<i32>} : memref<16x1024xf32, #tpu.memory_space<vmem>>, vector<1x16xf32>,
      %parallel_loop3A_740 = vector.shape_cast %parallel_loop3A_739 : vector<1x16xf32> to vector<16xf32>
      %parallel_loop3A_741 = arith.index_cast %parallel_loop3A_120 : i32 to index
      %parallel_loop3A_742 = arith.constant 704 : index
      %parallel_loop3A_743 = tpu.vector_load %arg5[%parallel_loop3A_741, %parallel_loop3A_742] {strides = array<i32>} : memref<16x1024xf32, #tpu.memory_space<vmem>>, vector<1x16xf32>,
      %parallel_loop3A_744 = vector.shape_cast %parallel_loop3A_743 : vector<1x16xf32> to vector<16xf32>
      %parallel_loop3A_745 = arith.addf %parallel_loop3A_740, %parallel_loop3A_744 : vector<16xf32>
      %parallel_loop3A_746 = arith.index_cast %parallel_loop3A_120 : i32 to index
      %parallel_loop3A_747 = arith.constant 704 : index
      %parallel_loop3A_748 = tpu.vector_load %arg6[%parallel_loop3A_746, %parallel_loop3A_747] {strides = array<i32>} : memref<16x1024xf32, #tpu.memory_space<vmem>>, vector<1x16xf32>,
      %parallel_loop3A_749 = vector.shape_cast %parallel_loop3A_748 : vector<1x16xf32> to vector<16xf32>
      %parallel_loop3A_750 = vector.shape_cast %parallel_loop3A_745 : vector<16xf32> to vector<1x16xf32>
      tpu.vector_store %arg6[%parallel_loop3A_746, %parallel_loop3A_747], %parallel_loop3A_750 {strides = array<i32>} : memref<16x1024xf32, #tpu.memory_space<vmem>>, vector<1x16xf32>,
      %parallel_loop3A_751 = arith.index_cast %parallel_loop3A_120 : i32 to index
      %parallel_loop3A_752 = arith.constant 720 : index
      %parallel_loop3A_753 = tpu.vector_load %arg6[%parallel_loop3A_751, %parallel_loop3A_752] {strides = array<i32>} : memref<16x1024xf32, #tpu.memory_space<vmem>>, vector<1x16xf32>,
      %parallel_loop3A_754 = vector.shape_cast %parallel_loop3A_753 : vector<1x16xf32> to vector<16xf32>
      %parallel_loop3A_755 = arith.index_cast %parallel_loop3A_120 : i32 to index
      %parallel_loop3A_756 = arith.constant 720 : index
      %parallel_loop3A_757 = tpu.vector_load %arg5[%parallel_loop3A_755, %parallel_loop3A_756] {strides = array<i32>} : memref<16x1024xf32, #tpu.memory_space<vmem>>, vector<1x16xf32>,
      %parallel_loop3A_758 = vector.shape_cast %parallel_loop3A_757 : vector<1x16xf32> to vector<16xf32>
      %parallel_loop3A_759 = arith.addf %parallel_loop3A_754, %parallel_loop3A_758 : vector<16xf32>
      %parallel_loop3A_760 = arith.index_cast %parallel_loop3A_120 : i32 to index
      %parallel_loop3A_761 = arith.constant 720 : index
      %parallel_loop3A_762 = tpu.vector_load %arg6[%parallel_loop3A_760, %parallel_loop3A_761] {strides = array<i32>} : memref<16x1024xf32, #tpu.memory_space<vmem>>, vector<1x16xf32>,
      %parallel_loop3A_763 = vector.shape_cast %parallel_loop3A_762 : vector<1x16xf32> to vector<16xf32>
      %parallel_loop3A_764 = vector.shape_cast %parallel_loop3A_759 : vector<16xf32> to vector<1x16xf32>
      tpu.vector_store %arg6[%parallel_loop3A_760, %parallel_loop3A_761], %parallel_loop3A_764 {strides = array<i32>} : memref<16x1024xf32, #tpu.memory_space<vmem>>, vector<1x16xf32>,
      %parallel_loop3A_765 = arith.index_cast %parallel_loop3A_120 : i32 to index
      %parallel_loop3A_766 = arith.constant 736 : index
      %parallel_loop3A_767 = tpu.vector_load %arg6[%parallel_loop3A_765, %parallel_loop3A_766] {strides = array<i32>} : memref<16x1024xf32, #tpu.memory_space<vmem>>, vector<1x16xf32>,
      %parallel_loop3A_768 = vector.shape_cast %parallel_loop3A_767 : vector<1x16xf32> to vector<16xf32>
      %parallel_loop3A_769 = arith.index_cast %parallel_loop3A_120 : i32 to index
      %parallel_loop3A_770 = arith.constant 736 : index
      %parallel_loop3A_771 = tpu.vector_load %arg5[%parallel_loop3A_769, %parallel_loop3A_770] {strides = array<i32>} : memref<16x1024xf32, #tpu.memory_space<vmem>>, vector<1x16xf32>,
      %parallel_loop3A_772 = vector.shape_cast %parallel_loop3A_771 : vector<1x16xf32> to vector<16xf32>
      %parallel_loop3A_773 = arith.addf %parallel_loop3A_768, %parallel_loop3A_772 : vector<16xf32>
      %parallel_loop3A_774 = arith.index_cast %parallel_loop3A_120 : i32 to index
      %parallel_loop3A_775 = arith.constant 736 : index
      %parallel_loop3A_776 = tpu.vector_load %arg6[%parallel_loop3A_774, %parallel_loop3A_775] {strides = array<i32>} : memref<16x1024xf32, #tpu.memory_space<vmem>>, vector<1x16xf32>,
      %parallel_loop3A_777 = vector.shape_cast %parallel_loop3A_776 : vector<1x16xf32> to vector<16xf32>
      %parallel_loop3A_778 = vector.shape_cast %parallel_loop3A_773 : vector<16xf32> to vector<1x16xf32>
      tpu.vector_store %arg6[%parallel_loop3A_774, %parallel_loop3A_775], %parallel_loop3A_778 {strides = array<i32>} : memref<16x1024xf32, #tpu.memory_space<vmem>>, vector<1x16xf32>,
      %parallel_loop3A_779 = arith.index_cast %parallel_loop3A_120 : i32 to index
      %parallel_loop3A_780 = arith.constant 752 : index
      %parallel_loop3A_781 = tpu.vector_load %arg6[%parallel_loop3A_779, %parallel_loop3A_780] {strides = array<i32>} : memref<16x1024xf32, #tpu.memory_space<vmem>>, vector<1x16xf32>,
      %parallel_loop3A_782 = vector.shape_cast %parallel_loop3A_781 : vector<1x16xf32> to vector<16xf32>
      %parallel_loop3A_783 = arith.index_cast %parallel_loop3A_120 : i32 to index
      %parallel_loop3A_784 = arith.constant 752 : index
      %parallel_loop3A_785 = tpu.vector_load %arg5[%parallel_loop3A_783, %parallel_loop3A_784] {strides = array<i32>} : memref<16x1024xf32, #tpu.memory_space<vmem>>, vector<1x16xf32>,
      %parallel_loop3A_786 = vector.shape_cast %parallel_loop3A_785 : vector<1x16xf32> to vector<16xf32>
      %parallel_loop3A_787 = arith.addf %parallel_loop3A_782, %parallel_loop3A_786 : vector<16xf32>
      %parallel_loop3A_788 = arith.index_cast %parallel_loop3A_120 : i32 to index
      %parallel_loop3A_789 = arith.constant 752 : index
      %parallel_loop3A_790 = tpu.vector_load %arg6[%parallel_loop3A_788, %parallel_loop3A_789] {strides = array<i32>} : memref<16x1024xf32, #tpu.memory_space<vmem>>, vector<1x16xf32>,
      %parallel_loop3A_791 = vector.shape_cast %parallel_loop3A_790 : vector<1x16xf32> to vector<16xf32>
      %parallel_loop3A_792 = vector.shape_cast %parallel_loop3A_787 : vector<16xf32> to vector<1x16xf32>
      tpu.vector_store %arg6[%parallel_loop3A_788, %parallel_loop3A_789], %parallel_loop3A_792 {strides = array<i32>} : memref<16x1024xf32, #tpu.memory_space<vmem>>, vector<1x16xf32>,
      %parallel_loop3A_793 = arith.index_cast %parallel_loop3A_120 : i32 to index
      %parallel_loop3A_794 = arith.constant 768 : index
      %parallel_loop3A_795 = tpu.vector_load %arg6[%parallel_loop3A_793, %parallel_loop3A_794] {strides = array<i32>} : memref<16x1024xf32, #tpu.memory_space<vmem>>, vector<1x16xf32>,
      %parallel_loop3A_796 = vector.shape_cast %parallel_loop3A_795 : vector<1x16xf32> to vector<16xf32>
      %parallel_loop3A_797 = arith.index_cast %parallel_loop3A_120 : i32 to index
      %parallel_loop3A_798 = arith.constant 768 : index
      %parallel_loop3A_799 = tpu.vector_load %arg5[%parallel_loop3A_797, %parallel_loop3A_798] {strides = array<i32>} : memref<16x1024xf32, #tpu.memory_space<vmem>>, vector<1x16xf32>,
      %parallel_loop3A_800 = vector.shape_cast %parallel_loop3A_799 : vector<1x16xf32> to vector<16xf32>
      %parallel_loop3A_801 = arith.addf %parallel_loop3A_796, %parallel_loop3A_800 : vector<16xf32>
      %parallel_loop3A_802 = arith.index_cast %parallel_loop3A_120 : i32 to index
      %parallel_loop3A_803 = arith.constant 768 : index
      %parallel_loop3A_804 = tpu.vector_load %arg6[%parallel_loop3A_802, %parallel_loop3A_803] {strides = array<i32>} : memref<16x1024xf32, #tpu.memory_space<vmem>>, vector<1x16xf32>,
      %parallel_loop3A_805 = vector.shape_cast %parallel_loop3A_804 : vector<1x16xf32> to vector<16xf32>
      %parallel_loop3A_806 = vector.shape_cast %parallel_loop3A_801 : vector<16xf32> to vector<1x16xf32>
      tpu.vector_store %arg6[%parallel_loop3A_802, %parallel_loop3A_803], %parallel_loop3A_806 {strides = array<i32>} : memref<16x1024xf32, #tpu.memory_space<vmem>>, vector<1x16xf32>,
      %parallel_loop3A_807 = arith.index_cast %parallel_loop3A_120 : i32 to index
      %parallel_loop3A_808 = arith.constant 784 : index
      %parallel_loop3A_809 = tpu.vector_load %arg6[%parallel_loop3A_807, %parallel_loop3A_808] {strides = array<i32>} : memref<16x1024xf32, #tpu.memory_space<vmem>>, vector<1x16xf32>,
      %parallel_loop3A_810 = vector.shape_cast %parallel_loop3A_809 : vector<1x16xf32> to vector<16xf32>
      %parallel_loop3A_811 = arith.index_cast %parallel_loop3A_120 : i32 to index
      %parallel_loop3A_812 = arith.constant 784 : index
      %parallel_loop3A_813 = tpu.vector_load %arg5[%parallel_loop3A_811, %parallel_loop3A_812] {strides = array<i32>} : memref<16x1024xf32, #tpu.memory_space<vmem>>, vector<1x16xf32>,
      %parallel_loop3A_814 = vector.shape_cast %parallel_loop3A_813 : vector<1x16xf32> to vector<16xf32>
      %parallel_loop3A_815 = arith.addf %parallel_loop3A_810, %parallel_loop3A_814 : vector<16xf32>
      %parallel_loop3A_816 = arith.index_cast %parallel_loop3A_120 : i32 to index
      %parallel_loop3A_817 = arith.constant 784 : index
      %parallel_loop3A_818 = tpu.vector_load %arg6[%parallel_loop3A_816, %parallel_loop3A_817] {strides = array<i32>} : memref<16x1024xf32, #tpu.memory_space<vmem>>, vector<1x16xf32>,
      %parallel_loop3A_819 = vector.shape_cast %parallel_loop3A_818 : vector<1x16xf32> to vector<16xf32>
      %parallel_loop3A_820 = vector.shape_cast %parallel_loop3A_815 : vector<16xf32> to vector<1x16xf32>
      tpu.vector_store %arg6[%parallel_loop3A_816, %parallel_loop3A_817], %parallel_loop3A_820 {strides = array<i32>} : memref<16x1024xf32, #tpu.memory_space<vmem>>, vector<1x16xf32>,
      %parallel_loop3A_821 = arith.index_cast %parallel_loop3A_120 : i32 to index
      %parallel_loop3A_822 = arith.constant 800 : index
      %parallel_loop3A_823 = tpu.vector_load %arg6[%parallel_loop3A_821, %parallel_loop3A_822] {strides = array<i32>} : memref<16x1024xf32, #tpu.memory_space<vmem>>, vector<1x16xf32>,
      %parallel_loop3A_824 = vector.shape_cast %parallel_loop3A_823 : vector<1x16xf32> to vector<16xf32>
      %parallel_loop3A_825 = arith.index_cast %parallel_loop3A_120 : i32 to index
      %parallel_loop3A_826 = arith.constant 800 : index
      %parallel_loop3A_827 = tpu.vector_load %arg5[%parallel_loop3A_825, %parallel_loop3A_826] {strides = array<i32>} : memref<16x1024xf32, #tpu.memory_space<vmem>>, vector<1x16xf32>,
      %parallel_loop3A_828 = vector.shape_cast %parallel_loop3A_827 : vector<1x16xf32> to vector<16xf32>
      %parallel_loop3A_829 = arith.addf %parallel_loop3A_824, %parallel_loop3A_828 : vector<16xf32>
      %parallel_loop3A_830 = arith.index_cast %parallel_loop3A_120 : i32 to index
      %parallel_loop3A_831 = arith.constant 800 : index
      %parallel_loop3A_832 = tpu.vector_load %arg6[%parallel_loop3A_830, %parallel_loop3A_831] {strides = array<i32>} : memref<16x1024xf32, #tpu.memory_space<vmem>>, vector<1x16xf32>,
      %parallel_loop3A_833 = vector.shape_cast %parallel_loop3A_832 : vector<1x16xf32> to vector<16xf32>
      %parallel_loop3A_834 = vector.shape_cast %parallel_loop3A_829 : vector<16xf32> to vector<1x16xf32>
      tpu.vector_store %arg6[%parallel_loop3A_830, %parallel_loop3A_831], %parallel_loop3A_834 {strides = array<i32>} : memref<16x1024xf32, #tpu.memory_space<vmem>>, vector<1x16xf32>,
      %parallel_loop3A_835 = arith.index_cast %parallel_loop3A_120 : i32 to index
      %parallel_loop3A_836 = arith.constant 816 : index
      %parallel_loop3A_837 = tpu.vector_load %arg6[%parallel_loop3A_835, %parallel_loop3A_836] {strides = array<i32>} : memref<16x1024xf32, #tpu.memory_space<vmem>>, vector<1x16xf32>,
      %parallel_loop3A_838 = vector.shape_cast %parallel_loop3A_837 : vector<1x16xf32> to vector<16xf32>
      %parallel_loop3A_839 = arith.index_cast %parallel_loop3A_120 : i32 to index
      %parallel_loop3A_840 = arith.constant 816 : index
      %parallel_loop3A_841 = tpu.vector_load %arg5[%parallel_loop3A_839, %parallel_loop3A_840] {strides = array<i32>} : memref<16x1024xf32, #tpu.memory_space<vmem>>, vector<1x16xf32>,
      %parallel_loop3A_842 = vector.shape_cast %parallel_loop3A_841 : vector<1x16xf32> to vector<16xf32>
      %parallel_loop3A_843 = arith.addf %parallel_loop3A_838, %parallel_loop3A_842 : vector<16xf32>
      %parallel_loop3A_844 = arith.index_cast %parallel_loop3A_120 : i32 to index
      %parallel_loop3A_845 = arith.constant 816 : index
      %parallel_loop3A_846 = tpu.vector_load %arg6[%parallel_loop3A_844, %parallel_loop3A_845] {strides = array<i32>} : memref<16x1024xf32, #tpu.memory_space<vmem>>, vector<1x16xf32>,
      %parallel_loop3A_847 = vector.shape_cast %parallel_loop3A_846 : vector<1x16xf32> to vector<16xf32>
      %parallel_loop3A_848 = vector.shape_cast %parallel_loop3A_843 : vector<16xf32> to vector<1x16xf32>
      tpu.vector_store %arg6[%parallel_loop3A_844, %parallel_loop3A_845], %parallel_loop3A_848 {strides = array<i32>} : memref<16x1024xf32, #tpu.memory_space<vmem>>, vector<1x16xf32>,
      %parallel_loop3A_849 = arith.index_cast %parallel_loop3A_120 : i32 to index
      %parallel_loop3A_850 = arith.constant 832 : index
      %parallel_loop3A_851 = tpu.vector_load %arg6[%parallel_loop3A_849, %parallel_loop3A_850] {strides = array<i32>} : memref<16x1024xf32, #tpu.memory_space<vmem>>, vector<1x16xf32>,
      %parallel_loop3A_852 = vector.shape_cast %parallel_loop3A_851 : vector<1x16xf32> to vector<16xf32>
      %parallel_loop3A_853 = arith.index_cast %parallel_loop3A_120 : i32 to index
      %parallel_loop3A_854 = arith.constant 832 : index
      %parallel_loop3A_855 = tpu.vector_load %arg5[%parallel_loop3A_853, %parallel_loop3A_854] {strides = array<i32>} : memref<16x1024xf32, #tpu.memory_space<vmem>>, vector<1x16xf32>,
      %parallel_loop3A_856 = vector.shape_cast %parallel_loop3A_855 : vector<1x16xf32> to vector<16xf32>
      %parallel_loop3A_857 = arith.addf %parallel_loop3A_852, %parallel_loop3A_856 : vector<16xf32>
      %parallel_loop3A_858 = arith.index_cast %parallel_loop3A_120 : i32 to index
      %parallel_loop3A_859 = arith.constant 832 : index
      %parallel_loop3A_860 = tpu.vector_load %arg6[%parallel_loop3A_858, %parallel_loop3A_859] {strides = array<i32>} : memref<16x1024xf32, #tpu.memory_space<vmem>>, vector<1x16xf32>,
      %parallel_loop3A_861 = vector.shape_cast %parallel_loop3A_860 : vector<1x16xf32> to vector<16xf32>
      %parallel_loop3A_862 = vector.shape_cast %parallel_loop3A_857 : vector<16xf32> to vector<1x16xf32>
      tpu.vector_store %arg6[%parallel_loop3A_858, %parallel_loop3A_859], %parallel_loop3A_862 {strides = array<i32>} : memref<16x1024xf32, #tpu.memory_space<vmem>>, vector<1x16xf32>,
      %parallel_loop3A_863 = arith.index_cast %parallel_loop3A_120 : i32 to index
      %parallel_loop3A_864 = arith.constant 848 : index
      %parallel_loop3A_865 = tpu.vector_load %arg6[%parallel_loop3A_863, %parallel_loop3A_864] {strides = array<i32>} : memref<16x1024xf32, #tpu.memory_space<vmem>>, vector<1x16xf32>,
      %parallel_loop3A_866 = vector.shape_cast %parallel_loop3A_865 : vector<1x16xf32> to vector<16xf32>
      %parallel_loop3A_867 = arith.index_cast %parallel_loop3A_120 : i32 to index
      %parallel_loop3A_868 = arith.constant 848 : index
      %parallel_loop3A_869 = tpu.vector_load %arg5[%parallel_loop3A_867, %parallel_loop3A_868] {strides = array<i32>} : memref<16x1024xf32, #tpu.memory_space<vmem>>, vector<1x16xf32>,
      %parallel_loop3A_870 = vector.shape_cast %parallel_loop3A_869 : vector<1x16xf32> to vector<16xf32>
      %parallel_loop3A_871 = arith.addf %parallel_loop3A_866, %parallel_loop3A_870 : vector<16xf32>
      %parallel_loop3A_872 = arith.index_cast %parallel_loop3A_120 : i32 to index
      %parallel_loop3A_873 = arith.constant 848 : index
      %parallel_loop3A_874 = tpu.vector_load %arg6[%parallel_loop3A_872, %parallel_loop3A_873] {strides = array<i32>} : memref<16x1024xf32, #tpu.memory_space<vmem>>, vector<1x16xf32>,
      %parallel_loop3A_875 = vector.shape_cast %parallel_loop3A_874 : vector<1x16xf32> to vector<16xf32>
      %parallel_loop3A_876 = vector.shape_cast %parallel_loop3A_871 : vector<16xf32> to vector<1x16xf32>
      tpu.vector_store %arg6[%parallel_loop3A_872, %parallel_loop3A_873], %parallel_loop3A_876 {strides = array<i32>} : memref<16x1024xf32, #tpu.memory_space<vmem>>, vector<1x16xf32>,
      %parallel_loop3A_877 = arith.index_cast %parallel_loop3A_120 : i32 to index
      %parallel_loop3A_878 = arith.constant 864 : index
      %parallel_loop3A_879 = tpu.vector_load %arg6[%parallel_loop3A_877, %parallel_loop3A_878] {strides = array<i32>} : memref<16x1024xf32, #tpu.memory_space<vmem>>, vector<1x16xf32>,
      %parallel_loop3A_880 = vector.shape_cast %parallel_loop3A_879 : vector<1x16xf32> to vector<16xf32>
      %parallel_loop3A_881 = arith.index_cast %parallel_loop3A_120 : i32 to index
      %parallel_loop3A_882 = arith.constant 864 : index
      %parallel_loop3A_883 = tpu.vector_load %arg5[%parallel_loop3A_881, %parallel_loop3A_882] {strides = array<i32>} : memref<16x1024xf32, #tpu.memory_space<vmem>>, vector<1x16xf32>,
      %parallel_loop3A_884 = vector.shape_cast %parallel_loop3A_883 : vector<1x16xf32> to vector<16xf32>
      %parallel_loop3A_885 = arith.addf %parallel_loop3A_880, %parallel_loop3A_884 : vector<16xf32>
      %parallel_loop3A_886 = arith.index_cast %parallel_loop3A_120 : i32 to index
      %parallel_loop3A_887 = arith.constant 864 : index
      %parallel_loop3A_888 = tpu.vector_load %arg6[%parallel_loop3A_886, %parallel_loop3A_887] {strides = array<i32>} : memref<16x1024xf32, #tpu.memory_space<vmem>>, vector<1x16xf32>,
      %parallel_loop3A_889 = vector.shape_cast %parallel_loop3A_888 : vector<1x16xf32> to vector<16xf32>
      %parallel_loop3A_890 = vector.shape_cast %parallel_loop3A_885 : vector<16xf32> to vector<1x16xf32>
      tpu.vector_store %arg6[%parallel_loop3A_886, %parallel_loop3A_887], %parallel_loop3A_890 {strides = array<i32>} : memref<16x1024xf32, #tpu.memory_space<vmem>>, vector<1x16xf32>,
      %parallel_loop3A_891 = arith.index_cast %parallel_loop3A_120 : i32 to index
      %parallel_loop3A_892 = arith.constant 880 : index
      %parallel_loop3A_893 = tpu.vector_load %arg6[%parallel_loop3A_891, %parallel_loop3A_892] {strides = array<i32>} : memref<16x1024xf32, #tpu.memory_space<vmem>>, vector<1x16xf32>,
      %parallel_loop3A_894 = vector.shape_cast %parallel_loop3A_893 : vector<1x16xf32> to vector<16xf32>
      %parallel_loop3A_895 = arith.index_cast %parallel_loop3A_120 : i32 to index
      %parallel_loop3A_896 = arith.constant 880 : index
      %parallel_loop3A_897 = tpu.vector_load %arg5[%parallel_loop3A_895, %parallel_loop3A_896] {strides = array<i32>} : memref<16x1024xf32, #tpu.memory_space<vmem>>, vector<1x16xf32>,
      %parallel_loop3A_898 = vector.shape_cast %parallel_loop3A_897 : vector<1x16xf32> to vector<16xf32>
      %parallel_loop3A_899 = arith.addf %parallel_loop3A_894, %parallel_loop3A_898 : vector<16xf32>
      %parallel_loop3A_900 = arith.index_cast %parallel_loop3A_120 : i32 to index
      %parallel_loop3A_901 = arith.constant 880 : index
      %parallel_loop3A_902 = tpu.vector_load %arg6[%parallel_loop3A_900, %parallel_loop3A_901] {strides = array<i32>} : memref<16x1024xf32, #tpu.memory_space<vmem>>, vector<1x16xf32>,
      %parallel_loop3A_903 = vector.shape_cast %parallel_loop3A_902 : vector<1x16xf32> to vector<16xf32>
      %parallel_loop3A_904 = vector.shape_cast %parallel_loop3A_899 : vector<16xf32> to vector<1x16xf32>
      tpu.vector_store %arg6[%parallel_loop3A_900, %parallel_loop3A_901], %parallel_loop3A_904 {strides = array<i32>} : memref<16x1024xf32, #tpu.memory_space<vmem>>, vector<1x16xf32>,
      %parallel_loop3A_905 = arith.index_cast %parallel_loop3A_120 : i32 to index
      %parallel_loop3A_906 = arith.constant 896 : index
      %parallel_loop3A_907 = tpu.vector_load %arg6[%parallel_loop3A_905, %parallel_loop3A_906] {strides = array<i32>} : memref<16x1024xf32, #tpu.memory_space<vmem>>, vector<1x16xf32>,
      %parallel_loop3A_908 = vector.shape_cast %parallel_loop3A_907 : vector<1x16xf32> to vector<16xf32>
      %parallel_loop3A_909 = arith.index_cast %parallel_loop3A_120 : i32 to index
      %parallel_loop3A_910 = arith.constant 896 : index
      %parallel_loop3A_911 = tpu.vector_load %arg5[%parallel_loop3A_909, %parallel_loop3A_910] {strides = array<i32>} : memref<16x1024xf32, #tpu.memory_space<vmem>>, vector<1x16xf32>,
      %parallel_loop3A_912 = vector.shape_cast %parallel_loop3A_911 : vector<1x16xf32> to vector<16xf32>
      %parallel_loop3A_913 = arith.addf %parallel_loop3A_908, %parallel_loop3A_912 : vector<16xf32>
      %parallel_loop3A_914 = arith.index_cast %parallel_loop3A_120 : i32 to index
      %parallel_loop3A_915 = arith.constant 896 : index
      %parallel_loop3A_916 = tpu.vector_load %arg6[%parallel_loop3A_914, %parallel_loop3A_915] {strides = array<i32>} : memref<16x1024xf32, #tpu.memory_space<vmem>>, vector<1x16xf32>,
      %parallel_loop3A_917 = vector.shape_cast %parallel_loop3A_916 : vector<1x16xf32> to vector<16xf32>
      %parallel_loop3A_918 = vector.shape_cast %parallel_loop3A_913 : vector<16xf32> to vector<1x16xf32>
      tpu.vector_store %arg6[%parallel_loop3A_914, %parallel_loop3A_915], %parallel_loop3A_918 {strides = array<i32>} : memref<16x1024xf32, #tpu.memory_space<vmem>>, vector<1x16xf32>,
      %parallel_loop3A_919 = arith.index_cast %parallel_loop3A_120 : i32 to index
      %parallel_loop3A_920 = arith.constant 912 : index
      %parallel_loop3A_921 = tpu.vector_load %arg6[%parallel_loop3A_919, %parallel_loop3A_920] {strides = array<i32>} : memref<16x1024xf32, #tpu.memory_space<vmem>>, vector<1x16xf32>,
      %parallel_loop3A_922 = vector.shape_cast %parallel_loop3A_921 : vector<1x16xf32> to vector<16xf32>
      %parallel_loop3A_923 = arith.index_cast %parallel_loop3A_120 : i32 to index
      %parallel_loop3A_924 = arith.constant 912 : index
      %parallel_loop3A_925 = tpu.vector_load %arg5[%parallel_loop3A_923, %parallel_loop3A_924] {strides = array<i32>} : memref<16x1024xf32, #tpu.memory_space<vmem>>, vector<1x16xf32>,
      %parallel_loop3A_926 = vector.shape_cast %parallel_loop3A_925 : vector<1x16xf32> to vector<16xf32>
      %parallel_loop3A_927 = arith.addf %parallel_loop3A_922, %parallel_loop3A_926 : vector<16xf32>
      %parallel_loop3A_928 = arith.index_cast %parallel_loop3A_120 : i32 to index
      %parallel_loop3A_929 = arith.constant 912 : index
      %parallel_loop3A_930 = tpu.vector_load %arg6[%parallel_loop3A_928, %parallel_loop3A_929] {strides = array<i32>} : memref<16x1024xf32, #tpu.memory_space<vmem>>, vector<1x16xf32>,
      %parallel_loop3A_931 = vector.shape_cast %parallel_loop3A_930 : vector<1x16xf32> to vector<16xf32>
      %parallel_loop3A_932 = vector.shape_cast %parallel_loop3A_927 : vector<16xf32> to vector<1x16xf32>
      tpu.vector_store %arg6[%parallel_loop3A_928, %parallel_loop3A_929], %parallel_loop3A_932 {strides = array<i32>} : memref<16x1024xf32, #tpu.memory_space<vmem>>, vector<1x16xf32>,
      %parallel_loop3A_933 = arith.index_cast %parallel_loop3A_120 : i32 to index
      %parallel_loop3A_934 = arith.constant 928 : index
      %parallel_loop3A_935 = tpu.vector_load %arg6[%parallel_loop3A_933, %parallel_loop3A_934] {strides = array<i32>} : memref<16x1024xf32, #tpu.memory_space<vmem>>, vector<1x16xf32>,
      %parallel_loop3A_936 = vector.shape_cast %parallel_loop3A_935 : vector<1x16xf32> to vector<16xf32>
      %parallel_loop3A_937 = arith.index_cast %parallel_loop3A_120 : i32 to index
      %parallel_loop3A_938 = arith.constant 928 : index
      %parallel_loop3A_939 = tpu.vector_load %arg5[%parallel_loop3A_937, %parallel_loop3A_938] {strides = array<i32>} : memref<16x1024xf32, #tpu.memory_space<vmem>>, vector<1x16xf32>,
      %parallel_loop3A_940 = vector.shape_cast %parallel_loop3A_939 : vector<1x16xf32> to vector<16xf32>
      %parallel_loop3A_941 = arith.addf %parallel_loop3A_936, %parallel_loop3A_940 : vector<16xf32>
      %parallel_loop3A_942 = arith.index_cast %parallel_loop3A_120 : i32 to index
      %parallel_loop3A_943 = arith.constant 928 : index
      %parallel_loop3A_944 = tpu.vector_load %arg6[%parallel_loop3A_942, %parallel_loop3A_943] {strides = array<i32>} : memref<16x1024xf32, #tpu.memory_space<vmem>>, vector<1x16xf32>,
      %parallel_loop3A_945 = vector.shape_cast %parallel_loop3A_944 : vector<1x16xf32> to vector<16xf32>
      %parallel_loop3A_946 = vector.shape_cast %parallel_loop3A_941 : vector<16xf32> to vector<1x16xf32>
      tpu.vector_store %arg6[%parallel_loop3A_942, %parallel_loop3A_943], %parallel_loop3A_946 {strides = array<i32>} : memref<16x1024xf32, #tpu.memory_space<vmem>>, vector<1x16xf32>,
      %parallel_loop3A_947 = arith.index_cast %parallel_loop3A_120 : i32 to index
      %parallel_loop3A_948 = arith.constant 944 : index
      %parallel_loop3A_949 = tpu.vector_load %arg6[%parallel_loop3A_947, %parallel_loop3A_948] {strides = array<i32>} : memref<16x1024xf32, #tpu.memory_space<vmem>>, vector<1x16xf32>,
      %parallel_loop3A_950 = vector.shape_cast %parallel_loop3A_949 : vector<1x16xf32> to vector<16xf32>
      %parallel_loop3A_951 = arith.index_cast %parallel_loop3A_120 : i32 to index
      %parallel_loop3A_952 = arith.constant 944 : index
      %parallel_loop3A_953 = tpu.vector_load %arg5[%parallel_loop3A_951, %parallel_loop3A_952] {strides = array<i32>} : memref<16x1024xf32, #tpu.memory_space<vmem>>, vector<1x16xf32>,
      %parallel_loop3A_954 = vector.shape_cast %parallel_loop3A_953 : vector<1x16xf32> to vector<16xf32>
      %parallel_loop3A_955 = arith.addf %parallel_loop3A_950, %parallel_loop3A_954 : vector<16xf32>
      %parallel_loop3A_956 = arith.index_cast %parallel_loop3A_120 : i32 to index
      %parallel_loop3A_957 = arith.constant 944 : index
      %parallel_loop3A_958 = tpu.vector_load %arg6[%parallel_loop3A_956, %parallel_loop3A_957] {strides = array<i32>} : memref<16x1024xf32, #tpu.memory_space<vmem>>, vector<1x16xf32>,
      %parallel_loop3A_959 = vector.shape_cast %parallel_loop3A_958 : vector<1x16xf32> to vector<16xf32>
      %parallel_loop3A_960 = vector.shape_cast %parallel_loop3A_955 : vector<16xf32> to vector<1x16xf32>
      tpu.vector_store %arg6[%parallel_loop3A_956, %parallel_loop3A_957], %parallel_loop3A_960 {strides = array<i32>} : memref<16x1024xf32, #tpu.memory_space<vmem>>, vector<1x16xf32>,
      %parallel_loop3A_961 = arith.index_cast %parallel_loop3A_120 : i32 to index
      %parallel_loop3A_962 = arith.constant 960 : index
      %parallel_loop3A_963 = tpu.vector_load %arg6[%parallel_loop3A_961, %parallel_loop3A_962] {strides = array<i32>} : memref<16x1024xf32, #tpu.memory_space<vmem>>, vector<1x16xf32>,
      %parallel_loop3A_964 = vector.shape_cast %parallel_loop3A_963 : vector<1x16xf32> to vector<16xf32>
      %parallel_loop3A_965 = arith.index_cast %parallel_loop3A_120 : i32 to index
      %parallel_loop3A_966 = arith.constant 960 : index
      %parallel_loop3A_967 = tpu.vector_load %arg5[%parallel_loop3A_965, %parallel_loop3A_966] {strides = array<i32>} : memref<16x1024xf32, #tpu.memory_space<vmem>>, vector<1x16xf32>,
      %parallel_loop3A_968 = vector.shape_cast %parallel_loop3A_967 : vector<1x16xf32> to vector<16xf32>
      %parallel_loop3A_969 = arith.addf %parallel_loop3A_964, %parallel_loop3A_968 : vector<16xf32>
      %parallel_loop3A_970 = arith.index_cast %parallel_loop3A_120 : i32 to index
      %parallel_loop3A_971 = arith.constant 960 : index
      %parallel_loop3A_972 = tpu.vector_load %arg6[%parallel_loop3A_970, %parallel_loop3A_971] {strides = array<i32>} : memref<16x1024xf32, #tpu.memory_space<vmem>>, vector<1x16xf32>,
      %parallel_loop3A_973 = vector.shape_cast %parallel_loop3A_972 : vector<1x16xf32> to vector<16xf32>
      %parallel_loop3A_974 = vector.shape_cast %parallel_loop3A_969 : vector<16xf32> to vector<1x16xf32>
      tpu.vector_store %arg6[%parallel_loop3A_970, %parallel_loop3A_971], %parallel_loop3A_974 {strides = array<i32>} : memref<16x1024xf32, #tpu.memory_space<vmem>>, vector<1x16xf32>,
      %parallel_loop3A_975 = arith.index_cast %parallel_loop3A_120 : i32 to index
      %parallel_loop3A_976 = arith.constant 976 : index
      %parallel_loop3A_977 = tpu.vector_load %arg6[%parallel_loop3A_975, %parallel_loop3A_976] {strides = array<i32>} : memref<16x1024xf32, #tpu.memory_space<vmem>>, vector<1x16xf32>,
      %parallel_loop3A_978 = vector.shape_cast %parallel_loop3A_977 : vector<1x16xf32> to vector<16xf32>
      %parallel_loop3A_979 = arith.index_cast %parallel_loop3A_120 : i32 to index
      %parallel_loop3A_980 = arith.constant 976 : index
      %parallel_loop3A_981 = tpu.vector_load %arg5[%parallel_loop3A_979, %parallel_loop3A_980] {strides = array<i32>} : memref<16x1024xf32, #tpu.memory_space<vmem>>, vector<1x16xf32>,
      %parallel_loop3A_982 = vector.shape_cast %parallel_loop3A_981 : vector<1x16xf32> to vector<16xf32>
      %parallel_loop3A_983 = arith.addf %parallel_loop3A_978, %parallel_loop3A_982 : vector<16xf32>
      %parallel_loop3A_984 = arith.index_cast %parallel_loop3A_120 : i32 to index
      %parallel_loop3A_985 = arith.constant 976 : index
      %parallel_loop3A_986 = tpu.vector_load %arg6[%parallel_loop3A_984, %parallel_loop3A_985] {strides = array<i32>} : memref<16x1024xf32, #tpu.memory_space<vmem>>, vector<1x16xf32>,
      %parallel_loop3A_987 = vector.shape_cast %parallel_loop3A_986 : vector<1x16xf32> to vector<16xf32>
      %parallel_loop3A_988 = vector.shape_cast %parallel_loop3A_983 : vector<16xf32> to vector<1x16xf32>
      tpu.vector_store %arg6[%parallel_loop3A_984, %parallel_loop3A_985], %parallel_loop3A_988 {strides = array<i32>} : memref<16x1024xf32, #tpu.memory_space<vmem>>, vector<1x16xf32>,
      %parallel_loop3A_989 = arith.index_cast %parallel_loop3A_120 : i32 to index
      %parallel_loop3A_990 = arith.constant 992 : index
      %parallel_loop3A_991 = tpu.vector_load %arg6[%parallel_loop3A_989, %parallel_loop3A_990] {strides = array<i32>} : memref<16x1024xf32, #tpu.memory_space<vmem>>, vector<1x16xf32>,
      %parallel_loop3A_992 = vector.shape_cast %parallel_loop3A_991 : vector<1x16xf32> to vector<16xf32>
      %parallel_loop3A_993 = arith.index_cast %parallel_loop3A_120 : i32 to index
      %parallel_loop3A_994 = arith.constant 992 : index
      %parallel_loop3A_995 = tpu.vector_load %arg5[%parallel_loop3A_993, %parallel_loop3A_994] {strides = array<i32>} : memref<16x1024xf32, #tpu.memory_space<vmem>>, vector<1x16xf32>,
      %parallel_loop3A_996 = vector.shape_cast %parallel_loop3A_995 : vector<1x16xf32> to vector<16xf32>
      %parallel_loop3A_997 = arith.addf %parallel_loop3A_992, %parallel_loop3A_996 : vector<16xf32>
      %parallel_loop3A_998 = arith.index_cast %parallel_loop3A_120 : i32 to index
      %parallel_loop3A_999 = arith.constant 992 : index
      %parallel_loop3A_1000 = tpu.vector_load %arg6[%parallel_loop3A_998, %parallel_loop3A_999] {strides = array<i32>} : memref<16x1024xf32, #tpu.memory_space<vmem>>, vector<1x16xf32>,
      %parallel_loop3A_1001 = vector.shape_cast %parallel_loop3A_1000 : vector<1x16xf32> to vector<16xf32>
      %parallel_loop3A_1002 = vector.shape_cast %parallel_loop3A_997 : vector<16xf32> to vector<1x16xf32>
      tpu.vector_store %arg6[%parallel_loop3A_998, %parallel_loop3A_999], %parallel_loop3A_1002 {strides = array<i32>} : memref<16x1024xf32, #tpu.memory_space<vmem>>, vector<1x16xf32>,
      %parallel_loop3A_1003 = arith.index_cast %parallel_loop3A_120 : i32 to index
      %parallel_loop3A_1004 = arith.constant 1008 : index
      %parallel_loop3A_1005 = tpu.vector_load %arg6[%parallel_loop3A_1003, %parallel_loop3A_1004] {strides = array<i32>} : memref<16x1024xf32, #tpu.memory_space<vmem>>, vector<1x16xf32>,
      %parallel_loop3A_1006 = vector.shape_cast %parallel_loop3A_1005 : vector<1x16xf32> to vector<16xf32>
      %parallel_loop3A_1007 = arith.index_cast %parallel_loop3A_120 : i32 to index
      %parallel_loop3A_1008 = arith.constant 1008 : index
      %parallel_loop3A_1009 = tpu.vector_load %arg5[%parallel_loop3A_1007, %parallel_loop3A_1008] {strides = array<i32>} : memref<16x1024xf32, #tpu.memory_space<vmem>>, vector<1x16xf32>,
      %parallel_loop3A_1010 = vector.shape_cast %parallel_loop3A_1009 : vector<1x16xf32> to vector<16xf32>
      %parallel_loop3A_1011 = arith.addf %parallel_loop3A_1006, %parallel_loop3A_1010 : vector<16xf32>
      %parallel_loop3A_1012 = arith.index_cast %parallel_loop3A_120 : i32 to index
      %parallel_loop3A_1013 = arith.constant 1008 : index
      %parallel_loop3A_1014 = tpu.vector_load %arg6[%parallel_loop3A_1012, %parallel_loop3A_1013] {strides = array<i32>} : memref<16x1024xf32, #tpu.memory_space<vmem>>, vector<1x16xf32>,
      %parallel_loop3A_1015 = vector.shape_cast %parallel_loop3A_1014 : vector<1x16xf32> to vector<16xf32>
      %parallel_loop3A_1016 = vector.shape_cast %parallel_loop3A_1011 : vector<16xf32> to vector<1x16xf32>
      tpu.vector_store %arg6[%parallel_loop3A_1012, %parallel_loop3A_1013], %parallel_loop3A_1016 {strides = array<i32>} : memref<16x1024xf32, #tpu.memory_space<vmem>>, vector<1x16xf32>,
    } {sc.loop_unroll_factor = 1 : i64, sc.parallel_access}
    %add3A_89 = arith.constant 1024 : i32
    %add3A_90 = arith.addi %add3A_89, %mul3A_2 : i32
    %add3A_91 = arith.constant 0 : i32
    %add3A_92 = arith.addi %add3A_90, %add3A_91 : i32
    %dma_start3A_93 = arith.constant 0 : i32
    %dma_start3A_94 = tpu.memref_slice %arg4[%add3A_92, %dma_start3A_93] : memref<2048x1024xf32, #tpu.memory_space<hbm>> -> memref<16x1024xf32, #tpu.memory_space<hbm>>
    %dma_start3A_95 = arith.constant 0 : i32
    %dma_start3A_96 = tpu.memref_slice %arg4[%add3A_92, %dma_start3A_95] : memref<2048x1024xf32, #tpu.memory_space<hbm>> -> memref<16x1024xf32, #tpu.memory_space<hbm>>
    tpu.enqueue_dma source(%arg6 : memref<16x1024xf32, #tpu.memory_space<vmem>>) target(%dma_start3A_96 : memref<16x1024xf32, #tpu.memory_space<hbm>>) target_semaphore(%arg11 : memref<!tpu.dma_semaphore, #tpu.memory_space<semaphore_mem>>)
    %dma_wait3A_97 = arith.constant 0 : i32
    %dma_wait3A_98 = tpu.memref_slice %arg2[%add3A_77, %dma_wait3A_97] : memref<16384x1024xf32, #tpu.memory_space<hbm>> -> memref<16x1024xf32, #tpu.memory_space<hbm>>
    %dma_wait3A_99 = arith.constant 0 : i32
    %dma_wait3A_100 = tpu.memref_slice %arg2[%add3A_77, %dma_wait3A_99] : memref<16384x1024xf32, #tpu.memory_space<hbm>> -> memref<16x1024xf32, #tpu.memory_space<hbm>>
    tpu.wait_dma2 semaphore(%arg10 : memref<!tpu.dma_semaphore, #tpu.memory_space<semaphore_mem>>) src(%dma_wait3A_100 : memref<16x1024xf32, #tpu.memory_space<hbm>>) dst(%arg7 : memref<16x1024xf32, #tpu.memory_space<vmem>>)
    %parallel_loop3A_101 = arith.constant 0 : i32
    %parallel_loop3A_102 = arith.constant 16 : i32
    %parallel_loop3A_103 = arith.constant 1 : i32
    scf.for %parallel_loop3A_120 = %parallel_loop3A_101 to %parallel_loop3A_102 step %parallel_loop3A_103  : i32 {
      %parallel_loop3A_121 = arith.index_cast %parallel_loop3A_120 : i32 to index
      %parallel_loop3A_122 = arith.constant 0 : index
      %parallel_loop3A_123 = tpu.vector_load %arg7[%parallel_loop3A_121, %parallel_loop3A_122] {strides = array<i32>} : memref<16x1024xf32, #tpu.memory_space<vmem>>, vector<1x16xf32>,
      %parallel_loop3A_124 = vector.shape_cast %parallel_loop3A_123 : vector<1x16xf32> to vector<16xf32>
      %parallel_loop3A_125 = arith.index_cast %parallel_loop3A_120 : i32 to index
      %parallel_loop3A_126 = arith.constant 0 : index
      %parallel_loop3A_127 = tpu.vector_load %arg5[%parallel_loop3A_125, %parallel_loop3A_126] {strides = array<i32>} : memref<16x1024xf32, #tpu.memory_space<vmem>>, vector<1x16xf32>,
      %parallel_loop3A_128 = vector.shape_cast %parallel_loop3A_127 : vector<1x16xf32> to vector<16xf32>
      %parallel_loop3A_129 = arith.addf %parallel_loop3A_124, %parallel_loop3A_128 : vector<16xf32>
      %parallel_loop3A_130 = arith.index_cast %parallel_loop3A_120 : i32 to index
      %parallel_loop3A_131 = arith.constant 0 : index
      %parallel_loop3A_132 = tpu.vector_load %arg7[%parallel_loop3A_130, %parallel_loop3A_131] {strides = array<i32>} : memref<16x1024xf32, #tpu.memory_space<vmem>>, vector<1x16xf32>,
      %parallel_loop3A_133 = vector.shape_cast %parallel_loop3A_132 : vector<1x16xf32> to vector<16xf32>
      %parallel_loop3A_134 = vector.shape_cast %parallel_loop3A_129 : vector<16xf32> to vector<1x16xf32>
      tpu.vector_store %arg7[%parallel_loop3A_130, %parallel_loop3A_131], %parallel_loop3A_134 {strides = array<i32>} : memref<16x1024xf32, #tpu.memory_space<vmem>>, vector<1x16xf32>,
      %parallel_loop3A_135 = arith.index_cast %parallel_loop3A_120 : i32 to index
      %parallel_loop3A_136 = arith.constant 16 : index
      %parallel_loop3A_137 = tpu.vector_load %arg7[%parallel_loop3A_135, %parallel_loop3A_136] {strides = array<i32>} : memref<16x1024xf32, #tpu.memory_space<vmem>>, vector<1x16xf32>,
      %parallel_loop3A_138 = vector.shape_cast %parallel_loop3A_137 : vector<1x16xf32> to vector<16xf32>
      %parallel_loop3A_139 = arith.index_cast %parallel_loop3A_120 : i32 to index
      %parallel_loop3A_140 = arith.constant 16 : index
      %parallel_loop3A_141 = tpu.vector_load %arg5[%parallel_loop3A_139, %parallel_loop3A_140] {strides = array<i32>} : memref<16x1024xf32, #tpu.memory_space<vmem>>, vector<1x16xf32>,
      %parallel_loop3A_142 = vector.shape_cast %parallel_loop3A_141 : vector<1x16xf32> to vector<16xf32>
      %parallel_loop3A_143 = arith.addf %parallel_loop3A_138, %parallel_loop3A_142 : vector<16xf32>
      %parallel_loop3A_144 = arith.index_cast %parallel_loop3A_120 : i32 to index
      %parallel_loop3A_145 = arith.constant 16 : index
      %parallel_loop3A_146 = tpu.vector_load %arg7[%parallel_loop3A_144, %parallel_loop3A_145] {strides = array<i32>} : memref<16x1024xf32, #tpu.memory_space<vmem>>, vector<1x16xf32>,
      %parallel_loop3A_147 = vector.shape_cast %parallel_loop3A_146 : vector<1x16xf32> to vector<16xf32>
      %parallel_loop3A_148 = vector.shape_cast %parallel_loop3A_143 : vector<16xf32> to vector<1x16xf32>
      tpu.vector_store %arg7[%parallel_loop3A_144, %parallel_loop3A_145], %parallel_loop3A_148 {strides = array<i32>} : memref<16x1024xf32, #tpu.memory_space<vmem>>, vector<1x16xf32>,
      %parallel_loop3A_149 = arith.index_cast %parallel_loop3A_120 : i32 to index
      %parallel_loop3A_150 = arith.constant 32 : index
      %parallel_loop3A_151 = tpu.vector_load %arg7[%parallel_loop3A_149, %parallel_loop3A_150] {strides = array<i32>} : memref<16x1024xf32, #tpu.memory_space<vmem>>, vector<1x16xf32>,
      %parallel_loop3A_152 = vector.shape_cast %parallel_loop3A_151 : vector<1x16xf32> to vector<16xf32>
      %parallel_loop3A_153 = arith.index_cast %parallel_loop3A_120 : i32 to index
      %parallel_loop3A_154 = arith.constant 32 : index
      %parallel_loop3A_155 = tpu.vector_load %arg5[%parallel_loop3A_153, %parallel_loop3A_154] {strides = array<i32>} : memref<16x1024xf32, #tpu.memory_space<vmem>>, vector<1x16xf32>,
      %parallel_loop3A_156 = vector.shape_cast %parallel_loop3A_155 : vector<1x16xf32> to vector<16xf32>
      %parallel_loop3A_157 = arith.addf %parallel_loop3A_152, %parallel_loop3A_156 : vector<16xf32>
      %parallel_loop3A_158 = arith.index_cast %parallel_loop3A_120 : i32 to index
      %parallel_loop3A_159 = arith.constant 32 : index
      %parallel_loop3A_160 = tpu.vector_load %arg7[%parallel_loop3A_158, %parallel_loop3A_159] {strides = array<i32>} : memref<16x1024xf32, #tpu.memory_space<vmem>>, vector<1x16xf32>,
      %parallel_loop3A_161 = vector.shape_cast %parallel_loop3A_160 : vector<1x16xf32> to vector<16xf32>
      %parallel_loop3A_162 = vector.shape_cast %parallel_loop3A_157 : vector<16xf32> to vector<1x16xf32>
      tpu.vector_store %arg7[%parallel_loop3A_158, %parallel_loop3A_159], %parallel_loop3A_162 {strides = array<i32>} : memref<16x1024xf32, #tpu.memory_space<vmem>>, vector<1x16xf32>,
      %parallel_loop3A_163 = arith.index_cast %parallel_loop3A_120 : i32 to index
      %parallel_loop3A_164 = arith.constant 48 : index
      %parallel_loop3A_165 = tpu.vector_load %arg7[%parallel_loop3A_163, %parallel_loop3A_164] {strides = array<i32>} : memref<16x1024xf32, #tpu.memory_space<vmem>>, vector<1x16xf32>,
      %parallel_loop3A_166 = vector.shape_cast %parallel_loop3A_165 : vector<1x16xf32> to vector<16xf32>
      %parallel_loop3A_167 = arith.index_cast %parallel_loop3A_120 : i32 to index
      %parallel_loop3A_168 = arith.constant 48 : index
      %parallel_loop3A_169 = tpu.vector_load %arg5[%parallel_loop3A_167, %parallel_loop3A_168] {strides = array<i32>} : memref<16x1024xf32, #tpu.memory_space<vmem>>, vector<1x16xf32>,
      %parallel_loop3A_170 = vector.shape_cast %parallel_loop3A_169 : vector<1x16xf32> to vector<16xf32>
      %parallel_loop3A_171 = arith.addf %parallel_loop3A_166, %parallel_loop3A_170 : vector<16xf32>
      %parallel_loop3A_172 = arith.index_cast %parallel_loop3A_120 : i32 to index
      %parallel_loop3A_173 = arith.constant 48 : index
      %parallel_loop3A_174 = tpu.vector_load %arg7[%parallel_loop3A_172, %parallel_loop3A_173] {strides = array<i32>} : memref<16x1024xf32, #tpu.memory_space<vmem>>, vector<1x16xf32>,
      %parallel_loop3A_175 = vector.shape_cast %parallel_loop3A_174 : vector<1x16xf32> to vector<16xf32>
      %parallel_loop3A_176 = vector.shape_cast %parallel_loop3A_171 : vector<16xf32> to vector<1x16xf32>
      tpu.vector_store %arg7[%parallel_loop3A_172, %parallel_loop3A_173], %parallel_loop3A_176 {strides = array<i32>} : memref<16x1024xf32, #tpu.memory_space<vmem>>, vector<1x16xf32>,
      %parallel_loop3A_177 = arith.index_cast %parallel_loop3A_120 : i32 to index
      %parallel_loop3A_178 = arith.constant 64 : index
      %parallel_loop3A_179 = tpu.vector_load %arg7[%parallel_loop3A_177, %parallel_loop3A_178] {strides = array<i32>} : memref<16x1024xf32, #tpu.memory_space<vmem>>, vector<1x16xf32>,
      %parallel_loop3A_180 = vector.shape_cast %parallel_loop3A_179 : vector<1x16xf32> to vector<16xf32>
      %parallel_loop3A_181 = arith.index_cast %parallel_loop3A_120 : i32 to index
      %parallel_loop3A_182 = arith.constant 64 : index
      %parallel_loop3A_183 = tpu.vector_load %arg5[%parallel_loop3A_181, %parallel_loop3A_182] {strides = array<i32>} : memref<16x1024xf32, #tpu.memory_space<vmem>>, vector<1x16xf32>,
      %parallel_loop3A_184 = vector.shape_cast %parallel_loop3A_183 : vector<1x16xf32> to vector<16xf32>
      %parallel_loop3A_185 = arith.addf %parallel_loop3A_180, %parallel_loop3A_184 : vector<16xf32>
      %parallel_loop3A_186 = arith.index_cast %parallel_loop3A_120 : i32 to index
      %parallel_loop3A_187 = arith.constant 64 : index
      %parallel_loop3A_188 = tpu.vector_load %arg7[%parallel_loop3A_186, %parallel_loop3A_187] {strides = array<i32>} : memref<16x1024xf32, #tpu.memory_space<vmem>>, vector<1x16xf32>,
      %parallel_loop3A_189 = vector.shape_cast %parallel_loop3A_188 : vector<1x16xf32> to vector<16xf32>
      %parallel_loop3A_190 = vector.shape_cast %parallel_loop3A_185 : vector<16xf32> to vector<1x16xf32>
      tpu.vector_store %arg7[%parallel_loop3A_186, %parallel_loop3A_187], %parallel_loop3A_190 {strides = array<i32>} : memref<16x1024xf32, #tpu.memory_space<vmem>>, vector<1x16xf32>,
      %parallel_loop3A_191 = arith.index_cast %parallel_loop3A_120 : i32 to index
      %parallel_loop3A_192 = arith.constant 80 : index
      %parallel_loop3A_193 = tpu.vector_load %arg7[%parallel_loop3A_191, %parallel_loop3A_192] {strides = array<i32>} : memref<16x1024xf32, #tpu.memory_space<vmem>>, vector<1x16xf32>,
      %parallel_loop3A_194 = vector.shape_cast %parallel_loop3A_193 : vector<1x16xf32> to vector<16xf32>
      %parallel_loop3A_195 = arith.index_cast %parallel_loop3A_120 : i32 to index
      %parallel_loop3A_196 = arith.constant 80 : index
      %parallel_loop3A_197 = tpu.vector_load %arg5[%parallel_loop3A_195, %parallel_loop3A_196] {strides = array<i32>} : memref<16x1024xf32, #tpu.memory_space<vmem>>, vector<1x16xf32>,
      %parallel_loop3A_198 = vector.shape_cast %parallel_loop3A_197 : vector<1x16xf32> to vector<16xf32>
      %parallel_loop3A_199 = arith.addf %parallel_loop3A_194, %parallel_loop3A_198 : vector<16xf32>
      %parallel_loop3A_200 = arith.index_cast %parallel_loop3A_120 : i32 to index
      %parallel_loop3A_201 = arith.constant 80 : index
      %parallel_loop3A_202 = tpu.vector_load %arg7[%parallel_loop3A_200, %parallel_loop3A_201] {strides = array<i32>} : memref<16x1024xf32, #tpu.memory_space<vmem>>, vector<1x16xf32>,
      %parallel_loop3A_203 = vector.shape_cast %parallel_loop3A_202 : vector<1x16xf32> to vector<16xf32>
      %parallel_loop3A_204 = vector.shape_cast %parallel_loop3A_199 : vector<16xf32> to vector<1x16xf32>
      tpu.vector_store %arg7[%parallel_loop3A_200, %parallel_loop3A_201], %parallel_loop3A_204 {strides = array<i32>} : memref<16x1024xf32, #tpu.memory_space<vmem>>, vector<1x16xf32>,
      %parallel_loop3A_205 = arith.index_cast %parallel_loop3A_120 : i32 to index
      %parallel_loop3A_206 = arith.constant 96 : index
      %parallel_loop3A_207 = tpu.vector_load %arg7[%parallel_loop3A_205, %parallel_loop3A_206] {strides = array<i32>} : memref<16x1024xf32, #tpu.memory_space<vmem>>, vector<1x16xf32>,
      %parallel_loop3A_208 = vector.shape_cast %parallel_loop3A_207 : vector<1x16xf32> to vector<16xf32>
      %parallel_loop3A_209 = arith.index_cast %parallel_loop3A_120 : i32 to index
      %parallel_loop3A_210 = arith.constant 96 : index
      %parallel_loop3A_211 = tpu.vector_load %arg5[%parallel_loop3A_209, %parallel_loop3A_210] {strides = array<i32>} : memref<16x1024xf32, #tpu.memory_space<vmem>>, vector<1x16xf32>,
      %parallel_loop3A_212 = vector.shape_cast %parallel_loop3A_211 : vector<1x16xf32> to vector<16xf32>
      %parallel_loop3A_213 = arith.addf %parallel_loop3A_208, %parallel_loop3A_212 : vector<16xf32>
      %parallel_loop3A_214 = arith.index_cast %parallel_loop3A_120 : i32 to index
      %parallel_loop3A_215 = arith.constant 96 : index
      %parallel_loop3A_216 = tpu.vector_load %arg7[%parallel_loop3A_214, %parallel_loop3A_215] {strides = array<i32>} : memref<16x1024xf32, #tpu.memory_space<vmem>>, vector<1x16xf32>,
      %parallel_loop3A_217 = vector.shape_cast %parallel_loop3A_216 : vector<1x16xf32> to vector<16xf32>
      %parallel_loop3A_218 = vector.shape_cast %parallel_loop3A_213 : vector<16xf32> to vector<1x16xf32>
      tpu.vector_store %arg7[%parallel_loop3A_214, %parallel_loop3A_215], %parallel_loop3A_218 {strides = array<i32>} : memref<16x1024xf32, #tpu.memory_space<vmem>>, vector<1x16xf32>,
      %parallel_loop3A_219 = arith.index_cast %parallel_loop3A_120 : i32 to index
      %parallel_loop3A_220 = arith.constant 112 : index
      %parallel_loop3A_221 = tpu.vector_load %arg7[%parallel_loop3A_219, %parallel_loop3A_220] {strides = array<i32>} : memref<16x1024xf32, #tpu.memory_space<vmem>>, vector<1x16xf32>,
      %parallel_loop3A_222 = vector.shape_cast %parallel_loop3A_221 : vector<1x16xf32> to vector<16xf32>
      %parallel_loop3A_223 = arith.index_cast %parallel_loop3A_120 : i32 to index
      %parallel_loop3A_224 = arith.constant 112 : index
      %parallel_loop3A_225 = tpu.vector_load %arg5[%parallel_loop3A_223, %parallel_loop3A_224] {strides = array<i32>} : memref<16x1024xf32, #tpu.memory_space<vmem>>, vector<1x16xf32>,
      %parallel_loop3A_226 = vector.shape_cast %parallel_loop3A_225 : vector<1x16xf32> to vector<16xf32>
      %parallel_loop3A_227 = arith.addf %parallel_loop3A_222, %parallel_loop3A_226 : vector<16xf32>
      %parallel_loop3A_228 = arith.index_cast %parallel_loop3A_120 : i32 to index
      %parallel_loop3A_229 = arith.constant 112 : index
      %parallel_loop3A_230 = tpu.vector_load %arg7[%parallel_loop3A_228, %parallel_loop3A_229] {strides = array<i32>} : memref<16x1024xf32, #tpu.memory_space<vmem>>, vector<1x16xf32>,
      %parallel_loop3A_231 = vector.shape_cast %parallel_loop3A_230 : vector<1x16xf32> to vector<16xf32>
      %parallel_loop3A_232 = vector.shape_cast %parallel_loop3A_227 : vector<16xf32> to vector<1x16xf32>
      tpu.vector_store %arg7[%parallel_loop3A_228, %parallel_loop3A_229], %parallel_loop3A_232 {strides = array<i32>} : memref<16x1024xf32, #tpu.memory_space<vmem>>, vector<1x16xf32>,
      %parallel_loop3A_233 = arith.index_cast %parallel_loop3A_120 : i32 to index
      %parallel_loop3A_234 = arith.constant 128 : index
      %parallel_loop3A_235 = tpu.vector_load %arg7[%parallel_loop3A_233, %parallel_loop3A_234] {strides = array<i32>} : memref<16x1024xf32, #tpu.memory_space<vmem>>, vector<1x16xf32>,
      %parallel_loop3A_236 = vector.shape_cast %parallel_loop3A_235 : vector<1x16xf32> to vector<16xf32>
      %parallel_loop3A_237 = arith.index_cast %parallel_loop3A_120 : i32 to index
      %parallel_loop3A_238 = arith.constant 128 : index
      %parallel_loop3A_239 = tpu.vector_load %arg5[%parallel_loop3A_237, %parallel_loop3A_238] {strides = array<i32>} : memref<16x1024xf32, #tpu.memory_space<vmem>>, vector<1x16xf32>,
      %parallel_loop3A_240 = vector.shape_cast %parallel_loop3A_239 : vector<1x16xf32> to vector<16xf32>
      %parallel_loop3A_241 = arith.addf %parallel_loop3A_236, %parallel_loop3A_240 : vector<16xf32>
      %parallel_loop3A_242 = arith.index_cast %parallel_loop3A_120 : i32 to index
      %parallel_loop3A_243 = arith.constant 128 : index
      %parallel_loop3A_244 = tpu.vector_load %arg7[%parallel_loop3A_242, %parallel_loop3A_243] {strides = array<i32>} : memref<16x1024xf32, #tpu.memory_space<vmem>>, vector<1x16xf32>,
      %parallel_loop3A_245 = vector.shape_cast %parallel_loop3A_244 : vector<1x16xf32> to vector<16xf32>
      %parallel_loop3A_246 = vector.shape_cast %parallel_loop3A_241 : vector<16xf32> to vector<1x16xf32>
      tpu.vector_store %arg7[%parallel_loop3A_242, %parallel_loop3A_243], %parallel_loop3A_246 {strides = array<i32>} : memref<16x1024xf32, #tpu.memory_space<vmem>>, vector<1x16xf32>,
      %parallel_loop3A_247 = arith.index_cast %parallel_loop3A_120 : i32 to index
      %parallel_loop3A_248 = arith.constant 144 : index
      %parallel_loop3A_249 = tpu.vector_load %arg7[%parallel_loop3A_247, %parallel_loop3A_248] {strides = array<i32>} : memref<16x1024xf32, #tpu.memory_space<vmem>>, vector<1x16xf32>,
      %parallel_loop3A_250 = vector.shape_cast %parallel_loop3A_249 : vector<1x16xf32> to vector<16xf32>
      %parallel_loop3A_251 = arith.index_cast %parallel_loop3A_120 : i32 to index
      %parallel_loop3A_252 = arith.constant 144 : index
      %parallel_loop3A_253 = tpu.vector_load %arg5[%parallel_loop3A_251, %parallel_loop3A_252] {strides = array<i32>} : memref<16x1024xf32, #tpu.memory_space<vmem>>, vector<1x16xf32>,
      %parallel_loop3A_254 = vector.shape_cast %parallel_loop3A_253 : vector<1x16xf32> to vector<16xf32>
      %parallel_loop3A_255 = arith.addf %parallel_loop3A_250, %parallel_loop3A_254 : vector<16xf32>
      %parallel_loop3A_256 = arith.index_cast %parallel_loop3A_120 : i32 to index
      %parallel_loop3A_257 = arith.constant 144 : index
      %parallel_loop3A_258 = tpu.vector_load %arg7[%parallel_loop3A_256, %parallel_loop3A_257] {strides = array<i32>} : memref<16x1024xf32, #tpu.memory_space<vmem>>, vector<1x16xf32>,
      %parallel_loop3A_259 = vector.shape_cast %parallel_loop3A_258 : vector<1x16xf32> to vector<16xf32>
      %parallel_loop3A_260 = vector.shape_cast %parallel_loop3A_255 : vector<16xf32> to vector<1x16xf32>
      tpu.vector_store %arg7[%parallel_loop3A_256, %parallel_loop3A_257], %parallel_loop3A_260 {strides = array<i32>} : memref<16x1024xf32, #tpu.memory_space<vmem>>, vector<1x16xf32>,
      %parallel_loop3A_261 = arith.index_cast %parallel_loop3A_120 : i32 to index
      %parallel_loop3A_262 = arith.constant 160 : index
      %parallel_loop3A_263 = tpu.vector_load %arg7[%parallel_loop3A_261, %parallel_loop3A_262] {strides = array<i32>} : memref<16x1024xf32, #tpu.memory_space<vmem>>, vector<1x16xf32>,
      %parallel_loop3A_264 = vector.shape_cast %parallel_loop3A_263 : vector<1x16xf32> to vector<16xf32>
      %parallel_loop3A_265 = arith.index_cast %parallel_loop3A_120 : i32 to index
      %parallel_loop3A_266 = arith.constant 160 : index
      %parallel_loop3A_267 = tpu.vector_load %arg5[%parallel_loop3A_265, %parallel_loop3A_266] {strides = array<i32>} : memref<16x1024xf32, #tpu.memory_space<vmem>>, vector<1x16xf32>,
      %parallel_loop3A_268 = vector.shape_cast %parallel_loop3A_267 : vector<1x16xf32> to vector<16xf32>
      %parallel_loop3A_269 = arith.addf %parallel_loop3A_264, %parallel_loop3A_268 : vector<16xf32>
      %parallel_loop3A_270 = arith.index_cast %parallel_loop3A_120 : i32 to index
      %parallel_loop3A_271 = arith.constant 160 : index
      %parallel_loop3A_272 = tpu.vector_load %arg7[%parallel_loop3A_270, %parallel_loop3A_271] {strides = array<i32>} : memref<16x1024xf32, #tpu.memory_space<vmem>>, vector<1x16xf32>,
      %parallel_loop3A_273 = vector.shape_cast %parallel_loop3A_272 : vector<1x16xf32> to vector<16xf32>
      %parallel_loop3A_274 = vector.shape_cast %parallel_loop3A_269 : vector<16xf32> to vector<1x16xf32>
      tpu.vector_store %arg7[%parallel_loop3A_270, %parallel_loop3A_271], %parallel_loop3A_274 {strides = array<i32>} : memref<16x1024xf32, #tpu.memory_space<vmem>>, vector<1x16xf32>,
      %parallel_loop3A_275 = arith.index_cast %parallel_loop3A_120 : i32 to index
      %parallel_loop3A_276 = arith.constant 176 : index
      %parallel_loop3A_277 = tpu.vector_load %arg7[%parallel_loop3A_275, %parallel_loop3A_276] {strides = array<i32>} : memref<16x1024xf32, #tpu.memory_space<vmem>>, vector<1x16xf32>,
      %parallel_loop3A_278 = vector.shape_cast %parallel_loop3A_277 : vector<1x16xf32> to vector<16xf32>
      %parallel_loop3A_279 = arith.index_cast %parallel_loop3A_120 : i32 to index
      %parallel_loop3A_280 = arith.constant 176 : index
      %parallel_loop3A_281 = tpu.vector_load %arg5[%parallel_loop3A_279, %parallel_loop3A_280] {strides = array<i32>} : memref<16x1024xf32, #tpu.memory_space<vmem>>, vector<1x16xf32>,
      %parallel_loop3A_282 = vector.shape_cast %parallel_loop3A_281 : vector<1x16xf32> to vector<16xf32>
      %parallel_loop3A_283 = arith.addf %parallel_loop3A_278, %parallel_loop3A_282 : vector<16xf32>
      %parallel_loop3A_284 = arith.index_cast %parallel_loop3A_120 : i32 to index
      %parallel_loop3A_285 = arith.constant 176 : index
      %parallel_loop3A_286 = tpu.vector_load %arg7[%parallel_loop3A_284, %parallel_loop3A_285] {strides = array<i32>} : memref<16x1024xf32, #tpu.memory_space<vmem>>, vector<1x16xf32>,
      %parallel_loop3A_287 = vector.shape_cast %parallel_loop3A_286 : vector<1x16xf32> to vector<16xf32>
      %parallel_loop3A_288 = vector.shape_cast %parallel_loop3A_283 : vector<16xf32> to vector<1x16xf32>
      tpu.vector_store %arg7[%parallel_loop3A_284, %parallel_loop3A_285], %parallel_loop3A_288 {strides = array<i32>} : memref<16x1024xf32, #tpu.memory_space<vmem>>, vector<1x16xf32>,
      %parallel_loop3A_289 = arith.index_cast %parallel_loop3A_120 : i32 to index
      %parallel_loop3A_290 = arith.constant 192 : index
      %parallel_loop3A_291 = tpu.vector_load %arg7[%parallel_loop3A_289, %parallel_loop3A_290] {strides = array<i32>} : memref<16x1024xf32, #tpu.memory_space<vmem>>, vector<1x16xf32>,
      %parallel_loop3A_292 = vector.shape_cast %parallel_loop3A_291 : vector<1x16xf32> to vector<16xf32>
      %parallel_loop3A_293 = arith.index_cast %parallel_loop3A_120 : i32 to index
      %parallel_loop3A_294 = arith.constant 192 : index
      %parallel_loop3A_295 = tpu.vector_load %arg5[%parallel_loop3A_293, %parallel_loop3A_294] {strides = array<i32>} : memref<16x1024xf32, #tpu.memory_space<vmem>>, vector<1x16xf32>,
      %parallel_loop3A_296 = vector.shape_cast %parallel_loop3A_295 : vector<1x16xf32> to vector<16xf32>
      %parallel_loop3A_297 = arith.addf %parallel_loop3A_292, %parallel_loop3A_296 : vector<16xf32>
      %parallel_loop3A_298 = arith.index_cast %parallel_loop3A_120 : i32 to index
      %parallel_loop3A_299 = arith.constant 192 : index
      %parallel_loop3A_300 = tpu.vector_load %arg7[%parallel_loop3A_298, %parallel_loop3A_299] {strides = array<i32>} : memref<16x1024xf32, #tpu.memory_space<vmem>>, vector<1x16xf32>,
      %parallel_loop3A_301 = vector.shape_cast %parallel_loop3A_300 : vector<1x16xf32> to vector<16xf32>
      %parallel_loop3A_302 = vector.shape_cast %parallel_loop3A_297 : vector<16xf32> to vector<1x16xf32>
      tpu.vector_store %arg7[%parallel_loop3A_298, %parallel_loop3A_299], %parallel_loop3A_302 {strides = array<i32>} : memref<16x1024xf32, #tpu.memory_space<vmem>>, vector<1x16xf32>,
      %parallel_loop3A_303 = arith.index_cast %parallel_loop3A_120 : i32 to index
      %parallel_loop3A_304 = arith.constant 208 : index
      %parallel_loop3A_305 = tpu.vector_load %arg7[%parallel_loop3A_303, %parallel_loop3A_304] {strides = array<i32>} : memref<16x1024xf32, #tpu.memory_space<vmem>>, vector<1x16xf32>,
      %parallel_loop3A_306 = vector.shape_cast %parallel_loop3A_305 : vector<1x16xf32> to vector<16xf32>
      %parallel_loop3A_307 = arith.index_cast %parallel_loop3A_120 : i32 to index
      %parallel_loop3A_308 = arith.constant 208 : index
      %parallel_loop3A_309 = tpu.vector_load %arg5[%parallel_loop3A_307, %parallel_loop3A_308] {strides = array<i32>} : memref<16x1024xf32, #tpu.memory_space<vmem>>, vector<1x16xf32>,
      %parallel_loop3A_310 = vector.shape_cast %parallel_loop3A_309 : vector<1x16xf32> to vector<16xf32>
      %parallel_loop3A_311 = arith.addf %parallel_loop3A_306, %parallel_loop3A_310 : vector<16xf32>
      %parallel_loop3A_312 = arith.index_cast %parallel_loop3A_120 : i32 to index
      %parallel_loop3A_313 = arith.constant 208 : index
      %parallel_loop3A_314 = tpu.vector_load %arg7[%parallel_loop3A_312, %parallel_loop3A_313] {strides = array<i32>} : memref<16x1024xf32, #tpu.memory_space<vmem>>, vector<1x16xf32>,
      %parallel_loop3A_315 = vector.shape_cast %parallel_loop3A_314 : vector<1x16xf32> to vector<16xf32>
      %parallel_loop3A_316 = vector.shape_cast %parallel_loop3A_311 : vector<16xf32> to vector<1x16xf32>
      tpu.vector_store %arg7[%parallel_loop3A_312, %parallel_loop3A_313], %parallel_loop3A_316 {strides = array<i32>} : memref<16x1024xf32, #tpu.memory_space<vmem>>, vector<1x16xf32>,
      %parallel_loop3A_317 = arith.index_cast %parallel_loop3A_120 : i32 to index
      %parallel_loop3A_318 = arith.constant 224 : index
      %parallel_loop3A_319 = tpu.vector_load %arg7[%parallel_loop3A_317, %parallel_loop3A_318] {strides = array<i32>} : memref<16x1024xf32, #tpu.memory_space<vmem>>, vector<1x16xf32>,
      %parallel_loop3A_320 = vector.shape_cast %parallel_loop3A_319 : vector<1x16xf32> to vector<16xf32>
      %parallel_loop3A_321 = arith.index_cast %parallel_loop3A_120 : i32 to index
      %parallel_loop3A_322 = arith.constant 224 : index
      %parallel_loop3A_323 = tpu.vector_load %arg5[%parallel_loop3A_321, %parallel_loop3A_322] {strides = array<i32>} : memref<16x1024xf32, #tpu.memory_space<vmem>>, vector<1x16xf32>,
      %parallel_loop3A_324 = vector.shape_cast %parallel_loop3A_323 : vector<1x16xf32> to vector<16xf32>
      %parallel_loop3A_325 = arith.addf %parallel_loop3A_320, %parallel_loop3A_324 : vector<16xf32>
      %parallel_loop3A_326 = arith.index_cast %parallel_loop3A_120 : i32 to index
      %parallel_loop3A_327 = arith.constant 224 : index
      %parallel_loop3A_328 = tpu.vector_load %arg7[%parallel_loop3A_326, %parallel_loop3A_327] {strides = array<i32>} : memref<16x1024xf32, #tpu.memory_space<vmem>>, vector<1x16xf32>,
      %parallel_loop3A_329 = vector.shape_cast %parallel_loop3A_328 : vector<1x16xf32> to vector<16xf32>
      %parallel_loop3A_330 = vector.shape_cast %parallel_loop3A_325 : vector<16xf32> to vector<1x16xf32>
      tpu.vector_store %arg7[%parallel_loop3A_326, %parallel_loop3A_327], %parallel_loop3A_330 {strides = array<i32>} : memref<16x1024xf32, #tpu.memory_space<vmem>>, vector<1x16xf32>,
      %parallel_loop3A_331 = arith.index_cast %parallel_loop3A_120 : i32 to index
      %parallel_loop3A_332 = arith.constant 240 : index
      %parallel_loop3A_333 = tpu.vector_load %arg7[%parallel_loop3A_331, %parallel_loop3A_332] {strides = array<i32>} : memref<16x1024xf32, #tpu.memory_space<vmem>>, vector<1x16xf32>,
      %parallel_loop3A_334 = vector.shape_cast %parallel_loop3A_333 : vector<1x16xf32> to vector<16xf32>
      %parallel_loop3A_335 = arith.index_cast %parallel_loop3A_120 : i32 to index
      %parallel_loop3A_336 = arith.constant 240 : index
      %parallel_loop3A_337 = tpu.vector_load %arg5[%parallel_loop3A_335, %parallel_loop3A_336] {strides = array<i32>} : memref<16x1024xf32, #tpu.memory_space<vmem>>, vector<1x16xf32>,
      %parallel_loop3A_338 = vector.shape_cast %parallel_loop3A_337 : vector<1x16xf32> to vector<16xf32>
      %parallel_loop3A_339 = arith.addf %parallel_loop3A_334, %parallel_loop3A_338 : vector<16xf32>
      %parallel_loop3A_340 = arith.index_cast %parallel_loop3A_120 : i32 to index
      %parallel_loop3A_341 = arith.constant 240 : index
      %parallel_loop3A_342 = tpu.vector_load %arg7[%parallel_loop3A_340, %parallel_loop3A_341] {strides = array<i32>} : memref<16x1024xf32, #tpu.memory_space<vmem>>, vector<1x16xf32>,
      %parallel_loop3A_343 = vector.shape_cast %parallel_loop3A_342 : vector<1x16xf32> to vector<16xf32>
      %parallel_loop3A_344 = vector.shape_cast %parallel_loop3A_339 : vector<16xf32> to vector<1x16xf32>
      tpu.vector_store %arg7[%parallel_loop3A_340, %parallel_loop3A_341], %parallel_loop3A_344 {strides = array<i32>} : memref<16x1024xf32, #tpu.memory_space<vmem>>, vector<1x16xf32>,
      %parallel_loop3A_345 = arith.index_cast %parallel_loop3A_120 : i32 to index
      %parallel_loop3A_346 = arith.constant 256 : index
      %parallel_loop3A_347 = tpu.vector_load %arg7[%parallel_loop3A_345, %parallel_loop3A_346] {strides = array<i32>} : memref<16x1024xf32, #tpu.memory_space<vmem>>, vector<1x16xf32>,
      %parallel_loop3A_348 = vector.shape_cast %parallel_loop3A_347 : vector<1x16xf32> to vector<16xf32>
      %parallel_loop3A_349 = arith.index_cast %parallel_loop3A_120 : i32 to index
      %parallel_loop3A_350 = arith.constant 256 : index
      %parallel_loop3A_351 = tpu.vector_load %arg5[%parallel_loop3A_349, %parallel_loop3A_350] {strides = array<i32>} : memref<16x1024xf32, #tpu.memory_space<vmem>>, vector<1x16xf32>,
      %parallel_loop3A_352 = vector.shape_cast %parallel_loop3A_351 : vector<1x16xf32> to vector<16xf32>
      %parallel_loop3A_353 = arith.addf %parallel_loop3A_348, %parallel_loop3A_352 : vector<16xf32>
      %parallel_loop3A_354 = arith.index_cast %parallel_loop3A_120 : i32 to index
      %parallel_loop3A_355 = arith.constant 256 : index
      %parallel_loop3A_356 = tpu.vector_load %arg7[%parallel_loop3A_354, %parallel_loop3A_355] {strides = array<i32>} : memref<16x1024xf32, #tpu.memory_space<vmem>>, vector<1x16xf32>,
      %parallel_loop3A_357 = vector.shape_cast %parallel_loop3A_356 : vector<1x16xf32> to vector<16xf32>
      %parallel_loop3A_358 = vector.shape_cast %parallel_loop3A_353 : vector<16xf32> to vector<1x16xf32>
      tpu.vector_store %arg7[%parallel_loop3A_354, %parallel_loop3A_355], %parallel_loop3A_358 {strides = array<i32>} : memref<16x1024xf32, #tpu.memory_space<vmem>>, vector<1x16xf32>,
      %parallel_loop3A_359 = arith.index_cast %parallel_loop3A_120 : i32 to index
      %parallel_loop3A_360 = arith.constant 272 : index
      %parallel_loop3A_361 = tpu.vector_load %arg7[%parallel_loop3A_359, %parallel_loop3A_360] {strides = array<i32>} : memref<16x1024xf32, #tpu.memory_space<vmem>>, vector<1x16xf32>,
      %parallel_loop3A_362 = vector.shape_cast %parallel_loop3A_361 : vector<1x16xf32> to vector<16xf32>
      %parallel_loop3A_363 = arith.index_cast %parallel_loop3A_120 : i32 to index
      %parallel_loop3A_364 = arith.constant 272 : index
      %parallel_loop3A_365 = tpu.vector_load %arg5[%parallel_loop3A_363, %parallel_loop3A_364] {strides = array<i32>} : memref<16x1024xf32, #tpu.memory_space<vmem>>, vector<1x16xf32>,
      %parallel_loop3A_366 = vector.shape_cast %parallel_loop3A_365 : vector<1x16xf32> to vector<16xf32>
      %parallel_loop3A_367 = arith.addf %parallel_loop3A_362, %parallel_loop3A_366 : vector<16xf32>
      %parallel_loop3A_368 = arith.index_cast %parallel_loop3A_120 : i32 to index
      %parallel_loop3A_369 = arith.constant 272 : index
      %parallel_loop3A_370 = tpu.vector_load %arg7[%parallel_loop3A_368, %parallel_loop3A_369] {strides = array<i32>} : memref<16x1024xf32, #tpu.memory_space<vmem>>, vector<1x16xf32>,
      %parallel_loop3A_371 = vector.shape_cast %parallel_loop3A_370 : vector<1x16xf32> to vector<16xf32>
      %parallel_loop3A_372 = vector.shape_cast %parallel_loop3A_367 : vector<16xf32> to vector<1x16xf32>
      tpu.vector_store %arg7[%parallel_loop3A_368, %parallel_loop3A_369], %parallel_loop3A_372 {strides = array<i32>} : memref<16x1024xf32, #tpu.memory_space<vmem>>, vector<1x16xf32>,
      %parallel_loop3A_373 = arith.index_cast %parallel_loop3A_120 : i32 to index
      %parallel_loop3A_374 = arith.constant 288 : index
      %parallel_loop3A_375 = tpu.vector_load %arg7[%parallel_loop3A_373, %parallel_loop3A_374] {strides = array<i32>} : memref<16x1024xf32, #tpu.memory_space<vmem>>, vector<1x16xf32>,
      %parallel_loop3A_376 = vector.shape_cast %parallel_loop3A_375 : vector<1x16xf32> to vector<16xf32>
      %parallel_loop3A_377 = arith.index_cast %parallel_loop3A_120 : i32 to index
      %parallel_loop3A_378 = arith.constant 288 : index
      %parallel_loop3A_379 = tpu.vector_load %arg5[%parallel_loop3A_377, %parallel_loop3A_378] {strides = array<i32>} : memref<16x1024xf32, #tpu.memory_space<vmem>>, vector<1x16xf32>,
      %parallel_loop3A_380 = vector.shape_cast %parallel_loop3A_379 : vector<1x16xf32> to vector<16xf32>
      %parallel_loop3A_381 = arith.addf %parallel_loop3A_376, %parallel_loop3A_380 : vector<16xf32>
      %parallel_loop3A_382 = arith.index_cast %parallel_loop3A_120 : i32 to index
      %parallel_loop3A_383 = arith.constant 288 : index
      %parallel_loop3A_384 = tpu.vector_load %arg7[%parallel_loop3A_382, %parallel_loop3A_383] {strides = array<i32>} : memref<16x1024xf32, #tpu.memory_space<vmem>>, vector<1x16xf32>,
      %parallel_loop3A_385 = vector.shape_cast %parallel_loop3A_384 : vector<1x16xf32> to vector<16xf32>
      %parallel_loop3A_386 = vector.shape_cast %parallel_loop3A_381 : vector<16xf32> to vector<1x16xf32>
      tpu.vector_store %arg7[%parallel_loop3A_382, %parallel_loop3A_383], %parallel_loop3A_386 {strides = array<i32>} : memref<16x1024xf32, #tpu.memory_space<vmem>>, vector<1x16xf32>,
      %parallel_loop3A_387 = arith.index_cast %parallel_loop3A_120 : i32 to index
      %parallel_loop3A_388 = arith.constant 304 : index
      %parallel_loop3A_389 = tpu.vector_load %arg7[%parallel_loop3A_387, %parallel_loop3A_388] {strides = array<i32>} : memref<16x1024xf32, #tpu.memory_space<vmem>>, vector<1x16xf32>,
      %parallel_loop3A_390 = vector.shape_cast %parallel_loop3A_389 : vector<1x16xf32> to vector<16xf32>
      %parallel_loop3A_391 = arith.index_cast %parallel_loop3A_120 : i32 to index
      %parallel_loop3A_392 = arith.constant 304 : index
      %parallel_loop3A_393 = tpu.vector_load %arg5[%parallel_loop3A_391, %parallel_loop3A_392] {strides = array<i32>} : memref<16x1024xf32, #tpu.memory_space<vmem>>, vector<1x16xf32>,
      %parallel_loop3A_394 = vector.shape_cast %parallel_loop3A_393 : vector<1x16xf32> to vector<16xf32>
      %parallel_loop3A_395 = arith.addf %parallel_loop3A_390, %parallel_loop3A_394 : vector<16xf32>
      %parallel_loop3A_396 = arith.index_cast %parallel_loop3A_120 : i32 to index
      %parallel_loop3A_397 = arith.constant 304 : index
      %parallel_loop3A_398 = tpu.vector_load %arg7[%parallel_loop3A_396, %parallel_loop3A_397] {strides = array<i32>} : memref<16x1024xf32, #tpu.memory_space<vmem>>, vector<1x16xf32>,
      %parallel_loop3A_399 = vector.shape_cast %parallel_loop3A_398 : vector<1x16xf32> to vector<16xf32>
      %parallel_loop3A_400 = vector.shape_cast %parallel_loop3A_395 : vector<16xf32> to vector<1x16xf32>
      tpu.vector_store %arg7[%parallel_loop3A_396, %parallel_loop3A_397], %parallel_loop3A_400 {strides = array<i32>} : memref<16x1024xf32, #tpu.memory_space<vmem>>, vector<1x16xf32>,
      %parallel_loop3A_401 = arith.index_cast %parallel_loop3A_120 : i32 to index
      %parallel_loop3A_402 = arith.constant 320 : index
      %parallel_loop3A_403 = tpu.vector_load %arg7[%parallel_loop3A_401, %parallel_loop3A_402] {strides = array<i32>} : memref<16x1024xf32, #tpu.memory_space<vmem>>, vector<1x16xf32>,
      %parallel_loop3A_404 = vector.shape_cast %parallel_loop3A_403 : vector<1x16xf32> to vector<16xf32>
      %parallel_loop3A_405 = arith.index_cast %parallel_loop3A_120 : i32 to index
      %parallel_loop3A_406 = arith.constant 320 : index
      %parallel_loop3A_407 = tpu.vector_load %arg5[%parallel_loop3A_405, %parallel_loop3A_406] {strides = array<i32>} : memref<16x1024xf32, #tpu.memory_space<vmem>>, vector<1x16xf32>,
      %parallel_loop3A_408 = vector.shape_cast %parallel_loop3A_407 : vector<1x16xf32> to vector<16xf32>
      %parallel_loop3A_409 = arith.addf %parallel_loop3A_404, %parallel_loop3A_408 : vector<16xf32>
      %parallel_loop3A_410 = arith.index_cast %parallel_loop3A_120 : i32 to index
      %parallel_loop3A_411 = arith.constant 320 : index
      %parallel_loop3A_412 = tpu.vector_load %arg7[%parallel_loop3A_410, %parallel_loop3A_411] {strides = array<i32>} : memref<16x1024xf32, #tpu.memory_space<vmem>>, vector<1x16xf32>,
      %parallel_loop3A_413 = vector.shape_cast %parallel_loop3A_412 : vector<1x16xf32> to vector<16xf32>
      %parallel_loop3A_414 = vector.shape_cast %parallel_loop3A_409 : vector<16xf32> to vector<1x16xf32>
      tpu.vector_store %arg7[%parallel_loop3A_410, %parallel_loop3A_411], %parallel_loop3A_414 {strides = array<i32>} : memref<16x1024xf32, #tpu.memory_space<vmem>>, vector<1x16xf32>,
      %parallel_loop3A_415 = arith.index_cast %parallel_loop3A_120 : i32 to index
      %parallel_loop3A_416 = arith.constant 336 : index
      %parallel_loop3A_417 = tpu.vector_load %arg7[%parallel_loop3A_415, %parallel_loop3A_416] {strides = array<i32>} : memref<16x1024xf32, #tpu.memory_space<vmem>>, vector<1x16xf32>,
      %parallel_loop3A_418 = vector.shape_cast %parallel_loop3A_417 : vector<1x16xf32> to vector<16xf32>
      %parallel_loop3A_419 = arith.index_cast %parallel_loop3A_120 : i32 to index
      %parallel_loop3A_420 = arith.constant 336 : index
      %parallel_loop3A_421 = tpu.vector_load %arg5[%parallel_loop3A_419, %parallel_loop3A_420] {strides = array<i32>} : memref<16x1024xf32, #tpu.memory_space<vmem>>, vector<1x16xf32>,
      %parallel_loop3A_422 = vector.shape_cast %parallel_loop3A_421 : vector<1x16xf32> to vector<16xf32>
      %parallel_loop3A_423 = arith.addf %parallel_loop3A_418, %parallel_loop3A_422 : vector<16xf32>
      %parallel_loop3A_424 = arith.index_cast %parallel_loop3A_120 : i32 to index
      %parallel_loop3A_425 = arith.constant 336 : index
      %parallel_loop3A_426 = tpu.vector_load %arg7[%parallel_loop3A_424, %parallel_loop3A_425] {strides = array<i32>} : memref<16x1024xf32, #tpu.memory_space<vmem>>, vector<1x16xf32>,
      %parallel_loop3A_427 = vector.shape_cast %parallel_loop3A_426 : vector<1x16xf32> to vector<16xf32>
      %parallel_loop3A_428 = vector.shape_cast %parallel_loop3A_423 : vector<16xf32> to vector<1x16xf32>
      tpu.vector_store %arg7[%parallel_loop3A_424, %parallel_loop3A_425], %parallel_loop3A_428 {strides = array<i32>} : memref<16x1024xf32, #tpu.memory_space<vmem>>, vector<1x16xf32>,
      %parallel_loop3A_429 = arith.index_cast %parallel_loop3A_120 : i32 to index
      %parallel_loop3A_430 = arith.constant 352 : index
      %parallel_loop3A_431 = tpu.vector_load %arg7[%parallel_loop3A_429, %parallel_loop3A_430] {strides = array<i32>} : memref<16x1024xf32, #tpu.memory_space<vmem>>, vector<1x16xf32>,
      %parallel_loop3A_432 = vector.shape_cast %parallel_loop3A_431 : vector<1x16xf32> to vector<16xf32>
      %parallel_loop3A_433 = arith.index_cast %parallel_loop3A_120 : i32 to index
      %parallel_loop3A_434 = arith.constant 352 : index
      %parallel_loop3A_435 = tpu.vector_load %arg5[%parallel_loop3A_433, %parallel_loop3A_434] {strides = array<i32>} : memref<16x1024xf32, #tpu.memory_space<vmem>>, vector<1x16xf32>,
      %parallel_loop3A_436 = vector.shape_cast %parallel_loop3A_435 : vector<1x16xf32> to vector<16xf32>
      %parallel_loop3A_437 = arith.addf %parallel_loop3A_432, %parallel_loop3A_436 : vector<16xf32>
      %parallel_loop3A_438 = arith.index_cast %parallel_loop3A_120 : i32 to index
      %parallel_loop3A_439 = arith.constant 352 : index
      %parallel_loop3A_440 = tpu.vector_load %arg7[%parallel_loop3A_438, %parallel_loop3A_439] {strides = array<i32>} : memref<16x1024xf32, #tpu.memory_space<vmem>>, vector<1x16xf32>,
      %parallel_loop3A_441 = vector.shape_cast %parallel_loop3A_440 : vector<1x16xf32> to vector<16xf32>
      %parallel_loop3A_442 = vector.shape_cast %parallel_loop3A_437 : vector<16xf32> to vector<1x16xf32>
      tpu.vector_store %arg7[%parallel_loop3A_438, %parallel_loop3A_439], %parallel_loop3A_442 {strides = array<i32>} : memref<16x1024xf32, #tpu.memory_space<vmem>>, vector<1x16xf32>,
      %parallel_loop3A_443 = arith.index_cast %parallel_loop3A_120 : i32 to index
      %parallel_loop3A_444 = arith.constant 368 : index
      %parallel_loop3A_445 = tpu.vector_load %arg7[%parallel_loop3A_443, %parallel_loop3A_444] {strides = array<i32>} : memref<16x1024xf32, #tpu.memory_space<vmem>>, vector<1x16xf32>,
      %parallel_loop3A_446 = vector.shape_cast %parallel_loop3A_445 : vector<1x16xf32> to vector<16xf32>
      %parallel_loop3A_447 = arith.index_cast %parallel_loop3A_120 : i32 to index
      %parallel_loop3A_448 = arith.constant 368 : index
      %parallel_loop3A_449 = tpu.vector_load %arg5[%parallel_loop3A_447, %parallel_loop3A_448] {strides = array<i32>} : memref<16x1024xf32, #tpu.memory_space<vmem>>, vector<1x16xf32>,
      %parallel_loop3A_450 = vector.shape_cast %parallel_loop3A_449 : vector<1x16xf32> to vector<16xf32>
      %parallel_loop3A_451 = arith.addf %parallel_loop3A_446, %parallel_loop3A_450 : vector<16xf32>
      %parallel_loop3A_452 = arith.index_cast %parallel_loop3A_120 : i32 to index
      %parallel_loop3A_453 = arith.constant 368 : index
      %parallel_loop3A_454 = tpu.vector_load %arg7[%parallel_loop3A_452, %parallel_loop3A_453] {strides = array<i32>} : memref<16x1024xf32, #tpu.memory_space<vmem>>, vector<1x16xf32>,
      %parallel_loop3A_455 = vector.shape_cast %parallel_loop3A_454 : vector<1x16xf32> to vector<16xf32>
      %parallel_loop3A_456 = vector.shape_cast %parallel_loop3A_451 : vector<16xf32> to vector<1x16xf32>
      tpu.vector_store %arg7[%parallel_loop3A_452, %parallel_loop3A_453], %parallel_loop3A_456 {strides = array<i32>} : memref<16x1024xf32, #tpu.memory_space<vmem>>, vector<1x16xf32>,
      %parallel_loop3A_457 = arith.index_cast %parallel_loop3A_120 : i32 to index
      %parallel_loop3A_458 = arith.constant 384 : index
      %parallel_loop3A_459 = tpu.vector_load %arg7[%parallel_loop3A_457, %parallel_loop3A_458] {strides = array<i32>} : memref<16x1024xf32, #tpu.memory_space<vmem>>, vector<1x16xf32>,
      %parallel_loop3A_460 = vector.shape_cast %parallel_loop3A_459 : vector<1x16xf32> to vector<16xf32>
      %parallel_loop3A_461 = arith.index_cast %parallel_loop3A_120 : i32 to index
      %parallel_loop3A_462 = arith.constant 384 : index
      %parallel_loop3A_463 = tpu.vector_load %arg5[%parallel_loop3A_461, %parallel_loop3A_462] {strides = array<i32>} : memref<16x1024xf32, #tpu.memory_space<vmem>>, vector<1x16xf32>,
      %parallel_loop3A_464 = vector.shape_cast %parallel_loop3A_463 : vector<1x16xf32> to vector<16xf32>
      %parallel_loop3A_465 = arith.addf %parallel_loop3A_460, %parallel_loop3A_464 : vector<16xf32>
      %parallel_loop3A_466 = arith.index_cast %parallel_loop3A_120 : i32 to index
      %parallel_loop3A_467 = arith.constant 384 : index
      %parallel_loop3A_468 = tpu.vector_load %arg7[%parallel_loop3A_466, %parallel_loop3A_467] {strides = array<i32>} : memref<16x1024xf32, #tpu.memory_space<vmem>>, vector<1x16xf32>,
      %parallel_loop3A_469 = vector.shape_cast %parallel_loop3A_468 : vector<1x16xf32> to vector<16xf32>
      %parallel_loop3A_470 = vector.shape_cast %parallel_loop3A_465 : vector<16xf32> to vector<1x16xf32>
      tpu.vector_store %arg7[%parallel_loop3A_466, %parallel_loop3A_467], %parallel_loop3A_470 {strides = array<i32>} : memref<16x1024xf32, #tpu.memory_space<vmem>>, vector<1x16xf32>,
      %parallel_loop3A_471 = arith.index_cast %parallel_loop3A_120 : i32 to index
      %parallel_loop3A_472 = arith.constant 400 : index
      %parallel_loop3A_473 = tpu.vector_load %arg7[%parallel_loop3A_471, %parallel_loop3A_472] {strides = array<i32>} : memref<16x1024xf32, #tpu.memory_space<vmem>>, vector<1x16xf32>,
      %parallel_loop3A_474 = vector.shape_cast %parallel_loop3A_473 : vector<1x16xf32> to vector<16xf32>
      %parallel_loop3A_475 = arith.index_cast %parallel_loop3A_120 : i32 to index
      %parallel_loop3A_476 = arith.constant 400 : index
      %parallel_loop3A_477 = tpu.vector_load %arg5[%parallel_loop3A_475, %parallel_loop3A_476] {strides = array<i32>} : memref<16x1024xf32, #tpu.memory_space<vmem>>, vector<1x16xf32>,
      %parallel_loop3A_478 = vector.shape_cast %parallel_loop3A_477 : vector<1x16xf32> to vector<16xf32>
      %parallel_loop3A_479 = arith.addf %parallel_loop3A_474, %parallel_loop3A_478 : vector<16xf32>
      %parallel_loop3A_480 = arith.index_cast %parallel_loop3A_120 : i32 to index
      %parallel_loop3A_481 = arith.constant 400 : index
      %parallel_loop3A_482 = tpu.vector_load %arg7[%parallel_loop3A_480, %parallel_loop3A_481] {strides = array<i32>} : memref<16x1024xf32, #tpu.memory_space<vmem>>, vector<1x16xf32>,
      %parallel_loop3A_483 = vector.shape_cast %parallel_loop3A_482 : vector<1x16xf32> to vector<16xf32>
      %parallel_loop3A_484 = vector.shape_cast %parallel_loop3A_479 : vector<16xf32> to vector<1x16xf32>
      tpu.vector_store %arg7[%parallel_loop3A_480, %parallel_loop3A_481], %parallel_loop3A_484 {strides = array<i32>} : memref<16x1024xf32, #tpu.memory_space<vmem>>, vector<1x16xf32>,
      %parallel_loop3A_485 = arith.index_cast %parallel_loop3A_120 : i32 to index
      %parallel_loop3A_486 = arith.constant 416 : index
      %parallel_loop3A_487 = tpu.vector_load %arg7[%parallel_loop3A_485, %parallel_loop3A_486] {strides = array<i32>} : memref<16x1024xf32, #tpu.memory_space<vmem>>, vector<1x16xf32>,
      %parallel_loop3A_488 = vector.shape_cast %parallel_loop3A_487 : vector<1x16xf32> to vector<16xf32>
      %parallel_loop3A_489 = arith.index_cast %parallel_loop3A_120 : i32 to index
      %parallel_loop3A_490 = arith.constant 416 : index
      %parallel_loop3A_491 = tpu.vector_load %arg5[%parallel_loop3A_489, %parallel_loop3A_490] {strides = array<i32>} : memref<16x1024xf32, #tpu.memory_space<vmem>>, vector<1x16xf32>,
      %parallel_loop3A_492 = vector.shape_cast %parallel_loop3A_491 : vector<1x16xf32> to vector<16xf32>
      %parallel_loop3A_493 = arith.addf %parallel_loop3A_488, %parallel_loop3A_492 : vector<16xf32>
      %parallel_loop3A_494 = arith.index_cast %parallel_loop3A_120 : i32 to index
      %parallel_loop3A_495 = arith.constant 416 : index
      %parallel_loop3A_496 = tpu.vector_load %arg7[%parallel_loop3A_494, %parallel_loop3A_495] {strides = array<i32>} : memref<16x1024xf32, #tpu.memory_space<vmem>>, vector<1x16xf32>,
      %parallel_loop3A_497 = vector.shape_cast %parallel_loop3A_496 : vector<1x16xf32> to vector<16xf32>
      %parallel_loop3A_498 = vector.shape_cast %parallel_loop3A_493 : vector<16xf32> to vector<1x16xf32>
      tpu.vector_store %arg7[%parallel_loop3A_494, %parallel_loop3A_495], %parallel_loop3A_498 {strides = array<i32>} : memref<16x1024xf32, #tpu.memory_space<vmem>>, vector<1x16xf32>,
      %parallel_loop3A_499 = arith.index_cast %parallel_loop3A_120 : i32 to index
      %parallel_loop3A_500 = arith.constant 432 : index
      %parallel_loop3A_501 = tpu.vector_load %arg7[%parallel_loop3A_499, %parallel_loop3A_500] {strides = array<i32>} : memref<16x1024xf32, #tpu.memory_space<vmem>>, vector<1x16xf32>,
      %parallel_loop3A_502 = vector.shape_cast %parallel_loop3A_501 : vector<1x16xf32> to vector<16xf32>
      %parallel_loop3A_503 = arith.index_cast %parallel_loop3A_120 : i32 to index
      %parallel_loop3A_504 = arith.constant 432 : index
      %parallel_loop3A_505 = tpu.vector_load %arg5[%parallel_loop3A_503, %parallel_loop3A_504] {strides = array<i32>} : memref<16x1024xf32, #tpu.memory_space<vmem>>, vector<1x16xf32>,
      %parallel_loop3A_506 = vector.shape_cast %parallel_loop3A_505 : vector<1x16xf32> to vector<16xf32>
      %parallel_loop3A_507 = arith.addf %parallel_loop3A_502, %parallel_loop3A_506 : vector<16xf32>
      %parallel_loop3A_508 = arith.index_cast %parallel_loop3A_120 : i32 to index
      %parallel_loop3A_509 = arith.constant 432 : index
      %parallel_loop3A_510 = tpu.vector_load %arg7[%parallel_loop3A_508, %parallel_loop3A_509] {strides = array<i32>} : memref<16x1024xf32, #tpu.memory_space<vmem>>, vector<1x16xf32>,
      %parallel_loop3A_511 = vector.shape_cast %parallel_loop3A_510 : vector<1x16xf32> to vector<16xf32>
      %parallel_loop3A_512 = vector.shape_cast %parallel_loop3A_507 : vector<16xf32> to vector<1x16xf32>
      tpu.vector_store %arg7[%parallel_loop3A_508, %parallel_loop3A_509], %parallel_loop3A_512 {strides = array<i32>} : memref<16x1024xf32, #tpu.memory_space<vmem>>, vector<1x16xf32>,
      %parallel_loop3A_513 = arith.index_cast %parallel_loop3A_120 : i32 to index
      %parallel_loop3A_514 = arith.constant 448 : index
      %parallel_loop3A_515 = tpu.vector_load %arg7[%parallel_loop3A_513, %parallel_loop3A_514] {strides = array<i32>} : memref<16x1024xf32, #tpu.memory_space<vmem>>, vector<1x16xf32>,
      %parallel_loop3A_516 = vector.shape_cast %parallel_loop3A_515 : vector<1x16xf32> to vector<16xf32>
      %parallel_loop3A_517 = arith.index_cast %parallel_loop3A_120 : i32 to index
      %parallel_loop3A_518 = arith.constant 448 : index
      %parallel_loop3A_519 = tpu.vector_load %arg5[%parallel_loop3A_517, %parallel_loop3A_518] {strides = array<i32>} : memref<16x1024xf32, #tpu.memory_space<vmem>>, vector<1x16xf32>,
      %parallel_loop3A_520 = vector.shape_cast %parallel_loop3A_519 : vector<1x16xf32> to vector<16xf32>
      %parallel_loop3A_521 = arith.addf %parallel_loop3A_516, %parallel_loop3A_520 : vector<16xf32>
      %parallel_loop3A_522 = arith.index_cast %parallel_loop3A_120 : i32 to index
      %parallel_loop3A_523 = arith.constant 448 : index
      %parallel_loop3A_524 = tpu.vector_load %arg7[%parallel_loop3A_522, %parallel_loop3A_523] {strides = array<i32>} : memref<16x1024xf32, #tpu.memory_space<vmem>>, vector<1x16xf32>,
      %parallel_loop3A_525 = vector.shape_cast %parallel_loop3A_524 : vector<1x16xf32> to vector<16xf32>
      %parallel_loop3A_526 = vector.shape_cast %parallel_loop3A_521 : vector<16xf32> to vector<1x16xf32>
      tpu.vector_store %arg7[%parallel_loop3A_522, %parallel_loop3A_523], %parallel_loop3A_526 {strides = array<i32>} : memref<16x1024xf32, #tpu.memory_space<vmem>>, vector<1x16xf32>,
      %parallel_loop3A_527 = arith.index_cast %parallel_loop3A_120 : i32 to index
      %parallel_loop3A_528 = arith.constant 464 : index
      %parallel_loop3A_529 = tpu.vector_load %arg7[%parallel_loop3A_527, %parallel_loop3A_528] {strides = array<i32>} : memref<16x1024xf32, #tpu.memory_space<vmem>>, vector<1x16xf32>,
      %parallel_loop3A_530 = vector.shape_cast %parallel_loop3A_529 : vector<1x16xf32> to vector<16xf32>
      %parallel_loop3A_531 = arith.index_cast %parallel_loop3A_120 : i32 to index
      %parallel_loop3A_532 = arith.constant 464 : index
      %parallel_loop3A_533 = tpu.vector_load %arg5[%parallel_loop3A_531, %parallel_loop3A_532] {strides = array<i32>} : memref<16x1024xf32, #tpu.memory_space<vmem>>, vector<1x16xf32>,
      %parallel_loop3A_534 = vector.shape_cast %parallel_loop3A_533 : vector<1x16xf32> to vector<16xf32>
      %parallel_loop3A_535 = arith.addf %parallel_loop3A_530, %parallel_loop3A_534 : vector<16xf32>
      %parallel_loop3A_536 = arith.index_cast %parallel_loop3A_120 : i32 to index
      %parallel_loop3A_537 = arith.constant 464 : index
      %parallel_loop3A_538 = tpu.vector_load %arg7[%parallel_loop3A_536, %parallel_loop3A_537] {strides = array<i32>} : memref<16x1024xf32, #tpu.memory_space<vmem>>, vector<1x16xf32>,
      %parallel_loop3A_539 = vector.shape_cast %parallel_loop3A_538 : vector<1x16xf32> to vector<16xf32>
      %parallel_loop3A_540 = vector.shape_cast %parallel_loop3A_535 : vector<16xf32> to vector<1x16xf32>
      tpu.vector_store %arg7[%parallel_loop3A_536, %parallel_loop3A_537], %parallel_loop3A_540 {strides = array<i32>} : memref<16x1024xf32, #tpu.memory_space<vmem>>, vector<1x16xf32>,
      %parallel_loop3A_541 = arith.index_cast %parallel_loop3A_120 : i32 to index
      %parallel_loop3A_542 = arith.constant 480 : index
      %parallel_loop3A_543 = tpu.vector_load %arg7[%parallel_loop3A_541, %parallel_loop3A_542] {strides = array<i32>} : memref<16x1024xf32, #tpu.memory_space<vmem>>, vector<1x16xf32>,
      %parallel_loop3A_544 = vector.shape_cast %parallel_loop3A_543 : vector<1x16xf32> to vector<16xf32>
      %parallel_loop3A_545 = arith.index_cast %parallel_loop3A_120 : i32 to index
      %parallel_loop3A_546 = arith.constant 480 : index
      %parallel_loop3A_547 = tpu.vector_load %arg5[%parallel_loop3A_545, %parallel_loop3A_546] {strides = array<i32>} : memref<16x1024xf32, #tpu.memory_space<vmem>>, vector<1x16xf32>,
      %parallel_loop3A_548 = vector.shape_cast %parallel_loop3A_547 : vector<1x16xf32> to vector<16xf32>
      %parallel_loop3A_549 = arith.addf %parallel_loop3A_544, %parallel_loop3A_548 : vector<16xf32>
      %parallel_loop3A_550 = arith.index_cast %parallel_loop3A_120 : i32 to index
      %parallel_loop3A_551 = arith.constant 480 : index
      %parallel_loop3A_552 = tpu.vector_load %arg7[%parallel_loop3A_550, %parallel_loop3A_551] {strides = array<i32>} : memref<16x1024xf32, #tpu.memory_space<vmem>>, vector<1x16xf32>,
      %parallel_loop3A_553 = vector.shape_cast %parallel_loop3A_552 : vector<1x16xf32> to vector<16xf32>
      %parallel_loop3A_554 = vector.shape_cast %parallel_loop3A_549 : vector<16xf32> to vector<1x16xf32>
      tpu.vector_store %arg7[%parallel_loop3A_550, %parallel_loop3A_551], %parallel_loop3A_554 {strides = array<i32>} : memref<16x1024xf32, #tpu.memory_space<vmem>>, vector<1x16xf32>,
      %parallel_loop3A_555 = arith.index_cast %parallel_loop3A_120 : i32 to index
      %parallel_loop3A_556 = arith.constant 496 : index
      %parallel_loop3A_557 = tpu.vector_load %arg7[%parallel_loop3A_555, %parallel_loop3A_556] {strides = array<i32>} : memref<16x1024xf32, #tpu.memory_space<vmem>>, vector<1x16xf32>,
      %parallel_loop3A_558 = vector.shape_cast %parallel_loop3A_557 : vector<1x16xf32> to vector<16xf32>
      %parallel_loop3A_559 = arith.index_cast %parallel_loop3A_120 : i32 to index
      %parallel_loop3A_560 = arith.constant 496 : index
      %parallel_loop3A_561 = tpu.vector_load %arg5[%parallel_loop3A_559, %parallel_loop3A_560] {strides = array<i32>} : memref<16x1024xf32, #tpu.memory_space<vmem>>, vector<1x16xf32>,
      %parallel_loop3A_562 = vector.shape_cast %parallel_loop3A_561 : vector<1x16xf32> to vector<16xf32>
      %parallel_loop3A_563 = arith.addf %parallel_loop3A_558, %parallel_loop3A_562 : vector<16xf32>
      %parallel_loop3A_564 = arith.index_cast %parallel_loop3A_120 : i32 to index
      %parallel_loop3A_565 = arith.constant 496 : index
      %parallel_loop3A_566 = tpu.vector_load %arg7[%parallel_loop3A_564, %parallel_loop3A_565] {strides = array<i32>} : memref<16x1024xf32, #tpu.memory_space<vmem>>, vector<1x16xf32>,
      %parallel_loop3A_567 = vector.shape_cast %parallel_loop3A_566 : vector<1x16xf32> to vector<16xf32>
      %parallel_loop3A_568 = vector.shape_cast %parallel_loop3A_563 : vector<16xf32> to vector<1x16xf32>
      tpu.vector_store %arg7[%parallel_loop3A_564, %parallel_loop3A_565], %parallel_loop3A_568 {strides = array<i32>} : memref<16x1024xf32, #tpu.memory_space<vmem>>, vector<1x16xf32>,
      %parallel_loop3A_569 = arith.index_cast %parallel_loop3A_120 : i32 to index
      %parallel_loop3A_570 = arith.constant 512 : index
      %parallel_loop3A_571 = tpu.vector_load %arg7[%parallel_loop3A_569, %parallel_loop3A_570] {strides = array<i32>} : memref<16x1024xf32, #tpu.memory_space<vmem>>, vector<1x16xf32>,
      %parallel_loop3A_572 = vector.shape_cast %parallel_loop3A_571 : vector<1x16xf32> to vector<16xf32>
      %parallel_loop3A_573 = arith.index_cast %parallel_loop3A_120 : i32 to index
      %parallel_loop3A_574 = arith.constant 512 : index
      %parallel_loop3A_575 = tpu.vector_load %arg5[%parallel_loop3A_573, %parallel_loop3A_574] {strides = array<i32>} : memref<16x1024xf32, #tpu.memory_space<vmem>>, vector<1x16xf32>,
      %parallel_loop3A_576 = vector.shape_cast %parallel_loop3A_575 : vector<1x16xf32> to vector<16xf32>
      %parallel_loop3A_577 = arith.addf %parallel_loop3A_572, %parallel_loop3A_576 : vector<16xf32>
      %parallel_loop3A_578 = arith.index_cast %parallel_loop3A_120 : i32 to index
      %parallel_loop3A_579 = arith.constant 512 : index
      %parallel_loop3A_580 = tpu.vector_load %arg7[%parallel_loop3A_578, %parallel_loop3A_579] {strides = array<i32>} : memref<16x1024xf32, #tpu.memory_space<vmem>>, vector<1x16xf32>,
      %parallel_loop3A_581 = vector.shape_cast %parallel_loop3A_580 : vector<1x16xf32> to vector<16xf32>
      %parallel_loop3A_582 = vector.shape_cast %parallel_loop3A_577 : vector<16xf32> to vector<1x16xf32>
      tpu.vector_store %arg7[%parallel_loop3A_578, %parallel_loop3A_579], %parallel_loop3A_582 {strides = array<i32>} : memref<16x1024xf32, #tpu.memory_space<vmem>>, vector<1x16xf32>,
      %parallel_loop3A_583 = arith.index_cast %parallel_loop3A_120 : i32 to index
      %parallel_loop3A_584 = arith.constant 528 : index
      %parallel_loop3A_585 = tpu.vector_load %arg7[%parallel_loop3A_583, %parallel_loop3A_584] {strides = array<i32>} : memref<16x1024xf32, #tpu.memory_space<vmem>>, vector<1x16xf32>,
      %parallel_loop3A_586 = vector.shape_cast %parallel_loop3A_585 : vector<1x16xf32> to vector<16xf32>
      %parallel_loop3A_587 = arith.index_cast %parallel_loop3A_120 : i32 to index
      %parallel_loop3A_588 = arith.constant 528 : index
      %parallel_loop3A_589 = tpu.vector_load %arg5[%parallel_loop3A_587, %parallel_loop3A_588] {strides = array<i32>} : memref<16x1024xf32, #tpu.memory_space<vmem>>, vector<1x16xf32>,
      %parallel_loop3A_590 = vector.shape_cast %parallel_loop3A_589 : vector<1x16xf32> to vector<16xf32>
      %parallel_loop3A_591 = arith.addf %parallel_loop3A_586, %parallel_loop3A_590 : vector<16xf32>
      %parallel_loop3A_592 = arith.index_cast %parallel_loop3A_120 : i32 to index
      %parallel_loop3A_593 = arith.constant 528 : index
      %parallel_loop3A_594 = tpu.vector_load %arg7[%parallel_loop3A_592, %parallel_loop3A_593] {strides = array<i32>} : memref<16x1024xf32, #tpu.memory_space<vmem>>, vector<1x16xf32>,
      %parallel_loop3A_595 = vector.shape_cast %parallel_loop3A_594 : vector<1x16xf32> to vector<16xf32>
      %parallel_loop3A_596 = vector.shape_cast %parallel_loop3A_591 : vector<16xf32> to vector<1x16xf32>
      tpu.vector_store %arg7[%parallel_loop3A_592, %parallel_loop3A_593], %parallel_loop3A_596 {strides = array<i32>} : memref<16x1024xf32, #tpu.memory_space<vmem>>, vector<1x16xf32>,
      %parallel_loop3A_597 = arith.index_cast %parallel_loop3A_120 : i32 to index
      %parallel_loop3A_598 = arith.constant 544 : index
      %parallel_loop3A_599 = tpu.vector_load %arg7[%parallel_loop3A_597, %parallel_loop3A_598] {strides = array<i32>} : memref<16x1024xf32, #tpu.memory_space<vmem>>, vector<1x16xf32>,
      %parallel_loop3A_600 = vector.shape_cast %parallel_loop3A_599 : vector<1x16xf32> to vector<16xf32>
      %parallel_loop3A_601 = arith.index_cast %parallel_loop3A_120 : i32 to index
      %parallel_loop3A_602 = arith.constant 544 : index
      %parallel_loop3A_603 = tpu.vector_load %arg5[%parallel_loop3A_601, %parallel_loop3A_602] {strides = array<i32>} : memref<16x1024xf32, #tpu.memory_space<vmem>>, vector<1x16xf32>,
      %parallel_loop3A_604 = vector.shape_cast %parallel_loop3A_603 : vector<1x16xf32> to vector<16xf32>
      %parallel_loop3A_605 = arith.addf %parallel_loop3A_600, %parallel_loop3A_604 : vector<16xf32>
      %parallel_loop3A_606 = arith.index_cast %parallel_loop3A_120 : i32 to index
      %parallel_loop3A_607 = arith.constant 544 : index
      %parallel_loop3A_608 = tpu.vector_load %arg7[%parallel_loop3A_606, %parallel_loop3A_607] {strides = array<i32>} : memref<16x1024xf32, #tpu.memory_space<vmem>>, vector<1x16xf32>,
      %parallel_loop3A_609 = vector.shape_cast %parallel_loop3A_608 : vector<1x16xf32> to vector<16xf32>
      %parallel_loop3A_610 = vector.shape_cast %parallel_loop3A_605 : vector<16xf32> to vector<1x16xf32>
      tpu.vector_store %arg7[%parallel_loop3A_606, %parallel_loop3A_607], %parallel_loop3A_610 {strides = array<i32>} : memref<16x1024xf32, #tpu.memory_space<vmem>>, vector<1x16xf32>,
      %parallel_loop3A_611 = arith.index_cast %parallel_loop3A_120 : i32 to index
      %parallel_loop3A_612 = arith.constant 560 : index
      %parallel_loop3A_613 = tpu.vector_load %arg7[%parallel_loop3A_611, %parallel_loop3A_612] {strides = array<i32>} : memref<16x1024xf32, #tpu.memory_space<vmem>>, vector<1x16xf32>,
      %parallel_loop3A_614 = vector.shape_cast %parallel_loop3A_613 : vector<1x16xf32> to vector<16xf32>
      %parallel_loop3A_615 = arith.index_cast %parallel_loop3A_120 : i32 to index
      %parallel_loop3A_616 = arith.constant 560 : index
      %parallel_loop3A_617 = tpu.vector_load %arg5[%parallel_loop3A_615, %parallel_loop3A_616] {strides = array<i32>} : memref<16x1024xf32, #tpu.memory_space<vmem>>, vector<1x16xf32>,
      %parallel_loop3A_618 = vector.shape_cast %parallel_loop3A_617 : vector<1x16xf32> to vector<16xf32>
      %parallel_loop3A_619 = arith.addf %parallel_loop3A_614, %parallel_loop3A_618 : vector<16xf32>
      %parallel_loop3A_620 = arith.index_cast %parallel_loop3A_120 : i32 to index
      %parallel_loop3A_621 = arith.constant 560 : index
      %parallel_loop3A_622 = tpu.vector_load %arg7[%parallel_loop3A_620, %parallel_loop3A_621] {strides = array<i32>} : memref<16x1024xf32, #tpu.memory_space<vmem>>, vector<1x16xf32>,
      %parallel_loop3A_623 = vector.shape_cast %parallel_loop3A_622 : vector<1x16xf32> to vector<16xf32>
      %parallel_loop3A_624 = vector.shape_cast %parallel_loop3A_619 : vector<16xf32> to vector<1x16xf32>
      tpu.vector_store %arg7[%parallel_loop3A_620, %parallel_loop3A_621], %parallel_loop3A_624 {strides = array<i32>} : memref<16x1024xf32, #tpu.memory_space<vmem>>, vector<1x16xf32>,
      %parallel_loop3A_625 = arith.index_cast %parallel_loop3A_120 : i32 to index
      %parallel_loop3A_626 = arith.constant 576 : index
      %parallel_loop3A_627 = tpu.vector_load %arg7[%parallel_loop3A_625, %parallel_loop3A_626] {strides = array<i32>} : memref<16x1024xf32, #tpu.memory_space<vmem>>, vector<1x16xf32>,
      %parallel_loop3A_628 = vector.shape_cast %parallel_loop3A_627 : vector<1x16xf32> to vector<16xf32>
      %parallel_loop3A_629 = arith.index_cast %parallel_loop3A_120 : i32 to index
      %parallel_loop3A_630 = arith.constant 576 : index
      %parallel_loop3A_631 = tpu.vector_load %arg5[%parallel_loop3A_629, %parallel_loop3A_630] {strides = array<i32>} : memref<16x1024xf32, #tpu.memory_space<vmem>>, vector<1x16xf32>,
      %parallel_loop3A_632 = vector.shape_cast %parallel_loop3A_631 : vector<1x16xf32> to vector<16xf32>
      %parallel_loop3A_633 = arith.addf %parallel_loop3A_628, %parallel_loop3A_632 : vector<16xf32>
      %parallel_loop3A_634 = arith.index_cast %parallel_loop3A_120 : i32 to index
      %parallel_loop3A_635 = arith.constant 576 : index
      %parallel_loop3A_636 = tpu.vector_load %arg7[%parallel_loop3A_634, %parallel_loop3A_635] {strides = array<i32>} : memref<16x1024xf32, #tpu.memory_space<vmem>>, vector<1x16xf32>,
      %parallel_loop3A_637 = vector.shape_cast %parallel_loop3A_636 : vector<1x16xf32> to vector<16xf32>
      %parallel_loop3A_638 = vector.shape_cast %parallel_loop3A_633 : vector<16xf32> to vector<1x16xf32>
      tpu.vector_store %arg7[%parallel_loop3A_634, %parallel_loop3A_635], %parallel_loop3A_638 {strides = array<i32>} : memref<16x1024xf32, #tpu.memory_space<vmem>>, vector<1x16xf32>,
      %parallel_loop3A_639 = arith.index_cast %parallel_loop3A_120 : i32 to index
      %parallel_loop3A_640 = arith.constant 592 : index
      %parallel_loop3A_641 = tpu.vector_load %arg7[%parallel_loop3A_639, %parallel_loop3A_640] {strides = array<i32>} : memref<16x1024xf32, #tpu.memory_space<vmem>>, vector<1x16xf32>,
      %parallel_loop3A_642 = vector.shape_cast %parallel_loop3A_641 : vector<1x16xf32> to vector<16xf32>
      %parallel_loop3A_643 = arith.index_cast %parallel_loop3A_120 : i32 to index
      %parallel_loop3A_644 = arith.constant 592 : index
      %parallel_loop3A_645 = tpu.vector_load %arg5[%parallel_loop3A_643, %parallel_loop3A_644] {strides = array<i32>} : memref<16x1024xf32, #tpu.memory_space<vmem>>, vector<1x16xf32>,
      %parallel_loop3A_646 = vector.shape_cast %parallel_loop3A_645 : vector<1x16xf32> to vector<16xf32>
      %parallel_loop3A_647 = arith.addf %parallel_loop3A_642, %parallel_loop3A_646 : vector<16xf32>
      %parallel_loop3A_648 = arith.index_cast %parallel_loop3A_120 : i32 to index
      %parallel_loop3A_649 = arith.constant 592 : index
      %parallel_loop3A_650 = tpu.vector_load %arg7[%parallel_loop3A_648, %parallel_loop3A_649] {strides = array<i32>} : memref<16x1024xf32, #tpu.memory_space<vmem>>, vector<1x16xf32>,
      %parallel_loop3A_651 = vector.shape_cast %parallel_loop3A_650 : vector<1x16xf32> to vector<16xf32>
      %parallel_loop3A_652 = vector.shape_cast %parallel_loop3A_647 : vector<16xf32> to vector<1x16xf32>
      tpu.vector_store %arg7[%parallel_loop3A_648, %parallel_loop3A_649], %parallel_loop3A_652 {strides = array<i32>} : memref<16x1024xf32, #tpu.memory_space<vmem>>, vector<1x16xf32>,
      %parallel_loop3A_653 = arith.index_cast %parallel_loop3A_120 : i32 to index
      %parallel_loop3A_654 = arith.constant 608 : index
      %parallel_loop3A_655 = tpu.vector_load %arg7[%parallel_loop3A_653, %parallel_loop3A_654] {strides = array<i32>} : memref<16x1024xf32, #tpu.memory_space<vmem>>, vector<1x16xf32>,
      %parallel_loop3A_656 = vector.shape_cast %parallel_loop3A_655 : vector<1x16xf32> to vector<16xf32>
      %parallel_loop3A_657 = arith.index_cast %parallel_loop3A_120 : i32 to index
      %parallel_loop3A_658 = arith.constant 608 : index
      %parallel_loop3A_659 = tpu.vector_load %arg5[%parallel_loop3A_657, %parallel_loop3A_658] {strides = array<i32>} : memref<16x1024xf32, #tpu.memory_space<vmem>>, vector<1x16xf32>,
      %parallel_loop3A_660 = vector.shape_cast %parallel_loop3A_659 : vector<1x16xf32> to vector<16xf32>
      %parallel_loop3A_661 = arith.addf %parallel_loop3A_656, %parallel_loop3A_660 : vector<16xf32>
      %parallel_loop3A_662 = arith.index_cast %parallel_loop3A_120 : i32 to index
      %parallel_loop3A_663 = arith.constant 608 : index
      %parallel_loop3A_664 = tpu.vector_load %arg7[%parallel_loop3A_662, %parallel_loop3A_663] {strides = array<i32>} : memref<16x1024xf32, #tpu.memory_space<vmem>>, vector<1x16xf32>,
      %parallel_loop3A_665 = vector.shape_cast %parallel_loop3A_664 : vector<1x16xf32> to vector<16xf32>
      %parallel_loop3A_666 = vector.shape_cast %parallel_loop3A_661 : vector<16xf32> to vector<1x16xf32>
      tpu.vector_store %arg7[%parallel_loop3A_662, %parallel_loop3A_663], %parallel_loop3A_666 {strides = array<i32>} : memref<16x1024xf32, #tpu.memory_space<vmem>>, vector<1x16xf32>,
      %parallel_loop3A_667 = arith.index_cast %parallel_loop3A_120 : i32 to index
      %parallel_loop3A_668 = arith.constant 624 : index
      %parallel_loop3A_669 = tpu.vector_load %arg7[%parallel_loop3A_667, %parallel_loop3A_668] {strides = array<i32>} : memref<16x1024xf32, #tpu.memory_space<vmem>>, vector<1x16xf32>,
      %parallel_loop3A_670 = vector.shape_cast %parallel_loop3A_669 : vector<1x16xf32> to vector<16xf32>
      %parallel_loop3A_671 = arith.index_cast %parallel_loop3A_120 : i32 to index
      %parallel_loop3A_672 = arith.constant 624 : index
      %parallel_loop3A_673 = tpu.vector_load %arg5[%parallel_loop3A_671, %parallel_loop3A_672] {strides = array<i32>} : memref<16x1024xf32, #tpu.memory_space<vmem>>, vector<1x16xf32>,
      %parallel_loop3A_674 = vector.shape_cast %parallel_loop3A_673 : vector<1x16xf32> to vector<16xf32>
      %parallel_loop3A_675 = arith.addf %parallel_loop3A_670, %parallel_loop3A_674 : vector<16xf32>
      %parallel_loop3A_676 = arith.index_cast %parallel_loop3A_120 : i32 to index
      %parallel_loop3A_677 = arith.constant 624 : index
      %parallel_loop3A_678 = tpu.vector_load %arg7[%parallel_loop3A_676, %parallel_loop3A_677] {strides = array<i32>} : memref<16x1024xf32, #tpu.memory_space<vmem>>, vector<1x16xf32>,
      %parallel_loop3A_679 = vector.shape_cast %parallel_loop3A_678 : vector<1x16xf32> to vector<16xf32>
      %parallel_loop3A_680 = vector.shape_cast %parallel_loop3A_675 : vector<16xf32> to vector<1x16xf32>
      tpu.vector_store %arg7[%parallel_loop3A_676, %parallel_loop3A_677], %parallel_loop3A_680 {strides = array<i32>} : memref<16x1024xf32, #tpu.memory_space<vmem>>, vector<1x16xf32>,
      %parallel_loop3A_681 = arith.index_cast %parallel_loop3A_120 : i32 to index
      %parallel_loop3A_682 = arith.constant 640 : index
      %parallel_loop3A_683 = tpu.vector_load %arg7[%parallel_loop3A_681, %parallel_loop3A_682] {strides = array<i32>} : memref<16x1024xf32, #tpu.memory_space<vmem>>, vector<1x16xf32>,
      %parallel_loop3A_684 = vector.shape_cast %parallel_loop3A_683 : vector<1x16xf32> to vector<16xf32>
      %parallel_loop3A_685 = arith.index_cast %parallel_loop3A_120 : i32 to index
      %parallel_loop3A_686 = arith.constant 640 : index
      %parallel_loop3A_687 = tpu.vector_load %arg5[%parallel_loop3A_685, %parallel_loop3A_686] {strides = array<i32>} : memref<16x1024xf32, #tpu.memory_space<vmem>>, vector<1x16xf32>,
      %parallel_loop3A_688 = vector.shape_cast %parallel_loop3A_687 : vector<1x16xf32> to vector<16xf32>
      %parallel_loop3A_689 = arith.addf %parallel_loop3A_684, %parallel_loop3A_688 : vector<16xf32>
      %parallel_loop3A_690 = arith.index_cast %parallel_loop3A_120 : i32 to index
      %parallel_loop3A_691 = arith.constant 640 : index
      %parallel_loop3A_692 = tpu.vector_load %arg7[%parallel_loop3A_690, %parallel_loop3A_691] {strides = array<i32>} : memref<16x1024xf32, #tpu.memory_space<vmem>>, vector<1x16xf32>,
      %parallel_loop3A_693 = vector.shape_cast %parallel_loop3A_692 : vector<1x16xf32> to vector<16xf32>
      %parallel_loop3A_694 = vector.shape_cast %parallel_loop3A_689 : vector<16xf32> to vector<1x16xf32>
      tpu.vector_store %arg7[%parallel_loop3A_690, %parallel_loop3A_691], %parallel_loop3A_694 {strides = array<i32>} : memref<16x1024xf32, #tpu.memory_space<vmem>>, vector<1x16xf32>,
      %parallel_loop3A_695 = arith.index_cast %parallel_loop3A_120 : i32 to index
      %parallel_loop3A_696 = arith.constant 656 : index
      %parallel_loop3A_697 = tpu.vector_load %arg7[%parallel_loop3A_695, %parallel_loop3A_696] {strides = array<i32>} : memref<16x1024xf32, #tpu.memory_space<vmem>>, vector<1x16xf32>,
      %parallel_loop3A_698 = vector.shape_cast %parallel_loop3A_697 : vector<1x16xf32> to vector<16xf32>
      %parallel_loop3A_699 = arith.index_cast %parallel_loop3A_120 : i32 to index
      %parallel_loop3A_700 = arith.constant 656 : index
      %parallel_loop3A_701 = tpu.vector_load %arg5[%parallel_loop3A_699, %parallel_loop3A_700] {strides = array<i32>} : memref<16x1024xf32, #tpu.memory_space<vmem>>, vector<1x16xf32>,
      %parallel_loop3A_702 = vector.shape_cast %parallel_loop3A_701 : vector<1x16xf32> to vector<16xf32>
      %parallel_loop3A_703 = arith.addf %parallel_loop3A_698, %parallel_loop3A_702 : vector<16xf32>
      %parallel_loop3A_704 = arith.index_cast %parallel_loop3A_120 : i32 to index
      %parallel_loop3A_705 = arith.constant 656 : index
      %parallel_loop3A_706 = tpu.vector_load %arg7[%parallel_loop3A_704, %parallel_loop3A_705] {strides = array<i32>} : memref<16x1024xf32, #tpu.memory_space<vmem>>, vector<1x16xf32>,
      %parallel_loop3A_707 = vector.shape_cast %parallel_loop3A_706 : vector<1x16xf32> to vector<16xf32>
      %parallel_loop3A_708 = vector.shape_cast %parallel_loop3A_703 : vector<16xf32> to vector<1x16xf32>
      tpu.vector_store %arg7[%parallel_loop3A_704, %parallel_loop3A_705], %parallel_loop3A_708 {strides = array<i32>} : memref<16x1024xf32, #tpu.memory_space<vmem>>, vector<1x16xf32>,
      %parallel_loop3A_709 = arith.index_cast %parallel_loop3A_120 : i32 to index
      %parallel_loop3A_710 = arith.constant 672 : index
      %parallel_loop3A_711 = tpu.vector_load %arg7[%parallel_loop3A_709, %parallel_loop3A_710] {strides = array<i32>} : memref<16x1024xf32, #tpu.memory_space<vmem>>, vector<1x16xf32>,
      %parallel_loop3A_712 = vector.shape_cast %parallel_loop3A_711 : vector<1x16xf32> to vector<16xf32>
      %parallel_loop3A_713 = arith.index_cast %parallel_loop3A_120 : i32 to index
      %parallel_loop3A_714 = arith.constant 672 : index
      %parallel_loop3A_715 = tpu.vector_load %arg5[%parallel_loop3A_713, %parallel_loop3A_714] {strides = array<i32>} : memref<16x1024xf32, #tpu.memory_space<vmem>>, vector<1x16xf32>,
      %parallel_loop3A_716 = vector.shape_cast %parallel_loop3A_715 : vector<1x16xf32> to vector<16xf32>
      %parallel_loop3A_717 = arith.addf %parallel_loop3A_712, %parallel_loop3A_716 : vector<16xf32>
      %parallel_loop3A_718 = arith.index_cast %parallel_loop3A_120 : i32 to index
      %parallel_loop3A_719 = arith.constant 672 : index
      %parallel_loop3A_720 = tpu.vector_load %arg7[%parallel_loop3A_718, %parallel_loop3A_719] {strides = array<i32>} : memref<16x1024xf32, #tpu.memory_space<vmem>>, vector<1x16xf32>,
      %parallel_loop3A_721 = vector.shape_cast %parallel_loop3A_720 : vector<1x16xf32> to vector<16xf32>
      %parallel_loop3A_722 = vector.shape_cast %parallel_loop3A_717 : vector<16xf32> to vector<1x16xf32>
      tpu.vector_store %arg7[%parallel_loop3A_718, %parallel_loop3A_719], %parallel_loop3A_722 {strides = array<i32>} : memref<16x1024xf32, #tpu.memory_space<vmem>>, vector<1x16xf32>,
      %parallel_loop3A_723 = arith.index_cast %parallel_loop3A_120 : i32 to index
      %parallel_loop3A_724 = arith.constant 688 : index
      %parallel_loop3A_725 = tpu.vector_load %arg7[%parallel_loop3A_723, %parallel_loop3A_724] {strides = array<i32>} : memref<16x1024xf32, #tpu.memory_space<vmem>>, vector<1x16xf32>,
      %parallel_loop3A_726 = vector.shape_cast %parallel_loop3A_725 : vector<1x16xf32> to vector<16xf32>
      %parallel_loop3A_727 = arith.index_cast %parallel_loop3A_120 : i32 to index
      %parallel_loop3A_728 = arith.constant 688 : index
      %parallel_loop3A_729 = tpu.vector_load %arg5[%parallel_loop3A_727, %parallel_loop3A_728] {strides = array<i32>} : memref<16x1024xf32, #tpu.memory_space<vmem>>, vector<1x16xf32>,
      %parallel_loop3A_730 = vector.shape_cast %parallel_loop3A_729 : vector<1x16xf32> to vector<16xf32>
      %parallel_loop3A_731 = arith.addf %parallel_loop3A_726, %parallel_loop3A_730 : vector<16xf32>
      %parallel_loop3A_732 = arith.index_cast %parallel_loop3A_120 : i32 to index
      %parallel_loop3A_733 = arith.constant 688 : index
      %parallel_loop3A_734 = tpu.vector_load %arg7[%parallel_loop3A_732, %parallel_loop3A_733] {strides = array<i32>} : memref<16x1024xf32, #tpu.memory_space<vmem>>, vector<1x16xf32>,
      %parallel_loop3A_735 = vector.shape_cast %parallel_loop3A_734 : vector<1x16xf32> to vector<16xf32>
      %parallel_loop3A_736 = vector.shape_cast %parallel_loop3A_731 : vector<16xf32> to vector<1x16xf32>
      tpu.vector_store %arg7[%parallel_loop3A_732, %parallel_loop3A_733], %parallel_loop3A_736 {strides = array<i32>} : memref<16x1024xf32, #tpu.memory_space<vmem>>, vector<1x16xf32>,
      %parallel_loop3A_737 = arith.index_cast %parallel_loop3A_120 : i32 to index
      %parallel_loop3A_738 = arith.constant 704 : index
      %parallel_loop3A_739 = tpu.vector_load %arg7[%parallel_loop3A_737, %parallel_loop3A_738] {strides = array<i32>} : memref<16x1024xf32, #tpu.memory_space<vmem>>, vector<1x16xf32>,
      %parallel_loop3A_740 = vector.shape_cast %parallel_loop3A_739 : vector<1x16xf32> to vector<16xf32>
      %parallel_loop3A_741 = arith.index_cast %parallel_loop3A_120 : i32 to index
      %parallel_loop3A_742 = arith.constant 704 : index
      %parallel_loop3A_743 = tpu.vector_load %arg5[%parallel_loop3A_741, %parallel_loop3A_742] {strides = array<i32>} : memref<16x1024xf32, #tpu.memory_space<vmem>>, vector<1x16xf32>,
      %parallel_loop3A_744 = vector.shape_cast %parallel_loop3A_743 : vector<1x16xf32> to vector<16xf32>
      %parallel_loop3A_745 = arith.addf %parallel_loop3A_740, %parallel_loop3A_744 : vector<16xf32>
      %parallel_loop3A_746 = arith.index_cast %parallel_loop3A_120 : i32 to index
      %parallel_loop3A_747 = arith.constant 704 : index
      %parallel_loop3A_748 = tpu.vector_load %arg7[%parallel_loop3A_746, %parallel_loop3A_747] {strides = array<i32>} : memref<16x1024xf32, #tpu.memory_space<vmem>>, vector<1x16xf32>,
      %parallel_loop3A_749 = vector.shape_cast %parallel_loop3A_748 : vector<1x16xf32> to vector<16xf32>
      %parallel_loop3A_750 = vector.shape_cast %parallel_loop3A_745 : vector<16xf32> to vector<1x16xf32>
      tpu.vector_store %arg7[%parallel_loop3A_746, %parallel_loop3A_747], %parallel_loop3A_750 {strides = array<i32>} : memref<16x1024xf32, #tpu.memory_space<vmem>>, vector<1x16xf32>,
      %parallel_loop3A_751 = arith.index_cast %parallel_loop3A_120 : i32 to index
      %parallel_loop3A_752 = arith.constant 720 : index
      %parallel_loop3A_753 = tpu.vector_load %arg7[%parallel_loop3A_751, %parallel_loop3A_752] {strides = array<i32>} : memref<16x1024xf32, #tpu.memory_space<vmem>>, vector<1x16xf32>,
      %parallel_loop3A_754 = vector.shape_cast %parallel_loop3A_753 : vector<1x16xf32> to vector<16xf32>
      %parallel_loop3A_755 = arith.index_cast %parallel_loop3A_120 : i32 to index
      %parallel_loop3A_756 = arith.constant 720 : index
      %parallel_loop3A_757 = tpu.vector_load %arg5[%parallel_loop3A_755, %parallel_loop3A_756] {strides = array<i32>} : memref<16x1024xf32, #tpu.memory_space<vmem>>, vector<1x16xf32>,
      %parallel_loop3A_758 = vector.shape_cast %parallel_loop3A_757 : vector<1x16xf32> to vector<16xf32>
      %parallel_loop3A_759 = arith.addf %parallel_loop3A_754, %parallel_loop3A_758 : vector<16xf32>
      %parallel_loop3A_760 = arith.index_cast %parallel_loop3A_120 : i32 to index
      %parallel_loop3A_761 = arith.constant 720 : index
      %parallel_loop3A_762 = tpu.vector_load %arg7[%parallel_loop3A_760, %parallel_loop3A_761] {strides = array<i32>} : memref<16x1024xf32, #tpu.memory_space<vmem>>, vector<1x16xf32>,
      %parallel_loop3A_763 = vector.shape_cast %parallel_loop3A_762 : vector<1x16xf32> to vector<16xf32>
      %parallel_loop3A_764 = vector.shape_cast %parallel_loop3A_759 : vector<16xf32> to vector<1x16xf32>
      tpu.vector_store %arg7[%parallel_loop3A_760, %parallel_loop3A_761], %parallel_loop3A_764 {strides = array<i32>} : memref<16x1024xf32, #tpu.memory_space<vmem>>, vector<1x16xf32>,
      %parallel_loop3A_765 = arith.index_cast %parallel_loop3A_120 : i32 to index
      %parallel_loop3A_766 = arith.constant 736 : index
      %parallel_loop3A_767 = tpu.vector_load %arg7[%parallel_loop3A_765, %parallel_loop3A_766] {strides = array<i32>} : memref<16x1024xf32, #tpu.memory_space<vmem>>, vector<1x16xf32>,
      %parallel_loop3A_768 = vector.shape_cast %parallel_loop3A_767 : vector<1x16xf32> to vector<16xf32>
      %parallel_loop3A_769 = arith.index_cast %parallel_loop3A_120 : i32 to index
      %parallel_loop3A_770 = arith.constant 736 : index
      %parallel_loop3A_771 = tpu.vector_load %arg5[%parallel_loop3A_769, %parallel_loop3A_770] {strides = array<i32>} : memref<16x1024xf32, #tpu.memory_space<vmem>>, vector<1x16xf32>,
      %parallel_loop3A_772 = vector.shape_cast %parallel_loop3A_771 : vector<1x16xf32> to vector<16xf32>
      %parallel_loop3A_773 = arith.addf %parallel_loop3A_768, %parallel_loop3A_772 : vector<16xf32>
      %parallel_loop3A_774 = arith.index_cast %parallel_loop3A_120 : i32 to index
      %parallel_loop3A_775 = arith.constant 736 : index
      %parallel_loop3A_776 = tpu.vector_load %arg7[%parallel_loop3A_774, %parallel_loop3A_775] {strides = array<i32>} : memref<16x1024xf32, #tpu.memory_space<vmem>>, vector<1x16xf32>,
      %parallel_loop3A_777 = vector.shape_cast %parallel_loop3A_776 : vector<1x16xf32> to vector<16xf32>
      %parallel_loop3A_778 = vector.shape_cast %parallel_loop3A_773 : vector<16xf32> to vector<1x16xf32>
      tpu.vector_store %arg7[%parallel_loop3A_774, %parallel_loop3A_775], %parallel_loop3A_778 {strides = array<i32>} : memref<16x1024xf32, #tpu.memory_space<vmem>>, vector<1x16xf32>,
      %parallel_loop3A_779 = arith.index_cast %parallel_loop3A_120 : i32 to index
      %parallel_loop3A_780 = arith.constant 752 : index
      %parallel_loop3A_781 = tpu.vector_load %arg7[%parallel_loop3A_779, %parallel_loop3A_780] {strides = array<i32>} : memref<16x1024xf32, #tpu.memory_space<vmem>>, vector<1x16xf32>,
      %parallel_loop3A_782 = vector.shape_cast %parallel_loop3A_781 : vector<1x16xf32> to vector<16xf32>
      %parallel_loop3A_783 = arith.index_cast %parallel_loop3A_120 : i32 to index
      %parallel_loop3A_784 = arith.constant 752 : index
      %parallel_loop3A_785 = tpu.vector_load %arg5[%parallel_loop3A_783, %parallel_loop3A_784] {strides = array<i32>} : memref<16x1024xf32, #tpu.memory_space<vmem>>, vector<1x16xf32>,
      %parallel_loop3A_786 = vector.shape_cast %parallel_loop3A_785 : vector<1x16xf32> to vector<16xf32>
      %parallel_loop3A_787 = arith.addf %parallel_loop3A_782, %parallel_loop3A_786 : vector<16xf32>
      %parallel_loop3A_788 = arith.index_cast %parallel_loop3A_120 : i32 to index
      %parallel_loop3A_789 = arith.constant 752 : index
      %parallel_loop3A_790 = tpu.vector_load %arg7[%parallel_loop3A_788, %parallel_loop3A_789] {strides = array<i32>} : memref<16x1024xf32, #tpu.memory_space<vmem>>, vector<1x16xf32>,
      %parallel_loop3A_791 = vector.shape_cast %parallel_loop3A_790 : vector<1x16xf32> to vector<16xf32>
      %parallel_loop3A_792 = vector.shape_cast %parallel_loop3A_787 : vector<16xf32> to vector<1x16xf32>
      tpu.vector_store %arg7[%parallel_loop3A_788, %parallel_loop3A_789], %parallel_loop3A_792 {strides = array<i32>} : memref<16x1024xf32, #tpu.memory_space<vmem>>, vector<1x16xf32>,
      %parallel_loop3A_793 = arith.index_cast %parallel_loop3A_120 : i32 to index
      %parallel_loop3A_794 = arith.constant 768 : index
      %parallel_loop3A_795 = tpu.vector_load %arg7[%parallel_loop3A_793, %parallel_loop3A_794] {strides = array<i32>} : memref<16x1024xf32, #tpu.memory_space<vmem>>, vector<1x16xf32>,
      %parallel_loop3A_796 = vector.shape_cast %parallel_loop3A_795 : vector<1x16xf32> to vector<16xf32>
      %parallel_loop3A_797 = arith.index_cast %parallel_loop3A_120 : i32 to index
      %parallel_loop3A_798 = arith.constant 768 : index
      %parallel_loop3A_799 = tpu.vector_load %arg5[%parallel_loop3A_797, %parallel_loop3A_798] {strides = array<i32>} : memref<16x1024xf32, #tpu.memory_space<vmem>>, vector<1x16xf32>,
      %parallel_loop3A_800 = vector.shape_cast %parallel_loop3A_799 : vector<1x16xf32> to vector<16xf32>
      %parallel_loop3A_801 = arith.addf %parallel_loop3A_796, %parallel_loop3A_800 : vector<16xf32>
      %parallel_loop3A_802 = arith.index_cast %parallel_loop3A_120 : i32 to index
      %parallel_loop3A_803 = arith.constant 768 : index
      %parallel_loop3A_804 = tpu.vector_load %arg7[%parallel_loop3A_802, %parallel_loop3A_803] {strides = array<i32>} : memref<16x1024xf32, #tpu.memory_space<vmem>>, vector<1x16xf32>,
      %parallel_loop3A_805 = vector.shape_cast %parallel_loop3A_804 : vector<1x16xf32> to vector<16xf32>
      %parallel_loop3A_806 = vector.shape_cast %parallel_loop3A_801 : vector<16xf32> to vector<1x16xf32>
      tpu.vector_store %arg7[%parallel_loop3A_802, %parallel_loop3A_803], %parallel_loop3A_806 {strides = array<i32>} : memref<16x1024xf32, #tpu.memory_space<vmem>>, vector<1x16xf32>,
      %parallel_loop3A_807 = arith.index_cast %parallel_loop3A_120 : i32 to index
      %parallel_loop3A_808 = arith.constant 784 : index
      %parallel_loop3A_809 = tpu.vector_load %arg7[%parallel_loop3A_807, %parallel_loop3A_808] {strides = array<i32>} : memref<16x1024xf32, #tpu.memory_space<vmem>>, vector<1x16xf32>,
      %parallel_loop3A_810 = vector.shape_cast %parallel_loop3A_809 : vector<1x16xf32> to vector<16xf32>
      %parallel_loop3A_811 = arith.index_cast %parallel_loop3A_120 : i32 to index
      %parallel_loop3A_812 = arith.constant 784 : index
      %parallel_loop3A_813 = tpu.vector_load %arg5[%parallel_loop3A_811, %parallel_loop3A_812] {strides = array<i32>} : memref<16x1024xf32, #tpu.memory_space<vmem>>, vector<1x16xf32>,
      %parallel_loop3A_814 = vector.shape_cast %parallel_loop3A_813 : vector<1x16xf32> to vector<16xf32>
      %parallel_loop3A_815 = arith.addf %parallel_loop3A_810, %parallel_loop3A_814 : vector<16xf32>
      %parallel_loop3A_816 = arith.index_cast %parallel_loop3A_120 : i32 to index
      %parallel_loop3A_817 = arith.constant 784 : index
      %parallel_loop3A_818 = tpu.vector_load %arg7[%parallel_loop3A_816, %parallel_loop3A_817] {strides = array<i32>} : memref<16x1024xf32, #tpu.memory_space<vmem>>, vector<1x16xf32>,
      %parallel_loop3A_819 = vector.shape_cast %parallel_loop3A_818 : vector<1x16xf32> to vector<16xf32>
      %parallel_loop3A_820 = vector.shape_cast %parallel_loop3A_815 : vector<16xf32> to vector<1x16xf32>
      tpu.vector_store %arg7[%parallel_loop3A_816, %parallel_loop3A_817], %parallel_loop3A_820 {strides = array<i32>} : memref<16x1024xf32, #tpu.memory_space<vmem>>, vector<1x16xf32>,
      %parallel_loop3A_821 = arith.index_cast %parallel_loop3A_120 : i32 to index
      %parallel_loop3A_822 = arith.constant 800 : index
      %parallel_loop3A_823 = tpu.vector_load %arg7[%parallel_loop3A_821, %parallel_loop3A_822] {strides = array<i32>} : memref<16x1024xf32, #tpu.memory_space<vmem>>, vector<1x16xf32>,
      %parallel_loop3A_824 = vector.shape_cast %parallel_loop3A_823 : vector<1x16xf32> to vector<16xf32>
      %parallel_loop3A_825 = arith.index_cast %parallel_loop3A_120 : i32 to index
      %parallel_loop3A_826 = arith.constant 800 : index
      %parallel_loop3A_827 = tpu.vector_load %arg5[%parallel_loop3A_825, %parallel_loop3A_826] {strides = array<i32>} : memref<16x1024xf32, #tpu.memory_space<vmem>>, vector<1x16xf32>,
      %parallel_loop3A_828 = vector.shape_cast %parallel_loop3A_827 : vector<1x16xf32> to vector<16xf32>
      %parallel_loop3A_829 = arith.addf %parallel_loop3A_824, %parallel_loop3A_828 : vector<16xf32>
      %parallel_loop3A_830 = arith.index_cast %parallel_loop3A_120 : i32 to index
      %parallel_loop3A_831 = arith.constant 800 : index
      %parallel_loop3A_832 = tpu.vector_load %arg7[%parallel_loop3A_830, %parallel_loop3A_831] {strides = array<i32>} : memref<16x1024xf32, #tpu.memory_space<vmem>>, vector<1x16xf32>,
      %parallel_loop3A_833 = vector.shape_cast %parallel_loop3A_832 : vector<1x16xf32> to vector<16xf32>
      %parallel_loop3A_834 = vector.shape_cast %parallel_loop3A_829 : vector<16xf32> to vector<1x16xf32>
      tpu.vector_store %arg7[%parallel_loop3A_830, %parallel_loop3A_831], %parallel_loop3A_834 {strides = array<i32>} : memref<16x1024xf32, #tpu.memory_space<vmem>>, vector<1x16xf32>,
      %parallel_loop3A_835 = arith.index_cast %parallel_loop3A_120 : i32 to index
      %parallel_loop3A_836 = arith.constant 816 : index
      %parallel_loop3A_837 = tpu.vector_load %arg7[%parallel_loop3A_835, %parallel_loop3A_836] {strides = array<i32>} : memref<16x1024xf32, #tpu.memory_space<vmem>>, vector<1x16xf32>,
      %parallel_loop3A_838 = vector.shape_cast %parallel_loop3A_837 : vector<1x16xf32> to vector<16xf32>
      %parallel_loop3A_839 = arith.index_cast %parallel_loop3A_120 : i32 to index
      %parallel_loop3A_840 = arith.constant 816 : index
      %parallel_loop3A_841 = tpu.vector_load %arg5[%parallel_loop3A_839, %parallel_loop3A_840] {strides = array<i32>} : memref<16x1024xf32, #tpu.memory_space<vmem>>, vector<1x16xf32>,
      %parallel_loop3A_842 = vector.shape_cast %parallel_loop3A_841 : vector<1x16xf32> to vector<16xf32>
      %parallel_loop3A_843 = arith.addf %parallel_loop3A_838, %parallel_loop3A_842 : vector<16xf32>
      %parallel_loop3A_844 = arith.index_cast %parallel_loop3A_120 : i32 to index
      %parallel_loop3A_845 = arith.constant 816 : index
      %parallel_loop3A_846 = tpu.vector_load %arg7[%parallel_loop3A_844, %parallel_loop3A_845] {strides = array<i32>} : memref<16x1024xf32, #tpu.memory_space<vmem>>, vector<1x16xf32>,
      %parallel_loop3A_847 = vector.shape_cast %parallel_loop3A_846 : vector<1x16xf32> to vector<16xf32>
      %parallel_loop3A_848 = vector.shape_cast %parallel_loop3A_843 : vector<16xf32> to vector<1x16xf32>
      tpu.vector_store %arg7[%parallel_loop3A_844, %parallel_loop3A_845], %parallel_loop3A_848 {strides = array<i32>} : memref<16x1024xf32, #tpu.memory_space<vmem>>, vector<1x16xf32>,
      %parallel_loop3A_849 = arith.index_cast %parallel_loop3A_120 : i32 to index
      %parallel_loop3A_850 = arith.constant 832 : index
      %parallel_loop3A_851 = tpu.vector_load %arg7[%parallel_loop3A_849, %parallel_loop3A_850] {strides = array<i32>} : memref<16x1024xf32, #tpu.memory_space<vmem>>, vector<1x16xf32>,
      %parallel_loop3A_852 = vector.shape_cast %parallel_loop3A_851 : vector<1x16xf32> to vector<16xf32>
      %parallel_loop3A_853 = arith.index_cast %parallel_loop3A_120 : i32 to index
      %parallel_loop3A_854 = arith.constant 832 : index
      %parallel_loop3A_855 = tpu.vector_load %arg5[%parallel_loop3A_853, %parallel_loop3A_854] {strides = array<i32>} : memref<16x1024xf32, #tpu.memory_space<vmem>>, vector<1x16xf32>,
      %parallel_loop3A_856 = vector.shape_cast %parallel_loop3A_855 : vector<1x16xf32> to vector<16xf32>
      %parallel_loop3A_857 = arith.addf %parallel_loop3A_852, %parallel_loop3A_856 : vector<16xf32>
      %parallel_loop3A_858 = arith.index_cast %parallel_loop3A_120 : i32 to index
      %parallel_loop3A_859 = arith.constant 832 : index
      %parallel_loop3A_860 = tpu.vector_load %arg7[%parallel_loop3A_858, %parallel_loop3A_859] {strides = array<i32>} : memref<16x1024xf32, #tpu.memory_space<vmem>>, vector<1x16xf32>,
      %parallel_loop3A_861 = vector.shape_cast %parallel_loop3A_860 : vector<1x16xf32> to vector<16xf32>
      %parallel_loop3A_862 = vector.shape_cast %parallel_loop3A_857 : vector<16xf32> to vector<1x16xf32>
      tpu.vector_store %arg7[%parallel_loop3A_858, %parallel_loop3A_859], %parallel_loop3A_862 {strides = array<i32>} : memref<16x1024xf32, #tpu.memory_space<vmem>>, vector<1x16xf32>,
      %parallel_loop3A_863 = arith.index_cast %parallel_loop3A_120 : i32 to index
      %parallel_loop3A_864 = arith.constant 848 : index
      %parallel_loop3A_865 = tpu.vector_load %arg7[%parallel_loop3A_863, %parallel_loop3A_864] {strides = array<i32>} : memref<16x1024xf32, #tpu.memory_space<vmem>>, vector<1x16xf32>,
      %parallel_loop3A_866 = vector.shape_cast %parallel_loop3A_865 : vector<1x16xf32> to vector<16xf32>
      %parallel_loop3A_867 = arith.index_cast %parallel_loop3A_120 : i32 to index
      %parallel_loop3A_868 = arith.constant 848 : index
      %parallel_loop3A_869 = tpu.vector_load %arg5[%parallel_loop3A_867, %parallel_loop3A_868] {strides = array<i32>} : memref<16x1024xf32, #tpu.memory_space<vmem>>, vector<1x16xf32>,
      %parallel_loop3A_870 = vector.shape_cast %parallel_loop3A_869 : vector<1x16xf32> to vector<16xf32>
      %parallel_loop3A_871 = arith.addf %parallel_loop3A_866, %parallel_loop3A_870 : vector<16xf32>
      %parallel_loop3A_872 = arith.index_cast %parallel_loop3A_120 : i32 to index
      %parallel_loop3A_873 = arith.constant 848 : index
      %parallel_loop3A_874 = tpu.vector_load %arg7[%parallel_loop3A_872, %parallel_loop3A_873] {strides = array<i32>} : memref<16x1024xf32, #tpu.memory_space<vmem>>, vector<1x16xf32>,
      %parallel_loop3A_875 = vector.shape_cast %parallel_loop3A_874 : vector<1x16xf32> to vector<16xf32>
      %parallel_loop3A_876 = vector.shape_cast %parallel_loop3A_871 : vector<16xf32> to vector<1x16xf32>
      tpu.vector_store %arg7[%parallel_loop3A_872, %parallel_loop3A_873], %parallel_loop3A_876 {strides = array<i32>} : memref<16x1024xf32, #tpu.memory_space<vmem>>, vector<1x16xf32>,
      %parallel_loop3A_877 = arith.index_cast %parallel_loop3A_120 : i32 to index
      %parallel_loop3A_878 = arith.constant 864 : index
      %parallel_loop3A_879 = tpu.vector_load %arg7[%parallel_loop3A_877, %parallel_loop3A_878] {strides = array<i32>} : memref<16x1024xf32, #tpu.memory_space<vmem>>, vector<1x16xf32>,
      %parallel_loop3A_880 = vector.shape_cast %parallel_loop3A_879 : vector<1x16xf32> to vector<16xf32>
      %parallel_loop3A_881 = arith.index_cast %parallel_loop3A_120 : i32 to index
      %parallel_loop3A_882 = arith.constant 864 : index
      %parallel_loop3A_883 = tpu.vector_load %arg5[%parallel_loop3A_881, %parallel_loop3A_882] {strides = array<i32>} : memref<16x1024xf32, #tpu.memory_space<vmem>>, vector<1x16xf32>,
      %parallel_loop3A_884 = vector.shape_cast %parallel_loop3A_883 : vector<1x16xf32> to vector<16xf32>
      %parallel_loop3A_885 = arith.addf %parallel_loop3A_880, %parallel_loop3A_884 : vector<16xf32>
      %parallel_loop3A_886 = arith.index_cast %parallel_loop3A_120 : i32 to index
      %parallel_loop3A_887 = arith.constant 864 : index
      %parallel_loop3A_888 = tpu.vector_load %arg7[%parallel_loop3A_886, %parallel_loop3A_887] {strides = array<i32>} : memref<16x1024xf32, #tpu.memory_space<vmem>>, vector<1x16xf32>,
      %parallel_loop3A_889 = vector.shape_cast %parallel_loop3A_888 : vector<1x16xf32> to vector<16xf32>
      %parallel_loop3A_890 = vector.shape_cast %parallel_loop3A_885 : vector<16xf32> to vector<1x16xf32>
      tpu.vector_store %arg7[%parallel_loop3A_886, %parallel_loop3A_887], %parallel_loop3A_890 {strides = array<i32>} : memref<16x1024xf32, #tpu.memory_space<vmem>>, vector<1x16xf32>,
      %parallel_loop3A_891 = arith.index_cast %parallel_loop3A_120 : i32 to index
      %parallel_loop3A_892 = arith.constant 880 : index
      %parallel_loop3A_893 = tpu.vector_load %arg7[%parallel_loop3A_891, %parallel_loop3A_892] {strides = array<i32>} : memref<16x1024xf32, #tpu.memory_space<vmem>>, vector<1x16xf32>,
      %parallel_loop3A_894 = vector.shape_cast %parallel_loop3A_893 : vector<1x16xf32> to vector<16xf32>
      %parallel_loop3A_895 = arith.index_cast %parallel_loop3A_120 : i32 to index
      %parallel_loop3A_896 = arith.constant 880 : index
      %parallel_loop3A_897 = tpu.vector_load %arg5[%parallel_loop3A_895, %parallel_loop3A_896] {strides = array<i32>} : memref<16x1024xf32, #tpu.memory_space<vmem>>, vector<1x16xf32>,
      %parallel_loop3A_898 = vector.shape_cast %parallel_loop3A_897 : vector<1x16xf32> to vector<16xf32>
      %parallel_loop3A_899 = arith.addf %parallel_loop3A_894, %parallel_loop3A_898 : vector<16xf32>
      %parallel_loop3A_900 = arith.index_cast %parallel_loop3A_120 : i32 to index
      %parallel_loop3A_901 = arith.constant 880 : index
      %parallel_loop3A_902 = tpu.vector_load %arg7[%parallel_loop3A_900, %parallel_loop3A_901] {strides = array<i32>} : memref<16x1024xf32, #tpu.memory_space<vmem>>, vector<1x16xf32>,
      %parallel_loop3A_903 = vector.shape_cast %parallel_loop3A_902 : vector<1x16xf32> to vector<16xf32>
      %parallel_loop3A_904 = vector.shape_cast %parallel_loop3A_899 : vector<16xf32> to vector<1x16xf32>
      tpu.vector_store %arg7[%parallel_loop3A_900, %parallel_loop3A_901], %parallel_loop3A_904 {strides = array<i32>} : memref<16x1024xf32, #tpu.memory_space<vmem>>, vector<1x16xf32>,
      %parallel_loop3A_905 = arith.index_cast %parallel_loop3A_120 : i32 to index
      %parallel_loop3A_906 = arith.constant 896 : index
      %parallel_loop3A_907 = tpu.vector_load %arg7[%parallel_loop3A_905, %parallel_loop3A_906] {strides = array<i32>} : memref<16x1024xf32, #tpu.memory_space<vmem>>, vector<1x16xf32>,
      %parallel_loop3A_908 = vector.shape_cast %parallel_loop3A_907 : vector<1x16xf32> to vector<16xf32>
      %parallel_loop3A_909 = arith.index_cast %parallel_loop3A_120 : i32 to index
      %parallel_loop3A_910 = arith.constant 896 : index
      %parallel_loop3A_911 = tpu.vector_load %arg5[%parallel_loop3A_909, %parallel_loop3A_910] {strides = array<i32>} : memref<16x1024xf32, #tpu.memory_space<vmem>>, vector<1x16xf32>,
      %parallel_loop3A_912 = vector.shape_cast %parallel_loop3A_911 : vector<1x16xf32> to vector<16xf32>
      %parallel_loop3A_913 = arith.addf %parallel_loop3A_908, %parallel_loop3A_912 : vector<16xf32>
      %parallel_loop3A_914 = arith.index_cast %parallel_loop3A_120 : i32 to index
      %parallel_loop3A_915 = arith.constant 896 : index
      %parallel_loop3A_916 = tpu.vector_load %arg7[%parallel_loop3A_914, %parallel_loop3A_915] {strides = array<i32>} : memref<16x1024xf32, #tpu.memory_space<vmem>>, vector<1x16xf32>,
      %parallel_loop3A_917 = vector.shape_cast %parallel_loop3A_916 : vector<1x16xf32> to vector<16xf32>
      %parallel_loop3A_918 = vector.shape_cast %parallel_loop3A_913 : vector<16xf32> to vector<1x16xf32>
      tpu.vector_store %arg7[%parallel_loop3A_914, %parallel_loop3A_915], %parallel_loop3A_918 {strides = array<i32>} : memref<16x1024xf32, #tpu.memory_space<vmem>>, vector<1x16xf32>,
      %parallel_loop3A_919 = arith.index_cast %parallel_loop3A_120 : i32 to index
      %parallel_loop3A_920 = arith.constant 912 : index
      %parallel_loop3A_921 = tpu.vector_load %arg7[%parallel_loop3A_919, %parallel_loop3A_920] {strides = array<i32>} : memref<16x1024xf32, #tpu.memory_space<vmem>>, vector<1x16xf32>,
      %parallel_loop3A_922 = vector.shape_cast %parallel_loop3A_921 : vector<1x16xf32> to vector<16xf32>
      %parallel_loop3A_923 = arith.index_cast %parallel_loop3A_120 : i32 to index
      %parallel_loop3A_924 = arith.constant 912 : index
      %parallel_loop3A_925 = tpu.vector_load %arg5[%parallel_loop3A_923, %parallel_loop3A_924] {strides = array<i32>} : memref<16x1024xf32, #tpu.memory_space<vmem>>, vector<1x16xf32>,
      %parallel_loop3A_926 = vector.shape_cast %parallel_loop3A_925 : vector<1x16xf32> to vector<16xf32>
      %parallel_loop3A_927 = arith.addf %parallel_loop3A_922, %parallel_loop3A_926 : vector<16xf32>
      %parallel_loop3A_928 = arith.index_cast %parallel_loop3A_120 : i32 to index
      %parallel_loop3A_929 = arith.constant 912 : index
      %parallel_loop3A_930 = tpu.vector_load %arg7[%parallel_loop3A_928, %parallel_loop3A_929] {strides = array<i32>} : memref<16x1024xf32, #tpu.memory_space<vmem>>, vector<1x16xf32>,
      %parallel_loop3A_931 = vector.shape_cast %parallel_loop3A_930 : vector<1x16xf32> to vector<16xf32>
      %parallel_loop3A_932 = vector.shape_cast %parallel_loop3A_927 : vector<16xf32> to vector<1x16xf32>
      tpu.vector_store %arg7[%parallel_loop3A_928, %parallel_loop3A_929], %parallel_loop3A_932 {strides = array<i32>} : memref<16x1024xf32, #tpu.memory_space<vmem>>, vector<1x16xf32>,
      %parallel_loop3A_933 = arith.index_cast %parallel_loop3A_120 : i32 to index
      %parallel_loop3A_934 = arith.constant 928 : index
      %parallel_loop3A_935 = tpu.vector_load %arg7[%parallel_loop3A_933, %parallel_loop3A_934] {strides = array<i32>} : memref<16x1024xf32, #tpu.memory_space<vmem>>, vector<1x16xf32>,
      %parallel_loop3A_936 = vector.shape_cast %parallel_loop3A_935 : vector<1x16xf32> to vector<16xf32>
      %parallel_loop3A_937 = arith.index_cast %parallel_loop3A_120 : i32 to index
      %parallel_loop3A_938 = arith.constant 928 : index
      %parallel_loop3A_939 = tpu.vector_load %arg5[%parallel_loop3A_937, %parallel_loop3A_938] {strides = array<i32>} : memref<16x1024xf32, #tpu.memory_space<vmem>>, vector<1x16xf32>,
      %parallel_loop3A_940 = vector.shape_cast %parallel_loop3A_939 : vector<1x16xf32> to vector<16xf32>
      %parallel_loop3A_941 = arith.addf %parallel_loop3A_936, %parallel_loop3A_940 : vector<16xf32>
      %parallel_loop3A_942 = arith.index_cast %parallel_loop3A_120 : i32 to index
      %parallel_loop3A_943 = arith.constant 928 : index
      %parallel_loop3A_944 = tpu.vector_load %arg7[%parallel_loop3A_942, %parallel_loop3A_943] {strides = array<i32>} : memref<16x1024xf32, #tpu.memory_space<vmem>>, vector<1x16xf32>,
      %parallel_loop3A_945 = vector.shape_cast %parallel_loop3A_944 : vector<1x16xf32> to vector<16xf32>
      %parallel_loop3A_946 = vector.shape_cast %parallel_loop3A_941 : vector<16xf32> to vector<1x16xf32>
      tpu.vector_store %arg7[%parallel_loop3A_942, %parallel_loop3A_943], %parallel_loop3A_946 {strides = array<i32>} : memref<16x1024xf32, #tpu.memory_space<vmem>>, vector<1x16xf32>,
      %parallel_loop3A_947 = arith.index_cast %parallel_loop3A_120 : i32 to index
      %parallel_loop3A_948 = arith.constant 944 : index
      %parallel_loop3A_949 = tpu.vector_load %arg7[%parallel_loop3A_947, %parallel_loop3A_948] {strides = array<i32>} : memref<16x1024xf32, #tpu.memory_space<vmem>>, vector<1x16xf32>,
      %parallel_loop3A_950 = vector.shape_cast %parallel_loop3A_949 : vector<1x16xf32> to vector<16xf32>
      %parallel_loop3A_951 = arith.index_cast %parallel_loop3A_120 : i32 to index
      %parallel_loop3A_952 = arith.constant 944 : index
      %parallel_loop3A_953 = tpu.vector_load %arg5[%parallel_loop3A_951, %parallel_loop3A_952] {strides = array<i32>} : memref<16x1024xf32, #tpu.memory_space<vmem>>, vector<1x16xf32>,
      %parallel_loop3A_954 = vector.shape_cast %parallel_loop3A_953 : vector<1x16xf32> to vector<16xf32>
      %parallel_loop3A_955 = arith.addf %parallel_loop3A_950, %parallel_loop3A_954 : vector<16xf32>
      %parallel_loop3A_956 = arith.index_cast %parallel_loop3A_120 : i32 to index
      %parallel_loop3A_957 = arith.constant 944 : index
      %parallel_loop3A_958 = tpu.vector_load %arg7[%parallel_loop3A_956, %parallel_loop3A_957] {strides = array<i32>} : memref<16x1024xf32, #tpu.memory_space<vmem>>, vector<1x16xf32>,
      %parallel_loop3A_959 = vector.shape_cast %parallel_loop3A_958 : vector<1x16xf32> to vector<16xf32>
      %parallel_loop3A_960 = vector.shape_cast %parallel_loop3A_955 : vector<16xf32> to vector<1x16xf32>
      tpu.vector_store %arg7[%parallel_loop3A_956, %parallel_loop3A_957], %parallel_loop3A_960 {strides = array<i32>} : memref<16x1024xf32, #tpu.memory_space<vmem>>, vector<1x16xf32>,
      %parallel_loop3A_961 = arith.index_cast %parallel_loop3A_120 : i32 to index
      %parallel_loop3A_962 = arith.constant 960 : index
      %parallel_loop3A_963 = tpu.vector_load %arg7[%parallel_loop3A_961, %parallel_loop3A_962] {strides = array<i32>} : memref<16x1024xf32, #tpu.memory_space<vmem>>, vector<1x16xf32>,
      %parallel_loop3A_964 = vector.shape_cast %parallel_loop3A_963 : vector<1x16xf32> to vector<16xf32>
      %parallel_loop3A_965 = arith.index_cast %parallel_loop3A_120 : i32 to index
      %parallel_loop3A_966 = arith.constant 960 : index
      %parallel_loop3A_967 = tpu.vector_load %arg5[%parallel_loop3A_965, %parallel_loop3A_966] {strides = array<i32>} : memref<16x1024xf32, #tpu.memory_space<vmem>>, vector<1x16xf32>,
      %parallel_loop3A_968 = vector.shape_cast %parallel_loop3A_967 : vector<1x16xf32> to vector<16xf32>
      %parallel_loop3A_969 = arith.addf %parallel_loop3A_964, %parallel_loop3A_968 : vector<16xf32>
      %parallel_loop3A_970 = arith.index_cast %parallel_loop3A_120 : i32 to index
      %parallel_loop3A_971 = arith.constant 960 : index
      %parallel_loop3A_972 = tpu.vector_load %arg7[%parallel_loop3A_970, %parallel_loop3A_971] {strides = array<i32>} : memref<16x1024xf32, #tpu.memory_space<vmem>>, vector<1x16xf32>,
      %parallel_loop3A_973 = vector.shape_cast %parallel_loop3A_972 : vector<1x16xf32> to vector<16xf32>
      %parallel_loop3A_974 = vector.shape_cast %parallel_loop3A_969 : vector<16xf32> to vector<1x16xf32>
      tpu.vector_store %arg7[%parallel_loop3A_970, %parallel_loop3A_971], %parallel_loop3A_974 {strides = array<i32>} : memref<16x1024xf32, #tpu.memory_space<vmem>>, vector<1x16xf32>,
      %parallel_loop3A_975 = arith.index_cast %parallel_loop3A_120 : i32 to index
      %parallel_loop3A_976 = arith.constant 976 : index
      %parallel_loop3A_977 = tpu.vector_load %arg7[%parallel_loop3A_975, %parallel_loop3A_976] {strides = array<i32>} : memref<16x1024xf32, #tpu.memory_space<vmem>>, vector<1x16xf32>,
      %parallel_loop3A_978 = vector.shape_cast %parallel_loop3A_977 : vector<1x16xf32> to vector<16xf32>
      %parallel_loop3A_979 = arith.index_cast %parallel_loop3A_120 : i32 to index
      %parallel_loop3A_980 = arith.constant 976 : index
      %parallel_loop3A_981 = tpu.vector_load %arg5[%parallel_loop3A_979, %parallel_loop3A_980] {strides = array<i32>} : memref<16x1024xf32, #tpu.memory_space<vmem>>, vector<1x16xf32>,
      %parallel_loop3A_982 = vector.shape_cast %parallel_loop3A_981 : vector<1x16xf32> to vector<16xf32>
      %parallel_loop3A_983 = arith.addf %parallel_loop3A_978, %parallel_loop3A_982 : vector<16xf32>
      %parallel_loop3A_984 = arith.index_cast %parallel_loop3A_120 : i32 to index
      %parallel_loop3A_985 = arith.constant 976 : index
      %parallel_loop3A_986 = tpu.vector_load %arg7[%parallel_loop3A_984, %parallel_loop3A_985] {strides = array<i32>} : memref<16x1024xf32, #tpu.memory_space<vmem>>, vector<1x16xf32>,
      %parallel_loop3A_987 = vector.shape_cast %parallel_loop3A_986 : vector<1x16xf32> to vector<16xf32>
      %parallel_loop3A_988 = vector.shape_cast %parallel_loop3A_983 : vector<16xf32> to vector<1x16xf32>
      tpu.vector_store %arg7[%parallel_loop3A_984, %parallel_loop3A_985], %parallel_loop3A_988 {strides = array<i32>} : memref<16x1024xf32, #tpu.memory_space<vmem>>, vector<1x16xf32>,
      %parallel_loop3A_989 = arith.index_cast %parallel_loop3A_120 : i32 to index
      %parallel_loop3A_990 = arith.constant 992 : index
      %parallel_loop3A_991 = tpu.vector_load %arg7[%parallel_loop3A_989, %parallel_loop3A_990] {strides = array<i32>} : memref<16x1024xf32, #tpu.memory_space<vmem>>, vector<1x16xf32>,
      %parallel_loop3A_992 = vector.shape_cast %parallel_loop3A_991 : vector<1x16xf32> to vector<16xf32>
      %parallel_loop3A_993 = arith.index_cast %parallel_loop3A_120 : i32 to index
      %parallel_loop3A_994 = arith.constant 992 : index
      %parallel_loop3A_995 = tpu.vector_load %arg5[%parallel_loop3A_993, %parallel_loop3A_994] {strides = array<i32>} : memref<16x1024xf32, #tpu.memory_space<vmem>>, vector<1x16xf32>,
      %parallel_loop3A_996 = vector.shape_cast %parallel_loop3A_995 : vector<1x16xf32> to vector<16xf32>
      %parallel_loop3A_997 = arith.addf %parallel_loop3A_992, %parallel_loop3A_996 : vector<16xf32>
      %parallel_loop3A_998 = arith.index_cast %parallel_loop3A_120 : i32 to index
      %parallel_loop3A_999 = arith.constant 992 : index
      %parallel_loop3A_1000 = tpu.vector_load %arg7[%parallel_loop3A_998, %parallel_loop3A_999] {strides = array<i32>} : memref<16x1024xf32, #tpu.memory_space<vmem>>, vector<1x16xf32>,
      %parallel_loop3A_1001 = vector.shape_cast %parallel_loop3A_1000 : vector<1x16xf32> to vector<16xf32>
      %parallel_loop3A_1002 = vector.shape_cast %parallel_loop3A_997 : vector<16xf32> to vector<1x16xf32>
      tpu.vector_store %arg7[%parallel_loop3A_998, %parallel_loop3A_999], %parallel_loop3A_1002 {strides = array<i32>} : memref<16x1024xf32, #tpu.memory_space<vmem>>, vector<1x16xf32>,
      %parallel_loop3A_1003 = arith.index_cast %parallel_loop3A_120 : i32 to index
      %parallel_loop3A_1004 = arith.constant 1008 : index
      %parallel_loop3A_1005 = tpu.vector_load %arg7[%parallel_loop3A_1003, %parallel_loop3A_1004] {strides = array<i32>} : memref<16x1024xf32, #tpu.memory_space<vmem>>, vector<1x16xf32>,
      %parallel_loop3A_1006 = vector.shape_cast %parallel_loop3A_1005 : vector<1x16xf32> to vector<16xf32>
      %parallel_loop3A_1007 = arith.index_cast %parallel_loop3A_120 : i32 to index
      %parallel_loop3A_1008 = arith.constant 1008 : index
      %parallel_loop3A_1009 = tpu.vector_load %arg5[%parallel_loop3A_1007, %parallel_loop3A_1008] {strides = array<i32>} : memref<16x1024xf32, #tpu.memory_space<vmem>>, vector<1x16xf32>,
      %parallel_loop3A_1010 = vector.shape_cast %parallel_loop3A_1009 : vector<1x16xf32> to vector<16xf32>
      %parallel_loop3A_1011 = arith.addf %parallel_loop3A_1006, %parallel_loop3A_1010 : vector<16xf32>
      %parallel_loop3A_1012 = arith.index_cast %parallel_loop3A_120 : i32 to index
      %parallel_loop3A_1013 = arith.constant 1008 : index
      %parallel_loop3A_1014 = tpu.vector_load %arg7[%parallel_loop3A_1012, %parallel_loop3A_1013] {strides = array<i32>} : memref<16x1024xf32, #tpu.memory_space<vmem>>, vector<1x16xf32>,
      %parallel_loop3A_1015 = vector.shape_cast %parallel_loop3A_1014 : vector<1x16xf32> to vector<16xf32>
      %parallel_loop3A_1016 = vector.shape_cast %parallel_loop3A_1011 : vector<16xf32> to vector<1x16xf32>
      tpu.vector_store %arg7[%parallel_loop3A_1012, %parallel_loop3A_1013], %parallel_loop3A_1016 {strides = array<i32>} : memref<16x1024xf32, #tpu.memory_space<vmem>>, vector<1x16xf32>,
    } {sc.loop_unroll_factor = 1 : i64, sc.parallel_access}
    %add3A_104 = arith.constant 1536 : i32
    %add3A_105 = arith.addi %add3A_104, %mul3A_2 : i32
    %add3A_106 = arith.constant 0 : i32
    %add3A_107 = arith.addi %add3A_105, %add3A_106 : i32
    %dma_start3A_108 = arith.constant 0 : i32
    %dma_start3A_109 = tpu.memref_slice %arg4[%add3A_107, %dma_start3A_108] : memref<2048x1024xf32, #tpu.memory_space<hbm>> -> memref<16x1024xf32, #tpu.memory_space<hbm>>
    %dma_start3A_110 = arith.constant 0 : i32
    %dma_start3A_111 = tpu.memref_slice %arg4[%add3A_107, %dma_start3A_110] : memref<2048x1024xf32, #tpu.memory_space<hbm>> -> memref<16x1024xf32, #tpu.memory_space<hbm>>
    tpu.enqueue_dma source(%arg7 : memref<16x1024xf32, #tpu.memory_space<vmem>>) target(%dma_start3A_111 : memref<16x1024xf32, #tpu.memory_space<hbm>>) target_semaphore(%arg12 : memref<!tpu.dma_semaphore, #tpu.memory_space<semaphore_mem>>)
    %dma_wait3A_112 = arith.constant 0 : i32
    %dma_wait3A_113 = tpu.memref_slice %arg4[%add3A_92, %dma_wait3A_112] : memref<2048x1024xf32, #tpu.memory_space<hbm>> -> memref<16x1024xf32, #tpu.memory_space<hbm>>
    %dma_wait3A_114 = arith.constant 0 : i32
    %dma_wait3A_115 = tpu.memref_slice %arg4[%add3A_92, %dma_wait3A_114] : memref<2048x1024xf32, #tpu.memory_space<hbm>> -> memref<16x1024xf32, #tpu.memory_space<hbm>>
    tpu.wait_dma2 semaphore(%arg11 : memref<!tpu.dma_semaphore, #tpu.memory_space<semaphore_mem>>) src(%arg6 : memref<16x1024xf32, #tpu.memory_space<vmem>>) dst(%dma_wait3A_115 : memref<16x1024xf32, #tpu.memory_space<hbm>>)
    %dma_wait3A_116 = arith.constant 0 : i32
    %dma_wait3A_117 = tpu.memref_slice %arg4[%add3A_107, %dma_wait3A_116] : memref<2048x1024xf32, #tpu.memory_space<hbm>> -> memref<16x1024xf32, #tpu.memory_space<hbm>>
    %dma_wait3A_118 = arith.constant 0 : i32
    %dma_wait3A_119 = tpu.memref_slice %arg4[%add3A_107, %dma_wait3A_118] : memref<2048x1024xf32, #tpu.memory_space<hbm>> -> memref<16x1024xf32, #tpu.memory_space<hbm>>
    tpu.wait_dma2 semaphore(%arg12 : memref<!tpu.dma_semaphore, #tpu.memory_space<semaphore_mem>>) src(%arg7 : memref<16x1024xf32, #tpu.memory_space<vmem>>) dst(%dma_wait3A_119 : memref<16x1024xf32, #tpu.memory_space<hbm>>)
    return
  }
}

module attributes {stable_mosaic.version = 14 : i64} {
  func.func @_tc_add_kernel(%arg0: i32, %arg1: i32, %arg2: memref<1x1792x1024xf32, #tpu.memory_space<vmem>>, %arg3: memref<1792x1024xf32, #tpu.memory_space<vmem>>, %arg4: memref<1x1792x1024xf32, #tpu.memory_space<vmem>>) attributes {dimension_semantics = [#tpu.dimension_semantics<arbitrary>, #tpu.dimension_semantics<arbitrary>], iteration_bounds = array<i64: 2, 4>, scalar_prefetch = 0 : i64, scratch_operands = 0 : i64, tpu.core_type = #tpu.core_type<tc>, window_params = [{transform_indices = @transform_0, window_bounds = array<i64: 1, 1792, 1024>}, {transform_indices = @transform_1, window_bounds = array<i64: 1792, 1024>}, {transform_indices = @transform_2, window_bounds = array<i64: 1, 1792, 1024>}]} {
    %get3A = arith.constant 0 : index
    %get3A_0 = arith.constant 0 : index
    %get3A_1 = arith.constant 0 : index
    %get3A_2 = vector.load %arg2[%get3A, %get3A_0, %get3A_1] : memref<1x1792x1024xf32, #tpu.memory_space<vmem>>, vector<1x1792x1024xf32>
    %get3A_3 = arith.constant 0 : index
    %get3A_4 = arith.constant 0 : index
    %get3A_5 = vector.load %arg3[%get3A_3, %get3A_4] : memref<1792x1024xf32, #tpu.memory_space<vmem>>, vector<1792x1024xf32>
    %broadcast_in_dim3A = vector.shape_cast %get3A_5 : vector<1792x1024xf32> to vector<1x1792x1024xf32>
    %add3A = arith.addf %get3A_2, %broadcast_in_dim3A : vector<1x1792x1024xf32>
    %swap3A = arith.constant 0 : index
    %swap3A_6 = arith.constant 0 : index
    %swap3A_7 = arith.constant 0 : index
    %swap3A_8 = vector.load %arg4[%swap3A, %swap3A_6, %swap3A_7] : memref<1x1792x1024xf32, #tpu.memory_space<vmem>>, vector<1x1792x1024xf32>
    tpu.vector_store %arg4[%swap3A, %swap3A_6, %swap3A_7], %add3A {strides = array<i32>} : memref<1x1792x1024xf32, #tpu.memory_space<vmem>>, vector<1x1792x1024xf32>,
    return
  }
  func.func @transform_0(%arg0: i32, %arg1: i32) -> (i32, i32, i32) {
    %c0_i32 = arith.constant 0 : i32
    %c0_i32_0 = arith.constant 0 : i32
    return %arg1, %arg0, %c0_i32 : i32, i32, i32
  }
  func.func @transform_1(%arg0: i32, %arg1: i32) -> (i32, i32) {
    %c0_i32 = arith.constant 0 : i32
    %c0_i32_0 = arith.constant 0 : i32
    return %arg0, %c0_i32 : i32, i32
  }
  func.func @transform_2(%arg0: i32, %arg1: i32) -> (i32, i32, i32) {
    %c0_i32 = arith.constant 0 : i32
    %c0_i32_0 = arith.constant 0 : i32
    return %arg1, %arg0, %c0_i32 : i32, i32, i32
  }
}

</mosaic_0001>

<sc_bundles>
// kernel: kernel.4.cloned.1.call-start
scs
__scs_entry_jumppad:
0x0: {  	(pc) =	sbr.rel $0x88, $3  }
0x1: {  	(tag) =	ssettag $0x0;
	lr =	simm.s32 $0x1  }
0x2: {  	[smem:$0x3F9F] =	sst lr;
	_ =	strace $0xD0000000  }
0x3: {  	_ = 	snop  }
0x4: {  	_ = 	snop  }
0x5: {  	_ = 	snop  }
0x6: {  	_ = 	snop  }
0x7: {  	_ = 	snop  }
__scs_overlays_trampoline_lowered:
0x8: {  	[smem:$0x3FAE] =	sst s0  }
0x9: {  	[smem:$0x3FAF] =	sst s1  }
0xa: {  	[smem:$0x3FB0] =	sst s2  }
0xb: {  	[smem:$0x3FB1] =	sst s3  }
0xc: {  	[smem:$0x3FB2] =	sst s4  }
0xd: {  	[smem:$0x3FB3] =	sst s5  }
0xe: {  	[smem:$0x3FB4] =	sst s6  }
0xf: {  	[smem:$0x3FB5] =	sst s7  }
0x10: {  	[smem:$0x3FB6] =	sst s8  }
0x11: {  	[smem:$0x3FB7] =	sst s9;
	s0 =	simm.s32 @!p0 $0x0  }
0x12: {  	s1 =	sld [smem:$0x3F9D];
	s0 =	simm.s32 @p0 $0x1  }
0x13: {  	[smem:$0x3FB8] =	sst s0;
	s0 =	simm.s32 @!p1 $0x0  }
0x14: {  	s2 =	sld [smem:$0x3F9C];
	s0 =	simm.s32 @p1 $0x1  }
0x15: {  	[smem:$0x3FB9] =	sst s0;
	s0 =	simm.s32 @!p2 $0x0  }
0x16: {  	s3 =	sld [smem:$0x3FDB];
	s0 =	simm.s32 @p2 $0x1  }
0x17: {  	s4 =	simm.s32 $0x1BF5;
	[smem:$0x3FBB] =	sst s0  }
0x18: {  	s0 =	sld [smem:$0x3F9E];
	_ =	swait.ge [sflag:s4], $0x0  }
0x19: {  	s7 =	sld [smem:$0x3F9F]  }
0x1a: {  	s8 =	sadd.s32 $0xFFFFE003, lr  }
0x1b: {  	s9 =	sadd.s32 $0xFFFFFEF7, lr;
	s5 =	simm.s32 $0xFFFFFFFF;
	p2 =	slt.u32 s8, $0xFFFFF086  }
0x1c: {  	p1 =	slt.u32 s9, $0xF7A;
	s5 =	simm.s32 @!p2 $0x0  }
0x1d: {  	s5 =	simm.s32 @p1 $0x1;
	p0 =	seq.s32 s7, s2  }
0x1e: {  	s7 =	smul.u32 @!p0 $0xF7A, s2;
	p2 =	seq.s32 @!p0 s5, $0x0  }
0x1f: {  	s9 =	smul.u32 $0xF7A, s1;
	s8 =	simm.s32 @!p0 $0x1BF5;
	p2 =	por !p2, p0  }
0x20: {  	[sflag:s8] =	ssyncset.s32 @!p0 $0xFFFFF086;
	s6 =	sadd.s32 @!p0 s3, s7;
	s7 =	simm.s32 @!p0 $0x108  }
0x21: {  	s3 =	sadd.s32 s3, s9;
	s6 =	sadd.s32 @!p0 $0x88, s6;
	s7 =	simm.s32 @p2 $0x1082  }
0x22: {  	[simem:s7], [sflag:s8] =	dma.local @!p0 [hbm:s6], $0xF7A  }
0x23: {  	s9 =	sor.u32 $0xD0000000, s2;
	s6 =	simm.s32 $0x108;
	_ =	swait.ge @!p0 [sflag:s8], $0x0  }
0x24: {  	s3 =	sadd.s32 $0x88, s3;
	s6 =	simm.s32 @!p1 $0x1082;
	[sflag:s4] =	ssyncset.s32 $0xFFFFF086  }
0x25: {  	[simem:s6], [sflag:s4] =	dma.local [hbm:s3], $0xF7A  }
0x26: {  	[smem:$0x3F9F] =	sst s1;
	(tag) =	ssettag s2;
	_ =	strace s9  }
0x27: {  	s1 =	sld [smem:$0x3FAF]  }
0x28: {  	s2 =	sld [smem:$0x3FB0]  }
0x29: {  	s4 =	sld [smem:$0x3FB2]  }
0x2a: {  	p0 =	seq.s32 s5, $0x0;
	s5 =	sld [smem:$0x3FB3]  }
0x2b: {  	s6 =	sld [smem:$0x3FB4]  }
0x2c: {  	s7 =	sld [smem:$0x3FB5]  }
0x2d: {  	s3 =	simm.s32 $0x108;
	s8 =	sld [smem:$0x3FB6]  }
0x2e: {  	s3 =	simm.s32 @!p0 $0x1082;
	s9 =	sld [smem:$0x3FB7]  }
0x2f: {  	lr =	sadd.s32 s0, s3;
	s0 =	sld [smem:$0x3FAE]  }
0x30: {  	s3 =	sld [smem:$0x3FB1]  }
0x31: {  	[smem:$0x3FBA] =	sst s10  }
0x32: {  	s10 =	sld [smem:$0x3FB8];
	_ =	sdelay $0x3  }
0x33: {  	p0 =	seq.s32 s10, $0x1;
	s10 =	sld [smem:$0x3FBA];
	_ =	sdelay $0x3  }
0x34: {  	[smem:$0x3FBA] =	sst s10  }
0x35: {  	s10 =	sld [smem:$0x3FB9];
	_ =	sdelay $0x3  }
0x36: {  	p1 =	seq.s32 s10, $0x1;
	s10 =	sld [smem:$0x3FBA];
	_ =	sdelay $0x3  }
0x37: {  	[smem:$0x3FBA] =	sst s10  }
0x38: {  	s10 =	sld [smem:$0x3FBB]  }
0x39: {  	_ = 	snop;
	(pc) =	sbr.ind lr, $3  }
0x3a: {  	_ = 	snop  }
0x3b: {  	_ = 	snop  }
0x3c: {  	p2 =	seq.s32 s10, $0x1;
	s10 =	sld [smem:$0x3FBA]  }
0x3d: {  	_ =	shalt  }
0x3e: {  	_ =	shalt  }
0x3f: {  	_ =	shalt  }
0x40: {  	_ =	shalt  }
0x41: {  	_ =	shalt  }
0x42: {  	_ =	shalt  }
0x43: {  	_ =	shalt  }
0x44: {  	_ =	shalt  }
0x45: {  	_ =	shalt  }
0x46: {  	_ =	shalt  }
0x47: {  	_ =	shalt  }
0x48: {  	_ =	shalt  }
0x49: {  	_ =	shalt  }
0x4a: {  	_ =	shalt  }
0x4b: {  	_ =	shalt  }
0x4c: {  	_ =	shalt  }
0x4d: {  	_ =	shalt  }
0x4e: {  	_ =	shalt  }
0x4f: {  	_ =	shalt  }
0x50: {  	_ =	shalt  }
0x51: {  	_ =	shalt  }
0x52: {  	_ =	shalt  }
0x53: {  	_ =	shalt  }
0x54: {  	_ =	shalt  }
0x55: {  	_ =	shalt  }
0x56: {  	_ =	shalt  }
0x57: {  	_ =	shalt  }
0x58: {  	_ =	shalt  }
0x59: {  	_ =	shalt  }
0x5a: {  	_ =	shalt  }
0x5b: {  	_ =	shalt  }
0x5c: {  	_ =	shalt  }
0x5d: {  	_ =	shalt  }
0x5e: {  	_ =	shalt  }
0x5f: {  	_ =	shalt  }
0x60: {  	_ =	shalt  }
0x61: {  	_ =	shalt  }
0x62: {  	_ =	shalt  }
0x63: {  	_ =	shalt  }
0x64: {  	_ =	shalt  }
0x65: {  	_ =	shalt  }
0x66: {  	_ =	shalt  }
0x67: {  	_ =	shalt  }
0x68: {  	_ =	shalt  }
0x69: {  	_ =	shalt  }
0x6a: {  	_ =	shalt  }
0x6b: {  	_ =	shalt  }
0x6c: {  	_ =	shalt  }
0x6d: {  	_ =	shalt  }
0x6e: {  	_ =	shalt  }
0x6f: {  	_ =	shalt  }
0x70: {  	_ =	shalt  }
0x71: {  	_ =	shalt  }
0x72: {  	_ =	shalt  }
0x73: {  	_ =	shalt  }
0x74: {  	_ =	shalt  }
0x75: {  	_ =	shalt  }
0x76: {  	_ =	shalt  }
0x77: {  	_ =	shalt  }
0x78: {  	_ =	shalt  }
0x79: {  	_ =	shalt  }
0x7a: {  	_ =	shalt  }
0x7b: {  	_ =	shalt  }
0x7c: {  	_ =	shalt  }
0x7d: {  	_ =	shalt  }
0x7e: {  	_ =	shalt  }
0x7f: {  	_ =	shalt  }
0x80: {  	_ =	shalt  }
0x81: {  	_ =	shalt  }
0x82: {  	_ =	shalt  }
0x83: {  	_ =	shalt  }
0x84: {  	_ =	shalt  }
0x85: {  	_ =	shalt  }
0x86: {  	_ =	shalt  }
0x87: {  	_ =	shalt  }
.Lfunc_end0:
.L_simem_size_0:
called_computation_lowered:
.L_overlay_start_0:
0x88: {  	s2 =	sld [smem:$0x3FD9]  }
0x89: {  	s3 =	sld [smem:$0x3FFE];
	_ =	sdelay $0x1  }
0x8a: {  	s1 =	srdreg.scid  }
0x8b: {  	s0 =	sand.u32 $0x1, s1  }
0x8c: {  	s17 =	sshll.u32 s0, $0xA;
	s2 =	sadd.s32 s3, s2  }
0x8d: {  	s2 =	sadd.s32 s2, s17  }
0x8e: {  	[smem:$0x3FC6] =	sst s2  }
0x8f: {  	_ = 	snop  }
0x90: {  	s2 =	sld [smem:$0x3FC9]  }
0x91: {  	s18 =	sld [smem:$0x3FC8];
	(tm) =	ssettm $0x1  }
0x92: {  	s4 =	sld [smem:$0x3FFB];
	_ =	sdelay $0x3  }
0x93: {  	_ =	strace s4  }
0x94: {  	s4 =	sld [smem:$0x3FFC];
	_ =	sdelay $0x3  }
0x95: {  	_ =	strace s4  }
0x96: {  	s4 =	sld [smem:$0x3FFD];
	_ =	sdelay $0x3  }
0x97: {  	_ =	strace s4  }
0x98: {  	_ =	strace $0x8FFFFFFF  }
0x99: {  	s19 =	sld [smem:$0x3FDB];
	_ =	sdelay $0x1  }
0x9a: {  	s5 =	simm.s32 $_scs_section_size  }
0x9b: {  	s6 =	simm.s32 $_size__tile_overlayer_lowered;
	s7 =	simm.s32 $_tile_overlayer_lowered  }
0x9c: {  	s22 =	simm.s32 $0x1BFF;
	s21 =	sshll.u32 s7, $0x1;
	s4 =	sadd.s32 s5, s19  }
0x9d: {  	s8 =	simm.s32 $0x0;
	s20 =	sshll.u32 s6, $0x1;
	s6 =	sadd.s32 s21, s4  }
0x9e: {  	[timem:s8], [sflag:s22] =	dma.local [hbm:s6], s20  }
0x9f: {  	_ =	swait.ge [sflag:s22], s20  }
0xa0: {  	s5 =	ssub.s32 $0x0, s20;
	[sflag:s22] =	ssyncset.done $0x0  }
0xa1: {  	[sflag:s22] =	ssyncadd.s32 s5;
	_ =	sdelay $0x1  }
0xa2: {  	s23 =	simm.s32 $0x1B8B  }
0xa3: {  	_ =	swait.ge [sflag:s23], $0x1  }
0xa4: {  	[sflag:s23] =	ssyncset.done $0x0  }
0xa5: {  	s25 =	simm.s32 $0x1B8E;
	s24 =	sld [smem:$0x3FFE];
	[sflag:s23] =	ssyncadd.s32 $0xFFFFFFFF  }
0xa6: {  	s26 =	simm.s32 $execute0_lowered;
	[smem:$0x3FD2] =	sst s25  }
0xa7: {  	s6 =	sshll.u32 s26, $0x1;
	_ =	strace $0x80000046;
	[dreg:$0x1] =	wrdreg $0xFFFFFFFF  }
0xa8: {  	s28 =	simm.s32 $_size_execute0_lowered;
	s4 =	sadd.s32 s4, s6;
	[dreg:$0x0] =	wrdreg $0x0  }
0xa9: {  	s6 =	sshll.u32 s28, $0x1;
	[dreg:$0x2] =	wrdreg s4  }
0xaa: {  	[dreg:$0x3] =	wrdreg s6  }
0xab: {  	[dreg:$0x4] =	wrdreg $0xC0  }
0xac: {  	_ =	task [dreg:s8], $0x5FFFF  }
0xad: {  	[dreg:$0x1] =	wrdreg $0xFFFFFFFF  }
0xae: {  	[dreg:$0x0] =	wrdreg $0x60  }
0xaf: {  	[dreg:$0x2] =	wrdreg s2  }
0xb0: {  	[dreg:$0x3] =	wrdreg s18  }
0xb1: {  	[dreg:$0x4] =	wrdreg s24  }
0xb2: {  	[dreg:$0x5] =	wrdreg $0x9  }
0xb3: {  	_ =	task.clear_ibuf [dreg:s8], $0x6FFFF;
	_ =	strace $0x90000046  }
0xb4: {  	s29 =	simm.s32 $0x9;
	_ =	strace $0x80000048  }
0xb5: {  	_ =	swait.ge [sflag:s29], $0x1  }
0xb6: {  	[sflag:s29] =	ssyncadd.s32 $0xFFFFFFFF  }
0xb7: {  	_ =	strace $0x90000048  }
0xb8: {  	_ =	sfence  }
0xb9: {  	s30 =	sld [smem:$0x0];
	_ =	sdelay $0x2  }
0xba: {  	s31 =	sshll.u32 s1, $0xD;
	s1 =	sshrl.u32 s1, $0x2  }
0xbb: {  	s3 =	sand.u32 $0x4000, s31;
	s1 =	sadd.s32 s1, s30  }
0xbc: {  	s0 =	sor.u32 s3, s0;
	s1 =	sshll.u32 s1, $0x11  }
0xbd: {  	s0 =	sor.u32 s1, s0  }
0xbe: {  	s0 =	sadd.s32 $0x8F2B, s0  }
0xbf: {  	[sflag:s0] =	ssyncadd.remote.s32 $0x1  }
0xc0: {  	_ =	sfence.sel $0xFFFF  }
0xc1: {  	[dreg:$0x0] =	wrdreg $0xFFFFFFFF;
	(pc) =	sbr.abs _section_cstart, $3  }
0xc2: {  	[dreg:$0x1] =	wrdreg $0xFFFFFFFF  }
0xc3: {  	_ =	task.clear_ibuf [dreg:s8], $0x2FFFF;
	_ =	strace $0x9FFFFFFF  }
0xc4: {  	(tm) =	ssettm $0x7FFFFFFF  }
0xc5: {  	_ =	shalt  }
tec
execute0_lowered:
.L_overlay_start_1:
0x0: {  	(tag) =	ssettag $0x1  }
0x1: {  	s4 =	rddreg [dreg:$0x0]  }
0x2: {  	s3 =	rddreg [dreg:$0x1]  }
0x3: {  	s5 =	rddreg [dreg:$0x2];
	s2 =	srdreg.scid  }
0x4: {  	s0 =	rddreg [dreg:$0x3];
	s1 =	stileid.u32;
	s13 =	simm.s32 $0x4000  }
0x5: {  	s14 =	simm.s32 $0x8000;
	s15 =	simm.s32 $0x1;
	s16 =	simm.s32 $0x2  }
0x6: {  	s17 =	simm.s32 $0x4;
	s18 =	simm.s32 $0x3;
	s19 =	simm.s32 $0x5  }
0x7: {  	s20 =	simm.s32 $0x0;
	s6 =	sand.u32 $0x1, s2;
	s2 =	simm.s32 $0x0  }
0x8: {  	s7 =	sshll.u32 s1, $0xC;
	s8 =	sshll.u32 s6, $0xB;
	[smem:$0x7FF] =	sst s2  }
0x9: {  	s6 =	ssub.s32 $0x2, s6;
	s7 =	sor.u32 s8, s7;
	_ =	strace $0x80000047  }
0xa: {  	s30 =	sshrl.u32 s6, $0x1;
	s11 =	sadd.s32 s7, s5;
	s31 =	sor.u32 $0x70000, s7  }
0xb: {  	s12 =	ssub.s32 s6, s30;
	s9 =	sadd.s32 s7, s4;
	s3 =	sadd.s32 s3, s31  }
0xc: {  	s4 =	sadd.s32 s4, s31;
	s5 =	sadd.s32 $0xF0000, s9;
	s6 =	sadd.s32 $0x600, s11  }
0xd: {  	s7 =	sadd.s32 $0x170000, s9;
	s8 =	sadd.s32 $0x10600, s11;
	s9 =	sadd.s32 $0x1F0000, s9  }
0xe: {  	s10 =	sadd.s32 $0x20600, s11;
	s11 =	sadd.s32 $0x30600, s11;
	s12 =	smax.u32 s12, $0x1  }
.LBB2_1:
0xf: {  	[tilespmem:s2], [sflag:$0x1] =	stream.linear.gather [hbm4b:s3+s2], $0x4000, $0x38;
	[tilespmem:$0xC000] =	vst v63  }
0x10: {  	_ = 	snop  }
0x11: {  	[tilespmem:s13], [sflag:$0x2] =	stream.linear.gather [hbm4b:s4+s2], $0x4000, $0x38;
	[tilespmem:$0xC000] =	vst v63  }
0x12: {  	_ = 	snop  }
0x13: {  	[tilespmem:s14], [sflag:$0x3] =	stream.linear.gather [hbm4b:s5+s2], $0x4000, $0x38;
	[tilespmem:$0xC000] =	vst v63  }
0x14: {  	_ =	swait.ge [sflag:s15], $0x4000  }
0x15: {  	[sflag:s15] =	ssyncset.done $0x0  }
0x16: {  	[sflag:s15] =	ssyncadd.s32 $0xFFFFC000  }
0x17: {  	s21 =	simm.s32 $0x0;
	_ =	swait.ge [sflag:s16], $0x4000  }
0x18: {  	s22 =	sand.u32 $0x380, s2;
	s21 =	sand.u32 $0x2000, s21;
	[sflag:s16] =	ssyncset.done $0x0  }
0x19: {  	s21 =	sor.u32 s22, s21;
	[sflag:s16] =	ssyncadd.s32 $0xFFFFC000  }
0x1a: {  	v0 =	vld [tilespmem:s21+$0x4000]  }
0x1b: {  	v1 =	vld [tilespmem:s21+$0x0]  }
0x1c: {  	v2 =	vld [tilespmem:s21+$0x4010]  }
0x1d: {  	v3 =	vld [tilespmem:s21+$0x10]  }
0x1e: {  	v4 =	vld [tilespmem:s21+$0x4020]  }
0x1f: {  	v5 =	vld [tilespmem:s21+$0x20]  }
0x20: {  	v6 =	vld [tilespmem:s21+$0x4030]  }
0x21: {  	v7 =	vld [tilespmem:s21+$0x30]  }
0x22: {  	v8 =	vld [tilespmem:s21+$0x4040]  }
0x23: {  	v9 =	vld [tilespmem:s21+$0x40]  }
0x24: {  	v10 =	vld [tilespmem:s21+$0x4050]  }
0x25: {  	v11 =	vld [tilespmem:s21+$0x50]  }
0x26: {  	v12 =	vld [tilespmem:s21+$0x4060]  }
0x27: {  	v13 =	vld [tilespmem:s21+$0x60]  }
0x28: {  	v14 =	vld [tilespmem:s21+$0x4070]  }
0x29: {  	v15 =	vld [tilespmem:s21+$0x70]  }
0x2a: {  	v16 =	vld [tilespmem:s21+$0x4400]  }
0x2b: {  	v17 =	vld [tilespmem:s21+$0x400]  }
0x2c: {  	v18 =	vld [tilespmem:s21+$0x4410]  }
0x2d: {  	v19 =	vld [tilespmem:s21+$0x410]  }
0x2e: {  	v20 =	vld [tilespmem:s21+$0x4420]  }
0x2f: {  	v21 =	vld [tilespmem:s21+$0x420]  }
0x30: {  	v22 =	vld [tilespmem:s21+$0x4430]  }
0x31: {  	v23 =	vld [tilespmem:s21+$0x430]  }
0x32: {  	v24 =	vld [tilespmem:s21+$0x4440]  }
0x33: {  	v25 =	vld [tilespmem:s21+$0x440]  }
0x34: {  	v26 =	vld [tilespmem:s21+$0x4450]  }
0x35: {  	v27 =	vld [tilespmem:s21+$0x450]  }
0x36: {  	v28 =	vld [tilespmem:s21+$0x4460]  }
0x37: {  	v29 =	vld [tilespmem:s21+$0x460]  }
0x38: {  	v30 =	vld [tilespmem:s21+$0x4470]  }
0x39: {  	v31 =	vld [tilespmem:s21+$0x470]  }
0x3a: {  	v32 =	vld [tilespmem:s21+$0x4800]  }
0x3b: {  	v33 =	vld [tilespmem:s21+$0x800]  }
0x3c: {  	v34 =	vld [tilespmem:s21+$0x4810]  }
0x3d: {  	v35 =	vld [tilespmem:s21+$0x810]  }
0x3e: {  	v36 =	vld [tilespmem:s21+$0x4820]  }
0x3f: {  	v37 =	vld [tilespmem:s21+$0x820]  }
0x40: {  	v38 =	vld [tilespmem:s21+$0x4830]  }
0x41: {  	v39 =	vld [tilespmem:s21+$0x830]  }
0x42: {  	v40 =	vld [tilespmem:s21+$0x4840]  }
0x43: {  	v41 =	vld [tilespmem:s21+$0x840]  }
0x44: {  	v42 =	vld [tilespmem:s21+$0x4850]  }
0x45: {  	v43 =	vld [tilespmem:s21+$0x850]  }
0x46: {  	v44 =	vld [tilespmem:s21+$0x4860]  }
0x47: {  	v45 =	vld [tilespmem:s21+$0x860]  }
0x48: {  	v46 =	vld [tilespmem:s21+$0x4870]  }
0x49: {  	v47 =	vld [tilespmem:s21+$0x870]  }
0x4a: {  	v48 =	vld [tilespmem:s21+$0x4C00]  }
0x4b: {  	v49 =	vld [tilespmem:s21+$0xC00]  }
0x4c: {  	v50 =	vld [tilespmem:s21+$0x4C10]  }
0x4d: {  	v51 =	vld [tilespmem:s21+$0xC10]  }
0x4e: {  	v52 =	vld [tilespmem:s21+$0x4C20]  }
0x4f: {  	v53 =	vld [tilespmem:s21+$0xC20]  }
0x50: {  	v54 =	vld [tilespmem:s21+$0x4C30]  }
0x51: {  	v55 =	vld [tilespmem:s21+$0xC30]  }
0x52: {  	v56 =	vld [tilespmem:s21+$0x4C40]  }
0x53: {  	v57 =	vld [tilespmem:s21+$0xC40]  }
0x54: {  	v58 =	vld [tilespmem:s21+$0x4C50]  }
0x55: {  	v59 =	vld [tilespmem:s21+$0xC50]  }
0x56: {  	v60 =	vld [tilespmem:s21+$0x4C60]  }
0x57: {  	v61 =	vld [tilespmem:s21+$0x4C70];
	v0 =	vadd.f32 v1, v0  }
0x58: {  	v63 =	vld [tilespmem:s21+$0x5420];
	v2 =	vadd.f32 v3, v2  }
0x59: {  	v1 =	vld [tilespmem:s21+$0xC60];
	v3 =	vadd.f32 v5, v4;
	[tilespmem:s21+$0x4000] =	vst v0  }
0x5a: {  	v4 =	vadd.f32 v7, v6;
	v6 =	vld [tilespmem:s21+$0x5020];
	[tilespmem:s21+$0x4010] =	vst v2  }
0x5b: {  	v5 =	vadd.f32 v9, v8;
	v7 =	vld [tilespmem:s21+$0x1020];
	[tilespmem:s21+$0x4020] =	vst v3  }
0x5c: {  	v11 =	vadd.f32 v11, v10;
	v8 =	vld [tilespmem:s21+$0x5030];
	[tilespmem:s21+$0x4030] =	vst v4  }
0x5d: {  	v13 =	vadd.f32 v13, v12;
	v9 =	vld [tilespmem:s21+$0x1030];
	[tilespmem:s21+$0x4040] =	vst v5  }
0x5e: {  	v15 =	vadd.f32 v15, v14;
	v10 =	vld [tilespmem:s21+$0x5040];
	[tilespmem:s21+$0x4050] =	vst v11  }
0x5f: {  	v17 =	vadd.f32 v17, v16;
	v12 =	vld [tilespmem:s21+$0x5050];
	[tilespmem:s21+$0x4060] =	vst v13  }
0x60: {  	v19 =	vadd.f32 v19, v18;
	v14 =	vld [tilespmem:s21+$0x5060];
	[tilespmem:s21+$0x4070] =	vst v15  }
0x61: {  	v21 =	vadd.f32 v21, v20;
	v16 =	vld [tilespmem:s21+$0x5070];
	[tilespmem:s21+$0x4400] =	vst v17  }
0x62: {  	v23 =	vadd.f32 v23, v22;
	v25 =	vadd.f32 v25, v24;
	v18 =	vld [tilespmem:s21+$0x5400];
	[tilespmem:s21+$0x4410] =	vst v19  }
0x63: {  	v27 =	vadd.f32 v27, v26;
	v29 =	vadd.f32 v29, v28;
	v20 =	vld [tilespmem:s21+$0x5410];
	[tilespmem:s21+$0x4420] =	vst v21  }
0x64: {  	v31 =	vadd.f32 v31, v30;
	v62 =	vadd.f32 v45, v44;
	v45 =	vld [tilespmem:s21+$0x1450];
	[tilespmem:s21+$0x4430] =	vst v23  }
0x65: {  	v33 =	vadd.f32 v33, v32;
	v32 =	vadd.f32 v47, v46;
	v46 =	vld [tilespmem:s21+$0x5460];
	[tilespmem:s21+$0x4440] =	vst v25  }
0x66: {  	v35 =	vadd.f32 v35, v34;
	v34 =	vadd.f32 v49, v48;
	v48 =	vld [tilespmem:s21+$0x5810];
	[tilespmem:s21+$0x4450] =	vst v27  }
0x67: {  	v49 =	vld [tilespmem:s21+$0x1810];
	[tilespmem:s21+$0x4460] =	vst v29  }
0x68: {  	v37 =	vadd.f32 v37, v36;
	v36 =	vadd.f32 v51, v50;
	v51 =	vld [tilespmem:s21+$0x5820];
	[tilespmem:s21+$0x4470] =	vst v31  }
0x69: {  	v39 =	vadd.f32 v39, v38;
	v38 =	vadd.f32 v53, v52;
	v52 =	vld [tilespmem:s21+$0x1820];
	[tilespmem:s21+$0x4800] =	vst v33  }
0x6a: {  	v41 =	vadd.f32 v41, v40;
	v40 =	vadd.f32 v55, v54;
	v54 =	vld [tilespmem:s21+$0x5830];
	[tilespmem:s21+$0x4810] =	vst v35  }
0x6b: {  	v55 =	vld [tilespmem:s21+$0x1830];
	[tilespmem:s21+$0x4820] =	vst v37  }
0x6c: {  	v43 =	vadd.f32 v43, v42;
	v44 =	vadd.f32 v59, v58;
	v58 =	vld [tilespmem:s21+$0x5850];
	[tilespmem:s21+$0x4830] =	vst v39  }
0x6d: {  	v0 =	vld [tilespmem:s21+$0xC70];
	[tilespmem:s21+$0x4840] =	vst v41  }
0x6e: {  	v2 =	vld [tilespmem:s21+$0x5000];
	[tilespmem:s21+$0x4850] =	vst v43  }
0x6f: {  	v3 =	vld [tilespmem:s21+$0x1000];
	[tilespmem:s21+$0x4860] =	vst v62  }
0x70: {  	v4 =	vld [tilespmem:s21+$0x5010];
	[tilespmem:s21+$0x4870] =	vst v32  }
0x71: {  	v11 =	vld [tilespmem:s21+$0x1040];
	[tilespmem:s21+$0x4C00] =	vst v34  }
0x72: {  	v15 =	vld [tilespmem:s21+$0x1060];
	[tilespmem:s21+$0x4C10] =	vst v36  }
0x73: {  	v42 =	vadd.f32 v57, v56;
	v19 =	vld [tilespmem:s21+$0x1400];
	[tilespmem:s21+$0x4C20] =	vst v38  }
0x74: {  	v33 =	vld [tilespmem:s21+$0x1420];
	[tilespmem:s21+$0x4C30] =	vst v40  }
0x75: {  	v35 =	vld [tilespmem:s21+$0x5430];
	[tilespmem:s21+$0x4C40] =	vst v42;
	v1 =	vadd.f32 v1, v60  }
0x76: {  	v37 =	vld [tilespmem:s21+$0x1430];
	[tilespmem:s21+$0x4C50] =	vst v44;
	v0 =	vadd.f32 v0, v61  }
0x77: {  	v39 =	vld [tilespmem:s21+$0x5440];
	[tilespmem:s21+$0x4C60] =	vst v1;
	v2 =	vadd.f32 v3, v2  }
0x78: {  	v41 =	vld [tilespmem:s21+$0x1440];
	v47 =	vadd.f32 v11, v10;
	[tilespmem:s21+$0x4C70] =	vst v0  }
0x79: {  	v5 =	vld [tilespmem:s21+$0x1010];
	v50 =	vadd.f32 v15, v14;
	[tilespmem:s21+$0x5000] =	vst v2  }
0x7a: {  	v13 =	vld [tilespmem:s21+$0x1050];
	v53 =	vadd.f32 v19, v18;
	[tilespmem:s21+$0x5040] =	vst v47  }
0x7b: {  	v43 =	vld [tilespmem:s21+$0x5450];
	v56 =	vadd.f32 v33, v63;
	[tilespmem:s21+$0x5060] =	vst v50  }
0x7c: {  	v17 =	vld [tilespmem:s21+$0x1070];
	v57 =	vadd.f32 v37, v35;
	[tilespmem:s21+$0x5400] =	vst v53  }
0x7d: {  	v1 =	vld [tilespmem:s21+$0x1460];
	v59 =	vadd.f32 v41, v39;
	[tilespmem:s21+$0x5420] =	vst v56  }
0x7e: {  	v3 =	vld [tilespmem:s21+$0x5470];
	v0 =	vadd.f32 v5, v4;
	[tilespmem:s21+$0x5430] =	vst v57  }
0x7f: {  	v2 =	vld [tilespmem:s21+$0x1470];
	v4 =	vadd.f32 v7, v6;
	[tilespmem:s21+$0x5440] =	vst v59  }
0x80: {  	v61 =	vadd.f32 v45, v43;
	v5 =	vld [tilespmem:s21+$0x5800];
	[tilespmem:s21+$0x5010] =	vst v0  }
0x81: {  	v0 =	vadd.f32 v9, v8;
	[tilespmem:s21+$0x5020] =	vst v4;
	v4 =	vld [tilespmem:s21+$0x1800]  }
0x82: {  	v21 =	vld [tilespmem:s21+$0x1410];
	[tilespmem:s21+$0x5450] =	vst v61;
	v1 =	vadd.f32 v1, v46  }
0x83: {  	v62 =	vld [tilespmem:s21+$0x5860];
	[tilespmem:s21+$0x5030] =	vst v0;
	v0 =	vadd.f32 v13, v12  }
0x84: {  	v60 =	vld [tilespmem:s21+$0x1850];
	v2 =	vadd.f32 v2, v3;
	[tilespmem:s21+$0x5460] =	vst v1  }
0x85: {  	v63 =	vld [tilespmem:s21+$0x1860];
	[tilespmem:s21+$0x5050] =	vst v0;
	v0 =	vadd.f32 v17, v16  }
0x86: {  	v3 =	vld [tilespmem:s21+$0x5870];
	v1 =	vadd.f32 v4, v5;
	[tilespmem:s21+$0x5470] =	vst v2  }
0x87: {  	v4 =	vld [tilespmem:s21+$0x1870];
	[tilespmem:s21+$0x5070] =	vst v0;
	v0 =	vadd.f32 v21, v20  }
0x88: {  	v2 =	vadd.f32 v49, v48;
	[tilespmem:s21+$0x5800] =	vst v1;
	v1 =	vld [tilespmem:s21+$0x1840]  }
0x89: {  	v5 =	vadd.f32 v52, v51;
	[tilespmem:s21+$0x5410] =	vst v0;
	v0 =	vld [tilespmem:s21+$0x5840]  }
0x8a: {  	[tilespmem:s21+$0x5810] =	vst v2;
	v2 =	vadd.f32 v55, v54  }
0x8b: {  	[tilespmem:s21+$0x5820] =	vst v5;
	v5 =	vadd.f32 v60, v58  }
0x8c: {  	s23 =	sand.u32 $0x7, s2;
	s24 =	simm.s32 $0x80;
	s25 =	simm.s32 $0x0;
	[tilespmem:s21+$0x5830] =	vst v2;
	v2 =	vadd.f32 v63, v62  }
0x8d: {  	s26 =	sshll.u32 s23, $0x7;
	s23 =	simm.s32 $0x0;
	s22 =	simm.s32 $0xFFFFC000;
	[tilespmem:s21+$0x5850] =	vst v5;
	v3 =	vadd.f32 v4, v3  }
.LBB2_2:
0x8e: {  	p0 =	sne.s32 s24, $0x780;
	s26 =	sadd.s32 s26, s23;
	v0 =	vadd.f32 v1, v0;
	[tilespmem:s21+$0x5860] =	vst v2;
	s22 =	sadd.s32 $0x400, s22  }
0x8f: {  	s28 =	sadd.s32 $0x4000, s22;
	[tilespmem:s21+$0x5870] =	vst v3;
	s29 =	sor.u32 $0x1C00, s26  }
0x90: {  	s30 =	sand.u32 $0x380, s24;
	s28 =	sand.u32 $0x2000, s28;
	[tilespmem:s21+$0x5840] =	vst v0;
	v4 =	vld [tilespmem:s29+$0x4000]  }
0x91: {  	s21 =	sor.u32 s30, s28;
	v6 =	vld [tilespmem:s29+$0x0]  }
0x92: {  	v0 =	vld [tilespmem:s21+$0x4000]  }
0x93: {  	v3 =	vld [tilespmem:s21+$0x0]  }
0x94: {  	v1 =	vld [tilespmem:s21+$0x4010]  }
0x95: {  	v5 =	vld [tilespmem:s21+$0x10]  }
0x96: {  	v2 =	vld [tilespmem:s21+$0x4020];
	v7 =	vadd.f32 v6, v4  }
0x97: {  	v6 =	vld [tilespmem:s21+$0x20]  }
0x98: {  	s28 =	sor.u32 $0x1C10, s26;
	v4 =	vld [tilespmem:s21+$0x4030];
	[tilespmem:s29+$0x4000] =	vst v7  }
0x99: {  	v9 =	vld [tilespmem:s28+$0x4000]  }
0x9a: {  	v13 =	vld [tilespmem:s28+$0x0]  }
0x9b: {  	v10 =	vld [tilespmem:s21+$0x30]  }
0x9c: {  	v7 =	vld [tilespmem:s21+$0x4040]  }
0x9d: {  	v11 =	vld [tilespmem:s21+$0x40]  }
0x9e: {  	v8 =	vld [tilespmem:s21+$0x4050]  }
0x9f: {  	v12 =	vld [tilespmem:s21+$0x50];
	v14 =	vadd.f32 v13, v9  }
0xa0: {  	v9 =	vld [tilespmem:s21+$0x4060]  }
0xa1: {  	v13 =	vld [tilespmem:s21+$0x60];
	[tilespmem:s28+$0x4000] =	vst v14;
	s28 =	sor.u32 $0x1C20, s26  }
0xa2: {  	v17 =	vld [tilespmem:s28+$0x4000]  }
0xa3: {  	v20 =	vld [tilespmem:s28+$0x0]  }
0xa4: {  	v14 =	vld [tilespmem:s21+$0x4070]  }
0xa5: {  	v18 =	vld [tilespmem:s21+$0x70]  }
0xa6: {  	v15 =	vld [tilespmem:s21+$0x4400]  }
0xa7: {  	v19 =	vld [tilespmem:s21+$0x400]  }
0xa8: {  	v16 =	vld [tilespmem:s21+$0x4410];
	v21 =	vadd.f32 v20, v17  }
0xa9: {  	v20 =	vld [tilespmem:s21+$0x410]  }
0xaa: {  	v17 =	vld [tilespmem:s21+$0x4420];
	[tilespmem:s28+$0x4000] =	vst v21;
	s28 =	sor.u32 $0x1C30, s26  }
0xab: {  	v23 =	vld [tilespmem:s28+$0x4000]  }
0xac: {  	v27 =	vld [tilespmem:s28+$0x0]  }
0xad: {  	v24 =	vld [tilespmem:s21+$0x420]  }
0xae: {  	v21 =	vld [tilespmem:s21+$0x4430]  }
0xaf: {  	v25 =	vld [tilespmem:s21+$0x430]  }
0xb0: {  	v22 =	vld [tilespmem:s21+$0x4440]  }
0xb1: {  	v26 =	vld [tilespmem:s21+$0x440];
	v28 =	vadd.f32 v27, v23  }
0xb2: {  	v23 =	vld [tilespmem:s21+$0x4450]  }
0xb3: {  	v27 =	vld [tilespmem:s21+$0x450];
	[tilespmem:s28+$0x4000] =	vst v28;
	s28 =	sor.u32 $0x1C40, s26  }
0xb4: {  	v31 =	vld [tilespmem:s28+$0x4000]  }
0xb5: {  	v34 =	vld [tilespmem:s28+$0x0]  }
0xb6: {  	v28 =	vld [tilespmem:s21+$0x4460]  }
0xb7: {  	v32 =	vld [tilespmem:s21+$0x460]  }
0xb8: {  	v29 =	vld [tilespmem:s21+$0x4470]  }
0xb9: {  	v33 =	vld [tilespmem:s21+$0x470]  }
0xba: {  	v30 =	vld [tilespmem:s21+$0x4800];
	v35 =	vadd.f32 v34, v31  }
0xbb: {  	v34 =	vld [tilespmem:s21+$0x800]  }
0xbc: {  	v31 =	vld [tilespmem:s21+$0x4810];
	[tilespmem:s28+$0x4000] =	vst v35;
	s28 =	sor.u32 $0x1C50, s26  }
0xbd: {  	v37 =	vld [tilespmem:s28+$0x4000]  }
0xbe: {  	v41 =	vld [tilespmem:s28+$0x0]  }
0xbf: {  	v38 =	vld [tilespmem:s21+$0x810]  }
0xc0: {  	v35 =	vld [tilespmem:s21+$0x4820]  }
0xc1: {  	v39 =	vld [tilespmem:s21+$0x820]  }
0xc2: {  	v36 =	vld [tilespmem:s21+$0x4830]  }
0xc3: {  	v40 =	vld [tilespmem:s21+$0x830];
	v42 =	vadd.f32 v41, v37  }
0xc4: {  	v37 =	vld [tilespmem:s21+$0x4840]  }
0xc5: {  	v41 =	vld [tilespmem:s21+$0x840];
	[tilespmem:s28+$0x4000] =	vst v42;
	s28 =	sor.u32 $0x1C60, s26  }
0xc6: {  	v45 =	vld [tilespmem:s28+$0x4000]  }
0xc7: {  	v46 =	vld [tilespmem:s28+$0x0]  }
0xc8: {  	v42 =	vld [tilespmem:s21+$0x4850]  }
0xc9: {  	v47 =	vld [tilespmem:s21+$0x850]  }
0xca: {  	v43 =	vld [tilespmem:s21+$0x4860]  }
0xcb: {  	v48 =	vld [tilespmem:s21+$0x860]  }
0xcc: {  	v44 =	vld [tilespmem:s21+$0x4870];
	v46 =	vadd.f32 v46, v45  }
0xcd: {  	v49 =	vld [tilespmem:s21+$0x870]  }
0xce: {  	s26 =	sor.u32 $0x1C70, s26;
	v45 =	vld [tilespmem:s21+$0x4C00];
	[tilespmem:s28+$0x4000] =	vst v46  }
0xcf: {  	v46 =	vld [tilespmem:s26+$0x4000]  }
0xd0: {  	v50 =	vld [tilespmem:s26+$0x0]  }
0xd1: {  	v51 =	vld [tilespmem:s21+$0xC00]  }
0xd2: {  	v52 =	vld [tilespmem:s21+$0x4C10]  }
0xd3: {  	v53 =	vld [tilespmem:s21+$0xC10]  }
0xd4: {  	v54 =	vld [tilespmem:s21+$0x4C20]  }
0xd5: {  	v55 =	vld [tilespmem:s21+$0xC20];
	v46 =	vadd.f32 v50, v46  }
0xd6: {  	v50 =	vld [tilespmem:s21+$0x4C30]  }
0xd7: {  	v56 =	vld [tilespmem:s21+$0xC30];
	[tilespmem:s26+$0x4000] =	vst v46  }
0xd8: {  	v46 =	vld [tilespmem:s21+$0x4C40]  }
0xd9: {  	v57 =	vld [tilespmem:s21+$0xC40]  }
0xda: {  	v58 =	vld [tilespmem:s21+$0x4C50]  }
0xdb: {  	v59 =	vld [tilespmem:s21+$0xC50]  }
0xdc: {  	v60 =	vld [tilespmem:s21+$0x4C60]  }
0xdd: {  	v0 =	vadd.f32 v3, v0;
	v3 =	vld [tilespmem:s21+$0xC60]  }
0xde: {  	v1 =	vadd.f32 v5, v1;
	v5 =	vld [tilespmem:s21+$0x4C70]  }
0xdf: {  	[tilespmem:s21+$0x4000] =	vst v0;
	v0 =	vadd.f32 v6, v2;
	v2 =	vld [tilespmem:s21+$0xC70]  }
0xe0: {  	[tilespmem:s21+$0x4010] =	vst v1;
	v1 =	vadd.f32 v10, v4;
	v4 =	vld [tilespmem:s21+$0x5000]  }
0xe1: {  	[tilespmem:s21+$0x4020] =	vst v0;
	v0 =	vadd.f32 v11, v7;
	v6 =	vld [tilespmem:s21+$0x1000]  }
0xe2: {  	[tilespmem:s21+$0x4030] =	vst v1;
	v1 =	vadd.f32 v12, v8;
	v7 =	vld [tilespmem:s21+$0x5010]  }
0xe3: {  	[tilespmem:s21+$0x4040] =	vst v0;
	v0 =	vadd.f32 v13, v9;
	v8 =	vld [tilespmem:s21+$0x1010]  }
0xe4: {  	[tilespmem:s21+$0x4050] =	vst v1;
	v1 =	vadd.f32 v18, v14;
	v9 =	vld [tilespmem:s21+$0x5020]  }
0xe5: {  	[tilespmem:s21+$0x4060] =	vst v0;
	v0 =	vadd.f32 v19, v15;
	v10 =	vld [tilespmem:s21+$0x1020]  }
0xe6: {  	[tilespmem:s21+$0x4070] =	vst v1;
	v1 =	vadd.f32 v20, v16;
	v11 =	vld [tilespmem:s21+$0x5030]  }
0xe7: {  	[tilespmem:s21+$0x4400] =	vst v0;
	v0 =	vadd.f32 v24, v17;
	v12 =	vld [tilespmem:s21+$0x1030]  }
0xe8: {  	[tilespmem:s21+$0x4410] =	vst v1;
	v1 =	vadd.f32 v25, v21;
	v13 =	vld [tilespmem:s21+$0x5040]  }
0xe9: {  	[tilespmem:s21+$0x4420] =	vst v0;
	v0 =	vadd.f32 v26, v22;
	v14 =	vld [tilespmem:s21+$0x1040]  }
0xea: {  	[tilespmem:s21+$0x4430] =	vst v1;
	v1 =	vadd.f32 v27, v23;
	v15 =	vld [tilespmem:s21+$0x5050]  }
0xeb: {  	[tilespmem:s21+$0x4440] =	vst v0;
	v0 =	vadd.f32 v32, v28;
	v16 =	vld [tilespmem:s21+$0x1050]  }
0xec: {  	[tilespmem:s21+$0x4450] =	vst v1;
	v1 =	vadd.f32 v33, v29;
	v17 =	vld [tilespmem:s21+$0x5060]  }
0xed: {  	[tilespmem:s21+$0x4460] =	vst v0;
	v0 =	vadd.f32 v34, v30;
	v18 =	vld [tilespmem:s21+$0x1060]  }
0xee: {  	[tilespmem:s21+$0x4470] =	vst v1;
	v1 =	vadd.f32 v38, v31;
	v19 =	vld [tilespmem:s21+$0x5070]  }
0xef: {  	[tilespmem:s21+$0x4800] =	vst v0;
	v0 =	vadd.f32 v39, v35;
	v20 =	vld [tilespmem:s21+$0x1070]  }
0xf0: {  	[tilespmem:s21+$0x4810] =	vst v1;
	v1 =	vadd.f32 v40, v36;
	v21 =	vld [tilespmem:s21+$0x5400]  }
0xf1: {  	[tilespmem:s21+$0x4820] =	vst v0;
	v0 =	vadd.f32 v41, v37;
	v22 =	vld [tilespmem:s21+$0x1400]  }
0xf2: {  	[tilespmem:s21+$0x4830] =	vst v1;
	v1 =	vadd.f32 v47, v42;
	v23 =	vld [tilespmem:s21+$0x5410]  }
0xf3: {  	[tilespmem:s21+$0x4840] =	vst v0;
	v0 =	vadd.f32 v48, v43;
	v24 =	vld [tilespmem:s21+$0x1410]  }
0xf4: {  	[tilespmem:s21+$0x4850] =	vst v1;
	v1 =	vadd.f32 v49, v44;
	v25 =	vld [tilespmem:s21+$0x5420]  }
0xf5: {  	[tilespmem:s21+$0x4860] =	vst v0;
	v0 =	vadd.f32 v51, v45;
	v26 =	vld [tilespmem:s21+$0x1420]  }
0xf6: {  	[tilespmem:s21+$0x4870] =	vst v1;
	v1 =	vadd.f32 v53, v52;
	v27 =	vld [tilespmem:s21+$0x5430]  }
0xf7: {  	[tilespmem:s21+$0x4C00] =	vst v0;
	v0 =	vadd.f32 v55, v54;
	v28 =	vld [tilespmem:s21+$0x1430]  }
0xf8: {  	[tilespmem:s21+$0x4C10] =	vst v1;
	v1 =	vadd.f32 v56, v50;
	v29 =	vld [tilespmem:s21+$0x5440]  }
0xf9: {  	[tilespmem:s21+$0x4C20] =	vst v0;
	v0 =	vadd.f32 v57, v46;
	v30 =	vld [tilespmem:s21+$0x1440]  }
0xfa: {  	[tilespmem:s21+$0x4C30] =	vst v1;
	v1 =	vadd.f32 v59, v58;
	v31 =	vld [tilespmem:s21+$0x5450]  }
0xfb: {  	[tilespmem:s21+$0x4C40] =	vst v0;
	v0 =	vadd.f32 v3, v60;
	v3 =	vld [tilespmem:s21+$0x1450]  }
0xfc: {  	[tilespmem:s21+$0x4C50] =	vst v1;
	v1 =	vadd.f32 v2, v5;
	v2 =	vld [tilespmem:s21+$0x5460]  }
0xfd: {  	[tilespmem:s21+$0x4C60] =	vst v0;
	v0 =	vadd.f32 v6, v4;
	v4 =	vld [tilespmem:s21+$0x1460]  }
0xfe: {  	[tilespmem:s21+$0x4C70] =	vst v1;
	v1 =	vadd.f32 v8, v7;
	v5 =	vld [tilespmem:s21+$0x5470]  }
0xff: {  	[tilespmem:s21+$0x5000] =	vst v0;
	v0 =	vadd.f32 v10, v9;
	v6 =	vld [tilespmem:s21+$0x1470]  }
0x100: {  	[tilespmem:s21+$0x5010] =	vst v1;
	v1 =	vadd.f32 v12, v11;
	v7 =	vld [tilespmem:s21+$0x5800]  }
0x101: {  	[tilespmem:s21+$0x5020] =	vst v0;
	v0 =	vadd.f32 v14, v13;
	v8 =	vld [tilespmem:s21+$0x1800]  }
0x102: {  	[tilespmem:s21+$0x5030] =	vst v1;
	v1 =	vadd.f32 v16, v15;
	v9 =	vld [tilespmem:s21+$0x5810]  }
0x103: {  	[tilespmem:s21+$0x5040] =	vst v0;
	v0 =	vadd.f32 v18, v17;
	v10 =	vld [tilespmem:s21+$0x1810]  }
0x104: {  	[tilespmem:s21+$0x5050] =	vst v1;
	v1 =	vadd.f32 v20, v19;
	v11 =	vld [tilespmem:s21+$0x5820]  }
0x105: {  	[tilespmem:s21+$0x5060] =	vst v0;
	v0 =	vadd.f32 v22, v21;
	v12 =	vld [tilespmem:s21+$0x1820]  }
0x106: {  	[tilespmem:s21+$0x5070] =	vst v1;
	v1 =	vadd.f32 v24, v23;
	v13 =	vld [tilespmem:s21+$0x5830]  }
0x107: {  	v14 =	vadd.f32 v26, v25;
	[tilespmem:s21+$0x5400] =	vst v0;
	v15 =	vld [tilespmem:s21+$0x1830]  }
0x108: {  	[tilespmem:s21+$0x5410] =	vst v1;
	v1 =	vadd.f32 v28, v27;
	v0 =	vld [tilespmem:s21+$0x5840]  }
0x109: {  	[tilespmem:s21+$0x5420] =	vst v14;
	v14 =	vadd.f32 v30, v29;
	v16 =	vld [tilespmem:s21+$0x5850]  }
0x10a: {  	[tilespmem:s21+$0x5430] =	vst v1;
	v1 =	vadd.f32 v3, v31;
	v3 =	vld [tilespmem:s21+$0x1850]  }
0x10b: {  	v2 =	vadd.f32 v4, v2;
	[tilespmem:s21+$0x5440] =	vst v14;
	v4 =	vld [tilespmem:s21+$0x5860]  }
0x10c: {  	[tilespmem:s21+$0x5450] =	vst v1;
	v1 =	vadd.f32 v6, v5;
	v5 =	vld [tilespmem:s21+$0x1860]  }
0x10d: {  	[tilespmem:s21+$0x5460] =	vst v2;
	v2 =	vadd.f32 v8, v7;
	v6 =	vld [tilespmem:s21+$0x5870]  }
0x10e: {  	v7 =	vadd.f32 v10, v9;
	[tilespmem:s21+$0x5470] =	vst v1;
	v8 =	vld [tilespmem:s21+$0x1870]  }
.Ltmp0:
0x10f: {  	[tilespmem:s21+$0x5800] =	vst v2;
	v2 =	vadd.f32 v12, v11;
	v1 =	vld [tilespmem:s21+$0x1840];
	(pc) =	sbr.rel @p0 .LBB2_2-.Ltmp0, $4  }
0x110: {  	[tilespmem:s21+$0x5810] =	vst v7;
	v7 =	vadd.f32 v15, v13  }
0x111: {  	s25 =	sadd.s32 $0x1, s25;
	v3 =	vadd.f32 v3, v16;
	[tilespmem:s21+$0x5820] =	vst v2  }
0x112: {  	s26 =	sand.u32 $0x7, s25;
	v2 =	vadd.f32 v5, v4;
	[tilespmem:s21+$0x5830] =	vst v7  }
0x113: {  	s24 =	sadd.s32 $0x80, s24;
	s23 =	sadd.s32 $0x400, s23;
	s26 =	sshll.u32 s26, $0x7;
	[tilespmem:s21+$0x5850] =	vst v3;
	v3 =	vadd.f32 v8, v6  }
0x114: {  	v0 =	vadd.f32 v1, v0;
	[tilespmem:s21+$0x5860] =	vst v2  }
0x115: {  	s22 =	sadd.s32 s26, s23;
	[tilespmem:s21+$0x5870] =	vst v3  }
0x116: {  	s23 =	sor.u32 $0x1C00, s22;
	[tilespmem:s21+$0x5840] =	vst v0  }
0x117: {  	v0 =	vld [tilespmem:s23+$0x4000]  }
0x118: {  	v1 =	vld [tilespmem:s23+$0x0];
	_ =	sdelay $0x4  }
0x119: {  	v0 =	vadd.f32 v1, v0;
	_ =	sdelay $0x1  }
0x11a: {  	s31 =	sor.u32 $0x1C10, s22;
	[tilespmem:s23+$0x4000] =	vst v0  }
0x11b: {  	v0 =	vld [tilespmem:s31+$0x4000]  }
0x11c: {  	v1 =	vld [tilespmem:s31+$0x0];
	_ =	sdelay $0x4  }
0x11d: {  	v0 =	vadd.f32 v1, v0;
	_ =	sdelay $0x1  }
0x11e: {  	s23 =	sor.u32 $0x1C20, s22;
	[tilespmem:s31+$0x4000] =	vst v0  }
0x11f: {  	v0 =	vld [tilespmem:s23+$0x4000]  }
0x120: {  	v1 =	vld [tilespmem:s23+$0x0];
	_ =	sdelay $0x4  }
0x121: {  	v0 =	vadd.f32 v1, v0;
	_ =	sdelay $0x1  }
0x122: {  	s24 =	sor.u32 $0x1C30, s22;
	[tilespmem:s23+$0x4000] =	vst v0  }
0x123: {  	v0 =	vld [tilespmem:s24+$0x4000]  }
0x124: {  	v1 =	vld [tilespmem:s24+$0x0];
	_ =	sdelay $0x4  }
0x125: {  	v0 =	vadd.f32 v1, v0;
	_ =	sdelay $0x1  }
0x126: {  	s25 =	sor.u32 $0x1C40, s22;
	[tilespmem:s24+$0x4000] =	vst v0  }
0x127: {  	v0 =	vld [tilespmem:s25+$0x4000]  }
0x128: {  	v1 =	vld [tilespmem:s25+$0x0];
	_ =	sdelay $0x4  }
0x129: {  	v0 =	vadd.f32 v1, v0;
	_ =	sdelay $0x1  }
0x12a: {  	s26 =	sor.u32 $0x1C50, s22;
	[tilespmem:s25+$0x4000] =	vst v0  }
0x12b: {  	v0 =	vld [tilespmem:s26+$0x4000]  }
0x12c: {  	v1 =	vld [tilespmem:s26+$0x0];
	_ =	sdelay $0x4  }
0x12d: {  	v0 =	vadd.f32 v1, v0;
	_ =	sdelay $0x1  }
0x12e: {  	s28 =	sor.u32 $0x1C60, s22;
	[tilespmem:s26+$0x4000] =	vst v0  }
0x12f: {  	v0 =	vld [tilespmem:s28+$0x4000]  }
0x130: {  	v1 =	vld [tilespmem:s28+$0x0];
	_ =	sdelay $0x4  }
0x131: {  	v0 =	vadd.f32 v1, v0;
	_ =	sdelay $0x1  }
0x132: {  	s29 =	sor.u32 $0x1C70, s22;
	[tilespmem:s28+$0x4000] =	vst v0  }
0x133: {  	v0 =	vld [tilespmem:s29+$0x4000]  }
0x134: {  	v1 =	vld [tilespmem:s29+$0x0];
	_ =	sdelay $0x4  }
0x135: {  	v0 =	vadd.f32 v1, v0;
	_ =	sdelay $0x1  }
0x136: {  	s21 =	simm.s32 $0x0;
	[tilespmem:s29+$0x4000] =	vst v0  }
0x137: {  	[hbm4b:s6+s21] =	stream.linear.scatter [tilespmem:s13], [sflag:$0x4], $0x4000, $0x38;
	[tilespmem:$0xC000] =	vst v63  }
0x138: {  	_ =	swait.ge [sflag:s17], $0x4000  }
0x139: {  	[sflag:s17] =	ssyncset.done $0x0  }
0x13a: {  	[sflag:s17] =	ssyncadd.s32 $0xFFFFC000  }
0x13b: {  	[tilespmem:s13], [sflag:$0x2] =	stream.linear.gather [hbm4b:s7+s21], $0x4000, $0x38;
	[tilespmem:$0xC000] =	vst v63  }
0x13c: {  	s30 =	simm.s32 $0x0;
	_ =	swait.ge [sflag:s18], $0x4000  }
0x13d: {  	s22 =	sand.u32 $0x2000, s30;
	s31 =	sand.u32 $0x380, s21;
	[sflag:s18] =	ssyncset.done $0x0  }
0x13e: {  	s22 =	sor.u32 s31, s22;
	[sflag:s18] =	ssyncadd.s32 $0xFFFFC000  }
0x13f: {  	v0 =	vld [tilespmem:s22+$0x8000]  }
0x140: {  	v1 =	vld [tilespmem:s22+$0x0]  }
0x141: {  	v2 =	vld [tilespmem:s22+$0x8010]  }
0x142: {  	v3 =	vld [tilespmem:s22+$0x10]  }
0x143: {  	v4 =	vld [tilespmem:s22+$0x8020]  }
0x144: {  	v5 =	vld [tilespmem:s22+$0x20]  }
0x145: {  	v6 =	vld [tilespmem:s22+$0x8030]  }
0x146: {  	v7 =	vld [tilespmem:s22+$0x30]  }
0x147: {  	v8 =	vld [tilespmem:s22+$0x8040]  }
0x148: {  	v9 =	vld [tilespmem:s22+$0x40]  }
0x149: {  	v10 =	vld [tilespmem:s22+$0x8050]  }
0x14a: {  	v11 =	vld [tilespmem:s22+$0x50]  }
0x14b: {  	v12 =	vld [tilespmem:s22+$0x8060]  }
0x14c: {  	v13 =	vld [tilespmem:s22+$0x60]  }
0x14d: {  	v14 =	vld [tilespmem:s22+$0x8070]  }
0x14e: {  	v15 =	vld [tilespmem:s22+$0x70]  }
0x14f: {  	v16 =	vld [tilespmem:s22+$0x8400]  }
0x150: {  	v17 =	vld [tilespmem:s22+$0x400]  }
0x151: {  	v18 =	vld [tilespmem:s22+$0x8410]  }
0x152: {  	v19 =	vld [tilespmem:s22+$0x410]  }
0x153: {  	v20 =	vld [tilespmem:s22+$0x8420]  }
0x154: {  	v21 =	vld [tilespmem:s22+$0x420]  }
0x155: {  	v22 =	vld [tilespmem:s22+$0x8430]  }
0x156: {  	v23 =	vld [tilespmem:s22+$0x430]  }
0x157: {  	v24 =	vld [tilespmem:s22+$0x8440]  }
0x158: {  	v25 =	vld [tilespmem:s22+$0x440]  }
0x159: {  	v26 =	vld [tilespmem:s22+$0x8450]  }
0x15a: {  	v27 =	vld [tilespmem:s22+$0x450]  }
0x15b: {  	v28 =	vld [tilespmem:s22+$0x8460]  }
0x15c: {  	v29 =	vld [tilespmem:s22+$0x460]  }
0x15d: {  	v30 =	vld [tilespmem:s22+$0x8470]  }
0x15e: {  	v31 =	vld [tilespmem:s22+$0x470]  }
0x15f: {  	v32 =	vld [tilespmem:s22+$0x8800]  }
0x160: {  	v33 =	vld [tilespmem:s22+$0x800]  }
0x161: {  	v34 =	vld [tilespmem:s22+$0x8810]  }
0x162: {  	v35 =	vld [tilespmem:s22+$0x810]  }
0x163: {  	v36 =	vld [tilespmem:s22+$0x8820]  }
0x164: {  	v37 =	vld [tilespmem:s22+$0x820]  }
0x165: {  	v38 =	vld [tilespmem:s22+$0x8830]  }
0x166: {  	v39 =	vld [tilespmem:s22+$0x830]  }
0x167: {  	v40 =	vld [tilespmem:s22+$0x8840]  }
0x168: {  	v41 =	vld [tilespmem:s22+$0x840]  }
0x169: {  	v42 =	vld [tilespmem:s22+$0x8850]  }
0x16a: {  	v43 =	vld [tilespmem:s22+$0x850]  }
0x16b: {  	v44 =	vld [tilespmem:s22+$0x8860]  }
0x16c: {  	v45 =	vld [tilespmem:s22+$0x860]  }
0x16d: {  	v46 =	vld [tilespmem:s22+$0x8870]  }
0x16e: {  	v47 =	vld [tilespmem:s22+$0x870]  }
0x16f: {  	v48 =	vld [tilespmem:s22+$0x8C00]  }
0x170: {  	v49 =	vld [tilespmem:s22+$0xC00]  }
0x171: {  	v50 =	vld [tilespmem:s22+$0x8C10]  }
0x172: {  	v51 =	vld [tilespmem:s22+$0xC10]  }
0x173: {  	v52 =	vld [tilespmem:s22+$0x8C20]  }
0x174: {  	v53 =	vld [tilespmem:s22+$0xC20]  }
0x175: {  	v54 =	vld [tilespmem:s22+$0x8C30]  }
0x176: {  	v55 =	vld [tilespmem:s22+$0xC30]  }
0x177: {  	v56 =	vld [tilespmem:s22+$0x8C40]  }
0x178: {  	v57 =	vld [tilespmem:s22+$0xC40]  }
0x179: {  	v58 =	vld [tilespmem:s22+$0x8C50]  }
0x17a: {  	v59 =	vld [tilespmem:s22+$0xC50]  }
0x17b: {  	v60 =	vld [tilespmem:s22+$0x8C60]  }
0x17c: {  	v61 =	vld [tilespmem:s22+$0x8C70];
	v0 =	vadd.f32 v1, v0  }
0x17d: {  	v63 =	vld [tilespmem:s22+$0x9420];
	v2 =	vadd.f32 v3, v2  }
0x17e: {  	v1 =	vld [tilespmem:s22+$0xC60];
	v3 =	vadd.f32 v5, v4;
	[tilespmem:s22+$0x8000] =	vst v0  }
0x17f: {  	v4 =	vadd.f32 v7, v6;
	v6 =	vld [tilespmem:s22+$0x9020];
	[tilespmem:s22+$0x8010] =	vst v2  }
0x180: {  	v5 =	vadd.f32 v9, v8;
	v7 =	vld [tilespmem:s22+$0x1020];
	[tilespmem:s22+$0x8020] =	vst v3  }
0x181: {  	v11 =	vadd.f32 v11, v10;
	v8 =	vld [tilespmem:s22+$0x9030];
	[tilespmem:s22+$0x8030] =	vst v4  }
0x182: {  	v13 =	vadd.f32 v13, v12;
	v9 =	vld [tilespmem:s22+$0x1030];
	[tilespmem:s22+$0x8040] =	vst v5  }
0x183: {  	v15 =	vadd.f32 v15, v14;
	v10 =	vld [tilespmem:s22+$0x9040];
	[tilespmem:s22+$0x8050] =	vst v11  }
0x184: {  	v17 =	vadd.f32 v17, v16;
	v12 =	vld [tilespmem:s22+$0x9050];
	[tilespmem:s22+$0x8060] =	vst v13  }
0x185: {  	v19 =	vadd.f32 v19, v18;
	v14 =	vld [tilespmem:s22+$0x9060];
	[tilespmem:s22+$0x8070] =	vst v15  }
0x186: {  	v21 =	vadd.f32 v21, v20;
	v16 =	vld [tilespmem:s22+$0x9070];
	[tilespmem:s22+$0x8400] =	vst v17  }
0x187: {  	v23 =	vadd.f32 v23, v22;
	v25 =	vadd.f32 v25, v24;
	v18 =	vld [tilespmem:s22+$0x9400];
	[tilespmem:s22+$0x8410] =	vst v19  }
0x188: {  	v27 =	vadd.f32 v27, v26;
	v29 =	vadd.f32 v29, v28;
	v20 =	vld [tilespmem:s22+$0x9410];
	[tilespmem:s22+$0x8420] =	vst v21  }
0x189: {  	v31 =	vadd.f32 v31, v30;
	v62 =	vadd.f32 v45, v44;
	v45 =	vld [tilespmem:s22+$0x1450];
	[tilespmem:s22+$0x8430] =	vst v23  }
0x18a: {  	v33 =	vadd.f32 v33, v32;
	v32 =	vadd.f32 v47, v46;
	v46 =	vld [tilespmem:s22+$0x9460];
	[tilespmem:s22+$0x8440] =	vst v25  }
0x18b: {  	v35 =	vadd.f32 v35, v34;
	v34 =	vadd.f32 v49, v48;
	v48 =	vld [tilespmem:s22+$0x9810];
	[tilespmem:s22+$0x8450] =	vst v27  }
0x18c: {  	v49 =	vld [tilespmem:s22+$0x1810];
	[tilespmem:s22+$0x8460] =	vst v29  }
0x18d: {  	v37 =	vadd.f32 v37, v36;
	v36 =	vadd.f32 v51, v50;
	v51 =	vld [tilespmem:s22+$0x9820];
	[tilespmem:s22+$0x8470] =	vst v31  }
0x18e: {  	v39 =	vadd.f32 v39, v38;
	v38 =	vadd.f32 v53, v52;
	v52 =	vld [tilespmem:s22+$0x1820];
	[tilespmem:s22+$0x8800] =	vst v33  }
0x18f: {  	v41 =	vadd.f32 v41, v40;
	v40 =	vadd.f32 v55, v54;
	v54 =	vld [tilespmem:s22+$0x9830];
	[tilespmem:s22+$0x8810] =	vst v35  }
0x190: {  	v55 =	vld [tilespmem:s22+$0x1830];
	[tilespmem:s22+$0x8820] =	vst v37  }
0x191: {  	v43 =	vadd.f32 v43, v42;
	v44 =	vadd.f32 v59, v58;
	v58 =	vld [tilespmem:s22+$0x9850];
	[tilespmem:s22+$0x8830] =	vst v39  }
0x192: {  	v0 =	vld [tilespmem:s22+$0xC70];
	[tilespmem:s22+$0x8840] =	vst v41  }
0x193: {  	v2 =	vld [tilespmem:s22+$0x9000];
	[tilespmem:s22+$0x8850] =	vst v43  }
0x194: {  	v3 =	vld [tilespmem:s22+$0x1000];
	[tilespmem:s22+$0x8860] =	vst v62  }
0x195: {  	v4 =	vld [tilespmem:s22+$0x9010];
	[tilespmem:s22+$0x8870] =	vst v32  }
0x196: {  	v11 =	vld [tilespmem:s22+$0x1040];
	[tilespmem:s22+$0x8C00] =	vst v34  }
0x197: {  	v15 =	vld [tilespmem:s22+$0x1060];
	[tilespmem:s22+$0x8C10] =	vst v36  }
0x198: {  	v42 =	vadd.f32 v57, v56;
	v19 =	vld [tilespmem:s22+$0x1400];
	[tilespmem:s22+$0x8C20] =	vst v38  }
0x199: {  	v33 =	vld [tilespmem:s22+$0x1420];
	[tilespmem:s22+$0x8C30] =	vst v40  }
0x19a: {  	v35 =	vld [tilespmem:s22+$0x9430];
	[tilespmem:s22+$0x8C40] =	vst v42;
	v1 =	vadd.f32 v1, v60  }
0x19b: {  	v37 =	vld [tilespmem:s22+$0x1430];
	[tilespmem:s22+$0x8C50] =	vst v44;
	v0 =	vadd.f32 v0, v61  }
0x19c: {  	v39 =	vld [tilespmem:s22+$0x9440];
	[tilespmem:s22+$0x8C60] =	vst v1;
	v2 =	vadd.f32 v3, v2  }
0x19d: {  	v41 =	vld [tilespmem:s22+$0x1440];
	v47 =	vadd.f32 v11, v10;
	[tilespmem:s22+$0x8C70] =	vst v0  }
0x19e: {  	v5 =	vld [tilespmem:s22+$0x1010];
	v50 =	vadd.f32 v15, v14;
	[tilespmem:s22+$0x9000] =	vst v2  }
0x19f: {  	v13 =	vld [tilespmem:s22+$0x1050];
	v53 =	vadd.f32 v19, v18;
	[tilespmem:s22+$0x9040] =	vst v47  }
0x1a0: {  	v43 =	vld [tilespmem:s22+$0x9450];
	v56 =	vadd.f32 v33, v63;
	[tilespmem:s22+$0x9060] =	vst v50  }
0x1a1: {  	v17 =	vld [tilespmem:s22+$0x1070];
	v57 =	vadd.f32 v37, v35;
	[tilespmem:s22+$0x9400] =	vst v53  }
0x1a2: {  	v1 =	vld [tilespmem:s22+$0x1460];
	v59 =	vadd.f32 v41, v39;
	[tilespmem:s22+$0x9420] =	vst v56  }
0x1a3: {  	v3 =	vld [tilespmem:s22+$0x9470];
	v0 =	vadd.f32 v5, v4;
	[tilespmem:s22+$0x9430] =	vst v57  }
0x1a4: {  	v2 =	vld [tilespmem:s22+$0x1470];
	v4 =	vadd.f32 v7, v6;
	[tilespmem:s22+$0x9440] =	vst v59  }
0x1a5: {  	v61 =	vadd.f32 v45, v43;
	v5 =	vld [tilespmem:s22+$0x9800];
	[tilespmem:s22+$0x9010] =	vst v0  }
0x1a6: {  	v0 =	vadd.f32 v9, v8;
	[tilespmem:s22+$0x9020] =	vst v4;
	v4 =	vld [tilespmem:s22+$0x1800]  }
0x1a7: {  	v21 =	vld [tilespmem:s22+$0x1410];
	[tilespmem:s22+$0x9450] =	vst v61;
	v1 =	vadd.f32 v1, v46  }
0x1a8: {  	v62 =	vld [tilespmem:s22+$0x9860];
	[tilespmem:s22+$0x9030] =	vst v0;
	v0 =	vadd.f32 v13, v12  }
0x1a9: {  	v60 =	vld [tilespmem:s22+$0x1850];
	v2 =	vadd.f32 v2, v3;
	[tilespmem:s22+$0x9460] =	vst v1  }
0x1aa: {  	v63 =	vld [tilespmem:s22+$0x1860];
	[tilespmem:s22+$0x9050] =	vst v0;
	v0 =	vadd.f32 v17, v16  }
0x1ab: {  	v3 =	vld [tilespmem:s22+$0x9870];
	v1 =	vadd.f32 v4, v5;
	[tilespmem:s22+$0x9470] =	vst v2  }
0x1ac: {  	v4 =	vld [tilespmem:s22+$0x1870];
	[tilespmem:s22+$0x9070] =	vst v0;
	v0 =	vadd.f32 v21, v20  }
0x1ad: {  	v2 =	vadd.f32 v49, v48;
	[tilespmem:s22+$0x9800] =	vst v1;
	v1 =	vld [tilespmem:s22+$0x1840]  }
0x1ae: {  	v5 =	vadd.f32 v52, v51;
	[tilespmem:s22+$0x9410] =	vst v0;
	v0 =	vld [tilespmem:s22+$0x9840]  }
0x1af: {  	[tilespmem:s22+$0x9810] =	vst v2;
	v2 =	vadd.f32 v55, v54  }
0x1b0: {  	[tilespmem:s22+$0x9820] =	vst v5;
	v5 =	vadd.f32 v60, v58  }
0x1b1: {  	s23 =	simm.s32 $0xFFFFC000;
	s24 =	sand.u32 $0x7, s21;
	[tilespmem:s22+$0x9830] =	vst v2;
	v2 =	vadd.f32 v63, v62  }
0x1b2: {  	s25 =	simm.s32 $0x0;
	s26 =	sshll.u32 s24, $0x7;
	s24 =	simm.s32 $0x80;
	[tilespmem:s22+$0x9850] =	vst v5;
	v3 =	vadd.f32 v4, v3  }
.LBB2_4:
0x1b3: {  	p0 =	sne.s32 s24, $0x780;
	s26 =	sadd.s32 s26, s21;
	v0 =	vadd.f32 v1, v0;
	[tilespmem:s22+$0x9860] =	vst v2;
	s23 =	sadd.s32 $0x400, s23  }
0x1b4: {  	s28 =	sadd.s32 $0x4000, s23;
	[tilespmem:s22+$0x9870] =	vst v3;
	s29 =	sor.u32 $0x1C00, s26  }
0x1b5: {  	s30 =	sand.u32 $0x380, s24;
	s28 =	sand.u32 $0x2000, s28;
	[tilespmem:s22+$0x9840] =	vst v0;
	v4 =	vld [tilespmem:s29+$0x8000]  }
0x1b6: {  	s22 =	sor.u32 s30, s28;
	v6 =	vld [tilespmem:s29+$0x0]  }
0x1b7: {  	v0 =	vld [tilespmem:s22+$0x8000]  }
0x1b8: {  	v3 =	vld [tilespmem:s22+$0x0]  }
0x1b9: {  	v1 =	vld [tilespmem:s22+$0x8010]  }
0x1ba: {  	v5 =	vld [tilespmem:s22+$0x10]  }
0x1bb: {  	v2 =	vld [tilespmem:s22+$0x8020];
	v7 =	vadd.f32 v6, v4  }
0x1bc: {  	v6 =	vld [tilespmem:s22+$0x20]  }
0x1bd: {  	s28 =	sor.u32 $0x1C10, s26;
	v4 =	vld [tilespmem:s22+$0x8030];
	[tilespmem:s29+$0x8000] =	vst v7  }
0x1be: {  	v9 =	vld [tilespmem:s28+$0x8000]  }
0x1bf: {  	v13 =	vld [tilespmem:s28+$0x0]  }
0x1c0: {  	v10 =	vld [tilespmem:s22+$0x30]  }
0x1c1: {  	v7 =	vld [tilespmem:s22+$0x8040]  }
0x1c2: {  	v11 =	vld [tilespmem:s22+$0x40]  }
0x1c3: {  	v8 =	vld [tilespmem:s22+$0x8050]  }
0x1c4: {  	v12 =	vld [tilespmem:s22+$0x50];
	v14 =	vadd.f32 v13, v9  }
0x1c5: {  	v9 =	vld [tilespmem:s22+$0x8060]  }
0x1c6: {  	v13 =	vld [tilespmem:s22+$0x60];
	[tilespmem:s28+$0x8000] =	vst v14;
	s28 =	sor.u32 $0x1C20, s26  }
0x1c7: {  	v17 =	vld [tilespmem:s28+$0x8000]  }
0x1c8: {  	v20 =	vld [tilespmem:s28+$0x0]  }
0x1c9: {  	v14 =	vld [tilespmem:s22+$0x8070]  }
0x1ca: {  	v18 =	vld [tilespmem:s22+$0x70]  }
0x1cb: {  	v15 =	vld [tilespmem:s22+$0x8400]  }
0x1cc: {  	v19 =	vld [tilespmem:s22+$0x400]  }
0x1cd: {  	v16 =	vld [tilespmem:s22+$0x8410];
	v21 =	vadd.f32 v20, v17  }
0x1ce: {  	v20 =	vld [tilespmem:s22+$0x410]  }
0x1cf: {  	v17 =	vld [tilespmem:s22+$0x8420];
	[tilespmem:s28+$0x8000] =	vst v21;
	s28 =	sor.u32 $0x1C30, s26  }
0x1d0: {  	v23 =	vld [tilespmem:s28+$0x8000]  }
0x1d1: {  	v27 =	vld [tilespmem:s28+$0x0]  }
0x1d2: {  	v24 =	vld [tilespmem:s22+$0x420]  }
0x1d3: {  	v21 =	vld [tilespmem:s22+$0x8430]  }
0x1d4: {  	v25 =	vld [tilespmem:s22+$0x430]  }
0x1d5: {  	v22 =	vld [tilespmem:s22+$0x8440]  }
0x1d6: {  	v26 =	vld [tilespmem:s22+$0x440];
	v28 =	vadd.f32 v27, v23  }
0x1d7: {  	v23 =	vld [tilespmem:s22+$0x8450]  }
0x1d8: {  	v27 =	vld [tilespmem:s22+$0x450];
	[tilespmem:s28+$0x8000] =	vst v28;
	s28 =	sor.u32 $0x1C40, s26  }
0x1d9: {  	v31 =	vld [tilespmem:s28+$0x8000]  }
0x1da: {  	v34 =	vld [tilespmem:s28+$0x0]  }
0x1db: {  	v28 =	vld [tilespmem:s22+$0x8460]  }
0x1dc: {  	v32 =	vld [tilespmem:s22+$0x460]  }
0x1dd: {  	v29 =	vld [tilespmem:s22+$0x8470]  }
0x1de: {  	v33 =	vld [tilespmem:s22+$0x470]  }
0x1df: {  	v30 =	vld [tilespmem:s22+$0x8800];
	v35 =	vadd.f32 v34, v31  }
0x1e0: {  	v34 =	vld [tilespmem:s22+$0x800]  }
0x1e1: {  	v31 =	vld [tilespmem:s22+$0x8810];
	[tilespmem:s28+$0x8000] =	vst v35;
	s28 =	sor.u32 $0x1C50, s26  }
0x1e2: {  	v37 =	vld [tilespmem:s28+$0x8000]  }
0x1e3: {  	v41 =	vld [tilespmem:s28+$0x0]  }
0x1e4: {  	v38 =	vld [tilespmem:s22+$0x810]  }
0x1e5: {  	v35 =	vld [tilespmem:s22+$0x8820]  }
0x1e6: {  	v39 =	vld [tilespmem:s22+$0x820]  }
0x1e7: {  	v36 =	vld [tilespmem:s22+$0x8830]  }
0x1e8: {  	v40 =	vld [tilespmem:s22+$0x830];
	v42 =	vadd.f32 v41, v37  }
0x1e9: {  	v37 =	vld [tilespmem:s22+$0x8840]  }
0x1ea: {  	v41 =	vld [tilespmem:s22+$0x840];
	[tilespmem:s28+$0x8000] =	vst v42;
	s28 =	sor.u32 $0x1C60, s26  }
0x1eb: {  	v45 =	vld [tilespmem:s28+$0x8000]  }
0x1ec: {  	v46 =	vld [tilespmem:s28+$0x0]  }
0x1ed: {  	v42 =	vld [tilespmem:s22+$0x8850]  }
0x1ee: {  	v47 =	vld [tilespmem:s22+$0x850]  }
0x1ef: {  	v43 =	vld [tilespmem:s22+$0x8860]  }
0x1f0: {  	v48 =	vld [tilespmem:s22+$0x860]  }
0x1f1: {  	v44 =	vld [tilespmem:s22+$0x8870];
	v46 =	vadd.f32 v46, v45  }
0x1f2: {  	v49 =	vld [tilespmem:s22+$0x870]  }
0x1f3: {  	s26 =	sor.u32 $0x1C70, s26;
	v45 =	vld [tilespmem:s22+$0x8C00];
	[tilespmem:s28+$0x8000] =	vst v46  }
0x1f4: {  	v46 =	vld [tilespmem:s26+$0x8000]  }
0x1f5: {  	v50 =	vld [tilespmem:s26+$0x0]  }
0x1f6: {  	v51 =	vld [tilespmem:s22+$0xC00]  }
0x1f7: {  	v52 =	vld [tilespmem:s22+$0x8C10]  }
0x1f8: {  	v53 =	vld [tilespmem:s22+$0xC10]  }
0x1f9: {  	v54 =	vld [tilespmem:s22+$0x8C20]  }
0x1fa: {  	v55 =	vld [tilespmem:s22+$0xC20];
	v46 =	vadd.f32 v50, v46  }
0x1fb: {  	v50 =	vld [tilespmem:s22+$0x8C30]  }
0x1fc: {  	v56 =	vld [tilespmem:s22+$0xC30];
	[tilespmem:s26+$0x8000] =	vst v46  }
0x1fd: {  	v46 =	vld [tilespmem:s22+$0x8C40]  }
0x1fe: {  	v57 =	vld [tilespmem:s22+$0xC40]  }
0x1ff: {  	v58 =	vld [tilespmem:s22+$0x8C50]  }
0x200: {  	v59 =	vld [tilespmem:s22+$0xC50]  }
0x201: {  	v60 =	vld [tilespmem:s22+$0x8C60]  }
0x202: {  	v0 =	vadd.f32 v3, v0;
	v3 =	vld [tilespmem:s22+$0xC60]  }
0x203: {  	v1 =	vadd.f32 v5, v1;
	v5 =	vld [tilespmem:s22+$0x8C70]  }
0x204: {  	[tilespmem:s22+$0x8000] =	vst v0;
	v0 =	vadd.f32 v6, v2;
	v2 =	vld [tilespmem:s22+$0xC70]  }
0x205: {  	[tilespmem:s22+$0x8010] =	vst v1;
	v1 =	vadd.f32 v10, v4;
	v4 =	vld [tilespmem:s22+$0x9000]  }
0x206: {  	[tilespmem:s22+$0x8020] =	vst v0;
	v0 =	vadd.f32 v11, v7;
	v6 =	vld [tilespmem:s22+$0x1000]  }
0x207: {  	[tilespmem:s22+$0x8030] =	vst v1;
	v1 =	vadd.f32 v12, v8;
	v7 =	vld [tilespmem:s22+$0x9010]  }
0x208: {  	[tilespmem:s22+$0x8040] =	vst v0;
	v0 =	vadd.f32 v13, v9;
	v8 =	vld [tilespmem:s22+$0x1010]  }
0x209: {  	[tilespmem:s22+$0x8050] =	vst v1;
	v1 =	vadd.f32 v18, v14;
	v9 =	vld [tilespmem:s22+$0x9020]  }
0x20a: {  	[tilespmem:s22+$0x8060] =	vst v0;
	v0 =	vadd.f32 v19, v15;
	v10 =	vld [tilespmem:s22+$0x1020]  }
0x20b: {  	[tilespmem:s22+$0x8070] =	vst v1;
	v1 =	vadd.f32 v20, v16;
	v11 =	vld [tilespmem:s22+$0x9030]  }
0x20c: {  	[tilespmem:s22+$0x8400] =	vst v0;
	v0 =	vadd.f32 v24, v17;
	v12 =	vld [tilespmem:s22+$0x1030]  }
0x20d: {  	[tilespmem:s22+$0x8410] =	vst v1;
	v1 =	vadd.f32 v25, v21;
	v13 =	vld [tilespmem:s22+$0x9040]  }
0x20e: {  	[tilespmem:s22+$0x8420] =	vst v0;
	v0 =	vadd.f32 v26, v22;
	v14 =	vld [tilespmem:s22+$0x1040]  }
0x20f: {  	[tilespmem:s22+$0x8430] =	vst v1;
	v1 =	vadd.f32 v27, v23;
	v15 =	vld [tilespmem:s22+$0x9050]  }
0x210: {  	[tilespmem:s22+$0x8440] =	vst v0;
	v0 =	vadd.f32 v32, v28;
	v16 =	vld [tilespmem:s22+$0x1050]  }
0x211: {  	[tilespmem:s22+$0x8450] =	vst v1;
	v1 =	vadd.f32 v33, v29;
	v17 =	vld [tilespmem:s22+$0x9060]  }
0x212: {  	[tilespmem:s22+$0x8460] =	vst v0;
	v0 =	vadd.f32 v34, v30;
	v18 =	vld [tilespmem:s22+$0x1060]  }
0x213: {  	[tilespmem:s22+$0x8470] =	vst v1;
	v1 =	vadd.f32 v38, v31;
	v19 =	vld [tilespmem:s22+$0x9070]  }
0x214: {  	[tilespmem:s22+$0x8800] =	vst v0;
	v0 =	vadd.f32 v39, v35;
	v20 =	vld [tilespmem:s22+$0x1070]  }
0x215: {  	[tilespmem:s22+$0x8810] =	vst v1;
	v1 =	vadd.f32 v40, v36;
	v21 =	vld [tilespmem:s22+$0x9400]  }
0x216: {  	[tilespmem:s22+$0x8820] =	vst v0;
	v0 =	vadd.f32 v41, v37;
	v22 =	vld [tilespmem:s22+$0x1400]  }
0x217: {  	[tilespmem:s22+$0x8830] =	vst v1;
	v1 =	vadd.f32 v47, v42;
	v23 =	vld [tilespmem:s22+$0x9410]  }
0x218: {  	[tilespmem:s22+$0x8840] =	vst v0;
	v0 =	vadd.f32 v48, v43;
	v24 =	vld [tilespmem:s22+$0x1410]  }
0x219: {  	[tilespmem:s22+$0x8850] =	vst v1;
	v1 =	vadd.f32 v49, v44;
	v25 =	vld [tilespmem:s22+$0x9420]  }
0x21a: {  	[tilespmem:s22+$0x8860] =	vst v0;
	v0 =	vadd.f32 v51, v45;
	v26 =	vld [tilespmem:s22+$0x1420]  }
0x21b: {  	[tilespmem:s22+$0x8870] =	vst v1;
	v1 =	vadd.f32 v53, v52;
	v27 =	vld [tilespmem:s22+$0x9430]  }
0x21c: {  	[tilespmem:s22+$0x8C00] =	vst v0;
	v0 =	vadd.f32 v55, v54;
	v28 =	vld [tilespmem:s22+$0x1430]  }
0x21d: {  	[tilespmem:s22+$0x8C10] =	vst v1;
	v1 =	vadd.f32 v56, v50;
	v29 =	vld [tilespmem:s22+$0x9440]  }
0x21e: {  	[tilespmem:s22+$0x8C20] =	vst v0;
	v0 =	vadd.f32 v57, v46;
	v30 =	vld [tilespmem:s22+$0x1440]  }
0x21f: {  	[tilespmem:s22+$0x8C30] =	vst v1;
	v1 =	vadd.f32 v59, v58;
	v31 =	vld [tilespmem:s22+$0x9450]  }
0x220: {  	[tilespmem:s22+$0x8C40] =	vst v0;
	v0 =	vadd.f32 v3, v60;
	v3 =	vld [tilespmem:s22+$0x1450]  }
0x221: {  	[tilespmem:s22+$0x8C50] =	vst v1;
	v1 =	vadd.f32 v2, v5;
	v2 =	vld [tilespmem:s22+$0x9460]  }
0x222: {  	[tilespmem:s22+$0x8C60] =	vst v0;
	v0 =	vadd.f32 v6, v4;
	v4 =	vld [tilespmem:s22+$0x1460]  }
0x223: {  	[tilespmem:s22+$0x8C70] =	vst v1;
	v1 =	vadd.f32 v8, v7;
	v5 =	vld [tilespmem:s22+$0x9470]  }
0x224: {  	[tilespmem:s22+$0x9000] =	vst v0;
	v0 =	vadd.f32 v10, v9;
	v6 =	vld [tilespmem:s22+$0x1470]  }
0x225: {  	[tilespmem:s22+$0x9010] =	vst v1;
	v1 =	vadd.f32 v12, v11;
	v7 =	vld [tilespmem:s22+$0x9800]  }
0x226: {  	[tilespmem:s22+$0x9020] =	vst v0;
	v0 =	vadd.f32 v14, v13;
	v8 =	vld [tilespmem:s22+$0x1800]  }
0x227: {  	[tilespmem:s22+$0x9030] =	vst v1;
	v1 =	vadd.f32 v16, v15;
	v9 =	vld [tilespmem:s22+$0x9810]  }
0x228: {  	[tilespmem:s22+$0x9040] =	vst v0;
	v0 =	vadd.f32 v18, v17;
	v10 =	vld [tilespmem:s22+$0x1810]  }
0x229: {  	[tilespmem:s22+$0x9050] =	vst v1;
	v1 =	vadd.f32 v20, v19;
	v11 =	vld [tilespmem:s22+$0x9820]  }
0x22a: {  	[tilespmem:s22+$0x9060] =	vst v0;
	v0 =	vadd.f32 v22, v21;
	v12 =	vld [tilespmem:s22+$0x1820]  }
0x22b: {  	[tilespmem:s22+$0x9070] =	vst v1;
	v1 =	vadd.f32 v24, v23;
	v13 =	vld [tilespmem:s22+$0x9830]  }
0x22c: {  	v14 =	vadd.f32 v26, v25;
	[tilespmem:s22+$0x9400] =	vst v0;
	v15 =	vld [tilespmem:s22+$0x1830]  }
0x22d: {  	[tilespmem:s22+$0x9410] =	vst v1;
	v1 =	vadd.f32 v28, v27;
	v0 =	vld [tilespmem:s22+$0x9840]  }
0x22e: {  	[tilespmem:s22+$0x9420] =	vst v14;
	v14 =	vadd.f32 v30, v29;
	v16 =	vld [tilespmem:s22+$0x9850]  }
0x22f: {  	[tilespmem:s22+$0x9430] =	vst v1;
	v1 =	vadd.f32 v3, v31;
	v3 =	vld [tilespmem:s22+$0x1850]  }
0x230: {  	v2 =	vadd.f32 v4, v2;
	[tilespmem:s22+$0x9440] =	vst v14;
	v4 =	vld [tilespmem:s22+$0x9860]  }
0x231: {  	[tilespmem:s22+$0x9450] =	vst v1;
	v1 =	vadd.f32 v6, v5;
	v5 =	vld [tilespmem:s22+$0x1860]  }
0x232: {  	[tilespmem:s22+$0x9460] =	vst v2;
	v2 =	vadd.f32 v8, v7;
	v6 =	vld [tilespmem:s22+$0x9870]  }
0x233: {  	v7 =	vadd.f32 v10, v9;
	[tilespmem:s22+$0x9470] =	vst v1;
	v8 =	vld [tilespmem:s22+$0x1870]  }
.Ltmp1:
0x234: {  	[tilespmem:s22+$0x9800] =	vst v2;
	v2 =	vadd.f32 v12, v11;
	v1 =	vld [tilespmem:s22+$0x1840];
	(pc) =	sbr.rel @p0 .LBB2_4-.Ltmp1, $4  }
0x235: {  	[tilespmem:s22+$0x9810] =	vst v7;
	v7 =	vadd.f32 v15, v13  }
0x236: {  	s25 =	sadd.s32 $0x1, s25;
	v3 =	vadd.f32 v3, v16;
	[tilespmem:s22+$0x9820] =	vst v2  }
0x237: {  	s26 =	sand.u32 $0x7, s25;
	v2 =	vadd.f32 v5, v4;
	[tilespmem:s22+$0x9830] =	vst v7  }
0x238: {  	s24 =	sadd.s32 $0x80, s24;
	s21 =	sadd.s32 $0x400, s21;
	s26 =	sshll.u32 s26, $0x7;
	[tilespmem:s22+$0x9850] =	vst v3;
	v3 =	vadd.f32 v8, v6  }
0x239: {  	v0 =	vadd.f32 v1, v0;
	[tilespmem:s22+$0x9860] =	vst v2  }
0x23a: {  	s21 =	sadd.s32 s26, s21;
	[tilespmem:s22+$0x9870] =	vst v3  }
0x23b: {  	s23 =	sor.u32 $0x1C00, s21;
	[tilespmem:s22+$0x9840] =	vst v0  }
0x23c: {  	v0 =	vld [tilespmem:s23+$0x8000]  }
0x23d: {  	v1 =	vld [tilespmem:s23+$0x0];
	_ =	sdelay $0x4  }
0x23e: {  	v0 =	vadd.f32 v1, v0;
	_ =	sdelay $0x1  }
0x23f: {  	[tilespmem:s23+$0x8000] =	vst v0;
	s23 =	sor.u32 $0x1C10, s21  }
0x240: {  	v0 =	vld [tilespmem:s23+$0x8000]  }
0x241: {  	v1 =	vld [tilespmem:s23+$0x0];
	_ =	sdelay $0x4  }
0x242: {  	v0 =	vadd.f32 v1, v0;
	_ =	sdelay $0x1  }
0x243: {  	s24 =	sor.u32 $0x1C20, s21;
	[tilespmem:s23+$0x8000] =	vst v0  }
0x244: {  	v0 =	vld [tilespmem:s24+$0x8000]  }
0x245: {  	v1 =	vld [tilespmem:s24+$0x0];
	_ =	sdelay $0x4  }
0x246: {  	v0 =	vadd.f32 v1, v0;
	_ =	sdelay $0x1  }
0x247: {  	s25 =	sor.u32 $0x1C30, s21;
	[tilespmem:s24+$0x8000] =	vst v0  }
0x248: {  	v0 =	vld [tilespmem:s25+$0x8000]  }
0x249: {  	v1 =	vld [tilespmem:s25+$0x0];
	_ =	sdelay $0x4  }
0x24a: {  	v0 =	vadd.f32 v1, v0;
	_ =	sdelay $0x1  }
0x24b: {  	s26 =	sor.u32 $0x1C40, s21;
	[tilespmem:s25+$0x8000] =	vst v0  }
0x24c: {  	v0 =	vld [tilespmem:s26+$0x8000]  }
0x24d: {  	v1 =	vld [tilespmem:s26+$0x0];
	_ =	sdelay $0x4  }
0x24e: {  	v0 =	vadd.f32 v1, v0;
	_ =	sdelay $0x1  }
0x24f: {  	s28 =	sor.u32 $0x1C50, s21;
	[tilespmem:s26+$0x8000] =	vst v0  }
0x250: {  	v0 =	vld [tilespmem:s28+$0x8000]  }
0x251: {  	v1 =	vld [tilespmem:s28+$0x0];
	_ =	sdelay $0x4  }
0x252: {  	v0 =	vadd.f32 v1, v0;
	_ =	sdelay $0x1  }
0x253: {  	s29 =	sor.u32 $0x1C60, s21;
	[tilespmem:s28+$0x8000] =	vst v0  }
0x254: {  	v0 =	vld [tilespmem:s29+$0x8000]  }
0x255: {  	v1 =	vld [tilespmem:s29+$0x0];
	_ =	sdelay $0x4  }
0x256: {  	v0 =	vadd.f32 v1, v0;
	_ =	sdelay $0x1  }
0x257: {  	s21 =	sor.u32 $0x1C70, s21;
	[tilespmem:s29+$0x8000] =	vst v0  }
0x258: {  	v0 =	vld [tilespmem:s21+$0x8000]  }
0x259: {  	v1 =	vld [tilespmem:s21+$0x0];
	_ =	sdelay $0x4  }
0x25a: {  	v0 =	vadd.f32 v1, v0;
	_ =	sdelay $0x1  }
0x25b: {  	[tilespmem:s21+$0x8000] =	vst v0;
	s21 =	simm.s32 $0x0  }
0x25c: {  	[hbm4b:s8+s21] =	stream.linear.scatter [tilespmem:s14], [sflag:$0x5], $0x4000, $0x38;
	[tilespmem:$0xC000] =	vst v63  }
0x25d: {  	_ =	swait.ge [sflag:s19], $0x4000  }
0x25e: {  	[sflag:s19] =	ssyncset.done $0x0  }
0x25f: {  	[sflag:s19] =	ssyncadd.s32 $0xFFFFC000  }
0x260: {  	[tilespmem:s14], [sflag:$0x3] =	stream.linear.gather [hbm4b:s9+s21], $0x4000, $0x38;
	[tilespmem:$0xC000] =	vst v63  }
0x261: {  	s30 =	simm.s32 $0x0;
	_ =	swait.ge [sflag:s16], $0x4000  }
0x262: {  	s22 =	sand.u32 $0x2000, s30;
	s31 =	sand.u32 $0x380, s21;
	[sflag:s16] =	ssyncset.done $0x0  }
0x263: {  	s22 =	sor.u32 s31, s22;
	[sflag:s16] =	ssyncadd.s32 $0xFFFFC000  }
0x264: {  	v0 =	vld [tilespmem:s22+$0x4000]  }
0x265: {  	v1 =	vld [tilespmem:s22+$0x0]  }
0x266: {  	v2 =	vld [tilespmem:s22+$0x4010]  }
0x267: {  	v3 =	vld [tilespmem:s22+$0x10]  }
0x268: {  	v4 =	vld [tilespmem:s22+$0x4020]  }
0x269: {  	v5 =	vld [tilespmem:s22+$0x20]  }
0x26a: {  	v6 =	vld [tilespmem:s22+$0x4030]  }
0x26b: {  	v7 =	vld [tilespmem:s22+$0x30]  }
0x26c: {  	v8 =	vld [tilespmem:s22+$0x4040]  }
0x26d: {  	v9 =	vld [tilespmem:s22+$0x40]  }
0x26e: {  	v10 =	vld [tilespmem:s22+$0x4050]  }
0x26f: {  	v11 =	vld [tilespmem:s22+$0x50]  }
0x270: {  	v12 =	vld [tilespmem:s22+$0x4060]  }
0x271: {  	v13 =	vld [tilespmem:s22+$0x60]  }
0x272: {  	v14 =	vld [tilespmem:s22+$0x4070]  }
0x273: {  	v15 =	vld [tilespmem:s22+$0x70]  }
0x274: {  	v16 =	vld [tilespmem:s22+$0x4400]  }
0x275: {  	v17 =	vld [tilespmem:s22+$0x400]  }
0x276: {  	v18 =	vld [tilespmem:s22+$0x4410]  }
0x277: {  	v19 =	vld [tilespmem:s22+$0x410]  }
0x278: {  	v20 =	vld [tilespmem:s22+$0x4420]  }
0x279: {  	v21 =	vld [tilespmem:s22+$0x420]  }
0x27a: {  	v22 =	vld [tilespmem:s22+$0x4430]  }
0x27b: {  	v23 =	vld [tilespmem:s22+$0x430]  }
0x27c: {  	v24 =	vld [tilespmem:s22+$0x4440]  }
0x27d: {  	v25 =	vld [tilespmem:s22+$0x440]  }
0x27e: {  	v26 =	vld [tilespmem:s22+$0x4450]  }
0x27f: {  	v27 =	vld [tilespmem:s22+$0x450]  }
0x280: {  	v28 =	vld [tilespmem:s22+$0x4460]  }
0x281: {  	v29 =	vld [tilespmem:s22+$0x460]  }
0x282: {  	v30 =	vld [tilespmem:s22+$0x4470]  }
0x283: {  	v31 =	vld [tilespmem:s22+$0x470]  }
0x284: {  	v32 =	vld [tilespmem:s22+$0x4800]  }
0x285: {  	v33 =	vld [tilespmem:s22+$0x800]  }
0x286: {  	v34 =	vld [tilespmem:s22+$0x4810]  }
0x287: {  	v35 =	vld [tilespmem:s22+$0x810]  }
0x288: {  	v36 =	vld [tilespmem:s22+$0x4820]  }
0x289: {  	v37 =	vld [tilespmem:s22+$0x820]  }
0x28a: {  	v38 =	vld [tilespmem:s22+$0x4830]  }
0x28b: {  	v39 =	vld [tilespmem:s22+$0x830]  }
0x28c: {  	v40 =	vld [tilespmem:s22+$0x4840]  }
0x28d: {  	v41 =	vld [tilespmem:s22+$0x840]  }
0x28e: {  	v42 =	vld [tilespmem:s22+$0x4850]  }
0x28f: {  	v43 =	vld [tilespmem:s22+$0x850]  }
0x290: {  	v44 =	vld [tilespmem:s22+$0x4860]  }
0x291: {  	v45 =	vld [tilespmem:s22+$0x860]  }
0x292: {  	v46 =	vld [tilespmem:s22+$0x4870]  }
0x293: {  	v47 =	vld [tilespmem:s22+$0x870]  }
0x294: {  	v48 =	vld [tilespmem:s22+$0x4C00]  }
0x295: {  	v49 =	vld [tilespmem:s22+$0xC00]  }
0x296: {  	v50 =	vld [tilespmem:s22+$0x4C10]  }
0x297: {  	v51 =	vld [tilespmem:s22+$0xC10]  }
0x298: {  	v52 =	vld [tilespmem:s22+$0x4C20]  }
0x299: {  	v53 =	vld [tilespmem:s22+$0xC20]  }
0x29a: {  	v54 =	vld [tilespmem:s22+$0x4C30]  }
0x29b: {  	v55 =	vld [tilespmem:s22+$0xC30]  }
0x29c: {  	v56 =	vld [tilespmem:s22+$0x4C40]  }
0x29d: {  	v57 =	vld [tilespmem:s22+$0xC40]  }
0x29e: {  	v58 =	vld [tilespmem:s22+$0x4C50]  }
0x29f: {  	v59 =	vld [tilespmem:s22+$0xC50]  }
0x2a0: {  	v60 =	vld [tilespmem:s22+$0x4C60]  }
0x2a1: {  	v61 =	vld [tilespmem:s22+$0x4C70];
	v0 =	vadd.f32 v1, v0  }
0x2a2: {  	v63 =	vld [tilespmem:s22+$0x5420];
	v2 =	vadd.f32 v3, v2  }
0x2a3: {  	v1 =	vld [tilespmem:s22+$0xC60];
	v3 =	vadd.f32 v5, v4;
	[tilespmem:s22+$0x4000] =	vst v0  }
0x2a4: {  	v4 =	vadd.f32 v7, v6;
	v6 =	vld [tilespmem:s22+$0x5020];
	[tilespmem:s22+$0x4010] =	vst v2  }
0x2a5: {  	v5 =	vadd.f32 v9, v8;
	v7 =	vld [tilespmem:s22+$0x1020];
	[tilespmem:s22+$0x4020] =	vst v3  }
0x2a6: {  	v11 =	vadd.f32 v11, v10;
	v8 =	vld [tilespmem:s22+$0x5030];
	[tilespmem:s22+$0x4030] =	vst v4  }
0x2a7: {  	v13 =	vadd.f32 v13, v12;
	v9 =	vld [tilespmem:s22+$0x1030];
	[tilespmem:s22+$0x4040] =	vst v5  }
0x2a8: {  	v15 =	vadd.f32 v15, v14;
	v10 =	vld [tilespmem:s22+$0x5040];
	[tilespmem:s22+$0x4050] =	vst v11  }
0x2a9: {  	v17 =	vadd.f32 v17, v16;
	v12 =	vld [tilespmem:s22+$0x5050];
	[tilespmem:s22+$0x4060] =	vst v13  }
0x2aa: {  	v19 =	vadd.f32 v19, v18;
	v14 =	vld [tilespmem:s22+$0x5060];
	[tilespmem:s22+$0x4070] =	vst v15  }
0x2ab: {  	v21 =	vadd.f32 v21, v20;
	v16 =	vld [tilespmem:s22+$0x5070];
	[tilespmem:s22+$0x4400] =	vst v17  }
0x2ac: {  	v23 =	vadd.f32 v23, v22;
	v25 =	vadd.f32 v25, v24;
	v18 =	vld [tilespmem:s22+$0x5400];
	[tilespmem:s22+$0x4410] =	vst v19  }
0x2ad: {  	v27 =	vadd.f32 v27, v26;
	v29 =	vadd.f32 v29, v28;
	v20 =	vld [tilespmem:s22+$0x5410];
	[tilespmem:s22+$0x4420] =	vst v21  }
0x2ae: {  	v31 =	vadd.f32 v31, v30;
	v62 =	vadd.f32 v45, v44;
	v45 =	vld [tilespmem:s22+$0x1450];
	[tilespmem:s22+$0x4430] =	vst v23  }
0x2af: {  	v33 =	vadd.f32 v33, v32;
	v32 =	vadd.f32 v47, v46;
	v46 =	vld [tilespmem:s22+$0x5460];
	[tilespmem:s22+$0x4440] =	vst v25  }
0x2b0: {  	v35 =	vadd.f32 v35, v34;
	v34 =	vadd.f32 v49, v48;
	v48 =	vld [tilespmem:s22+$0x5810];
	[tilespmem:s22+$0x4450] =	vst v27  }
0x2b1: {  	v49 =	vld [tilespmem:s22+$0x1810];
	[tilespmem:s22+$0x4460] =	vst v29  }
0x2b2: {  	v37 =	vadd.f32 v37, v36;
	v36 =	vadd.f32 v51, v50;
	v51 =	vld [tilespmem:s22+$0x5820];
	[tilespmem:s22+$0x4470] =	vst v31  }
0x2b3: {  	v39 =	vadd.f32 v39, v38;
	v38 =	vadd.f32 v53, v52;
	v52 =	vld [tilespmem:s22+$0x1820];
	[tilespmem:s22+$0x4800] =	vst v33  }
0x2b4: {  	v41 =	vadd.f32 v41, v40;
	v40 =	vadd.f32 v55, v54;
	v54 =	vld [tilespmem:s22+$0x5830];
	[tilespmem:s22+$0x4810] =	vst v35  }
0x2b5: {  	v55 =	vld [tilespmem:s22+$0x1830];
	[tilespmem:s22+$0x4820] =	vst v37  }
0x2b6: {  	v43 =	vadd.f32 v43, v42;
	v44 =	vadd.f32 v59, v58;
	v58 =	vld [tilespmem:s22+$0x5850];
	[tilespmem:s22+$0x4830] =	vst v39  }
0x2b7: {  	v0 =	vld [tilespmem:s22+$0xC70];
	[tilespmem:s22+$0x4840] =	vst v41  }
0x2b8: {  	v2 =	vld [tilespmem:s22+$0x5000];
	[tilespmem:s22+$0x4850] =	vst v43  }
0x2b9: {  	v3 =	vld [tilespmem:s22+$0x1000];
	[tilespmem:s22+$0x4860] =	vst v62  }
0x2ba: {  	v4 =	vld [tilespmem:s22+$0x5010];
	[tilespmem:s22+$0x4870] =	vst v32  }
0x2bb: {  	v11 =	vld [tilespmem:s22+$0x1040];
	[tilespmem:s22+$0x4C00] =	vst v34  }
0x2bc: {  	v15 =	vld [tilespmem:s22+$0x1060];
	[tilespmem:s22+$0x4C10] =	vst v36  }
0x2bd: {  	v42 =	vadd.f32 v57, v56;
	v19 =	vld [tilespmem:s22+$0x1400];
	[tilespmem:s22+$0x4C20] =	vst v38  }
0x2be: {  	v33 =	vld [tilespmem:s22+$0x1420];
	[tilespmem:s22+$0x4C30] =	vst v40  }
0x2bf: {  	v35 =	vld [tilespmem:s22+$0x5430];
	[tilespmem:s22+$0x4C40] =	vst v42;
	v1 =	vadd.f32 v1, v60  }
0x2c0: {  	v37 =	vld [tilespmem:s22+$0x1430];
	[tilespmem:s22+$0x4C50] =	vst v44;
	v0 =	vadd.f32 v0, v61  }
0x2c1: {  	v39 =	vld [tilespmem:s22+$0x5440];
	[tilespmem:s22+$0x4C60] =	vst v1;
	v2 =	vadd.f32 v3, v2  }
0x2c2: {  	v41 =	vld [tilespmem:s22+$0x1440];
	v47 =	vadd.f32 v11, v10;
	[tilespmem:s22+$0x4C70] =	vst v0  }
0x2c3: {  	v5 =	vld [tilespmem:s22+$0x1010];
	v50 =	vadd.f32 v15, v14;
	[tilespmem:s22+$0x5000] =	vst v2  }
0x2c4: {  	v13 =	vld [tilespmem:s22+$0x1050];
	v53 =	vadd.f32 v19, v18;
	[tilespmem:s22+$0x5040] =	vst v47  }
0x2c5: {  	v43 =	vld [tilespmem:s22+$0x5450];
	v56 =	vadd.f32 v33, v63;
	[tilespmem:s22+$0x5060] =	vst v50  }
0x2c6: {  	v17 =	vld [tilespmem:s22+$0x1070];
	v57 =	vadd.f32 v37, v35;
	[tilespmem:s22+$0x5400] =	vst v53  }
0x2c7: {  	v1 =	vld [tilespmem:s22+$0x1460];
	v59 =	vadd.f32 v41, v39;
	[tilespmem:s22+$0x5420] =	vst v56  }
0x2c8: {  	v3 =	vld [tilespmem:s22+$0x5470];
	v0 =	vadd.f32 v5, v4;
	[tilespmem:s22+$0x5430] =	vst v57  }
0x2c9: {  	v2 =	vld [tilespmem:s22+$0x1470];
	v4 =	vadd.f32 v7, v6;
	[tilespmem:s22+$0x5440] =	vst v59  }
0x2ca: {  	v61 =	vadd.f32 v45, v43;
	v5 =	vld [tilespmem:s22+$0x5800];
	[tilespmem:s22+$0x5010] =	vst v0  }
0x2cb: {  	v0 =	vadd.f32 v9, v8;
	[tilespmem:s22+$0x5020] =	vst v4;
	v4 =	vld [tilespmem:s22+$0x1800]  }
0x2cc: {  	v21 =	vld [tilespmem:s22+$0x1410];
	[tilespmem:s22+$0x5450] =	vst v61;
	v1 =	vadd.f32 v1, v46  }
0x2cd: {  	v62 =	vld [tilespmem:s22+$0x5860];
	[tilespmem:s22+$0x5030] =	vst v0;
	v0 =	vadd.f32 v13, v12  }
0x2ce: {  	v60 =	vld [tilespmem:s22+$0x1850];
	v2 =	vadd.f32 v2, v3;
	[tilespmem:s22+$0x5460] =	vst v1  }
0x2cf: {  	v63 =	vld [tilespmem:s22+$0x1860];
	[tilespmem:s22+$0x5050] =	vst v0;
	v0 =	vadd.f32 v17, v16  }
0x2d0: {  	v3 =	vld [tilespmem:s22+$0x5870];
	v1 =	vadd.f32 v4, v5;
	[tilespmem:s22+$0x5470] =	vst v2  }
0x2d1: {  	v4 =	vld [tilespmem:s22+$0x1870];
	[tilespmem:s22+$0x5070] =	vst v0;
	v0 =	vadd.f32 v21, v20  }
0x2d2: {  	v2 =	vadd.f32 v49, v48;
	[tilespmem:s22+$0x5800] =	vst v1;
	v1 =	vld [tilespmem:s22+$0x1840]  }
0x2d3: {  	v5 =	vadd.f32 v52, v51;
	[tilespmem:s22+$0x5410] =	vst v0;
	v0 =	vld [tilespmem:s22+$0x5840]  }
0x2d4: {  	[tilespmem:s22+$0x5810] =	vst v2;
	v2 =	vadd.f32 v55, v54  }
0x2d5: {  	[tilespmem:s22+$0x5820] =	vst v5;
	v5 =	vadd.f32 v60, v58  }
0x2d6: {  	s23 =	simm.s32 $0xFFFFC000;
	s24 =	sand.u32 $0x7, s21;
	[tilespmem:s22+$0x5830] =	vst v2;
	v2 =	vadd.f32 v63, v62  }
0x2d7: {  	s25 =	simm.s32 $0x0;
	s26 =	sshll.u32 s24, $0x7;
	s24 =	simm.s32 $0x80;
	[tilespmem:s22+$0x5850] =	vst v5;
	v3 =	vadd.f32 v4, v3  }
.LBB2_6:
0x2d8: {  	p0 =	sne.s32 s24, $0x780;
	s26 =	sadd.s32 s26, s21;
	v0 =	vadd.f32 v1, v0;
	[tilespmem:s22+$0x5860] =	vst v2;
	s23 =	sadd.s32 $0x400, s23  }
0x2d9: {  	s28 =	sadd.s32 $0x4000, s23;
	[tilespmem:s22+$0x5870] =	vst v3;
	s29 =	sor.u32 $0x1C00, s26  }
0x2da: {  	s30 =	sand.u32 $0x380, s24;
	s28 =	sand.u32 $0x2000, s28;
	[tilespmem:s22+$0x5840] =	vst v0;
	v4 =	vld [tilespmem:s29+$0x4000]  }
0x2db: {  	s22 =	sor.u32 s30, s28;
	v6 =	vld [tilespmem:s29+$0x0]  }
0x2dc: {  	v0 =	vld [tilespmem:s22+$0x4000]  }
0x2dd: {  	v3 =	vld [tilespmem:s22+$0x0]  }
0x2de: {  	v1 =	vld [tilespmem:s22+$0x4010]  }
0x2df: {  	v5 =	vld [tilespmem:s22+$0x10]  }
0x2e0: {  	v2 =	vld [tilespmem:s22+$0x4020];
	v7 =	vadd.f32 v6, v4  }
0x2e1: {  	v6 =	vld [tilespmem:s22+$0x20]  }
0x2e2: {  	s28 =	sor.u32 $0x1C10, s26;
	v4 =	vld [tilespmem:s22+$0x4030];
	[tilespmem:s29+$0x4000] =	vst v7  }
0x2e3: {  	v9 =	vld [tilespmem:s28+$0x4000]  }
0x2e4: {  	v13 =	vld [tilespmem:s28+$0x0]  }
0x2e5: {  	v10 =	vld [tilespmem:s22+$0x30]  }
0x2e6: {  	v7 =	vld [tilespmem:s22+$0x4040]  }
0x2e7: {  	v11 =	vld [tilespmem:s22+$0x40]  }
0x2e8: {  	v8 =	vld [tilespmem:s22+$0x4050]  }
0x2e9: {  	v12 =	vld [tilespmem:s22+$0x50];
	v14 =	vadd.f32 v13, v9  }
0x2ea: {  	v9 =	vld [tilespmem:s22+$0x4060]  }
0x2eb: {  	v13 =	vld [tilespmem:s22+$0x60];
	[tilespmem:s28+$0x4000] =	vst v14;
	s28 =	sor.u32 $0x1C20, s26  }
0x2ec: {  	v17 =	vld [tilespmem:s28+$0x4000]  }
0x2ed: {  	v20 =	vld [tilespmem:s28+$0x0]  }
0x2ee: {  	v14 =	vld [tilespmem:s22+$0x4070]  }
0x2ef: {  	v18 =	vld [tilespmem:s22+$0x70]  }
0x2f0: {  	v15 =	vld [tilespmem:s22+$0x4400]  }
0x2f1: {  	v19 =	vld [tilespmem:s22+$0x400]  }
0x2f2: {  	v16 =	vld [tilespmem:s22+$0x4410];
	v21 =	vadd.f32 v20, v17  }
0x2f3: {  	v20 =	vld [tilespmem:s22+$0x410]  }
0x2f4: {  	v17 =	vld [tilespmem:s22+$0x4420];
	[tilespmem:s28+$0x4000] =	vst v21;
	s28 =	sor.u32 $0x1C30, s26  }
0x2f5: {  	v23 =	vld [tilespmem:s28+$0x4000]  }
0x2f6: {  	v27 =	vld [tilespmem:s28+$0x0]  }
0x2f7: {  	v24 =	vld [tilespmem:s22+$0x420]  }
0x2f8: {  	v21 =	vld [tilespmem:s22+$0x4430]  }
0x2f9: {  	v25 =	vld [tilespmem:s22+$0x430]  }
0x2fa: {  	v22 =	vld [tilespmem:s22+$0x4440]  }
0x2fb: {  	v26 =	vld [tilespmem:s22+$0x440];
	v28 =	vadd.f32 v27, v23  }
0x2fc: {  	v23 =	vld [tilespmem:s22+$0x4450]  }
0x2fd: {  	v27 =	vld [tilespmem:s22+$0x450];
	[tilespmem:s28+$0x4000] =	vst v28;
	s28 =	sor.u32 $0x1C40, s26  }
0x2fe: {  	v31 =	vld [tilespmem:s28+$0x4000]  }
0x2ff: {  	v34 =	vld [tilespmem:s28+$0x0]  }
0x300: {  	v28 =	vld [tilespmem:s22+$0x4460]  }
0x301: {  	v32 =	vld [tilespmem:s22+$0x460]  }
0x302: {  	v29 =	vld [tilespmem:s22+$0x4470]  }
0x303: {  	v33 =	vld [tilespmem:s22+$0x470]  }
0x304: {  	v30 =	vld [tilespmem:s22+$0x4800];
	v35 =	vadd.f32 v34, v31  }
0x305: {  	v34 =	vld [tilespmem:s22+$0x800]  }
0x306: {  	v31 =	vld [tilespmem:s22+$0x4810];
	[tilespmem:s28+$0x4000] =	vst v35;
	s28 =	sor.u32 $0x1C50, s26  }
0x307: {  	v37 =	vld [tilespmem:s28+$0x4000]  }
0x308: {  	v41 =	vld [tilespmem:s28+$0x0]  }
0x309: {  	v38 =	vld [tilespmem:s22+$0x810]  }
0x30a: {  	v35 =	vld [tilespmem:s22+$0x4820]  }
0x30b: {  	v39 =	vld [tilespmem:s22+$0x820]  }
0x30c: {  	v36 =	vld [tilespmem:s22+$0x4830]  }
0x30d: {  	v40 =	vld [tilespmem:s22+$0x830];
	v42 =	vadd.f32 v41, v37  }
0x30e: {  	v37 =	vld [tilespmem:s22+$0x4840]  }
0x30f: {  	v41 =	vld [tilespmem:s22+$0x840];
	[tilespmem:s28+$0x4000] =	vst v42;
	s28 =	sor.u32 $0x1C60, s26  }
0x310: {  	v45 =	vld [tilespmem:s28+$0x4000]  }
0x311: {  	v46 =	vld [tilespmem:s28+$0x0]  }
0x312: {  	v42 =	vld [tilespmem:s22+$0x4850]  }
0x313: {  	v47 =	vld [tilespmem:s22+$0x850]  }
0x314: {  	v43 =	vld [tilespmem:s22+$0x4860]  }
0x315: {  	v48 =	vld [tilespmem:s22+$0x860]  }
0x316: {  	v44 =	vld [tilespmem:s22+$0x4870];
	v46 =	vadd.f32 v46, v45  }
0x317: {  	v49 =	vld [tilespmem:s22+$0x870]  }
0x318: {  	s26 =	sor.u32 $0x1C70, s26;
	v45 =	vld [tilespmem:s22+$0x4C00];
	[tilespmem:s28+$0x4000] =	vst v46  }
0x319: {  	v46 =	vld [tilespmem:s26+$0x4000]  }
0x31a: {  	v50 =	vld [tilespmem:s26+$0x0]  }
0x31b: {  	v51 =	vld [tilespmem:s22+$0xC00]  }
0x31c: {  	v52 =	vld [tilespmem:s22+$0x4C10]  }
0x31d: {  	v53 =	vld [tilespmem:s22+$0xC10]  }
0x31e: {  	v54 =	vld [tilespmem:s22+$0x4C20]  }
0x31f: {  	v55 =	vld [tilespmem:s22+$0xC20];
	v46 =	vadd.f32 v50, v46  }
0x320: {  	v50 =	vld [tilespmem:s22+$0x4C30]  }
0x321: {  	v56 =	vld [tilespmem:s22+$0xC30];
	[tilespmem:s26+$0x4000] =	vst v46  }
0x322: {  	v46 =	vld [tilespmem:s22+$0x4C40]  }
0x323: {  	v57 =	vld [tilespmem:s22+$0xC40]  }
0x324: {  	v58 =	vld [tilespmem:s22+$0x4C50]  }
0x325: {  	v59 =	vld [tilespmem:s22+$0xC50]  }
0x326: {  	v60 =	vld [tilespmem:s22+$0x4C60]  }
0x327: {  	v0 =	vadd.f32 v3, v0;
	v3 =	vld [tilespmem:s22+$0xC60]  }
0x328: {  	v1 =	vadd.f32 v5, v1;
	v5 =	vld [tilespmem:s22+$0x4C70]  }
0x329: {  	[tilespmem:s22+$0x4000] =	vst v0;
	v0 =	vadd.f32 v6, v2;
	v2 =	vld [tilespmem:s22+$0xC70]  }
0x32a: {  	[tilespmem:s22+$0x4010] =	vst v1;
	v1 =	vadd.f32 v10, v4;
	v4 =	vld [tilespmem:s22+$0x5000]  }
0x32b: {  	[tilespmem:s22+$0x4020] =	vst v0;
	v0 =	vadd.f32 v11, v7;
	v6 =	vld [tilespmem:s22+$0x1000]  }
0x32c: {  	[tilespmem:s22+$0x4030] =	vst v1;
	v1 =	vadd.f32 v12, v8;
	v7 =	vld [tilespmem:s22+$0x5010]  }
0x32d: {  	[tilespmem:s22+$0x4040] =	vst v0;
	v0 =	vadd.f32 v13, v9;
	v8 =	vld [tilespmem:s22+$0x1010]  }
0x32e: {  	[tilespmem:s22+$0x4050] =	vst v1;
	v1 =	vadd.f32 v18, v14;
	v9 =	vld [tilespmem:s22+$0x5020]  }
0x32f: {  	[tilespmem:s22+$0x4060] =	vst v0;
	v0 =	vadd.f32 v19, v15;
	v10 =	vld [tilespmem:s22+$0x1020]  }
0x330: {  	[tilespmem:s22+$0x4070] =	vst v1;
	v1 =	vadd.f32 v20, v16;
	v11 =	vld [tilespmem:s22+$0x5030]  }
0x331: {  	[tilespmem:s22+$0x4400] =	vst v0;
	v0 =	vadd.f32 v24, v17;
	v12 =	vld [tilespmem:s22+$0x1030]  }
0x332: {  	[tilespmem:s22+$0x4410] =	vst v1;
	v1 =	vadd.f32 v25, v21;
	v13 =	vld [tilespmem:s22+$0x5040]  }
0x333: {  	[tilespmem:s22+$0x4420] =	vst v0;
	v0 =	vadd.f32 v26, v22;
	v14 =	vld [tilespmem:s22+$0x1040]  }
0x334: {  	[tilespmem:s22+$0x4430] =	vst v1;
	v1 =	vadd.f32 v27, v23;
	v15 =	vld [tilespmem:s22+$0x5050]  }
0x335: {  	[tilespmem:s22+$0x4440] =	vst v0;
	v0 =	vadd.f32 v32, v28;
	v16 =	vld [tilespmem:s22+$0x1050]  }
0x336: {  	[tilespmem:s22+$0x4450] =	vst v1;
	v1 =	vadd.f32 v33, v29;
	v17 =	vld [tilespmem:s22+$0x5060]  }
0x337: {  	[tilespmem:s22+$0x4460] =	vst v0;
	v0 =	vadd.f32 v34, v30;
	v18 =	vld [tilespmem:s22+$0x1060]  }
0x338: {  	[tilespmem:s22+$0x4470] =	vst v1;
	v1 =	vadd.f32 v38, v31;
	v19 =	vld [tilespmem:s22+$0x5070]  }
0x339: {  	[tilespmem:s22+$0x4800] =	vst v0;
	v0 =	vadd.f32 v39, v35;
	v20 =	vld [tilespmem:s22+$0x1070]  }
0x33a: {  	[tilespmem:s22+$0x4810] =	vst v1;
	v1 =	vadd.f32 v40, v36;
	v21 =	vld [tilespmem:s22+$0x5400]  }
0x33b: {  	[tilespmem:s22+$0x4820] =	vst v0;
	v0 =	vadd.f32 v41, v37;
	v22 =	vld [tilespmem:s22+$0x1400]  }
0x33c: {  	[tilespmem:s22+$0x4830] =	vst v1;
	v1 =	vadd.f32 v47, v42;
	v23 =	vld [tilespmem:s22+$0x5410]  }
0x33d: {  	[tilespmem:s22+$0x4840] =	vst v0;
	v0 =	vadd.f32 v48, v43;
	v24 =	vld [tilespmem:s22+$0x1410]  }
0x33e: {  	[tilespmem:s22+$0x4850] =	vst v1;
	v1 =	vadd.f32 v49, v44;
	v25 =	vld [tilespmem:s22+$0x5420]  }
0x33f: {  	[tilespmem:s22+$0x4860] =	vst v0;
	v0 =	vadd.f32 v51, v45;
	v26 =	vld [tilespmem:s22+$0x1420]  }
0x340: {  	[tilespmem:s22+$0x4870] =	vst v1;
	v1 =	vadd.f32 v53, v52;
	v27 =	vld [tilespmem:s22+$0x5430]  }
0x341: {  	[tilespmem:s22+$0x4C00] =	vst v0;
	v0 =	vadd.f32 v55, v54;
	v28 =	vld [tilespmem:s22+$0x1430]  }
0x342: {  	[tilespmem:s22+$0x4C10] =	vst v1;
	v1 =	vadd.f32 v56, v50;
	v29 =	vld [tilespmem:s22+$0x5440]  }
0x343: {  	[tilespmem:s22+$0x4C20] =	vst v0;
	v0 =	vadd.f32 v57, v46;
	v30 =	vld [tilespmem:s22+$0x1440]  }
0x344: {  	[tilespmem:s22+$0x4C30] =	vst v1;
	v1 =	vadd.f32 v59, v58;
	v31 =	vld [tilespmem:s22+$0x5450]  }
0x345: {  	[tilespmem:s22+$0x4C40] =	vst v0;
	v0 =	vadd.f32 v3, v60;
	v3 =	vld [tilespmem:s22+$0x1450]  }
0x346: {  	[tilespmem:s22+$0x4C50] =	vst v1;
	v1 =	vadd.f32 v2, v5;
	v2 =	vld [tilespmem:s22+$0x5460]  }
0x347: {  	[tilespmem:s22+$0x4C60] =	vst v0;
	v0 =	vadd.f32 v6, v4;
	v4 =	vld [tilespmem:s22+$0x1460]  }
0x348: {  	[tilespmem:s22+$0x4C70] =	vst v1;
	v1 =	vadd.f32 v8, v7;
	v5 =	vld [tilespmem:s22+$0x5470]  }
0x349: {  	[tilespmem:s22+$0x5000] =	vst v0;
	v0 =	vadd.f32 v10, v9;
	v6 =	vld [tilespmem:s22+$0x1470]  }
0x34a: {  	[tilespmem:s22+$0x5010] =	vst v1;
	v1 =	vadd.f32 v12, v11;
	v7 =	vld [tilespmem:s22+$0x5800]  }
0x34b: {  	[tilespmem:s22+$0x5020] =	vst v0;
	v0 =	vadd.f32 v14, v13;
	v8 =	vld [tilespmem:s22+$0x1800]  }
0x34c: {  	[tilespmem:s22+$0x5030] =	vst v1;
	v1 =	vadd.f32 v16, v15;
	v9 =	vld [tilespmem:s22+$0x5810]  }
0x34d: {  	[tilespmem:s22+$0x5040] =	vst v0;
	v0 =	vadd.f32 v18, v17;
	v10 =	vld [tilespmem:s22+$0x1810]  }
0x34e: {  	[tilespmem:s22+$0x5050] =	vst v1;
	v1 =	vadd.f32 v20, v19;
	v11 =	vld [tilespmem:s22+$0x5820]  }
0x34f: {  	[tilespmem:s22+$0x5060] =	vst v0;
	v0 =	vadd.f32 v22, v21;
	v12 =	vld [tilespmem:s22+$0x1820]  }
0x350: {  	[tilespmem:s22+$0x5070] =	vst v1;
	v1 =	vadd.f32 v24, v23;
	v13 =	vld [tilespmem:s22+$0x5830]  }
0x351: {  	v14 =	vadd.f32 v26, v25;
	[tilespmem:s22+$0x5400] =	vst v0;
	v15 =	vld [tilespmem:s22+$0x1830]  }
0x352: {  	[tilespmem:s22+$0x5410] =	vst v1;
	v1 =	vadd.f32 v28, v27;
	v0 =	vld [tilespmem:s22+$0x5840]  }
0x353: {  	[tilespmem:s22+$0x5420] =	vst v14;
	v14 =	vadd.f32 v30, v29;
	v16 =	vld [tilespmem:s22+$0x5850]  }
0x354: {  	[tilespmem:s22+$0x5430] =	vst v1;
	v1 =	vadd.f32 v3, v31;
	v3 =	vld [tilespmem:s22+$0x1850]  }
0x355: {  	v2 =	vadd.f32 v4, v2;
	[tilespmem:s22+$0x5440] =	vst v14;
	v4 =	vld [tilespmem:s22+$0x5860]  }
0x356: {  	[tilespmem:s22+$0x5450] =	vst v1;
	v1 =	vadd.f32 v6, v5;
	v5 =	vld [tilespmem:s22+$0x1860]  }
0x357: {  	[tilespmem:s22+$0x5460] =	vst v2;
	v2 =	vadd.f32 v8, v7;
	v6 =	vld [tilespmem:s22+$0x5870]  }
0x358: {  	v7 =	vadd.f32 v10, v9;
	[tilespmem:s22+$0x5470] =	vst v1;
	v8 =	vld [tilespmem:s22+$0x1870]  }
.Ltmp2:
0x359: {  	[tilespmem:s22+$0x5800] =	vst v2;
	v2 =	vadd.f32 v12, v11;
	v1 =	vld [tilespmem:s22+$0x1840];
	(pc) =	sbr.rel @p0 .LBB2_6-.Ltmp2, $4  }
0x35a: {  	[tilespmem:s22+$0x5810] =	vst v7;
	v7 =	vadd.f32 v15, v13  }
0x35b: {  	s25 =	sadd.s32 $0x1, s25;
	v3 =	vadd.f32 v3, v16;
	[tilespmem:s22+$0x5820] =	vst v2  }
0x35c: {  	s26 =	sand.u32 $0x7, s25;
	v2 =	vadd.f32 v5, v4;
	[tilespmem:s22+$0x5830] =	vst v7  }
0x35d: {  	s24 =	sadd.s32 $0x80, s24;
	s21 =	sadd.s32 $0x400, s21;
	s26 =	sshll.u32 s26, $0x7;
	[tilespmem:s22+$0x5850] =	vst v3;
	v3 =	vadd.f32 v8, v6  }
0x35e: {  	v0 =	vadd.f32 v1, v0;
	[tilespmem:s22+$0x5860] =	vst v2  }
0x35f: {  	s21 =	sadd.s32 s26, s21;
	[tilespmem:s22+$0x5870] =	vst v3  }
0x360: {  	s23 =	sor.u32 $0x1C00, s21;
	[tilespmem:s22+$0x5840] =	vst v0  }
0x361: {  	v0 =	vld [tilespmem:s23+$0x4000]  }
0x362: {  	v1 =	vld [tilespmem:s23+$0x0];
	_ =	sdelay $0x4  }
0x363: {  	v0 =	vadd.f32 v1, v0;
	_ =	sdelay $0x1  }
0x364: {  	[tilespmem:s23+$0x4000] =	vst v0;
	s23 =	sor.u32 $0x1C10, s21  }
0x365: {  	v0 =	vld [tilespmem:s23+$0x4000]  }
0x366: {  	v1 =	vld [tilespmem:s23+$0x0];
	_ =	sdelay $0x4  }
0x367: {  	v0 =	vadd.f32 v1, v0;
	_ =	sdelay $0x1  }
0x368: {  	s24 =	sor.u32 $0x1C20, s21;
	[tilespmem:s23+$0x4000] =	vst v0  }
0x369: {  	v0 =	vld [tilespmem:s24+$0x4000]  }
0x36a: {  	v1 =	vld [tilespmem:s24+$0x0];
	_ =	sdelay $0x4  }
0x36b: {  	v0 =	vadd.f32 v1, v0;
	_ =	sdelay $0x1  }
0x36c: {  	s25 =	sor.u32 $0x1C30, s21;
	[tilespmem:s24+$0x4000] =	vst v0  }
0x36d: {  	v0 =	vld [tilespmem:s25+$0x4000]  }
0x36e: {  	v1 =	vld [tilespmem:s25+$0x0];
	_ =	sdelay $0x4  }
0x36f: {  	v0 =	vadd.f32 v1, v0;
	_ =	sdelay $0x1  }
0x370: {  	s26 =	sor.u32 $0x1C40, s21;
	[tilespmem:s25+$0x4000] =	vst v0  }
0x371: {  	v0 =	vld [tilespmem:s26+$0x4000]  }
0x372: {  	v1 =	vld [tilespmem:s26+$0x0];
	_ =	sdelay $0x4  }
0x373: {  	v0 =	vadd.f32 v1, v0;
	_ =	sdelay $0x1  }
0x374: {  	s28 =	sor.u32 $0x1C50, s21;
	[tilespmem:s26+$0x4000] =	vst v0  }
0x375: {  	v0 =	vld [tilespmem:s28+$0x4000]  }
0x376: {  	v1 =	vld [tilespmem:s28+$0x0];
	_ =	sdelay $0x4  }
0x377: {  	v0 =	vadd.f32 v1, v0;
	_ =	sdelay $0x1  }
0x378: {  	s29 =	sor.u32 $0x1C60, s21;
	[tilespmem:s28+$0x4000] =	vst v0  }
0x379: {  	v0 =	vld [tilespmem:s29+$0x4000]  }
0x37a: {  	v1 =	vld [tilespmem:s29+$0x0];
	_ =	sdelay $0x4  }
0x37b: {  	v0 =	vadd.f32 v1, v0;
	_ =	sdelay $0x1  }
0x37c: {  	s21 =	sor.u32 $0x1C70, s21;
	[tilespmem:s29+$0x4000] =	vst v0  }
0x37d: {  	v0 =	vld [tilespmem:s21+$0x4000]  }
0x37e: {  	v1 =	vld [tilespmem:s21+$0x0];
	_ =	sdelay $0x4  }
0x37f: {  	v0 =	vadd.f32 v1, v0;
	_ =	sdelay $0x1  }
0x380: {  	[tilespmem:s21+$0x4000] =	vst v0;
	s21 =	simm.s32 $0x0  }
0x381: {  	[hbm4b:s10+s21] =	stream.linear.scatter [tilespmem:s13], [sflag:$0x4], $0x4000, $0x38;
	[tilespmem:$0xC000] =	vst v63  }
0x382: {  	s30 =	simm.s32 $0x0;
	_ =	swait.ge [sflag:s18], $0x4000  }
0x383: {  	s22 =	sand.u32 $0x2000, s30;
	s31 =	sand.u32 $0x380, s21;
	[sflag:s18] =	ssyncset.done $0x0  }
0x384: {  	s22 =	sor.u32 s31, s22;
	[sflag:s18] =	ssyncadd.s32 $0xFFFFC000  }
0x385: {  	v0 =	vld [tilespmem:s22+$0x8000]  }
0x386: {  	v1 =	vld [tilespmem:s22+$0x0]  }
0x387: {  	v2 =	vld [tilespmem:s22+$0x8010]  }
0x388: {  	v3 =	vld [tilespmem:s22+$0x10]  }
0x389: {  	v4 =	vld [tilespmem:s22+$0x8020]  }
0x38a: {  	v5 =	vld [tilespmem:s22+$0x20]  }
0x38b: {  	v6 =	vld [tilespmem:s22+$0x8030]  }
0x38c: {  	v7 =	vld [tilespmem:s22+$0x30]  }
0x38d: {  	v8 =	vld [tilespmem:s22+$0x8040]  }
0x38e: {  	v9 =	vld [tilespmem:s22+$0x40]  }
0x38f: {  	v10 =	vld [tilespmem:s22+$0x8050]  }
0x390: {  	v11 =	vld [tilespmem:s22+$0x50]  }
0x391: {  	v12 =	vld [tilespmem:s22+$0x8060]  }
0x392: {  	v13 =	vld [tilespmem:s22+$0x60]  }
0x393: {  	v14 =	vld [tilespmem:s22+$0x8070]  }
0x394: {  	v15 =	vld [tilespmem:s22+$0x70]  }
0x395: {  	v16 =	vld [tilespmem:s22+$0x8400]  }
0x396: {  	v17 =	vld [tilespmem:s22+$0x400]  }
0x397: {  	v18 =	vld [tilespmem:s22+$0x8410]  }
0x398: {  	v19 =	vld [tilespmem:s22+$0x410]  }
0x399: {  	v20 =	vld [tilespmem:s22+$0x8420]  }
0x39a: {  	v21 =	vld [tilespmem:s22+$0x420]  }
0x39b: {  	v22 =	vld [tilespmem:s22+$0x8430]  }
0x39c: {  	v23 =	vld [tilespmem:s22+$0x430]  }
0x39d: {  	v24 =	vld [tilespmem:s22+$0x8440]  }
0x39e: {  	v25 =	vld [tilespmem:s22+$0x440]  }
0x39f: {  	v26 =	vld [tilespmem:s22+$0x8450]  }
0x3a0: {  	v27 =	vld [tilespmem:s22+$0x450]  }
0x3a1: {  	v28 =	vld [tilespmem:s22+$0x8460]  }
0x3a2: {  	v29 =	vld [tilespmem:s22+$0x460]  }
0x3a3: {  	v30 =	vld [tilespmem:s22+$0x8470]  }
0x3a4: {  	v31 =	vld [tilespmem:s22+$0x470]  }
0x3a5: {  	v32 =	vld [tilespmem:s22+$0x8800]  }
0x3a6: {  	v33 =	vld [tilespmem:s22+$0x800]  }
0x3a7: {  	v34 =	vld [tilespmem:s22+$0x8810]  }
0x3a8: {  	v35 =	vld [tilespmem:s22+$0x810]  }
0x3a9: {  	v36 =	vld [tilespmem:s22+$0x8820]  }
0x3aa: {  	v37 =	vld [tilespmem:s22+$0x820]  }
0x3ab: {  	v38 =	vld [tilespmem:s22+$0x8830]  }
0x3ac: {  	v39 =	vld [tilespmem:s22+$0x830]  }
0x3ad: {  	v40 =	vld [tilespmem:s22+$0x8840]  }
0x3ae: {  	v41 =	vld [tilespmem:s22+$0x840]  }
0x3af: {  	v42 =	vld [tilespmem:s22+$0x8850]  }
0x3b0: {  	v43 =	vld [tilespmem:s22+$0x850]  }
0x3b1: {  	v44 =	vld [tilespmem:s22+$0x8860]  }
0x3b2: {  	v45 =	vld [tilespmem:s22+$0x860]  }
0x3b3: {  	v46 =	vld [tilespmem:s22+$0x8870]  }
0x3b4: {  	v47 =	vld [tilespmem:s22+$0x870]  }
0x3b5: {  	v48 =	vld [tilespmem:s22+$0x8C00]  }
0x3b6: {  	v49 =	vld [tilespmem:s22+$0xC00]  }
0x3b7: {  	v50 =	vld [tilespmem:s22+$0x8C10]  }
0x3b8: {  	v51 =	vld [tilespmem:s22+$0xC10]  }
0x3b9: {  	v52 =	vld [tilespmem:s22+$0x8C20]  }
0x3ba: {  	v53 =	vld [tilespmem:s22+$0xC20]  }
0x3bb: {  	v54 =	vld [tilespmem:s22+$0x8C30]  }
0x3bc: {  	v55 =	vld [tilespmem:s22+$0xC30]  }
0x3bd: {  	v56 =	vld [tilespmem:s22+$0x8C40]  }
0x3be: {  	v57 =	vld [tilespmem:s22+$0xC40]  }
0x3bf: {  	v58 =	vld [tilespmem:s22+$0x8C50]  }
0x3c0: {  	v59 =	vld [tilespmem:s22+$0xC50]  }
0x3c1: {  	v60 =	vld [tilespmem:s22+$0x8C60]  }
0x3c2: {  	v61 =	vld [tilespmem:s22+$0x8C70];
	v0 =	vadd.f32 v1, v0  }
0x3c3: {  	v63 =	vld [tilespmem:s22+$0x9420];
	v2 =	vadd.f32 v3, v2  }
0x3c4: {  	v1 =	vld [tilespmem:s22+$0xC60];
	v3 =	vadd.f32 v5, v4;
	[tilespmem:s22+$0x8000] =	vst v0  }
0x3c5: {  	v4 =	vadd.f32 v7, v6;
	v6 =	vld [tilespmem:s22+$0x9020];
	[tilespmem:s22+$0x8010] =	vst v2  }
0x3c6: {  	v5 =	vadd.f32 v9, v8;
	v7 =	vld [tilespmem:s22+$0x1020];
	[tilespmem:s22+$0x8020] =	vst v3  }
0x3c7: {  	v11 =	vadd.f32 v11, v10;
	v8 =	vld [tilespmem:s22+$0x9030];
	[tilespmem:s22+$0x8030] =	vst v4  }
0x3c8: {  	v13 =	vadd.f32 v13, v12;
	v9 =	vld [tilespmem:s22+$0x1030];
	[tilespmem:s22+$0x8040] =	vst v5  }
0x3c9: {  	v15 =	vadd.f32 v15, v14;
	v10 =	vld [tilespmem:s22+$0x9040];
	[tilespmem:s22+$0x8050] =	vst v11  }
0x3ca: {  	v17 =	vadd.f32 v17, v16;
	v12 =	vld [tilespmem:s22+$0x9050];
	[tilespmem:s22+$0x8060] =	vst v13  }
0x3cb: {  	v19 =	vadd.f32 v19, v18;
	v14 =	vld [tilespmem:s22+$0x9060];
	[tilespmem:s22+$0x8070] =	vst v15  }
0x3cc: {  	v21 =	vadd.f32 v21, v20;
	v16 =	vld [tilespmem:s22+$0x9070];
	[tilespmem:s22+$0x8400] =	vst v17  }
0x3cd: {  	v23 =	vadd.f32 v23, v22;
	v25 =	vadd.f32 v25, v24;
	v18 =	vld [tilespmem:s22+$0x9400];
	[tilespmem:s22+$0x8410] =	vst v19  }
0x3ce: {  	v27 =	vadd.f32 v27, v26;
	v29 =	vadd.f32 v29, v28;
	v20 =	vld [tilespmem:s22+$0x9410];
	[tilespmem:s22+$0x8420] =	vst v21  }
0x3cf: {  	v31 =	vadd.f32 v31, v30;
	v62 =	vadd.f32 v45, v44;
	v45 =	vld [tilespmem:s22+$0x1450];
	[tilespmem:s22+$0x8430] =	vst v23  }
0x3d0: {  	v33 =	vadd.f32 v33, v32;
	v32 =	vadd.f32 v47, v46;
	v46 =	vld [tilespmem:s22+$0x9460];
	[tilespmem:s22+$0x8440] =	vst v25  }
0x3d1: {  	v35 =	vadd.f32 v35, v34;
	v34 =	vadd.f32 v49, v48;
	v48 =	vld [tilespmem:s22+$0x9810];
	[tilespmem:s22+$0x8450] =	vst v27  }
0x3d2: {  	v49 =	vld [tilespmem:s22+$0x1810];
	[tilespmem:s22+$0x8460] =	vst v29  }
0x3d3: {  	v37 =	vadd.f32 v37, v36;
	v36 =	vadd.f32 v51, v50;
	v51 =	vld [tilespmem:s22+$0x9820];
	[tilespmem:s22+$0x8470] =	vst v31  }
0x3d4: {  	v39 =	vadd.f32 v39, v38;
	v38 =	vadd.f32 v53, v52;
	v52 =	vld [tilespmem:s22+$0x1820];
	[tilespmem:s22+$0x8800] =	vst v33  }
0x3d5: {  	v41 =	vadd.f32 v41, v40;
	v40 =	vadd.f32 v55, v54;
	v54 =	vld [tilespmem:s22+$0x9830];
	[tilespmem:s22+$0x8810] =	vst v35  }
0x3d6: {  	v55 =	vld [tilespmem:s22+$0x1830];
	[tilespmem:s22+$0x8820] =	vst v37  }
0x3d7: {  	v43 =	vadd.f32 v43, v42;
	v44 =	vadd.f32 v59, v58;
	v58 =	vld [tilespmem:s22+$0x9850];
	[tilespmem:s22+$0x8830] =	vst v39  }
0x3d8: {  	v0 =	vld [tilespmem:s22+$0xC70];
	[tilespmem:s22+$0x8840] =	vst v41  }
0x3d9: {  	v2 =	vld [tilespmem:s22+$0x9000];
	[tilespmem:s22+$0x8850] =	vst v43  }
0x3da: {  	v3 =	vld [tilespmem:s22+$0x1000];
	[tilespmem:s22+$0x8860] =	vst v62  }
0x3db: {  	v4 =	vld [tilespmem:s22+$0x9010];
	[tilespmem:s22+$0x8870] =	vst v32  }
0x3dc: {  	v11 =	vld [tilespmem:s22+$0x1040];
	[tilespmem:s22+$0x8C00] =	vst v34  }
0x3dd: {  	v15 =	vld [tilespmem:s22+$0x1060];
	[tilespmem:s22+$0x8C10] =	vst v36  }
0x3de: {  	v42 =	vadd.f32 v57, v56;
	v19 =	vld [tilespmem:s22+$0x1400];
	[tilespmem:s22+$0x8C20] =	vst v38  }
0x3df: {  	v33 =	vld [tilespmem:s22+$0x1420];
	[tilespmem:s22+$0x8C30] =	vst v40  }
0x3e0: {  	v35 =	vld [tilespmem:s22+$0x9430];
	[tilespmem:s22+$0x8C40] =	vst v42;
	v1 =	vadd.f32 v1, v60  }
0x3e1: {  	v37 =	vld [tilespmem:s22+$0x1430];
	[tilespmem:s22+$0x8C50] =	vst v44;
	v0 =	vadd.f32 v0, v61  }
0x3e2: {  	v39 =	vld [tilespmem:s22+$0x9440];
	[tilespmem:s22+$0x8C60] =	vst v1;
	v2 =	vadd.f32 v3, v2  }
0x3e3: {  	v41 =	vld [tilespmem:s22+$0x1440];
	v47 =	vadd.f32 v11, v10;
	[tilespmem:s22+$0x8C70] =	vst v0  }
0x3e4: {  	v5 =	vld [tilespmem:s22+$0x1010];
	v50 =	vadd.f32 v15, v14;
	[tilespmem:s22+$0x9000] =	vst v2  }
0x3e5: {  	v13 =	vld [tilespmem:s22+$0x1050];
	v53 =	vadd.f32 v19, v18;
	[tilespmem:s22+$0x9040] =	vst v47  }
0x3e6: {  	v43 =	vld [tilespmem:s22+$0x9450];
	v56 =	vadd.f32 v33, v63;
	[tilespmem:s22+$0x9060] =	vst v50  }
0x3e7: {  	v17 =	vld [tilespmem:s22+$0x1070];
	v57 =	vadd.f32 v37, v35;
	[tilespmem:s22+$0x9400] =	vst v53  }
0x3e8: {  	v1 =	vld [tilespmem:s22+$0x1460];
	v59 =	vadd.f32 v41, v39;
	[tilespmem:s22+$0x9420] =	vst v56  }
0x3e9: {  	v3 =	vld [tilespmem:s22+$0x9470];
	v0 =	vadd.f32 v5, v4;
	[tilespmem:s22+$0x9430] =	vst v57  }
0x3ea: {  	v2 =	vld [tilespmem:s22+$0x1470];
	v4 =	vadd.f32 v7, v6;
	[tilespmem:s22+$0x9440] =	vst v59  }
0x3eb: {  	v61 =	vadd.f32 v45, v43;
	v5 =	vld [tilespmem:s22+$0x9800];
	[tilespmem:s22+$0x9010] =	vst v0  }
0x3ec: {  	v0 =	vadd.f32 v9, v8;
	[tilespmem:s22+$0x9020] =	vst v4;
	v4 =	vld [tilespmem:s22+$0x1800]  }
0x3ed: {  	v21 =	vld [tilespmem:s22+$0x1410];
	[tilespmem:s22+$0x9450] =	vst v61;
	v1 =	vadd.f32 v1, v46  }
0x3ee: {  	v62 =	vld [tilespmem:s22+$0x9860];
	[tilespmem:s22+$0x9030] =	vst v0;
	v0 =	vadd.f32 v13, v12  }
0x3ef: {  	v60 =	vld [tilespmem:s22+$0x1850];
	v2 =	vadd.f32 v2, v3;
	[tilespmem:s22+$0x9460] =	vst v1  }
0x3f0: {  	v63 =	vld [tilespmem:s22+$0x1860];
	[tilespmem:s22+$0x9050] =	vst v0;
	v0 =	vadd.f32 v17, v16  }
0x3f1: {  	v3 =	vld [tilespmem:s22+$0x9870];
	v1 =	vadd.f32 v4, v5;
	[tilespmem:s22+$0x9470] =	vst v2  }
0x3f2: {  	v4 =	vld [tilespmem:s22+$0x1870];
	[tilespmem:s22+$0x9070] =	vst v0;
	v0 =	vadd.f32 v21, v20  }
0x3f3: {  	v2 =	vadd.f32 v49, v48;
	[tilespmem:s22+$0x9800] =	vst v1;
	v1 =	vld [tilespmem:s22+$0x1840]  }
0x3f4: {  	v5 =	vadd.f32 v52, v51;
	[tilespmem:s22+$0x9410] =	vst v0;
	v0 =	vld [tilespmem:s22+$0x9840]  }
0x3f5: {  	[tilespmem:s22+$0x9810] =	vst v2;
	v2 =	vadd.f32 v55, v54  }
0x3f6: {  	[tilespmem:s22+$0x9820] =	vst v5;
	v5 =	vadd.f32 v60, v58  }
0x3f7: {  	s23 =	simm.s32 $0xFFFFC000;
	s24 =	sand.u32 $0x7, s21;
	[tilespmem:s22+$0x9830] =	vst v2;
	v2 =	vadd.f32 v63, v62  }
0x3f8: {  	s25 =	simm.s32 $0x0;
	s26 =	sshll.u32 s24, $0x7;
	s24 =	simm.s32 $0x80;
	[tilespmem:s22+$0x9850] =	vst v5;
	v3 =	vadd.f32 v4, v3  }
.LBB2_8:
0x3f9: {  	p0 =	sne.s32 s24, $0x780;
	s26 =	sadd.s32 s26, s21;
	v0 =	vadd.f32 v1, v0;
	[tilespmem:s22+$0x9860] =	vst v2;
	s23 =	sadd.s32 $0x400, s23  }
0x3fa: {  	s28 =	sadd.s32 $0x4000, s23;
	[tilespmem:s22+$0x9870] =	vst v3;
	s29 =	sor.u32 $0x1C00, s26  }
0x3fb: {  	s30 =	sand.u32 $0x380, s24;
	s28 =	sand.u32 $0x2000, s28;
	[tilespmem:s22+$0x9840] =	vst v0;
	v4 =	vld [tilespmem:s29+$0x8000]  }
0x3fc: {  	s22 =	sor.u32 s30, s28;
	v6 =	vld [tilespmem:s29+$0x0]  }
0x3fd: {  	v0 =	vld [tilespmem:s22+$0x8000]  }
0x3fe: {  	v3 =	vld [tilespmem:s22+$0x0]  }
0x3ff: {  	v1 =	vld [tilespmem:s22+$0x8010]  }
0x400: {  	v5 =	vld [tilespmem:s22+$0x10]  }
0x401: {  	v2 =	vld [tilespmem:s22+$0x8020];
	v7 =	vadd.f32 v6, v4  }
0x402: {  	v6 =	vld [tilespmem:s22+$0x20]  }
0x403: {  	s28 =	sor.u32 $0x1C10, s26;
	v4 =	vld [tilespmem:s22+$0x8030];
	[tilespmem:s29+$0x8000] =	vst v7  }
0x404: {  	v9 =	vld [tilespmem:s28+$0x8000]  }
0x405: {  	v13 =	vld [tilespmem:s28+$0x0]  }
0x406: {  	v10 =	vld [tilespmem:s22+$0x30]  }
0x407: {  	v7 =	vld [tilespmem:s22+$0x8040]  }
0x408: {  	v11 =	vld [tilespmem:s22+$0x40]  }
0x409: {  	v8 =	vld [tilespmem:s22+$0x8050]  }
0x40a: {  	v12 =	vld [tilespmem:s22+$0x50];
	v14 =	vadd.f32 v13, v9  }
0x40b: {  	v9 =	vld [tilespmem:s22+$0x8060]  }
0x40c: {  	v13 =	vld [tilespmem:s22+$0x60];
	[tilespmem:s28+$0x8000] =	vst v14;
	s28 =	sor.u32 $0x1C20, s26  }
0x40d: {  	v17 =	vld [tilespmem:s28+$0x8000]  }
0x40e: {  	v20 =	vld [tilespmem:s28+$0x0]  }
0x40f: {  	v14 =	vld [tilespmem:s22+$0x8070]  }
0x410: {  	v18 =	vld [tilespmem:s22+$0x70]  }
0x411: {  	v15 =	vld [tilespmem:s22+$0x8400]  }
0x412: {  	v19 =	vld [tilespmem:s22+$0x400]  }
0x413: {  	v16 =	vld [tilespmem:s22+$0x8410];
	v21 =	vadd.f32 v20, v17  }
0x414: {  	v20 =	vld [tilespmem:s22+$0x410]  }
0x415: {  	v17 =	vld [tilespmem:s22+$0x8420];
	[tilespmem:s28+$0x8000] =	vst v21;
	s28 =	sor.u32 $0x1C30, s26  }
0x416: {  	v23 =	vld [tilespmem:s28+$0x8000]  }
0x417: {  	v27 =	vld [tilespmem:s28+$0x0]  }
0x418: {  	v24 =	vld [tilespmem:s22+$0x420]  }
0x419: {  	v21 =	vld [tilespmem:s22+$0x8430]  }
0x41a: {  	v25 =	vld [tilespmem:s22+$0x430]  }
0x41b: {  	v22 =	vld [tilespmem:s22+$0x8440]  }
0x41c: {  	v26 =	vld [tilespmem:s22+$0x440];
	v28 =	vadd.f32 v27, v23  }
0x41d: {  	v23 =	vld [tilespmem:s22+$0x8450]  }
0x41e: {  	v27 =	vld [tilespmem:s22+$0x450];
	[tilespmem:s28+$0x8000] =	vst v28;
	s28 =	sor.u32 $0x1C40, s26  }
0x41f: {  	v31 =	vld [tilespmem:s28+$0x8000]  }
0x420: {  	v34 =	vld [tilespmem:s28+$0x0]  }
0x421: {  	v28 =	vld [tilespmem:s22+$0x8460]  }
0x422: {  	v32 =	vld [tilespmem:s22+$0x460]  }
0x423: {  	v29 =	vld [tilespmem:s22+$0x8470]  }
0x424: {  	v33 =	vld [tilespmem:s22+$0x470]  }
0x425: {  	v30 =	vld [tilespmem:s22+$0x8800];
	v35 =	vadd.f32 v34, v31  }
0x426: {  	v34 =	vld [tilespmem:s22+$0x800]  }
0x427: {  	v31 =	vld [tilespmem:s22+$0x8810];
	[tilespmem:s28+$0x8000] =	vst v35;
	s28 =	sor.u32 $0x1C50, s26  }
0x428: {  	v37 =	vld [tilespmem:s28+$0x8000]  }
0x429: {  	v41 =	vld [tilespmem:s28+$0x0]  }
0x42a: {  	v38 =	vld [tilespmem:s22+$0x810]  }
0x42b: {  	v35 =	vld [tilespmem:s22+$0x8820]  }
0x42c: {  	v39 =	vld [tilespmem:s22+$0x820]  }
0x42d: {  	v36 =	vld [tilespmem:s22+$0x8830]  }
0x42e: {  	v40 =	vld [tilespmem:s22+$0x830];
	v42 =	vadd.f32 v41, v37  }
0x42f: {  	v37 =	vld [tilespmem:s22+$0x8840]  }
0x430: {  	v41 =	vld [tilespmem:s22+$0x840];
	[tilespmem:s28+$0x8000] =	vst v42;
	s28 =	sor.u32 $0x1C60, s26  }
0x431: {  	v45 =	vld [tilespmem:s28+$0x8000]  }
0x432: {  	v46 =	vld [tilespmem:s28+$0x0]  }
0x433: {  	v42 =	vld [tilespmem:s22+$0x8850]  }
0x434: {  	v47 =	vld [tilespmem:s22+$0x850]  }
0x435: {  	v43 =	vld [tilespmem:s22+$0x8860]  }
0x436: {  	v48 =	vld [tilespmem:s22+$0x860]  }
0x437: {  	v44 =	vld [tilespmem:s22+$0x8870];
	v46 =	vadd.f32 v46, v45  }
0x438: {  	v49 =	vld [tilespmem:s22+$0x870]  }
0x439: {  	s26 =	sor.u32 $0x1C70, s26;
	v45 =	vld [tilespmem:s22+$0x8C00];
	[tilespmem:s28+$0x8000] =	vst v46  }
0x43a: {  	v46 =	vld [tilespmem:s26+$0x8000]  }
0x43b: {  	v50 =	vld [tilespmem:s26+$0x0]  }
0x43c: {  	v51 =	vld [tilespmem:s22+$0xC00]  }
0x43d: {  	v52 =	vld [tilespmem:s22+$0x8C10]  }
0x43e: {  	v53 =	vld [tilespmem:s22+$0xC10]  }
0x43f: {  	v54 =	vld [tilespmem:s22+$0x8C20]  }
0x440: {  	v55 =	vld [tilespmem:s22+$0xC20];
	v46 =	vadd.f32 v50, v46  }
0x441: {  	v50 =	vld [tilespmem:s22+$0x8C30]  }
0x442: {  	v56 =	vld [tilespmem:s22+$0xC30];
	[tilespmem:s26+$0x8000] =	vst v46  }
0x443: {  	v46 =	vld [tilespmem:s22+$0x8C40]  }
0x444: {  	v57 =	vld [tilespmem:s22+$0xC40]  }
0x445: {  	v58 =	vld [tilespmem:s22+$0x8C50]  }
0x446: {  	v59 =	vld [tilespmem:s22+$0xC50]  }
0x447: {  	v60 =	vld [tilespmem:s22+$0x8C60]  }
0x448: {  	v0 =	vadd.f32 v3, v0;
	v3 =	vld [tilespmem:s22+$0xC60]  }
0x449: {  	v1 =	vadd.f32 v5, v1;
	v5 =	vld [tilespmem:s22+$0x8C70]  }
0x44a: {  	[tilespmem:s22+$0x8000] =	vst v0;
	v0 =	vadd.f32 v6, v2;
	v2 =	vld [tilespmem:s22+$0xC70]  }
0x44b: {  	[tilespmem:s22+$0x8010] =	vst v1;
	v1 =	vadd.f32 v10, v4;
	v4 =	vld [tilespmem:s22+$0x9000]  }
0x44c: {  	[tilespmem:s22+$0x8020] =	vst v0;
	v0 =	vadd.f32 v11, v7;
	v6 =	vld [tilespmem:s22+$0x1000]  }
0x44d: {  	[tilespmem:s22+$0x8030] =	vst v1;
	v1 =	vadd.f32 v12, v8;
	v7 =	vld [tilespmem:s22+$0x9010]  }
0x44e: {  	[tilespmem:s22+$0x8040] =	vst v0;
	v0 =	vadd.f32 v13, v9;
	v8 =	vld [tilespmem:s22+$0x1010]  }
0x44f: {  	[tilespmem:s22+$0x8050] =	vst v1;
	v1 =	vadd.f32 v18, v14;
	v9 =	vld [tilespmem:s22+$0x9020]  }
0x450: {  	[tilespmem:s22+$0x8060] =	vst v0;
	v0 =	vadd.f32 v19, v15;
	v10 =	vld [tilespmem:s22+$0x1020]  }
0x451: {  	[tilespmem:s22+$0x8070] =	vst v1;
	v1 =	vadd.f32 v20, v16;
	v11 =	vld [tilespmem:s22+$0x9030]  }
0x452: {  	[tilespmem:s22+$0x8400] =	vst v0;
	v0 =	vadd.f32 v24, v17;
	v12 =	vld [tilespmem:s22+$0x1030]  }
0x453: {  	[tilespmem:s22+$0x8410] =	vst v1;
	v1 =	vadd.f32 v25, v21;
	v13 =	vld [tilespmem:s22+$0x9040]  }
0x454: {  	[tilespmem:s22+$0x8420] =	vst v0;
	v0 =	vadd.f32 v26, v22;
	v14 =	vld [tilespmem:s22+$0x1040]  }
0x455: {  	[tilespmem:s22+$0x8430] =	vst v1;
	v1 =	vadd.f32 v27, v23;
	v15 =	vld [tilespmem:s22+$0x9050]  }
0x456: {  	[tilespmem:s22+$0x8440] =	vst v0;
	v0 =	vadd.f32 v32, v28;
	v16 =	vld [tilespmem:s22+$0x1050]  }
0x457: {  	[tilespmem:s22+$0x8450] =	vst v1;
	v1 =	vadd.f32 v33, v29;
	v17 =	vld [tilespmem:s22+$0x9060]  }
0x458: {  	[tilespmem:s22+$0x8460] =	vst v0;
	v0 =	vadd.f32 v34, v30;
	v18 =	vld [tilespmem:s22+$0x1060]  }
0x459: {  	[tilespmem:s22+$0x8470] =	vst v1;
	v1 =	vadd.f32 v38, v31;
	v19 =	vld [tilespmem:s22+$0x9070]  }
0x45a: {  	[tilespmem:s22+$0x8800] =	vst v0;
	v0 =	vadd.f32 v39, v35;
	v20 =	vld [tilespmem:s22+$0x1070]  }
0x45b: {  	[tilespmem:s22+$0x8810] =	vst v1;
	v1 =	vadd.f32 v40, v36;
	v21 =	vld [tilespmem:s22+$0x9400]  }
0x45c: {  	[tilespmem:s22+$0x8820] =	vst v0;
	v0 =	vadd.f32 v41, v37;
	v22 =	vld [tilespmem:s22+$0x1400]  }
0x45d: {  	[tilespmem:s22+$0x8830] =	vst v1;
	v1 =	vadd.f32 v47, v42;
	v23 =	vld [tilespmem:s22+$0x9410]  }
0x45e: {  	[tilespmem:s22+$0x8840] =	vst v0;
	v0 =	vadd.f32 v48, v43;
	v24 =	vld [tilespmem:s22+$0x1410]  }
0x45f: {  	[tilespmem:s22+$0x8850] =	vst v1;
	v1 =	vadd.f32 v49, v44;
	v25 =	vld [tilespmem:s22+$0x9420]  }
0x460: {  	[tilespmem:s22+$0x8860] =	vst v0;
	v0 =	vadd.f32 v51, v45;
	v26 =	vld [tilespmem:s22+$0x1420]  }
0x461: {  	[tilespmem:s22+$0x8870] =	vst v1;
	v1 =	vadd.f32 v53, v52;
	v27 =	vld [tilespmem:s22+$0x9430]  }
0x462: {  	[tilespmem:s22+$0x8C00] =	vst v0;
	v0 =	vadd.f32 v55, v54;
	v28 =	vld [tilespmem:s22+$0x1430]  }
0x463: {  	[tilespmem:s22+$0x8C10] =	vst v1;
	v1 =	vadd.f32 v56, v50;
	v29 =	vld [tilespmem:s22+$0x9440]  }
0x464: {  	[tilespmem:s22+$0x8C20] =	vst v0;
	v0 =	vadd.f32 v57, v46;
	v30 =	vld [tilespmem:s22+$0x1440]  }
0x465: {  	[tilespmem:s22+$0x8C30] =	vst v1;
	v1 =	vadd.f32 v59, v58;
	v31 =	vld [tilespmem:s22+$0x9450]  }
0x466: {  	[tilespmem:s22+$0x8C40] =	vst v0;
	v0 =	vadd.f32 v3, v60;
	v3 =	vld [tilespmem:s22+$0x1450]  }
0x467: {  	[tilespmem:s22+$0x8C50] =	vst v1;
	v1 =	vadd.f32 v2, v5;
	v2 =	vld [tilespmem:s22+$0x9460]  }
0x468: {  	[tilespmem:s22+$0x8C60] =	vst v0;
	v0 =	vadd.f32 v6, v4;
	v4 =	vld [tilespmem:s22+$0x1460]  }
0x469: {  	[tilespmem:s22+$0x8C70] =	vst v1;
	v1 =	vadd.f32 v8, v7;
	v5 =	vld [tilespmem:s22+$0x9470]  }
0x46a: {  	[tilespmem:s22+$0x9000] =	vst v0;
	v0 =	vadd.f32 v10, v9;
	v6 =	vld [tilespmem:s22+$0x1470]  }
0x46b: {  	[tilespmem:s22+$0x9010] =	vst v1;
	v1 =	vadd.f32 v12, v11;
	v7 =	vld [tilespmem:s22+$0x9800]  }
0x46c: {  	[tilespmem:s22+$0x9020] =	vst v0;
	v0 =	vadd.f32 v14, v13;
	v8 =	vld [tilespmem:s22+$0x1800]  }
0x46d: {  	[tilespmem:s22+$0x9030] =	vst v1;
	v1 =	vadd.f32 v16, v15;
	v9 =	vld [tilespmem:s22+$0x9810]  }
0x46e: {  	[tilespmem:s22+$0x9040] =	vst v0;
	v0 =	vadd.f32 v18, v17;
	v10 =	vld [tilespmem:s22+$0x1810]  }
0x46f: {  	[tilespmem:s22+$0x9050] =	vst v1;
	v1 =	vadd.f32 v20, v19;
	v11 =	vld [tilespmem:s22+$0x9820]  }
0x470: {  	[tilespmem:s22+$0x9060] =	vst v0;
	v0 =	vadd.f32 v22, v21;
	v12 =	vld [tilespmem:s22+$0x1820]  }
0x471: {  	[tilespmem:s22+$0x9070] =	vst v1;
	v1 =	vadd.f32 v24, v23;
	v13 =	vld [tilespmem:s22+$0x9830]  }
0x472: {  	v14 =	vadd.f32 v26, v25;
	[tilespmem:s22+$0x9400] =	vst v0;
	v15 =	vld [tilespmem:s22+$0x1830]  }
0x473: {  	[tilespmem:s22+$0x9410] =	vst v1;
	v1 =	vadd.f32 v28, v27;
	v0 =	vld [tilespmem:s22+$0x9840]  }
0x474: {  	[tilespmem:s22+$0x9420] =	vst v14;
	v14 =	vadd.f32 v30, v29;
	v16 =	vld [tilespmem:s22+$0x9850]  }
0x475: {  	[tilespmem:s22+$0x9430] =	vst v1;
	v1 =	vadd.f32 v3, v31;
	v3 =	vld [tilespmem:s22+$0x1850]  }
0x476: {  	v2 =	vadd.f32 v4, v2;
	[tilespmem:s22+$0x9440] =	vst v14;
	v4 =	vld [tilespmem:s22+$0x9860]  }
0x477: {  	[tilespmem:s22+$0x9450] =	vst v1;
	v1 =	vadd.f32 v6, v5;
	v5 =	vld [tilespmem:s22+$0x1860]  }
0x478: {  	[tilespmem:s22+$0x9460] =	vst v2;
	v2 =	vadd.f32 v8, v7;
	v6 =	vld [tilespmem:s22+$0x9870]  }
0x479: {  	v7 =	vadd.f32 v10, v9;
	[tilespmem:s22+$0x9470] =	vst v1;
	v8 =	vld [tilespmem:s22+$0x1870]  }
.Ltmp3:
0x47a: {  	[tilespmem:s22+$0x9800] =	vst v2;
	v2 =	vadd.f32 v12, v11;
	v1 =	vld [tilespmem:s22+$0x1840];
	(pc) =	sbr.rel @p0 .LBB2_8-.Ltmp3, $4  }
0x47b: {  	[tilespmem:s22+$0x9810] =	vst v7;
	v7 =	vadd.f32 v15, v13  }
0x47c: {  	s25 =	sadd.s32 $0x1, s25;
	v3 =	vadd.f32 v3, v16;
	[tilespmem:s22+$0x9820] =	vst v2  }
0x47d: {  	s26 =	sand.u32 $0x7, s25;
	v2 =	vadd.f32 v5, v4;
	[tilespmem:s22+$0x9830] =	vst v7  }
0x47e: {  	s24 =	sadd.s32 $0x80, s24;
	s21 =	sadd.s32 $0x400, s21;
	s26 =	sshll.u32 s26, $0x7;
	[tilespmem:s22+$0x9850] =	vst v3;
	v3 =	vadd.f32 v8, v6  }
0x47f: {  	v0 =	vadd.f32 v1, v0;
	[tilespmem:s22+$0x9860] =	vst v2  }
0x480: {  	s21 =	sadd.s32 s26, s21;
	[tilespmem:s22+$0x9870] =	vst v3  }
0x481: {  	s23 =	sor.u32 $0x1C00, s21;
	[tilespmem:s22+$0x9840] =	vst v0  }
0x482: {  	v0 =	vld [tilespmem:s23+$0x8000]  }
0x483: {  	v56 =	vld [tilespmem:s23+$0x0];
	_ =	sdelay $0x4  }
0x484: {  	v0 =	vadd.f32 v56, v0;
	_ =	sdelay $0x1  }
0x485: {  	s25 =	sor.u32 $0x1C10, s21;
	[tilespmem:s23+$0x8000] =	vst v0  }
0x486: {  	v0 =	vld [tilespmem:s25+$0x8000]  }
0x487: {  	v57 =	vld [tilespmem:s25+$0x0];
	_ =	sdelay $0x4  }
0x488: {  	v0 =	vadd.f32 v57, v0;
	_ =	sdelay $0x1  }
0x489: {  	s26 =	sor.u32 $0x1C20, s21;
	[tilespmem:s25+$0x8000] =	vst v0  }
0x48a: {  	v0 =	vld [tilespmem:s26+$0x8000]  }
0x48b: {  	v58 =	vld [tilespmem:s26+$0x0];
	_ =	sdelay $0x4  }
0x48c: {  	v0 =	vadd.f32 v58, v0;
	_ =	sdelay $0x1  }
0x48d: {  	s28 =	sor.u32 $0x1C30, s21;
	[tilespmem:s26+$0x8000] =	vst v0  }
0x48e: {  	v0 =	vld [tilespmem:s28+$0x8000]  }
0x48f: {  	v59 =	vld [tilespmem:s28+$0x0];
	_ =	sdelay $0x4  }
0x490: {  	v0 =	vadd.f32 v59, v0;
	_ =	sdelay $0x1  }
0x491: {  	s29 =	sor.u32 $0x1C40, s21;
	[tilespmem:s28+$0x8000] =	vst v0  }
0x492: {  	v0 =	vld [tilespmem:s29+$0x8000]  }
0x493: {  	v60 =	vld [tilespmem:s29+$0x0];
	_ =	sdelay $0x4  }
0x494: {  	v0 =	vadd.f32 v60, v0;
	_ =	sdelay $0x1  }
0x495: {  	s30 =	sor.u32 $0x1C50, s21;
	[tilespmem:s29+$0x8000] =	vst v0  }
0x496: {  	v0 =	vld [tilespmem:s30+$0x8000]  }
0x497: {  	v61 =	vld [tilespmem:s30+$0x0];
	_ =	sdelay $0x4  }
0x498: {  	v0 =	vadd.f32 v61, v0;
	_ =	sdelay $0x1  }
0x499: {  	s31 =	sor.u32 $0x1C60, s21;
	[tilespmem:s30+$0x8000] =	vst v0  }
0x49a: {  	v0 =	vld [tilespmem:s31+$0x8000]  }
0x49b: {  	v62 =	vld [tilespmem:s31+$0x0];
	_ =	sdelay $0x4  }
0x49c: {  	v0 =	vadd.f32 v62, v0;
	_ =	sdelay $0x1  }
0x49d: {  	s21 =	sor.u32 $0x1C70, s21;
	[tilespmem:s31+$0x8000] =	vst v0  }
0x49e: {  	v0 =	vld [tilespmem:s21+$0x8000]  }
0x49f: {  	v63 =	vld [tilespmem:s21+$0x0];
	_ =	sdelay $0x4  }
0x4a0: {  	v0 =	vadd.f32 v63, v0;
	_ =	sdelay $0x1  }
0x4a1: {  	s20 =	sadd.s32 $0x1, s20;
	[tilespmem:s21+$0x8000] =	vst v0  }
0x4a2: {  	[hbm4b:s11+s2] =	stream.linear.scatter [tilespmem:s14], [sflag:$0x5], $0x4000, $0x38;
	[tilespmem:$0xC000] =	vst v63  }
0x4a3: {  	p0 =	sne.s32 s20, s12;
	_ =	swait.ge [sflag:s17], $0x4000  }
.Ltmp4:
0x4a4: {  	[sflag:s17] =	ssyncset.done $0x0;
	(pc) =	sbr.rel @p0 .LBB2_1-.Ltmp4, $4  }
0x4a5: {  	[sflag:s17] =	ssyncadd.s32 $0xFFFFC000  }
0x4a6: {  	_ =	swait.ge [sflag:s19], $0x4000  }
0x4a7: {  	[sflag:s19] =	ssyncset.done $0x0  }
0x4a8: {  	[sflag:s19] =	ssyncadd.s32 $0xFFFFC000  }
0x4a9: {  	_ =	sfence.sel $0x180000  }
0x4aa: {  	[bflag:$0x0] =	sbarrier.arrive $0xFFFF  }
0x4ab: {  	p0 =	sne.s32 s1, $0x0;
	_ =	strace $0x90000047  }
0x4ac: {  	s0 =	sadd.s32 @!p0 $0x100000, s0;
	[bflag:$0x2] =	sbarrier.arrive $0xFFFF  }
0x4ad: {  	[sflag:s0] =	ssyncadd.tile.s32 @!p0 $0x1;
	_ =	shalt  }
.Lfunc_end2:
_tile_overlayer_lowered:
.L_overlay_start_2:
0x4ae: {  	(tag) =	ssettag $0x2  }
0x4af: {  	s0 =	rddreg [dreg:$0x0];
	s2 =	stileid.u32  }
0x4b0: {  	s1 =	rddreg [dreg:$0x1];
	p0 =	sne.s32 s2, $0x0  }
0x4b1: {  	s3 =	rddreg [dreg:$0x2];
	[bflag:$0x3] =	sbarrier.arrive $0xFFFF;
	s2 =	simm.s32 @!p0 $0x1C06  }
0x4b2: {  	[timem:s3], [sflag:s2] =	dma.local @!p0 [hbm:s0], s1  }
0x4b3: {  	s0 =	simm.s32 @!p0 $0x6  }
0x4b4: {  	_ =	swait.ge @!p0 [sflag:s0], s1  }
0x4b5: {  	s1 =	ssub.s32 @!p0 $0x0, s1;
	[sflag:s0] =	ssyncset.done @!p0 $0x0  }
0x4b6: {  	[sflag:s0] =	ssyncadd.s32 @!p0 s1  }
0x4b7: {  	[bflag:$0x3] =	sbarrier.arrive $0xFFFF  }
0x4b8: {  	_ =	shalt  }

</sc_bundles>
